<compile_context>
chip_gen: v7x
topology: tpu7x:2x2x1
jax: 0.10.2.dev20260603
libtpu: 0.0.44.dev20260713+nightly
codegen_flags: <defaults>
</compile_context>

<pallas_src>
import functools

import jax
import jax.numpy as jnp
from jax import lax
from jax.experimental import pallas as pl
from jax.experimental.pallas import tpu as pltpu
from jax.experimental.pallas import tpu_sc as plsc

ENT = 100000
REL = 1000
D = 128
B = 16384

NC = 2
NS = 16
L = 16
NW = NC * NS
B_PER_W = B // NW
CH = 16
NCHUNK = B_PER_W // CH
ROWS = 8 * CH


def _qmult(sa, xa, ya, za, sb, xb, yb, zb):
    a = sa * sb - xa * xb - ya * yb - za * zb
    b = sa * xb + sb * xa + ya * zb - yb * za
    c = sa * yb + sb * ya + za * xb - zb * xa
    d = sa * zb + sb * za + xa * yb - xb * ya
    return (a, b, c, d)


def _omult8(a1, a2, a3, a4, b1, b2, b3, b4,
            c1, c2, c3, c4, d1, d2, d3, d4):
    o1, o2, o3, o4 = _qmult(a1, a2, a3, a4, c1, c2, c3, c4)
    o1s, o2s, o3s, o4s = _qmult(d1, -d2, -d3, -d4, b1, b2, b3, b4)
    o5, o6, o7, o8 = _qmult(d1, d2, d3, d4, a1, a2, a3, a4)
    o5s, o6s, o7s, o8s = _qmult(b1, b2, b3, b4, c1, -c2, -c3, -c4)
    return (o1 - o1s, o2 - o2s, o3 - o3s, o4 - o4s,
            o5 + o5s, o6 + o6s, o7 + o7s, o8 + o8s)


def _relnorm_body(rel_ref, out_ref):
    r = rel_ref[...]
    denom = jnp.sqrt(jnp.sum(r * r, axis=0, keepdims=True))
    out_ref[...] = r / denom


def _lanesum_body(p_ref, out_ref):
    x = p_ref[...].reshape(B // 8, 8, L)
    out_ref[...] = -jnp.sum(x, axis=2)


def _sc_body(emb_hbm, reln_hbm, idx_hbm, out_hbm,
             idx_v, h_v, t_v, r_v, sc_v, sem0, sem1):
    wid = lax.axis_index("s") * NC + lax.axis_index("c")
    sems = (sem0, sem1)

    pltpu.sync_copy(idx_hbm.at[wid], idx_v)

    def fire(c, b):
        pltpu.async_copy(emb_hbm.at[idx_v.at[3 * c]], h_v.at[b], sems[b])
        pltpu.async_copy(emb_hbm.at[idx_v.at[3 * c + 1]], t_v.at[b], sems[b])
        pltpu.async_copy(reln_hbm.at[idx_v.at[3 * c + 2]], r_v.at[b], sems[b])

    def drain(b):
        pltpu.make_async_copy(emb_hbm.at[pl.ds(0, ROWS)], h_v.at[b], sems[b]).wait()
        pltpu.make_async_copy(emb_hbm.at[pl.ds(0, ROWS)], t_v.at[b], sems[b]).wait()
        pltpu.make_async_copy(emb_hbm.at[pl.ds(0, ROWS)], r_v.at[b], sems[b]).wait()

    fire(0, 0)
    fire(1, 1)

    def cc_body(cc, carry):
        for b in range(2):
            c = 2 * cc + b
            drain(b)

            def ex_body(e, carry2):
                acc = jnp.zeros((L,), jnp.float32)
                for k in range(D // (2 * L)):
                    def ld(buf, i):
                        row = i * CH + e
                        a = buf[b, row, pl.ds(2 * k * L, L)]
                        bb = buf[b, row, pl.ds((2 * k + 1) * L, L)]
                        return plsc.pack(a, bb,
                                         format=plsc.PackFormat.INTERLEAVED)

                    h = [ld(h_v, i) for i in range(8)]
                    t = [ld(t_v, i) for i in range(8)]
                    r = [ld(r_v, i) for i in range(8)]
                    o = _omult8(*h, *r)
                    for i in range(8):
                        pa, pb = plsc.unpack(
                            o[i] * t[i], format=plsc.PackFormat.INTERLEAVED)
                        acc = acc + pa
                        acc = acc + pb
                ee = c * CH + e
                sc_v[ee // 8, pl.ds((ee % 8) * L, L)] = acc
                return carry2

            lax.fori_loop(0, CH, ex_body, 0)

            @pl.when(cc < NCHUNK // 2 - 1)
            def _():
                fire(c + 2, b)

        return carry

    lax.fori_loop(0, NCHUNK // 2, cc_body, 0)
    pltpu.sync_copy(sc_v, out_hbm.at[pl.ds(wid * (B_PER_W // 8), B_PER_W // 8)])


def kernel(batch_h, batch_t, batch_r, emb, rel):
    rel_n = pl.pallas_call(
        _relnorm_body,
        out_shape=jax.ShapeDtypeStruct((8, REL, D), jnp.float32),
    )(rel)

    emb_f = emb.reshape(8 * ENT, D)
    reln_f = rel_n.reshape(8 * REL, D)

    offs_e = (jnp.arange(8, dtype=jnp.int32) * ENT)[:, None]
    offs_r = (jnp.arange(8, dtype=jnp.int32) * REL)[:, None]
    idx = jnp.stack(
        [batch_h[None, :] + offs_e,
         batch_t[None, :] + offs_e,
         batch_r[None, :] + offs_r], axis=0)
    idx = (idx.reshape(3, 8, NW, NCHUNK, CH)
              .transpose(2, 3, 0, 1, 4)
              .reshape(NW, NCHUNK * 3, ROWS))

    mesh = plsc.VectorSubcoreMesh(core_axis_name="c", subcore_axis_name="s")
    sc_fn = functools.partial(
        pl.kernel,
        mesh=mesh,
        compiler_params=pltpu.CompilerParams(needs_layout_passes=False),
        out_type=jax.ShapeDtypeStruct((B // 8, 8 * L), jnp.float32),
        scratch_types=[
            pltpu.VMEM((NCHUNK * 3, ROWS), jnp.int32),
            pltpu.VMEM((2, ROWS, D), jnp.float32),
            pltpu.VMEM((2, ROWS, D), jnp.float32),
            pltpu.VMEM((2, ROWS, D), jnp.float32),
            pltpu.VMEM((B_PER_W // 8, 8 * L), jnp.float32),
            pltpu.SemaphoreType.DMA,
            pltpu.SemaphoreType.DMA,
        ],
    )(_sc_body)
    partial = sc_fn(emb_f, reln_f, idx)

    out = pl.pallas_call(
        _lanesum_body,
        out_shape=jax.ShapeDtypeStruct((B // 8, 8), jnp.float32),
    )(partial)
    return out.reshape(B)

# --- scband reference (transcript-rebuilt; emitter-appended) ---
"""Pipeline reference for scband-octonion-e-1726576855650 (READ-ONLY COPY).

The authoritative reference and input builder live on the scoring server;
editing this copy changes nothing except your own understanding.
"""

import jax, jax.numpy as jnp
import numpy as np

ENT = 100000
REL = 1000
D = 128
B = 16384


def _qmult(s_a, x_a, y_a, z_a, s_b, x_b, y_b, z_b):
    A = s_a * s_b - x_a * x_b - y_a * y_b - z_a * z_b
    Bc = s_a * x_b + s_b * x_a + y_a * z_b - y_b * z_a
    C = s_a * y_b + s_b * y_a + z_a * x_b - z_b * x_a
    Dc = s_a * z_b + s_b * z_a + x_a * y_b - x_b * y_a
    return (A, Bc, C, Dc)


def _qstar(a, b, c, d):
    return (a, -b, -c, -d)


def _omult(a_1, a_2, a_3, a_4, b_1, b_2, b_3, b_4,
           c_1, c_2, c_3, c_4, d_1, d_2, d_3, d_4):
    d1s, d2s, d3s, d4s = _qstar(d_1, d_2, d_3, d_4)
    c1s, c2s, c3s, c4s = _qstar(c_1, c_2, c_3, c_4)
    o_1, o_2, o_3, o_4 = _qmult(a_1, a_2, a_3, a_4, c_1, c_2, c_3, c_4)
    o_1s, o_2s, o_3s, o_4s = _qmult(d1s, d2s, d3s, d4s, b_1, b_2, b_3, b_4)
    o_5, o_6, o_7, o_8 = _qmult(d_1, d_2, d_3, d_4, a_1, a_2, a_3, a_4)
    o_5s, o_6s, o_7s, o_8s = _qmult(b_1, b_2, b_3, b_4, c1s, c2s, c3s, c4s)
    return (o_1 - o_1s, o_2 - o_2s, o_3 - o_3s, o_4 - o_4s,
            o_5 + o_5s, o_6 + o_6s, o_7 + o_7s, o_8 + o_8s)


def _onorm(r_1, r_2, r_3, r_4, r_5, r_6, r_7, r_8):
    denominator = jnp.sqrt(r_1 ** 2 + r_2 ** 2 + r_3 ** 2 + r_4 ** 2 +
                           r_5 ** 2 + r_6 ** 2 + r_7 ** 2 + r_8 ** 2)
    return (r_1 / denominator, r_2 / denominator, r_3 / denominator,
            r_4 / denominator, r_5 / denominator, r_6 / denominator,
            r_7 / denominator, r_8 / denominator)


def setup_inputs(seed: int = 0) -> dict:
    key = jax.random.key(seed)
    ks = jax.random.split(key, 5)
    batch_h = jax.random.randint(ks[0], (B,), 0, ENT, dtype=jnp.int32)
    batch_t = jax.random.randint(ks[1], (B,), 0, ENT, dtype=jnp.int32)
    batch_r = jax.random.randint(ks[2], (B,), 0, REL, dtype=jnp.int32)
    # 8 entity octonion-component tables stacked: [8, ENT, D]
    emb = jax.random.normal(ks[3], (8, ENT, D), dtype=jnp.float32) * 0.05
    # 8 relation octonion-component tables stacked: [8, REL, D]
    rel = jax.random.normal(ks[4], (8, REL, D), dtype=jnp.float32) * 0.05
    return {"batch_h": batch_h, "batch_t": batch_t, "batch_r": batch_r,
            "emb": emb, "rel": rel}


def reference(batch_h, batch_t, batch_r, emb, rel):
    # embedding lookups: gather rows for heads, tails, relations
    e_h = jnp.take(emb, batch_h, axis=1)  # [8, B, D]
    e_t = jnp.take(emb, batch_t, axis=1)  # [8, B, D]
    r = jnp.take(rel, batch_r, axis=1)    # [8, B, D]

    e_1_h, e_2_h, e_3_h, e_4_h, e_5_h, e_6_h, e_7_h, e_8_h = [e_h[i] for i in range(8)]
    e_1_t, e_2_t, e_3_t, e_4_t, e_5_t, e_6_t, e_7_t, e_8_t = [e_t[i] for i in range(8)]
    r_1, r_2, r_3, r_4, r_5, r_6, r_7, r_8 = [r[i] for i in range(8)]

    r_1, r_2, r_3, r_4, r_5, r_6, r_7, r_8 = _onorm(r_1, r_2, r_3, r_4, r_5, r_6, r_7, r_8)
    o_1, o_2, o_3, o_4, o_5, o_6, o_7, o_8 = _omult(
        e_1_h, e_2_h, e_3_h, e_4_h, e_5_h, e_6_h, e_7_h, e_8_h,
        r_1, r_2, r_3, r_4, r_5, r_6, r_7, r_8)
    score_r = (o_1 * e_1_t + o_2 * e_2_t + o_3 * e_3_t + o_4 * e_4_t +
               o_5 * e_5_t + o_6 * e_6_t + o_7 * e_7_t + o_8 * e_8_t)
    return -jnp.sum(score_r, -1)

if __name__ == "__main__":
    import jax
    _d = setup_inputs()
    print(jax.jit(kernel)(*tuple(_d.values())))

</pallas_src>

<mosaic_0001>
#map = affine_map<(d0, d1) -> (0, 0)>
#map1 = affine_map<(d0, d1) -> (0, 0, 0)>
module attributes {stable_mosaic.version = 14 : i64} {
  func.func @_sc_body(%arg0: i32, %arg1: i32, %arg2: memref<800000x128xf32, #tpu.memory_space<hbm>>, %arg3: memref<8000x128xf32, #tpu.memory_space<hbm>>, %arg4: memref<32x96x128xi32, #tpu.memory_space<hbm>>, %arg5: memref<2048x128xf32, #tpu.memory_space<hbm>>, %arg6: memref<96x128xi32, #tpu.memory_space<vmem>>, %arg7: memref<2x128x128xf32, #tpu.memory_space<vmem>>, %arg8: memref<2x128x128xf32, #tpu.memory_space<vmem>>, %arg9: memref<2x128x128xf32, #tpu.memory_space<vmem>>, %arg10: memref<64x128xf32, #tpu.memory_space<vmem>>, %arg11: memref<!tpu.dma_semaphore, #tpu.memory_space<semaphore_mem>>, %arg12: memref<!tpu.dma_semaphore, #tpu.memory_space<semaphore_mem>>) attributes {dimension_semantics = [#tpu.dimension_semantics<core_parallel>, #tpu.dimension_semantics<subcore_parallel>], iteration_bounds = array<i64: 2, 16>, scalar_prefetch = 0 : i64, scratch_operands = 7 : i64, tpu.core_type = #tpu.core_type<sc_vector_subcore>, window_params = [{transform_indices = #map}, {transform_indices = #map}, {transform_indices = #map1}, {transform_indices = #map}]} {
    %mul3A = arith.constant 2 : i32
    %mul3A_0 = arith.muli %arg1, %mul3A : i32
    %add3A = arith.addi %mul3A_0, %arg0 : i32
    "tpu.region"() ({
      %run_scoped3A = tpu.sem_alloc : memref<!tpu.dma_semaphore, #tpu.memory_space<semaphore_mem>>
      %dma_start3A_79 = arith.constant 0 : i32
      %dma_start3A_80 = arith.constant 0 : i32
      %dma_start3A_81 = tpu.memref_slice %arg4[%add3A, %dma_start3A_79, %dma_start3A_80] : memref<32x96x128xi32, #tpu.memory_space<hbm>> -> memref<1x96x128xi32, #tpu.memory_space<hbm>>
      %dma_start3A_82 = tpu.memref_squeeze %dma_start3A_81 : memref<1x96x128xi32, #tpu.memory_space<hbm>> -> memref<96x128xi32, #tpu.memory_space<hbm>>
      %dma_start3A_83 = arith.constant 0 : i32
      %dma_start3A_84 = arith.constant 0 : i32
      %dma_start3A_85 = tpu.memref_slice %arg4[%add3A, %dma_start3A_83, %dma_start3A_84] : memref<32x96x128xi32, #tpu.memory_space<hbm>> -> memref<1x96x128xi32, #tpu.memory_space<hbm>>
      %dma_start3A_86 = tpu.memref_squeeze %dma_start3A_85 : memref<1x96x128xi32, #tpu.memory_space<hbm>> -> memref<96x128xi32, #tpu.memory_space<hbm>>
      tpu.enqueue_dma source(%dma_start3A_86 : memref<96x128xi32, #tpu.memory_space<hbm>>) target(%arg6 : memref<96x128xi32, #tpu.memory_space<vmem>>) target_semaphore(%run_scoped3A : memref<!tpu.dma_semaphore, #tpu.memory_space<semaphore_mem>>)
      %dma_wait3A = arith.constant 0 : i32
      %dma_wait3A_87 = arith.constant 0 : i32
      %dma_wait3A_88 = tpu.memref_slice %arg4[%add3A, %dma_wait3A, %dma_wait3A_87] : memref<32x96x128xi32, #tpu.memory_space<hbm>> -> memref<1x96x128xi32, #tpu.memory_space<hbm>>
      %dma_wait3A_89 = tpu.memref_squeeze %dma_wait3A_88 : memref<1x96x128xi32, #tpu.memory_space<hbm>> -> memref<96x128xi32, #tpu.memory_space<hbm>>
      %dma_wait3A_90 = arith.constant 0 : i32
      %dma_wait3A_91 = arith.constant 0 : i32
      %dma_wait3A_92 = tpu.memref_slice %arg4[%add3A, %dma_wait3A_90, %dma_wait3A_91] : memref<32x96x128xi32, #tpu.memory_space<hbm>> -> memref<1x96x128xi32, #tpu.memory_space<hbm>>
      %dma_wait3A_93 = tpu.memref_squeeze %dma_wait3A_92 : memref<1x96x128xi32, #tpu.memory_space<hbm>> -> memref<96x128xi32, #tpu.memory_space<hbm>>
      tpu.wait_dma2 semaphore(%run_scoped3A : memref<!tpu.dma_semaphore, #tpu.memory_space<semaphore_mem>>) src(%dma_wait3A_93 : memref<96x128xi32, #tpu.memory_space<hbm>>) dst(%arg6 : memref<96x128xi32, #tpu.memory_space<vmem>>)
      tpu.yield
    }) : () -> ()
    %dma_start3A = arith.constant 0 : i32
    %dma_start3A_1 = arith.constant 0 : i32
    %dma_start3A_2 = arith.constant 0 : i32
    %dma_start3A_3 = arith.constant 0 : i32
    %dma_start3A_4 = tpu.memref_slice %arg7[%dma_start3A_1, %dma_start3A_2, %dma_start3A_3] : memref<2x128x128xf32, #tpu.memory_space<vmem>> -> memref<1x128x128xf32, #tpu.memory_space<vmem>>
    %dma_start3A_5 = tpu.memref_squeeze %dma_start3A_4 : memref<1x128x128xf32, #tpu.memory_space<vmem>> -> memref<128x128xf32, #tpu.memory_space<vmem>>
    %dma_start3A_6 = arith.constant 0 : i32
    %dma_start3A_7 = tpu.memref_slice %arg6[%dma_start3A, %dma_start3A_6] : memref<96x128xi32, #tpu.memory_space<vmem>> -> memref<1x128xi32, #tpu.memory_space<vmem>>
    %dma_start3A_8 = tpu.memref_squeeze %dma_start3A_7 : memref<1x128xi32, #tpu.memory_space<vmem>> -> memref<128xi32, #tpu.memory_space<vmem>>
    %dma_start3A_9 = arith.constant 0 : i32
    %dma_start3A_10 = arith.constant 0 : i32
    %dma_start3A_11 = tpu.memref_slice %arg2[%dma_start3A_9, %dma_start3A_10] : memref<800000x128xf32, #tpu.memory_space<hbm>> -> memref<800000x128xf32, #tpu.memory_space<hbm>>
    tpu.enqueue_indirect_dma source(%dma_start3A_11 : memref<800000x128xf32, #tpu.memory_space<hbm>>) target(%dma_start3A_5 : memref<128x128xf32, #tpu.memory_space<vmem>>) offsets(%dma_start3A_8 : memref<128xi32, #tpu.memory_space<vmem>>) semaphore(%arg11 : memref<!tpu.dma_semaphore, #tpu.memory_space<semaphore_mem>>)
    %dma_start3A_12 = arith.constant 1 : i32
    %dma_start3A_13 = arith.constant 0 : i32
    %dma_start3A_14 = arith.constant 0 : i32
    %dma_start3A_15 = arith.constant 0 : i32
    %dma_start3A_16 = tpu.memref_slice %arg8[%dma_start3A_13, %dma_start3A_14, %dma_start3A_15] : memref<2x128x128xf32, #tpu.memory_space<vmem>> -> memref<1x128x128xf32, #tpu.memory_space<vmem>>
    %dma_start3A_17 = tpu.memref_squeeze %dma_start3A_16 : memref<1x128x128xf32, #tpu.memory_space<vmem>> -> memref<128x128xf32, #tpu.memory_space<vmem>>
    %dma_start3A_18 = arith.constant 0 : i32
    %dma_start3A_19 = tpu.memref_slice %arg6[%dma_start3A_12, %dma_start3A_18] : memref<96x128xi32, #tpu.memory_space<vmem>> -> memref<1x128xi32, #tpu.memory_space<vmem>>
    %dma_start3A_20 = tpu.memref_squeeze %dma_start3A_19 : memref<1x128xi32, #tpu.memory_space<vmem>> -> memref<128xi32, #tpu.memory_space<vmem>>
    %dma_start3A_21 = arith.constant 0 : i32
    %dma_start3A_22 = arith.constant 0 : i32
    %dma_start3A_23 = tpu.memref_slice %arg2[%dma_start3A_21, %dma_start3A_22] : memref<800000x128xf32, #tpu.memory_space<hbm>> -> memref<800000x128xf32, #tpu.memory_space<hbm>>
    tpu.enqueue_indirect_dma source(%dma_start3A_23 : memref<800000x128xf32, #tpu.memory_space<hbm>>) target(%dma_start3A_17 : memref<128x128xf32, #tpu.memory_space<vmem>>) offsets(%dma_start3A_20 : memref<128xi32, #tpu.memory_space<vmem>>) semaphore(%arg11 : memref<!tpu.dma_semaphore, #tpu.memory_space<semaphore_mem>>)
    %dma_start3A_24 = arith.constant 2 : i32
    %dma_start3A_25 = arith.constant 0 : i32
    %dma_start3A_26 = arith.constant 0 : i32
    %dma_start3A_27 = arith.constant 0 : i32
    %dma_start3A_28 = tpu.memref_slice %arg9[%dma_start3A_25, %dma_start3A_26, %dma_start3A_27] : memref<2x128x128xf32, #tpu.memory_space<vmem>> -> memref<1x128x128xf32, #tpu.memory_space<vmem>>
    %dma_start3A_29 = tpu.memref_squeeze %dma_start3A_28 : memref<1x128x128xf32, #tpu.memory_space<vmem>> -> memref<128x128xf32, #tpu.memory_space<vmem>>
    %dma_start3A_30 = arith.constant 0 : i32
    %dma_start3A_31 = tpu.memref_slice %arg6[%dma_start3A_24, %dma_start3A_30] : memref<96x128xi32, #tpu.memory_space<vmem>> -> memref<1x128xi32, #tpu.memory_space<vmem>>
    %dma_start3A_32 = tpu.memref_squeeze %dma_start3A_31 : memref<1x128xi32, #tpu.memory_space<vmem>> -> memref<128xi32, #tpu.memory_space<vmem>>
    %dma_start3A_33 = arith.constant 0 : i32
    %dma_start3A_34 = arith.constant 0 : i32
    %dma_start3A_35 = tpu.memref_slice %arg3[%dma_start3A_33, %dma_start3A_34] : memref<8000x128xf32, #tpu.memory_space<hbm>> -> memref<8000x128xf32, #tpu.memory_space<hbm>>
    tpu.enqueue_indirect_dma source(%dma_start3A_35 : memref<8000x128xf32, #tpu.memory_space<hbm>>) target(%dma_start3A_29 : memref<128x128xf32, #tpu.memory_space<vmem>>) offsets(%dma_start3A_32 : memref<128xi32, #tpu.memory_space<vmem>>) semaphore(%arg11 : memref<!tpu.dma_semaphore, #tpu.memory_space<semaphore_mem>>)
    %dma_start3A_36 = arith.constant 3 : i32
    %dma_start3A_37 = arith.constant 1 : i32
    %dma_start3A_38 = arith.constant 0 : i32
    %dma_start3A_39 = arith.constant 0 : i32
    %dma_start3A_40 = tpu.memref_slice %arg7[%dma_start3A_37, %dma_start3A_38, %dma_start3A_39] : memref<2x128x128xf32, #tpu.memory_space<vmem>> -> memref<1x128x128xf32, #tpu.memory_space<vmem>>
    %dma_start3A_41 = tpu.memref_squeeze %dma_start3A_40 : memref<1x128x128xf32, #tpu.memory_space<vmem>> -> memref<128x128xf32, #tpu.memory_space<vmem>>
    %dma_start3A_42 = arith.constant 0 : i32
    %dma_start3A_43 = tpu.memref_slice %arg6[%dma_start3A_36, %dma_start3A_42] : memref<96x128xi32, #tpu.memory_space<vmem>> -> memref<1x128xi32, #tpu.memory_space<vmem>>
    %dma_start3A_44 = tpu.memref_squeeze %dma_start3A_43 : memref<1x128xi32, #tpu.memory_space<vmem>> -> memref<128xi32, #tpu.memory_space<vmem>>
    %dma_start3A_45 = arith.constant 0 : i32
    %dma_start3A_46 = arith.constant 0 : i32
    %dma_start3A_47 = tpu.memref_slice %arg2[%dma_start3A_45, %dma_start3A_46] : memref<800000x128xf32, #tpu.memory_space<hbm>> -> memref<800000x128xf32, #tpu.memory_space<hbm>>
    tpu.enqueue_indirect_dma source(%dma_start3A_47 : memref<800000x128xf32, #tpu.memory_space<hbm>>) target(%dma_start3A_41 : memref<128x128xf32, #tpu.memory_space<vmem>>) offsets(%dma_start3A_44 : memref<128xi32, #tpu.memory_space<vmem>>) semaphore(%arg12 : memref<!tpu.dma_semaphore, #tpu.memory_space<semaphore_mem>>)
    %dma_start3A_48 = arith.constant 4 : i32
    %dma_start3A_49 = arith.constant 1 : i32
    %dma_start3A_50 = arith.constant 0 : i32
    %dma_start3A_51 = arith.constant 0 : i32
    %dma_start3A_52 = tpu.memref_slice %arg8[%dma_start3A_49, %dma_start3A_50, %dma_start3A_51] : memref<2x128x128xf32, #tpu.memory_space<vmem>> -> memref<1x128x128xf32, #tpu.memory_space<vmem>>
    %dma_start3A_53 = tpu.memref_squeeze %dma_start3A_52 : memref<1x128x128xf32, #tpu.memory_space<vmem>> -> memref<128x128xf32, #tpu.memory_space<vmem>>
    %dma_start3A_54 = arith.constant 0 : i32
    %dma_start3A_55 = tpu.memref_slice %arg6[%dma_start3A_48, %dma_start3A_54] : memref<96x128xi32, #tpu.memory_space<vmem>> -> memref<1x128xi32, #tpu.memory_space<vmem>>
    %dma_start3A_56 = tpu.memref_squeeze %dma_start3A_55 : memref<1x128xi32, #tpu.memory_space<vmem>> -> memref<128xi32, #tpu.memory_space<vmem>>
    %dma_start3A_57 = arith.constant 0 : i32
    %dma_start3A_58 = arith.constant 0 : i32
    %dma_start3A_59 = tpu.memref_slice %arg2[%dma_start3A_57, %dma_start3A_58] : memref<800000x128xf32, #tpu.memory_space<hbm>> -> memref<800000x128xf32, #tpu.memory_space<hbm>>
    tpu.enqueue_indirect_dma source(%dma_start3A_59 : memref<800000x128xf32, #tpu.memory_space<hbm>>) target(%dma_start3A_53 : memref<128x128xf32, #tpu.memory_space<vmem>>) offsets(%dma_start3A_56 : memref<128xi32, #tpu.memory_space<vmem>>) semaphore(%arg12 : memref<!tpu.dma_semaphore, #tpu.memory_space<semaphore_mem>>)
    %dma_start3A_60 = arith.constant 5 : i32
    %dma_start3A_61 = arith.constant 1 : i32
    %dma_start3A_62 = arith.constant 0 : i32
    %dma_start3A_63 = arith.constant 0 : i32
    %dma_start3A_64 = tpu.memref_slice %arg9[%dma_start3A_61, %dma_start3A_62, %dma_start3A_63] : memref<2x128x128xf32, #tpu.memory_space<vmem>> -> memref<1x128x128xf32, #tpu.memory_space<vmem>>
    %dma_start3A_65 = tpu.memref_squeeze %dma_start3A_64 : memref<1x128x128xf32, #tpu.memory_space<vmem>> -> memref<128x128xf32, #tpu.memory_space<vmem>>
    %dma_start3A_66 = arith.constant 0 : i32
    %dma_start3A_67 = tpu.memref_slice %arg6[%dma_start3A_60, %dma_start3A_66] : memref<96x128xi32, #tpu.memory_space<vmem>> -> memref<1x128xi32, #tpu.memory_space<vmem>>
    %dma_start3A_68 = tpu.memref_squeeze %dma_start3A_67 : memref<1x128xi32, #tpu.memory_space<vmem>> -> memref<128xi32, #tpu.memory_space<vmem>>
    %dma_start3A_69 = arith.constant 0 : i32
    %dma_start3A_70 = arith.constant 0 : i32
    %dma_start3A_71 = tpu.memref_slice %arg3[%dma_start3A_69, %dma_start3A_70] : memref<8000x128xf32, #tpu.memory_space<hbm>> -> memref<8000x128xf32, #tpu.memory_space<hbm>>
    tpu.enqueue_indirect_dma source(%dma_start3A_71 : memref<8000x128xf32, #tpu.memory_space<hbm>>) target(%dma_start3A_65 : memref<128x128xf32, #tpu.memory_space<vmem>>) offsets(%dma_start3A_68 : memref<128xi32, #tpu.memory_space<vmem>>) semaphore(%arg12 : memref<!tpu.dma_semaphore, #tpu.memory_space<semaphore_mem>>)
    %scan3A = arith.constant 0 : i32
    %scan3A_72 = arith.constant 0 : i32
    %scan3A_73 = arith.constant 16 : i32
    %scan3A_74 = arith.addi %scan3A_72, %scan3A_73 : i32
    %scan3A_75 = arith.constant 1 : i32
    scf.for %scan3A_79 = %scan3A_72 to %scan3A_74 step %scan3A_75  : i32 {
      %mul3A_80 = arith.constant 2 : i32
      %mul3A_81 = arith.muli %mul3A_80, %scan3A_79 : i32
      %add3A_82 = arith.constant 0 : i32
      %add3A_83 = arith.addi %mul3A_81, %add3A_82 : i32
      %dma_wait3A = arith.constant 0 : i32
      %dma_wait3A_84 = arith.constant 0 : i32
      %dma_wait3A_85 = arith.constant 0 : i32
      %dma_wait3A_86 = tpu.memref_slice %arg7[%dma_wait3A, %dma_wait3A_84, %dma_wait3A_85] : memref<2x128x128xf32, #tpu.memory_space<vmem>> -> memref<1x128x128xf32, #tpu.memory_space<vmem>>
      %dma_wait3A_87 = tpu.memref_squeeze %dma_wait3A_86 : memref<1x128x128xf32, #tpu.memory_space<vmem>> -> memref<128x128xf32, #tpu.memory_space<vmem>>
      %dma_wait3A_88 = arith.constant 0 : i32
      %dma_wait3A_89 = arith.constant 0 : i32
      %dma_wait3A_90 = tpu.memref_slice %arg2[%dma_wait3A_88, %dma_wait3A_89] : memref<800000x128xf32, #tpu.memory_space<hbm>> -> memref<128x128xf32, #tpu.memory_space<hbm>>
      %dma_wait3A_91 = arith.constant 0 : i32
      %dma_wait3A_92 = arith.constant 0 : i32
      %dma_wait3A_93 = tpu.memref_slice %arg7[%dma_wait3A, %dma_wait3A_91, %dma_wait3A_92] : memref<2x128x128xf32, #tpu.memory_space<vmem>> -> memref<1x128x128xf32, #tpu.memory_space<vmem>>
      %dma_wait3A_94 = tpu.memref_squeeze %dma_wait3A_93 : memref<1x128x128xf32, #tpu.memory_space<vmem>> -> memref<128x128xf32, #tpu.memory_space<vmem>>
      %dma_wait3A_95 = arith.constant 0 : i32
      %dma_wait3A_96 = arith.constant 0 : i32
      %dma_wait3A_97 = tpu.memref_slice %arg2[%dma_wait3A_95, %dma_wait3A_96] : memref<800000x128xf32, #tpu.memory_space<hbm>> -> memref<128x128xf32, #tpu.memory_space<hbm>>
      tpu.wait_dma2 semaphore(%arg11 : memref<!tpu.dma_semaphore, #tpu.memory_space<semaphore_mem>>) src(%dma_wait3A_97 : memref<128x128xf32, #tpu.memory_space<hbm>>) dst(%dma_wait3A_94 : memref<128x128xf32, #tpu.memory_space<vmem>>)
      %dma_wait3A_98 = arith.constant 0 : i32
      %dma_wait3A_99 = arith.constant 0 : i32
      %dma_wait3A_100 = arith.constant 0 : i32
      %dma_wait3A_101 = tpu.memref_slice %arg8[%dma_wait3A_98, %dma_wait3A_99, %dma_wait3A_100] : memref<2x128x128xf32, #tpu.memory_space<vmem>> -> memref<1x128x128xf32, #tpu.memory_space<vmem>>
      %dma_wait3A_102 = tpu.memref_squeeze %dma_wait3A_101 : memref<1x128x128xf32, #tpu.memory_space<vmem>> -> memref<128x128xf32, #tpu.memory_space<vmem>>
      %dma_wait3A_103 = arith.constant 0 : i32
      %dma_wait3A_104 = arith.constant 0 : i32
      %dma_wait3A_105 = tpu.memref_slice %arg2[%dma_wait3A_103, %dma_wait3A_104] : memref<800000x128xf32, #tpu.memory_space<hbm>> -> memref<128x128xf32, #tpu.memory_space<hbm>>
      %dma_wait3A_106 = arith.constant 0 : i32
      %dma_wait3A_107 = arith.constant 0 : i32
      %dma_wait3A_108 = tpu.memref_slice %arg8[%dma_wait3A_98, %dma_wait3A_106, %dma_wait3A_107] : memref<2x128x128xf32, #tpu.memory_space<vmem>> -> memref<1x128x128xf32, #tpu.memory_space<vmem>>
      %dma_wait3A_109 = tpu.memref_squeeze %dma_wait3A_108 : memref<1x128x128xf32, #tpu.memory_space<vmem>> -> memref<128x128xf32, #tpu.memory_space<vmem>>
      %dma_wait3A_110 = arith.constant 0 : i32
      %dma_wait3A_111 = arith.constant 0 : i32
      %dma_wait3A_112 = tpu.memref_slice %arg2[%dma_wait3A_110, %dma_wait3A_111] : memref<800000x128xf32, #tpu.memory_space<hbm>> -> memref<128x128xf32, #tpu.memory_space<hbm>>
      tpu.wait_dma2 semaphore(%arg11 : memref<!tpu.dma_semaphore, #tpu.memory_space<semaphore_mem>>) src(%dma_wait3A_112 : memref<128x128xf32, #tpu.memory_space<hbm>>) dst(%dma_wait3A_109 : memref<128x128xf32, #tpu.memory_space<vmem>>)
      %dma_wait3A_113 = arith.constant 0 : i32
      %dma_wait3A_114 = arith.constant 0 : i32
      %dma_wait3A_115 = arith.constant 0 : i32
      %dma_wait3A_116 = tpu.memref_slice %arg9[%dma_wait3A_113, %dma_wait3A_114, %dma_wait3A_115] : memref<2x128x128xf32, #tpu.memory_space<vmem>> -> memref<1x128x128xf32, #tpu.memory_space<vmem>>
      %dma_wait3A_117 = tpu.memref_squeeze %dma_wait3A_116 : memref<1x128x128xf32, #tpu.memory_space<vmem>> -> memref<128x128xf32, #tpu.memory_space<vmem>>
      %dma_wait3A_118 = arith.constant 0 : i32
      %dma_wait3A_119 = arith.constant 0 : i32
      %dma_wait3A_120 = tpu.memref_slice %arg2[%dma_wait3A_118, %dma_wait3A_119] : memref<800000x128xf32, #tpu.memory_space<hbm>> -> memref<128x128xf32, #tpu.memory_space<hbm>>
      %dma_wait3A_121 = arith.constant 0 : i32
      %dma_wait3A_122 = arith.constant 0 : i32
      %dma_wait3A_123 = tpu.memref_slice %arg9[%dma_wait3A_113, %dma_wait3A_121, %dma_wait3A_122] : memref<2x128x128xf32, #tpu.memory_space<vmem>> -> memref<1x128x128xf32, #tpu.memory_space<vmem>>
      %dma_wait3A_124 = tpu.memref_squeeze %dma_wait3A_123 : memref<1x128x128xf32, #tpu.memory_space<vmem>> -> memref<128x128xf32, #tpu.memory_space<vmem>>
      %dma_wait3A_125 = arith.constant 0 : i32
      %dma_wait3A_126 = arith.constant 0 : i32
      %dma_wait3A_127 = tpu.memref_slice %arg2[%dma_wait3A_125, %dma_wait3A_126] : memref<800000x128xf32, #tpu.memory_space<hbm>> -> memref<128x128xf32, #tpu.memory_space<hbm>>
      tpu.wait_dma2 semaphore(%arg11 : memref<!tpu.dma_semaphore, #tpu.memory_space<semaphore_mem>>) src(%dma_wait3A_127 : memref<128x128xf32, #tpu.memory_space<hbm>>) dst(%dma_wait3A_124 : memref<128x128xf32, #tpu.memory_space<vmem>>)
      %scan3A_128 = arith.constant 0 : i32
      %scan3A_129 = arith.constant 0 : i32
      %scan3A_130 = arith.constant 16 : i32
      %scan3A_131 = arith.addi %scan3A_129, %scan3A_130 : i32
      %scan3A_132 = arith.constant 1 : i32
      scf.for %scan3A_196 = %scan3A_129 to %scan3A_131 step %scan3A_132  : i32 {
        %broadcast_in_dim3A = arith.constant 0.000000e+00 : f32
        %broadcast_in_dim3A_197 = vector.broadcast %broadcast_in_dim3A : f32 to vector<16xf32>
        %add3A_198 = arith.constant 0 : i32
        %add3A_199 = arith.addi %add3A_198, %scan3A_196 : i32
        %get3A = arith.constant 0 : i32
        %get3A_200 = arith.index_cast %get3A : i32 to index
        %get3A_201 = arith.index_cast %add3A_199 : i32 to index
        %get3A_202 = arith.constant 0 : index
        %get3A_203 = tpu.vector_load %arg7[%get3A_200, %get3A_201, %get3A_202] {strides = array<i32>} : memref<2x128x128xf32, #tpu.memory_space<vmem>>, vector<16xf32>,
        %get3A_204 = arith.constant 0 : i32
        %get3A_205 = arith.index_cast %get3A_204 : i32 to index
        %get3A_206 = arith.index_cast %add3A_199 : i32 to index
        %get3A_207 = arith.constant 16 : index
        %get3A_208 = tpu.vector_load %arg7[%get3A_205, %get3A_206, %get3A_207] {strides = array<i32>} : memref<2x128x128xf32, #tpu.memory_space<vmem>>, vector<16xf32>,
        %pack3A = tpu.pack_subelements %get3A_203, %get3A_208 {pack_format = #tpu.pack_format<interleaved>, positions = array<i32: 0, 1>} : vector<16xf32>, vector<16xf32> -> vector<32xbf16>
        %add3A_209 = arith.constant 16 : i32
        %add3A_210 = arith.addi %add3A_209, %scan3A_196 : i32
        %get3A_211 = arith.constant 0 : i32
        %get3A_212 = arith.index_cast %get3A_211 : i32 to index
        %get3A_213 = arith.index_cast %add3A_210 : i32 to index
        %get3A_214 = arith.constant 0 : index
        %get3A_215 = tpu.vector_load %arg7[%get3A_212, %get3A_213, %get3A_214] {strides = array<i32>} : memref<2x128x128xf32, #tpu.memory_space<vmem>>, vector<16xf32>,
        %get3A_216 = arith.constant 0 : i32
        %get3A_217 = arith.index_cast %get3A_216 : i32 to index
        %get3A_218 = arith.index_cast %add3A_210 : i32 to index
        %get3A_219 = arith.constant 16 : index
        %get3A_220 = tpu.vector_load %arg7[%get3A_217, %get3A_218, %get3A_219] {strides = array<i32>} : memref<2x128x128xf32, #tpu.memory_space<vmem>>, vector<16xf32>,
        %pack3A_221 = tpu.pack_subelements %get3A_215, %get3A_220 {pack_format = #tpu.pack_format<interleaved>, positions = array<i32: 0, 1>} : vector<16xf32>, vector<16xf32> -> vector<32xbf16>
        %add3A_222 = arith.constant 32 : i32
        %add3A_223 = arith.addi %add3A_222, %scan3A_196 : i32
        %get3A_224 = arith.constant 0 : i32
        %get3A_225 = arith.index_cast %get3A_224 : i32 to index
        %get3A_226 = arith.index_cast %add3A_223 : i32 to index
        %get3A_227 = arith.constant 0 : index
        %get3A_228 = tpu.vector_load %arg7[%get3A_225, %get3A_226, %get3A_227] {strides = array<i32>} : memref<2x128x128xf32, #tpu.memory_space<vmem>>, vector<16xf32>,
        %get3A_229 = arith.constant 0 : i32
        %get3A_230 = arith.index_cast %get3A_229 : i32 to index
        %get3A_231 = arith.index_cast %add3A_223 : i32 to index
        %get3A_232 = arith.constant 16 : index
        %get3A_233 = tpu.vector_load %arg7[%get3A_230, %get3A_231, %get3A_232] {strides = array<i32>} : memref<2x128x128xf32, #tpu.memory_space<vmem>>, vector<16xf32>,
        %pack3A_234 = tpu.pack_subelements %get3A_228, %get3A_233 {pack_format = #tpu.pack_format<interleaved>, positions = array<i32: 0, 1>} : vector<16xf32>, vector<16xf32> -> vector<32xbf16>
        %add3A_235 = arith.constant 48 : i32
        %add3A_236 = arith.addi %add3A_235, %scan3A_196 : i32
        %get3A_237 = arith.constant 0 : i32
        %get3A_238 = arith.index_cast %get3A_237 : i32 to index
        %get3A_239 = arith.index_cast %add3A_236 : i32 to index
        %get3A_240 = arith.constant 0 : index
        %get3A_241 = tpu.vector_load %arg7[%get3A_238, %get3A_239, %get3A_240] {strides = array<i32>} : memref<2x128x128xf32, #tpu.memory_space<vmem>>, vector<16xf32>,
        %get3A_242 = arith.constant 0 : i32
        %get3A_243 = arith.index_cast %get3A_242 : i32 to index
        %get3A_244 = arith.index_cast %add3A_236 : i32 to index
        %get3A_245 = arith.constant 16 : index
        %get3A_246 = tpu.vector_load %arg7[%get3A_243, %get3A_244, %get3A_245] {strides = array<i32>} : memref<2x128x128xf32, #tpu.memory_space<vmem>>, vector<16xf32>,
        %pack3A_247 = tpu.pack_subelements %get3A_241, %get3A_246 {pack_format = #tpu.pack_format<interleaved>, positions = array<i32: 0, 1>} : vector<16xf32>, vector<16xf32> -> vector<32xbf16>
        %add3A_248 = arith.constant 64 : i32
        %add3A_249 = arith.addi %add3A_248, %scan3A_196 : i32
        %get3A_250 = arith.constant 0 : i32
        %get3A_251 = arith.index_cast %get3A_250 : i32 to index
        %get3A_252 = arith.index_cast %add3A_249 : i32 to index
        %get3A_253 = arith.constant 0 : index
        %get3A_254 = tpu.vector_load %arg7[%get3A_251, %get3A_252, %get3A_253] {strides = array<i32>} : memref<2x128x128xf32, #tpu.memory_space<vmem>>, vector<16xf32>,
        %get3A_255 = arith.constant 0 : i32
        %get3A_256 = arith.index_cast %get3A_255 : i32 to index
        %get3A_257 = arith.index_cast %add3A_249 : i32 to index
        %get3A_258 = arith.constant 16 : index
        %get3A_259 = tpu.vector_load %arg7[%get3A_256, %get3A_257, %get3A_258] {strides = array<i32>} : memref<2x128x128xf32, #tpu.memory_space<vmem>>, vector<16xf32>,
        %pack3A_260 = tpu.pack_subelements %get3A_254, %get3A_259 {pack_format = #tpu.pack_format<interleaved>, positions = array<i32: 0, 1>} : vector<16xf32>, vector<16xf32> -> vector<32xbf16>
        %add3A_261 = arith.constant 80 : i32
        %add3A_262 = arith.addi %add3A_261, %scan3A_196 : i32
        %get3A_263 = arith.constant 0 : i32
        %get3A_264 = arith.index_cast %get3A_263 : i32 to index
        %get3A_265 = arith.index_cast %add3A_262 : i32 to index
        %get3A_266 = arith.constant 0 : index
        %get3A_267 = tpu.vector_load %arg7[%get3A_264, %get3A_265, %get3A_266] {strides = array<i32>} : memref<2x128x128xf32, #tpu.memory_space<vmem>>, vector<16xf32>,
        %get3A_268 = arith.constant 0 : i32
        %get3A_269 = arith.index_cast %get3A_268 : i32 to index
        %get3A_270 = arith.index_cast %add3A_262 : i32 to index
        %get3A_271 = arith.constant 16 : index
        %get3A_272 = tpu.vector_load %arg7[%get3A_269, %get3A_270, %get3A_271] {strides = array<i32>} : memref<2x128x128xf32, #tpu.memory_space<vmem>>, vector<16xf32>,
        %pack3A_273 = tpu.pack_subelements %get3A_267, %get3A_272 {pack_format = #tpu.pack_format<interleaved>, positions = array<i32: 0, 1>} : vector<16xf32>, vector<16xf32> -> vector<32xbf16>
        %add3A_274 = arith.constant 96 : i32
        %add3A_275 = arith.addi %add3A_274, %scan3A_196 : i32
        %get3A_276 = arith.constant 0 : i32
        %get3A_277 = arith.index_cast %get3A_276 : i32 to index
        %get3A_278 = arith.index_cast %add3A_275 : i32 to index
        %get3A_279 = arith.constant 0 : index
        %get3A_280 = tpu.vector_load %arg7[%get3A_277, %get3A_278, %get3A_279] {strides = array<i32>} : memref<2x128x128xf32, #tpu.memory_space<vmem>>, vector<16xf32>,
        %get3A_281 = arith.constant 0 : i32
        %get3A_282 = arith.index_cast %get3A_281 : i32 to index
        %get3A_283 = arith.index_cast %add3A_275 : i32 to index
        %get3A_284 = arith.constant 16 : index
        %get3A_285 = tpu.vector_load %arg7[%get3A_282, %get3A_283, %get3A_284] {strides = array<i32>} : memref<2x128x128xf32, #tpu.memory_space<vmem>>, vector<16xf32>,
        %pack3A_286 = tpu.pack_subelements %get3A_280, %get3A_285 {pack_format = #tpu.pack_format<interleaved>, positions = array<i32: 0, 1>} : vector<16xf32>, vector<16xf32> -> vector<32xbf16>
        %add3A_287 = arith.constant 112 : i32
        %add3A_288 = arith.addi %add3A_287, %scan3A_196 : i32
        %get3A_289 = arith.constant 0 : i32
        %get3A_290 = arith.index_cast %get3A_289 : i32 to index
        %get3A_291 = arith.index_cast %add3A_288 : i32 to index
        %get3A_292 = arith.constant 0 : index
        %get3A_293 = tpu.vector_load %arg7[%get3A_290, %get3A_291, %get3A_292] {strides = array<i32>} : memref<2x128x128xf32, #tpu.memory_space<vmem>>, vector<16xf32>,
        %get3A_294 = arith.constant 0 : i32
        %get3A_295 = arith.index_cast %get3A_294 : i32 to index
        %get3A_296 = arith.index_cast %add3A_288 : i32 to index
        %get3A_297 = arith.constant 16 : index
        %get3A_298 = tpu.vector_load %arg7[%get3A_295, %get3A_296, %get3A_297] {strides = array<i32>} : memref<2x128x128xf32, #tpu.memory_space<vmem>>, vector<16xf32>,
        %pack3A_299 = tpu.pack_subelements %get3A_293, %get3A_298 {pack_format = #tpu.pack_format<interleaved>, positions = array<i32: 0, 1>} : vector<16xf32>, vector<16xf32> -> vector<32xbf16>
        %add3A_300 = arith.constant 0 : i32
        %add3A_301 = arith.addi %add3A_300, %scan3A_196 : i32
        %get3A_302 = arith.constant 0 : i32
        %get3A_303 = arith.index_cast %get3A_302 : i32 to index
        %get3A_304 = arith.index_cast %add3A_301 : i32 to index
        %get3A_305 = arith.constant 0 : index
        %get3A_306 = tpu.vector_load %arg8[%get3A_303, %get3A_304, %get3A_305] {strides = array<i32>} : memref<2x128x128xf32, #tpu.memory_space<vmem>>, vector<16xf32>,
        %get3A_307 = arith.constant 0 : i32
        %get3A_308 = arith.index_cast %get3A_307 : i32 to index
        %get3A_309 = arith.index_cast %add3A_301 : i32 to index
        %get3A_310 = arith.constant 16 : index
        %get3A_311 = tpu.vector_load %arg8[%get3A_308, %get3A_309, %get3A_310] {strides = array<i32>} : memref<2x128x128xf32, #tpu.memory_space<vmem>>, vector<16xf32>,
        %pack3A_312 = tpu.pack_subelements %get3A_306, %get3A_311 {pack_format = #tpu.pack_format<interleaved>, positions = array<i32: 0, 1>} : vector<16xf32>, vector<16xf32> -> vector<32xbf16>
        %add3A_313 = arith.constant 16 : i32
        %add3A_314 = arith.addi %add3A_313, %scan3A_196 : i32
        %get3A_315 = arith.constant 0 : i32
        %get3A_316 = arith.index_cast %get3A_315 : i32 to index
        %get3A_317 = arith.index_cast %add3A_314 : i32 to index
        %get3A_318 = arith.constant 0 : index
        %get3A_319 = tpu.vector_load %arg8[%get3A_316, %get3A_317, %get3A_318] {strides = array<i32>} : memref<2x128x128xf32, #tpu.memory_space<vmem>>, vector<16xf32>,
        %get3A_320 = arith.constant 0 : i32
        %get3A_321 = arith.index_cast %get3A_320 : i32 to index
        %get3A_322 = arith.index_cast %add3A_314 : i32 to index
        %get3A_323 = arith.constant 16 : index
        %get3A_324 = tpu.vector_load %arg8[%get3A_321, %get3A_322, %get3A_323] {strides = array<i32>} : memref<2x128x128xf32, #tpu.memory_space<vmem>>, vector<16xf32>,
        %pack3A_325 = tpu.pack_subelements %get3A_319, %get3A_324 {pack_format = #tpu.pack_format<interleaved>, positions = array<i32: 0, 1>} : vector<16xf32>, vector<16xf32> -> vector<32xbf16>
        %add3A_326 = arith.constant 32 : i32
        %add3A_327 = arith.addi %add3A_326, %scan3A_196 : i32
        %get3A_328 = arith.constant 0 : i32
        %get3A_329 = arith.index_cast %get3A_328 : i32 to index
        %get3A_330 = arith.index_cast %add3A_327 : i32 to index
        %get3A_331 = arith.constant 0 : index
        %get3A_332 = tpu.vector_load %arg8[%get3A_329, %get3A_330, %get3A_331] {strides = array<i32>} : memref<2x128x128xf32, #tpu.memory_space<vmem>>, vector<16xf32>,
        %get3A_333 = arith.constant 0 : i32
        %get3A_334 = arith.index_cast %get3A_333 : i32 to index
        %get3A_335 = arith.index_cast %add3A_327 : i32 to index
        %get3A_336 = arith.constant 16 : index
        %get3A_337 = tpu.vector_load %arg8[%get3A_334, %get3A_335, %get3A_336] {strides = array<i32>} : memref<2x128x128xf32, #tpu.memory_space<vmem>>, vector<16xf32>,
        %pack3A_338 = tpu.pack_subelements %get3A_332, %get3A_337 {pack_format = #tpu.pack_format<interleaved>, positions = array<i32: 0, 1>} : vector<16xf32>, vector<16xf32> -> vector<32xbf16>
        %add3A_339 = arith.constant 48 : i32
        %add3A_340 = arith.addi %add3A_339, %scan3A_196 : i32
        %get3A_341 = arith.constant 0 : i32
        %get3A_342 = arith.index_cast %get3A_341 : i32 to index
        %get3A_343 = arith.index_cast %add3A_340 : i32 to index
        %get3A_344 = arith.constant 0 : index
        %get3A_345 = tpu.vector_load %arg8[%get3A_342, %get3A_343, %get3A_344] {strides = array<i32>} : memref<2x128x128xf32, #tpu.memory_space<vmem>>, vector<16xf32>,
        %get3A_346 = arith.constant 0 : i32
        %get3A_347 = arith.index_cast %get3A_346 : i32 to index
        %get3A_348 = arith.index_cast %add3A_340 : i32 to index
        %get3A_349 = arith.constant 16 : index
        %get3A_350 = tpu.vector_load %arg8[%get3A_347, %get3A_348, %get3A_349] {strides = array<i32>} : memref<2x128x128xf32, #tpu.memory_space<vmem>>, vector<16xf32>,
        %pack3A_351 = tpu.pack_subelements %get3A_345, %get3A_350 {pack_format = #tpu.pack_format<interleaved>, positions = array<i32: 0, 1>} : vector<16xf32>, vector<16xf32> -> vector<32xbf16>
        %add3A_352 = arith.constant 64 : i32
        %add3A_353 = arith.addi %add3A_352, %scan3A_196 : i32
        %get3A_354 = arith.constant 0 : i32
        %get3A_355 = arith.index_cast %get3A_354 : i32 to index
        %get3A_356 = arith.index_cast %add3A_353 : i32 to index
        %get3A_357 = arith.constant 0 : index
        %get3A_358 = tpu.vector_load %arg8[%get3A_355, %get3A_356, %get3A_357] {strides = array<i32>} : memref<2x128x128xf32, #tpu.memory_space<vmem>>, vector<16xf32>,
        %get3A_359 = arith.constant 0 : i32
        %get3A_360 = arith.index_cast %get3A_359 : i32 to index
        %get3A_361 = arith.index_cast %add3A_353 : i32 to index
        %get3A_362 = arith.constant 16 : index
        %get3A_363 = tpu.vector_load %arg8[%get3A_360, %get3A_361, %get3A_362] {strides = array<i32>} : memref<2x128x128xf32, #tpu.memory_space<vmem>>, vector<16xf32>,
        %pack3A_364 = tpu.pack_subelements %get3A_358, %get3A_363 {pack_format = #tpu.pack_format<interleaved>, positions = array<i32: 0, 1>} : vector<16xf32>, vector<16xf32> -> vector<32xbf16>
        %add3A_365 = arith.constant 80 : i32
        %add3A_366 = arith.addi %add3A_365, %scan3A_196 : i32
        %get3A_367 = arith.constant 0 : i32
        %get3A_368 = arith.index_cast %get3A_367 : i32 to index
        %get3A_369 = arith.index_cast %add3A_366 : i32 to index
        %get3A_370 = arith.constant 0 : index
        %get3A_371 = tpu.vector_load %arg8[%get3A_368, %get3A_369, %get3A_370] {strides = array<i32>} : memref<2x128x128xf32, #tpu.memory_space<vmem>>, vector<16xf32>,
        %get3A_372 = arith.constant 0 : i32
        %get3A_373 = arith.index_cast %get3A_372 : i32 to index
        %get3A_374 = arith.index_cast %add3A_366 : i32 to index
        %get3A_375 = arith.constant 16 : index
        %get3A_376 = tpu.vector_load %arg8[%get3A_373, %get3A_374, %get3A_375] {strides = array<i32>} : memref<2x128x128xf32, #tpu.memory_space<vmem>>, vector<16xf32>,
        %pack3A_377 = tpu.pack_subelements %get3A_371, %get3A_376 {pack_format = #tpu.pack_format<interleaved>, positions = array<i32: 0, 1>} : vector<16xf32>, vector<16xf32> -> vector<32xbf16>
        %add3A_378 = arith.constant 96 : i32
        %add3A_379 = arith.addi %add3A_378, %scan3A_196 : i32
        %get3A_380 = arith.constant 0 : i32
        %get3A_381 = arith.index_cast %get3A_380 : i32 to index
        %get3A_382 = arith.index_cast %add3A_379 : i32 to index
        %get3A_383 = arith.constant 0 : index
        %get3A_384 = tpu.vector_load %arg8[%get3A_381, %get3A_382, %get3A_383] {strides = array<i32>} : memref<2x128x128xf32, #tpu.memory_space<vmem>>, vector<16xf32>,
        %get3A_385 = arith.constant 0 : i32
        %get3A_386 = arith.index_cast %get3A_385 : i32 to index
        %get3A_387 = arith.index_cast %add3A_379 : i32 to index
        %get3A_388 = arith.constant 16 : index
        %get3A_389 = tpu.vector_load %arg8[%get3A_386, %get3A_387, %get3A_388] {strides = array<i32>} : memref<2x128x128xf32, #tpu.memory_space<vmem>>, vector<16xf32>,
        %pack3A_390 = tpu.pack_subelements %get3A_384, %get3A_389 {pack_format = #tpu.pack_format<interleaved>, positions = array<i32: 0, 1>} : vector<16xf32>, vector<16xf32> -> vector<32xbf16>
        %add3A_391 = arith.constant 112 : i32
        %add3A_392 = arith.addi %add3A_391, %scan3A_196 : i32
        %get3A_393 = arith.constant 0 : i32
        %get3A_394 = arith.index_cast %get3A_393 : i32 to index
        %get3A_395 = arith.index_cast %add3A_392 : i32 to index
        %get3A_396 = arith.constant 0 : index
        %get3A_397 = tpu.vector_load %arg8[%get3A_394, %get3A_395, %get3A_396] {strides = array<i32>} : memref<2x128x128xf32, #tpu.memory_space<vmem>>, vector<16xf32>,
        %get3A_398 = arith.constant 0 : i32
        %get3A_399 = arith.index_cast %get3A_398 : i32 to index
        %get3A_400 = arith.index_cast %add3A_392 : i32 to index
        %get3A_401 = arith.constant 16 : index
        %get3A_402 = tpu.vector_load %arg8[%get3A_399, %get3A_400, %get3A_401] {strides = array<i32>} : memref<2x128x128xf32, #tpu.memory_space<vmem>>, vector<16xf32>,
        %pack3A_403 = tpu.pack_subelements %get3A_397, %get3A_402 {pack_format = #tpu.pack_format<interleaved>, positions = array<i32: 0, 1>} : vector<16xf32>, vector<16xf32> -> vector<32xbf16>
        %add3A_404 = arith.constant 0 : i32
        %add3A_405 = arith.addi %add3A_404, %scan3A_196 : i32
        %get3A_406 = arith.constant 0 : i32
        %get3A_407 = arith.index_cast %get3A_406 : i32 to index
        %get3A_408 = arith.index_cast %add3A_405 : i32 to index
        %get3A_409 = arith.constant 0 : index
        %get3A_410 = tpu.vector_load %arg9[%get3A_407, %get3A_408, %get3A_409] {strides = array<i32>} : memref<2x128x128xf32, #tpu.memory_space<vmem>>, vector<16xf32>,
        %get3A_411 = arith.constant 0 : i32
        %get3A_412 = arith.index_cast %get3A_411 : i32 to index
        %get3A_413 = arith.index_cast %add3A_405 : i32 to index
        %get3A_414 = arith.constant 16 : index
        %get3A_415 = tpu.vector_load %arg9[%get3A_412, %get3A_413, %get3A_414] {strides = array<i32>} : memref<2x128x128xf32, #tpu.memory_space<vmem>>, vector<16xf32>,
        %pack3A_416 = tpu.pack_subelements %get3A_410, %get3A_415 {pack_format = #tpu.pack_format<interleaved>, positions = array<i32: 0, 1>} : vector<16xf32>, vector<16xf32> -> vector<32xbf16>
        %add3A_417 = arith.constant 16 : i32
        %add3A_418 = arith.addi %add3A_417, %scan3A_196 : i32
        %get3A_419 = arith.constant 0 : i32
        %get3A_420 = arith.index_cast %get3A_419 : i32 to index
        %get3A_421 = arith.index_cast %add3A_418 : i32 to index
        %get3A_422 = arith.constant 0 : index
        %get3A_423 = tpu.vector_load %arg9[%get3A_420, %get3A_421, %get3A_422] {strides = array<i32>} : memref<2x128x128xf32, #tpu.memory_space<vmem>>, vector<16xf32>,
        %get3A_424 = arith.constant 0 : i32
        %get3A_425 = arith.index_cast %get3A_424 : i32 to index
        %get3A_426 = arith.index_cast %add3A_418 : i32 to index
        %get3A_427 = arith.constant 16 : index
        %get3A_428 = tpu.vector_load %arg9[%get3A_425, %get3A_426, %get3A_427] {strides = array<i32>} : memref<2x128x128xf32, #tpu.memory_space<vmem>>, vector<16xf32>,
        %pack3A_429 = tpu.pack_subelements %get3A_423, %get3A_428 {pack_format = #tpu.pack_format<interleaved>, positions = array<i32: 0, 1>} : vector<16xf32>, vector<16xf32> -> vector<32xbf16>
        %add3A_430 = arith.constant 32 : i32
        %add3A_431 = arith.addi %add3A_430, %scan3A_196 : i32
        %get3A_432 = arith.constant 0 : i32
        %get3A_433 = arith.index_cast %get3A_432 : i32 to index
        %get3A_434 = arith.index_cast %add3A_431 : i32 to index
        %get3A_435 = arith.constant 0 : index
        %get3A_436 = tpu.vector_load %arg9[%get3A_433, %get3A_434, %get3A_435] {strides = array<i32>} : memref<2x128x128xf32, #tpu.memory_space<vmem>>, vector<16xf32>,
        %get3A_437 = arith.constant 0 : i32
        %get3A_438 = arith.index_cast %get3A_437 : i32 to index
        %get3A_439 = arith.index_cast %add3A_431 : i32 to index
        %get3A_440 = arith.constant 16 : index
        %get3A_441 = tpu.vector_load %arg9[%get3A_438, %get3A_439, %get3A_440] {strides = array<i32>} : memref<2x128x128xf32, #tpu.memory_space<vmem>>, vector<16xf32>,
        %pack3A_442 = tpu.pack_subelements %get3A_436, %get3A_441 {pack_format = #tpu.pack_format<interleaved>, positions = array<i32: 0, 1>} : vector<16xf32>, vector<16xf32> -> vector<32xbf16>
        %add3A_443 = arith.constant 48 : i32
        %add3A_444 = arith.addi %add3A_443, %scan3A_196 : i32
        %get3A_445 = arith.constant 0 : i32
        %get3A_446 = arith.index_cast %get3A_445 : i32 to index
        %get3A_447 = arith.index_cast %add3A_444 : i32 to index
        %get3A_448 = arith.constant 0 : index
        %get3A_449 = tpu.vector_load %arg9[%get3A_446, %get3A_447, %get3A_448] {strides = array<i32>} : memref<2x128x128xf32, #tpu.memory_space<vmem>>, vector<16xf32>,
        %get3A_450 = arith.constant 0 : i32
        %get3A_451 = arith.index_cast %get3A_450 : i32 to index
        %get3A_452 = arith.index_cast %add3A_444 : i32 to index
        %get3A_453 = arith.constant 16 : index
        %get3A_454 = tpu.vector_load %arg9[%get3A_451, %get3A_452, %get3A_453] {strides = array<i32>} : memref<2x128x128xf32, #tpu.memory_space<vmem>>, vector<16xf32>,
        %pack3A_455 = tpu.pack_subelements %get3A_449, %get3A_454 {pack_format = #tpu.pack_format<interleaved>, positions = array<i32: 0, 1>} : vector<16xf32>, vector<16xf32> -> vector<32xbf16>
        %add3A_456 = arith.constant 64 : i32
        %add3A_457 = arith.addi %add3A_456, %scan3A_196 : i32
        %get3A_458 = arith.constant 0 : i32
        %get3A_459 = arith.index_cast %get3A_458 : i32 to index
        %get3A_460 = arith.index_cast %add3A_457 : i32 to index
        %get3A_461 = arith.constant 0 : index
        %get3A_462 = tpu.vector_load %arg9[%get3A_459, %get3A_460, %get3A_461] {strides = array<i32>} : memref<2x128x128xf32, #tpu.memory_space<vmem>>, vector<16xf32>,
        %get3A_463 = arith.constant 0 : i32
        %get3A_464 = arith.index_cast %get3A_463 : i32 to index
        %get3A_465 = arith.index_cast %add3A_457 : i32 to index
        %get3A_466 = arith.constant 16 : index
        %get3A_467 = tpu.vector_load %arg9[%get3A_464, %get3A_465, %get3A_466] {strides = array<i32>} : memref<2x128x128xf32, #tpu.memory_space<vmem>>, vector<16xf32>,
        %pack3A_468 = tpu.pack_subelements %get3A_462, %get3A_467 {pack_format = #tpu.pack_format<interleaved>, positions = array<i32: 0, 1>} : vector<16xf32>, vector<16xf32> -> vector<32xbf16>
        %add3A_469 = arith.constant 80 : i32
        %add3A_470 = arith.addi %add3A_469, %scan3A_196 : i32
        %get3A_471 = arith.constant 0 : i32
        %get3A_472 = arith.index_cast %get3A_471 : i32 to index
        %get3A_473 = arith.index_cast %add3A_470 : i32 to index
        %get3A_474 = arith.constant 0 : index
        %get3A_475 = tpu.vector_load %arg9[%get3A_472, %get3A_473, %get3A_474] {strides = array<i32>} : memref<2x128x128xf32, #tpu.memory_space<vmem>>, vector<16xf32>,
        %get3A_476 = arith.constant 0 : i32
        %get3A_477 = arith.index_cast %get3A_476 : i32 to index
        %get3A_478 = arith.index_cast %add3A_470 : i32 to index
        %get3A_479 = arith.constant 16 : index
        %get3A_480 = tpu.vector_load %arg9[%get3A_477, %get3A_478, %get3A_479] {strides = array<i32>} : memref<2x128x128xf32, #tpu.memory_space<vmem>>, vector<16xf32>,
        %pack3A_481 = tpu.pack_subelements %get3A_475, %get3A_480 {pack_format = #tpu.pack_format<interleaved>, positions = array<i32: 0, 1>} : vector<16xf32>, vector<16xf32> -> vector<32xbf16>
        %add3A_482 = arith.constant 96 : i32
        %add3A_483 = arith.addi %add3A_482, %scan3A_196 : i32
        %get3A_484 = arith.constant 0 : i32
        %get3A_485 = arith.index_cast %get3A_484 : i32 to index
        %get3A_486 = arith.index_cast %add3A_483 : i32 to index
        %get3A_487 = arith.constant 0 : index
        %get3A_488 = tpu.vector_load %arg9[%get3A_485, %get3A_486, %get3A_487] {strides = array<i32>} : memref<2x128x128xf32, #tpu.memory_space<vmem>>, vector<16xf32>,
        %get3A_489 = arith.constant 0 : i32
        %get3A_490 = arith.index_cast %get3A_489 : i32 to index
        %get3A_491 = arith.index_cast %add3A_483 : i32 to index
        %get3A_492 = arith.constant 16 : index
        %get3A_493 = tpu.vector_load %arg9[%get3A_490, %get3A_491, %get3A_492] {strides = array<i32>} : memref<2x128x128xf32, #tpu.memory_space<vmem>>, vector<16xf32>,
        %pack3A_494 = tpu.pack_subelements %get3A_488, %get3A_493 {pack_format = #tpu.pack_format<interleaved>, positions = array<i32: 0, 1>} : vector<16xf32>, vector<16xf32> -> vector<32xbf16>
        %add3A_495 = arith.constant 112 : i32
        %add3A_496 = arith.addi %add3A_495, %scan3A_196 : i32
        %get3A_497 = arith.constant 0 : i32
        %get3A_498 = arith.index_cast %get3A_497 : i32 to index
        %get3A_499 = arith.index_cast %add3A_496 : i32 to index
        %get3A_500 = arith.constant 0 : index
        %get3A_501 = tpu.vector_load %arg9[%get3A_498, %get3A_499, %get3A_500] {strides = array<i32>} : memref<2x128x128xf32, #tpu.memory_space<vmem>>, vector<16xf32>,
        %get3A_502 = arith.constant 0 : i32
        %get3A_503 = arith.index_cast %get3A_502 : i32 to index
        %get3A_504 = arith.index_cast %add3A_496 : i32 to index
        %get3A_505 = arith.constant 16 : index
        %get3A_506 = tpu.vector_load %arg9[%get3A_503, %get3A_504, %get3A_505] {strides = array<i32>} : memref<2x128x128xf32, #tpu.memory_space<vmem>>, vector<16xf32>,
        %pack3A_507 = tpu.pack_subelements %get3A_501, %get3A_506 {pack_format = #tpu.pack_format<interleaved>, positions = array<i32: 0, 1>} : vector<16xf32>, vector<16xf32> -> vector<32xbf16>
        %mul3A_508 = arith.mulf %pack3A, %pack3A_416 : vector<32xbf16>
        %mul3A_509 = arith.mulf %pack3A_221, %pack3A_429 : vector<32xbf16>
        %sub3A = arith.subf %mul3A_508, %mul3A_509 : vector<32xbf16>
        %mul3A_510 = arith.mulf %pack3A_234, %pack3A_442 : vector<32xbf16>
        %sub3A_511 = arith.subf %sub3A, %mul3A_510 : vector<32xbf16>
        %mul3A_512 = arith.mulf %pack3A_247, %pack3A_455 : vector<32xbf16>
        %sub3A_513 = arith.subf %sub3A_511, %mul3A_512 : vector<32xbf16>
        %mul3A_514 = arith.mulf %pack3A, %pack3A_429 : vector<32xbf16>
        %mul3A_515 = arith.mulf %pack3A_416, %pack3A_221 : vector<32xbf16>
        %add3A_516 = arith.addf %mul3A_514, %mul3A_515 : vector<32xbf16>
        %mul3A_517 = arith.mulf %pack3A_234, %pack3A_455 : vector<32xbf16>
        %add3A_518 = arith.addf %add3A_516, %mul3A_517 : vector<32xbf16>
        %mul3A_519 = arith.mulf %pack3A_442, %pack3A_247 : vector<32xbf16>
        %sub3A_520 = arith.subf %add3A_518, %mul3A_519 : vector<32xbf16>
        %mul3A_521 = arith.mulf %pack3A, %pack3A_442 : vector<32xbf16>
        %mul3A_522 = arith.mulf %pack3A_416, %pack3A_234 : vector<32xbf16>
        %add3A_523 = arith.addf %mul3A_521, %mul3A_522 : vector<32xbf16>
        %mul3A_524 = arith.mulf %pack3A_247, %pack3A_429 : vector<32xbf16>
        %add3A_525 = arith.addf %add3A_523, %mul3A_524 : vector<32xbf16>
        %mul3A_526 = arith.mulf %pack3A_455, %pack3A_221 : vector<32xbf16>
        %sub3A_527 = arith.subf %add3A_525, %mul3A_526 : vector<32xbf16>
        %mul3A_528 = arith.mulf %pack3A, %pack3A_455 : vector<32xbf16>
        %mul3A_529 = arith.mulf %pack3A_416, %pack3A_247 : vector<32xbf16>
        %add3A_530 = arith.addf %mul3A_528, %mul3A_529 : vector<32xbf16>
        %mul3A_531 = arith.mulf %pack3A_221, %pack3A_442 : vector<32xbf16>
        %add3A_532 = arith.addf %add3A_530, %mul3A_531 : vector<32xbf16>
        %mul3A_533 = arith.mulf %pack3A_429, %pack3A_234 : vector<32xbf16>
        %sub3A_534 = arith.subf %add3A_532, %mul3A_533 : vector<32xbf16>
        %neg3A = arith.constant 0.000000e+00 : bf16
        %neg3A_535 = vector.broadcast %neg3A : bf16 to vector<32xbf16>
        %neg3A_536 = arith.subf %neg3A_535, %pack3A_481 : vector<32xbf16>
        %neg3A_537 = arith.constant 0.000000e+00 : bf16
        %neg3A_538 = vector.broadcast %neg3A_537 : bf16 to vector<32xbf16>
        %neg3A_539 = arith.subf %neg3A_538, %pack3A_494 : vector<32xbf16>
        %neg3A_540 = arith.constant 0.000000e+00 : bf16
        %neg3A_541 = vector.broadcast %neg3A_540 : bf16 to vector<32xbf16>
        %neg3A_542 = arith.subf %neg3A_541, %pack3A_507 : vector<32xbf16>
        %mul3A_543 = arith.mulf %pack3A_468, %pack3A_260 : vector<32xbf16>
        %mul3A_544 = arith.mulf %neg3A_536, %pack3A_273 : vector<32xbf16>
        %sub3A_545 = arith.subf %mul3A_543, %mul3A_544 : vector<32xbf16>
        %mul3A_546 = arith.mulf %neg3A_539, %pack3A_286 : vector<32xbf16>
        %sub3A_547 = arith.subf %sub3A_545, %mul3A_546 : vector<32xbf16>
        %mul3A_548 = arith.mulf %neg3A_542, %pack3A_299 : vector<32xbf16>
        %sub3A_549 = arith.subf %sub3A_547, %mul3A_548 : vector<32xbf16>
        %mul3A_550 = arith.mulf %pack3A_468, %pack3A_273 : vector<32xbf16>
        %mul3A_551 = arith.mulf %pack3A_260, %neg3A_536 : vector<32xbf16>
        %add3A_552 = arith.addf %mul3A_550, %mul3A_551 : vector<32xbf16>
        %mul3A_553 = arith.mulf %neg3A_539, %pack3A_299 : vector<32xbf16>
        %add3A_554 = arith.addf %add3A_552, %mul3A_553 : vector<32xbf16>
        %mul3A_555 = arith.mulf %pack3A_286, %neg3A_542 : vector<32xbf16>
        %sub3A_556 = arith.subf %add3A_554, %mul3A_555 : vector<32xbf16>
        %mul3A_557 = arith.mulf %pack3A_468, %pack3A_286 : vector<32xbf16>
        %mul3A_558 = arith.mulf %pack3A_260, %neg3A_539 : vector<32xbf16>
        %add3A_559 = arith.addf %mul3A_557, %mul3A_558 : vector<32xbf16>
        %mul3A_560 = arith.mulf %neg3A_542, %pack3A_273 : vector<32xbf16>
        %add3A_561 = arith.addf %add3A_559, %mul3A_560 : vector<32xbf16>
        %mul3A_562 = arith.mulf %pack3A_299, %neg3A_536 : vector<32xbf16>
        %sub3A_563 = arith.subf %add3A_561, %mul3A_562 : vector<32xbf16>
        %mul3A_564 = arith.mulf %pack3A_468, %pack3A_299 : vector<32xbf16>
        %mul3A_565 = arith.mulf %pack3A_260, %neg3A_542 : vector<32xbf16>
        %add3A_566 = arith.addf %mul3A_564, %mul3A_565 : vector<32xbf16>
        %mul3A_567 = arith.mulf %neg3A_536, %pack3A_286 : vector<32xbf16>
        %add3A_568 = arith.addf %add3A_566, %mul3A_567 : vector<32xbf16>
        %mul3A_569 = arith.mulf %pack3A_273, %neg3A_539 : vector<32xbf16>
        %sub3A_570 = arith.subf %add3A_568, %mul3A_569 : vector<32xbf16>
        %mul3A_571 = arith.mulf %pack3A_468, %pack3A : vector<32xbf16>
        %mul3A_572 = arith.mulf %pack3A_481, %pack3A_221 : vector<32xbf16>
        %sub3A_573 = arith.subf %mul3A_571, %mul3A_572 : vector<32xbf16>
        %mul3A_574 = arith.mulf %pack3A_494, %pack3A_234 : vector<32xbf16>
        %sub3A_575 = arith.subf %sub3A_573, %mul3A_574 : vector<32xbf16>
        %mul3A_576 = arith.mulf %pack3A_507, %pack3A_247 : vector<32xbf16>
        %sub3A_577 = arith.subf %sub3A_575, %mul3A_576 : vector<32xbf16>
        %mul3A_578 = arith.mulf %pack3A_468, %pack3A_221 : vector<32xbf16>
        %mul3A_579 = arith.mulf %pack3A, %pack3A_481 : vector<32xbf16>
        %add3A_580 = arith.addf %mul3A_578, %mul3A_579 : vector<32xbf16>
        %mul3A_581 = arith.mulf %pack3A_494, %pack3A_247 : vector<32xbf16>
        %add3A_582 = arith.addf %add3A_580, %mul3A_581 : vector<32xbf16>
        %mul3A_583 = arith.mulf %pack3A_234, %pack3A_507 : vector<32xbf16>
        %sub3A_584 = arith.subf %add3A_582, %mul3A_583 : vector<32xbf16>
        %mul3A_585 = arith.mulf %pack3A_468, %pack3A_234 : vector<32xbf16>
        %mul3A_586 = arith.mulf %pack3A, %pack3A_494 : vector<32xbf16>
        %add3A_587 = arith.addf %mul3A_585, %mul3A_586 : vector<32xbf16>
        %mul3A_588 = arith.mulf %pack3A_507, %pack3A_221 : vector<32xbf16>
        %add3A_589 = arith.addf %add3A_587, %mul3A_588 : vector<32xbf16>
        %mul3A_590 = arith.mulf %pack3A_247, %pack3A_481 : vector<32xbf16>
        %sub3A_591 = arith.subf %add3A_589, %mul3A_590 : vector<32xbf16>
        %mul3A_592 = arith.mulf %pack3A_468, %pack3A_247 : vector<32xbf16>
        %mul3A_593 = arith.mulf %pack3A, %pack3A_507 : vector<32xbf16>
        %add3A_594 = arith.addf %mul3A_592, %mul3A_593 : vector<32xbf16>
        %mul3A_595 = arith.mulf %pack3A_481, %pack3A_234 : vector<32xbf16>
        %add3A_596 = arith.addf %add3A_594, %mul3A_595 : vector<32xbf16>
        %mul3A_597 = arith.mulf %pack3A_221, %pack3A_494 : vector<32xbf16>
        %sub3A_598 = arith.subf %add3A_596, %mul3A_597 : vector<32xbf16>
        %neg3A_599 = arith.constant 0.000000e+00 : bf16
        %neg3A_600 = vector.broadcast %neg3A_599 : bf16 to vector<32xbf16>
        %neg3A_601 = arith.subf %neg3A_600, %pack3A_429 : vector<32xbf16>
        %neg3A_602 = arith.constant 0.000000e+00 : bf16
        %neg3A_603 = vector.broadcast %neg3A_602 : bf16 to vector<32xbf16>
        %neg3A_604 = arith.subf %neg3A_603, %pack3A_442 : vector<32xbf16>
        %neg3A_605 = arith.constant 0.000000e+00 : bf16
        %neg3A_606 = vector.broadcast %neg3A_605 : bf16 to vector<32xbf16>
        %neg3A_607 = arith.subf %neg3A_606, %pack3A_455 : vector<32xbf16>
        %mul3A_608 = arith.mulf %pack3A_260, %pack3A_416 : vector<32xbf16>
        %mul3A_609 = arith.mulf %pack3A_273, %neg3A_601 : vector<32xbf16>
        %sub3A_610 = arith.subf %mul3A_608, %mul3A_609 : vector<32xbf16>
        %mul3A_611 = arith.mulf %pack3A_286, %neg3A_604 : vector<32xbf16>
        %sub3A_612 = arith.subf %sub3A_610, %mul3A_611 : vector<32xbf16>
        %mul3A_613 = arith.mulf %pack3A_299, %neg3A_607 : vector<32xbf16>
        %sub3A_614 = arith.subf %sub3A_612, %mul3A_613 : vector<32xbf16>
        %mul3A_615 = arith.mulf %pack3A_260, %neg3A_601 : vector<32xbf16>
        %mul3A_616 = arith.mulf %pack3A_416, %pack3A_273 : vector<32xbf16>
        %add3A_617 = arith.addf %mul3A_615, %mul3A_616 : vector<32xbf16>
        %mul3A_618 = arith.mulf %pack3A_286, %neg3A_607 : vector<32xbf16>
        %add3A_619 = arith.addf %add3A_617, %mul3A_618 : vector<32xbf16>
        %mul3A_620 = arith.mulf %neg3A_604, %pack3A_299 : vector<32xbf16>
        %sub3A_621 = arith.subf %add3A_619, %mul3A_620 : vector<32xbf16>
        %mul3A_622 = arith.mulf %pack3A_260, %neg3A_604 : vector<32xbf16>
        %mul3A_623 = arith.mulf %pack3A_416, %pack3A_286 : vector<32xbf16>
        %add3A_624 = arith.addf %mul3A_622, %mul3A_623 : vector<32xbf16>
        %mul3A_625 = arith.mulf %pack3A_299, %neg3A_601 : vector<32xbf16>
        %add3A_626 = arith.addf %add3A_624, %mul3A_625 : vector<32xbf16>
        %mul3A_627 = arith.mulf %neg3A_607, %pack3A_273 : vector<32xbf16>
        %sub3A_628 = arith.subf %add3A_626, %mul3A_627 : vector<32xbf16>
        %mul3A_629 = arith.mulf %pack3A_260, %neg3A_607 : vector<32xbf16>
        %mul3A_630 = arith.mulf %pack3A_416, %pack3A_299 : vector<32xbf16>
        %add3A_631 = arith.addf %mul3A_629, %mul3A_630 : vector<32xbf16>
        %mul3A_632 = arith.mulf %pack3A_273, %neg3A_604 : vector<32xbf16>
        %add3A_633 = arith.addf %add3A_631, %mul3A_632 : vector<32xbf16>
        %mul3A_634 = arith.mulf %neg3A_601, %pack3A_286 : vector<32xbf16>
        %sub3A_635 = arith.subf %add3A_633, %mul3A_634 : vector<32xbf16>
        %sub3A_636 = arith.subf %sub3A_513, %sub3A_549 : vector<32xbf16>
        %sub3A_637 = arith.subf %sub3A_520, %sub3A_556 : vector<32xbf16>
        %sub3A_638 = arith.subf %sub3A_527, %sub3A_563 : vector<32xbf16>
        %sub3A_639 = arith.subf %sub3A_534, %sub3A_570 : vector<32xbf16>
        %add3A_640 = arith.addf %sub3A_577, %sub3A_614 : vector<32xbf16>
        %add3A_641 = arith.addf %sub3A_584, %sub3A_621 : vector<32xbf16>
        %add3A_642 = arith.addf %sub3A_591, %sub3A_628 : vector<32xbf16>
        %add3A_643 = arith.addf %sub3A_598, %sub3A_635 : vector<32xbf16>
        %mul3A_644 = arith.mulf %sub3A_636, %pack3A_312 : vector<32xbf16>
        %unpack3A = tpu.unpack_subelements %mul3A_644, 0 {pack_format = #tpu.pack_format<interleaved>} : vector<32xbf16> -> vector<16xf32>
        %unpack3A_645 = tpu.unpack_subelements %mul3A_644, 1 {pack_format = #tpu.pack_format<interleaved>} : vector<32xbf16> -> vector<16xf32>
        %add3A_646 = arith.addf %broadcast_in_dim3A_197, %unpack3A : vector<16xf32>
        %add3A_647 = arith.addf %add3A_646, %unpack3A_645 : vector<16xf32>
        %mul3A_648 = arith.mulf %sub3A_637, %pack3A_325 : vector<32xbf16>
        %unpack3A_649 = tpu.unpack_subelements %mul3A_648, 0 {pack_format = #tpu.pack_format<interleaved>} : vector<32xbf16> -> vector<16xf32>
        %unpack3A_650 = tpu.unpack_subelements %mul3A_648, 1 {pack_format = #tpu.pack_format<interleaved>} : vector<32xbf16> -> vector<16xf32>
        %add3A_651 = arith.addf %add3A_647, %unpack3A_649 : vector<16xf32>
        %add3A_652 = arith.addf %add3A_651, %unpack3A_650 : vector<16xf32>
        %mul3A_653 = arith.mulf %sub3A_638, %pack3A_338 : vector<32xbf16>
        %unpack3A_654 = tpu.unpack_subelements %mul3A_653, 0 {pack_format = #tpu.pack_format<interleaved>} : vector<32xbf16> -> vector<16xf32>
        %unpack3A_655 = tpu.unpack_subelements %mul3A_653, 1 {pack_format = #tpu.pack_format<interleaved>} : vector<32xbf16> -> vector<16xf32>
        %add3A_656 = arith.addf %add3A_652, %unpack3A_654 : vector<16xf32>
        %add3A_657 = arith.addf %add3A_656, %unpack3A_655 : vector<16xf32>
        %mul3A_658 = arith.mulf %sub3A_639, %pack3A_351 : vector<32xbf16>
        %unpack3A_659 = tpu.unpack_subelements %mul3A_658, 0 {pack_format = #tpu.pack_format<interleaved>} : vector<32xbf16> -> vector<16xf32>
        %unpack3A_660 = tpu.unpack_subelements %mul3A_658, 1 {pack_format = #tpu.pack_format<interleaved>} : vector<32xbf16> -> vector<16xf32>
        %add3A_661 = arith.addf %add3A_657, %unpack3A_659 : vector<16xf32>
        %add3A_662 = arith.addf %add3A_661, %unpack3A_660 : vector<16xf32>
        %mul3A_663 = arith.mulf %add3A_640, %pack3A_364 : vector<32xbf16>
        %unpack3A_664 = tpu.unpack_subelements %mul3A_663, 0 {pack_format = #tpu.pack_format<interleaved>} : vector<32xbf16> -> vector<16xf32>
        %unpack3A_665 = tpu.unpack_subelements %mul3A_663, 1 {pack_format = #tpu.pack_format<interleaved>} : vector<32xbf16> -> vector<16xf32>
        %add3A_666 = arith.addf %add3A_662, %unpack3A_664 : vector<16xf32>
        %add3A_667 = arith.addf %add3A_666, %unpack3A_665 : vector<16xf32>
        %mul3A_668 = arith.mulf %add3A_641, %pack3A_377 : vector<32xbf16>
        %unpack3A_669 = tpu.unpack_subelements %mul3A_668, 0 {pack_format = #tpu.pack_format<interleaved>} : vector<32xbf16> -> vector<16xf32>
        %unpack3A_670 = tpu.unpack_subelements %mul3A_668, 1 {pack_format = #tpu.pack_format<interleaved>} : vector<32xbf16> -> vector<16xf32>
        %add3A_671 = arith.addf %add3A_667, %unpack3A_669 : vector<16xf32>
        %add3A_672 = arith.addf %add3A_671, %unpack3A_670 : vector<16xf32>
        %mul3A_673 = arith.mulf %add3A_642, %pack3A_390 : vector<32xbf16>
        %unpack3A_674 = tpu.unpack_subelements %mul3A_673, 0 {pack_format = #tpu.pack_format<interleaved>} : vector<32xbf16> -> vector<16xf32>
        %unpack3A_675 = tpu.unpack_subelements %mul3A_673, 1 {pack_format = #tpu.pack_format<interleaved>} : vector<32xbf16> -> vector<16xf32>
        %add3A_676 = arith.addf %add3A_672, %unpack3A_674 : vector<16xf32>
        %add3A_677 = arith.addf %add3A_676, %unpack3A_675 : vector<16xf32>
        %mul3A_678 = arith.mulf %add3A_643, %pack3A_403 : vector<32xbf16>
        %unpack3A_679 = tpu.unpack_subelements %mul3A_678, 0 {pack_format = #tpu.pack_format<interleaved>} : vector<32xbf16> -> vector<16xf32>
        %unpack3A_680 = tpu.unpack_subelements %mul3A_678, 1 {pack_format = #tpu.pack_format<interleaved>} : vector<32xbf16> -> vector<16xf32>
        %add3A_681 = arith.addf %add3A_677, %unpack3A_679 : vector<16xf32>
        %add3A_682 = arith.addf %add3A_681, %unpack3A_680 : vector<16xf32>
        %add3A_683 = arith.constant 0 : i32
        %add3A_684 = arith.addi %add3A_683, %scan3A_196 : i32
        %get3A_685 = arith.constant 0 : i32
        %get3A_686 = arith.index_cast %get3A_685 : i32 to index
        %get3A_687 = arith.index_cast %add3A_684 : i32 to index
        %get3A_688 = arith.constant 32 : index
        %get3A_689 = tpu.vector_load %arg7[%get3A_686, %get3A_687, %get3A_688] {strides = array<i32>} : memref<2x128x128xf32, #tpu.memory_space<vmem>>, vector<16xf32>,
        %get3A_690 = arith.constant 0 : i32
        %get3A_691 = arith.index_cast %get3A_690 : i32 to index
        %get3A_692 = arith.index_cast %add3A_684 : i32 to index
        %get3A_693 = arith.constant 48 : index
        %get3A_694 = tpu.vector_load %arg7[%get3A_691, %get3A_692, %get3A_693] {strides = array<i32>} : memref<2x128x128xf32, #tpu.memory_space<vmem>>, vector<16xf32>,
        %pack3A_695 = tpu.pack_subelements %get3A_689, %get3A_694 {pack_format = #tpu.pack_format<interleaved>, positions = array<i32: 0, 1>} : vector<16xf32>, vector<16xf32> -> vector<32xbf16>
        %add3A_696 = arith.constant 16 : i32
        %add3A_697 = arith.addi %add3A_696, %scan3A_196 : i32
        %get3A_698 = arith.constant 0 : i32
        %get3A_699 = arith.index_cast %get3A_698 : i32 to index
        %get3A_700 = arith.index_cast %add3A_697 : i32 to index
        %get3A_701 = arith.constant 32 : index
        %get3A_702 = tpu.vector_load %arg7[%get3A_699, %get3A_700, %get3A_701] {strides = array<i32>} : memref<2x128x128xf32, #tpu.memory_space<vmem>>, vector<16xf32>,
        %get3A_703 = arith.constant 0 : i32
        %get3A_704 = arith.index_cast %get3A_703 : i32 to index
        %get3A_705 = arith.index_cast %add3A_697 : i32 to index
        %get3A_706 = arith.constant 48 : index
        %get3A_707 = tpu.vector_load %arg7[%get3A_704, %get3A_705, %get3A_706] {strides = array<i32>} : memref<2x128x128xf32, #tpu.memory_space<vmem>>, vector<16xf32>,
        %pack3A_708 = tpu.pack_subelements %get3A_702, %get3A_707 {pack_format = #tpu.pack_format<interleaved>, positions = array<i32: 0, 1>} : vector<16xf32>, vector<16xf32> -> vector<32xbf16>
        %add3A_709 = arith.constant 32 : i32
        %add3A_710 = arith.addi %add3A_709, %scan3A_196 : i32
        %get3A_711 = arith.constant 0 : i32
        %get3A_712 = arith.index_cast %get3A_711 : i32 to index
        %get3A_713 = arith.index_cast %add3A_710 : i32 to index
        %get3A_714 = arith.constant 32 : index
        %get3A_715 = tpu.vector_load %arg7[%get3A_712, %get3A_713, %get3A_714] {strides = array<i32>} : memref<2x128x128xf32, #tpu.memory_space<vmem>>, vector<16xf32>,
        %get3A_716 = arith.constant 0 : i32
        %get3A_717 = arith.index_cast %get3A_716 : i32 to index
        %get3A_718 = arith.index_cast %add3A_710 : i32 to index
        %get3A_719 = arith.constant 48 : index
        %get3A_720 = tpu.vector_load %arg7[%get3A_717, %get3A_718, %get3A_719] {strides = array<i32>} : memref<2x128x128xf32, #tpu.memory_space<vmem>>, vector<16xf32>,
        %pack3A_721 = tpu.pack_subelements %get3A_715, %get3A_720 {pack_format = #tpu.pack_format<interleaved>, positions = array<i32: 0, 1>} : vector<16xf32>, vector<16xf32> -> vector<32xbf16>
        %add3A_722 = arith.constant 48 : i32
        %add3A_723 = arith.addi %add3A_722, %scan3A_196 : i32
        %get3A_724 = arith.constant 0 : i32
        %get3A_725 = arith.index_cast %get3A_724 : i32 to index
        %get3A_726 = arith.index_cast %add3A_723 : i32 to index
        %get3A_727 = arith.constant 32 : index
        %get3A_728 = tpu.vector_load %arg7[%get3A_725, %get3A_726, %get3A_727] {strides = array<i32>} : memref<2x128x128xf32, #tpu.memory_space<vmem>>, vector<16xf32>,
        %get3A_729 = arith.constant 0 : i32
        %get3A_730 = arith.index_cast %get3A_729 : i32 to index
        %get3A_731 = arith.index_cast %add3A_723 : i32 to index
        %get3A_732 = arith.constant 48 : index
        %get3A_733 = tpu.vector_load %arg7[%get3A_730, %get3A_731, %get3A_732] {strides = array<i32>} : memref<2x128x128xf32, #tpu.memory_space<vmem>>, vector<16xf32>,
        %pack3A_734 = tpu.pack_subelements %get3A_728, %get3A_733 {pack_format = #tpu.pack_format<interleaved>, positions = array<i32: 0, 1>} : vector<16xf32>, vector<16xf32> -> vector<32xbf16>
        %add3A_735 = arith.constant 64 : i32
        %add3A_736 = arith.addi %add3A_735, %scan3A_196 : i32
        %get3A_737 = arith.constant 0 : i32
        %get3A_738 = arith.index_cast %get3A_737 : i32 to index
        %get3A_739 = arith.index_cast %add3A_736 : i32 to index
        %get3A_740 = arith.constant 32 : index
        %get3A_741 = tpu.vector_load %arg7[%get3A_738, %get3A_739, %get3A_740] {strides = array<i32>} : memref<2x128x128xf32, #tpu.memory_space<vmem>>, vector<16xf32>,
        %get3A_742 = arith.constant 0 : i32
        %get3A_743 = arith.index_cast %get3A_742 : i32 to index
        %get3A_744 = arith.index_cast %add3A_736 : i32 to index
        %get3A_745 = arith.constant 48 : index
        %get3A_746 = tpu.vector_load %arg7[%get3A_743, %get3A_744, %get3A_745] {strides = array<i32>} : memref<2x128x128xf32, #tpu.memory_space<vmem>>, vector<16xf32>,
        %pack3A_747 = tpu.pack_subelements %get3A_741, %get3A_746 {pack_format = #tpu.pack_format<interleaved>, positions = array<i32: 0, 1>} : vector<16xf32>, vector<16xf32> -> vector<32xbf16>
        %add3A_748 = arith.constant 80 : i32
        %add3A_749 = arith.addi %add3A_748, %scan3A_196 : i32
        %get3A_750 = arith.constant 0 : i32
        %get3A_751 = arith.index_cast %get3A_750 : i32 to index
        %get3A_752 = arith.index_cast %add3A_749 : i32 to index
        %get3A_753 = arith.constant 32 : index
        %get3A_754 = tpu.vector_load %arg7[%get3A_751, %get3A_752, %get3A_753] {strides = array<i32>} : memref<2x128x128xf32, #tpu.memory_space<vmem>>, vector<16xf32>,
        %get3A_755 = arith.constant 0 : i32
        %get3A_756 = arith.index_cast %get3A_755 : i32 to index
        %get3A_757 = arith.index_cast %add3A_749 : i32 to index
        %get3A_758 = arith.constant 48 : index
        %get3A_759 = tpu.vector_load %arg7[%get3A_756, %get3A_757, %get3A_758] {strides = array<i32>} : memref<2x128x128xf32, #tpu.memory_space<vmem>>, vector<16xf32>,
        %pack3A_760 = tpu.pack_subelements %get3A_754, %get3A_759 {pack_format = #tpu.pack_format<interleaved>, positions = array<i32: 0, 1>} : vector<16xf32>, vector<16xf32> -> vector<32xbf16>
        %add3A_761 = arith.constant 96 : i32
        %add3A_762 = arith.addi %add3A_761, %scan3A_196 : i32
        %get3A_763 = arith.constant 0 : i32
        %get3A_764 = arith.index_cast %get3A_763 : i32 to index
        %get3A_765 = arith.index_cast %add3A_762 : i32 to index
        %get3A_766 = arith.constant 32 : index
        %get3A_767 = tpu.vector_load %arg7[%get3A_764, %get3A_765, %get3A_766] {strides = array<i32>} : memref<2x128x128xf32, #tpu.memory_space<vmem>>, vector<16xf32>,
        %get3A_768 = arith.constant 0 : i32
        %get3A_769 = arith.index_cast %get3A_768 : i32 to index
        %get3A_770 = arith.index_cast %add3A_762 : i32 to index
        %get3A_771 = arith.constant 48 : index
        %get3A_772 = tpu.vector_load %arg7[%get3A_769, %get3A_770, %get3A_771] {strides = array<i32>} : memref<2x128x128xf32, #tpu.memory_space<vmem>>, vector<16xf32>,
        %pack3A_773 = tpu.pack_subelements %get3A_767, %get3A_772 {pack_format = #tpu.pack_format<interleaved>, positions = array<i32: 0, 1>} : vector<16xf32>, vector<16xf32> -> vector<32xbf16>
        %add3A_774 = arith.constant 112 : i32
        %add3A_775 = arith.addi %add3A_774, %scan3A_196 : i32
        %get3A_776 = arith.constant 0 : i32
        %get3A_777 = arith.index_cast %get3A_776 : i32 to index
        %get3A_778 = arith.index_cast %add3A_775 : i32 to index
        %get3A_779 = arith.constant 32 : index
        %get3A_780 = tpu.vector_load %arg7[%get3A_777, %get3A_778, %get3A_779] {strides = array<i32>} : memref<2x128x128xf32, #tpu.memory_space<vmem>>, vector<16xf32>,
        %get3A_781 = arith.constant 0 : i32
        %get3A_782 = arith.index_cast %get3A_781 : i32 to index
        %get3A_783 = arith.index_cast %add3A_775 : i32 to index
        %get3A_784 = arith.constant 48 : index
        %get3A_785 = tpu.vector_load %arg7[%get3A_782, %get3A_783, %get3A_784] {strides = array<i32>} : memref<2x128x128xf32, #tpu.memory_space<vmem>>, vector<16xf32>,
        %pack3A_786 = tpu.pack_subelements %get3A_780, %get3A_785 {pack_format = #tpu.pack_format<interleaved>, positions = array<i32: 0, 1>} : vector<16xf32>, vector<16xf32> -> vector<32xbf16>
        %add3A_787 = arith.constant 0 : i32
        %add3A_788 = arith.addi %add3A_787, %scan3A_196 : i32
        %get3A_789 = arith.constant 0 : i32
        %get3A_790 = arith.index_cast %get3A_789 : i32 to index
        %get3A_791 = arith.index_cast %add3A_788 : i32 to index
        %get3A_792 = arith.constant 32 : index
        %get3A_793 = tpu.vector_load %arg8[%get3A_790, %get3A_791, %get3A_792] {strides = array<i32>} : memref<2x128x128xf32, #tpu.memory_space<vmem>>, vector<16xf32>,
        %get3A_794 = arith.constant 0 : i32
        %get3A_795 = arith.index_cast %get3A_794 : i32 to index
        %get3A_796 = arith.index_cast %add3A_788 : i32 to index
        %get3A_797 = arith.constant 48 : index
        %get3A_798 = tpu.vector_load %arg8[%get3A_795, %get3A_796, %get3A_797] {strides = array<i32>} : memref<2x128x128xf32, #tpu.memory_space<vmem>>, vector<16xf32>,
        %pack3A_799 = tpu.pack_subelements %get3A_793, %get3A_798 {pack_format = #tpu.pack_format<interleaved>, positions = array<i32: 0, 1>} : vector<16xf32>, vector<16xf32> -> vector<32xbf16>
        %add3A_800 = arith.constant 16 : i32
        %add3A_801 = arith.addi %add3A_800, %scan3A_196 : i32
        %get3A_802 = arith.constant 0 : i32
        %get3A_803 = arith.index_cast %get3A_802 : i32 to index
        %get3A_804 = arith.index_cast %add3A_801 : i32 to index
        %get3A_805 = arith.constant 32 : index
        %get3A_806 = tpu.vector_load %arg8[%get3A_803, %get3A_804, %get3A_805] {strides = array<i32>} : memref<2x128x128xf32, #tpu.memory_space<vmem>>, vector<16xf32>,
        %get3A_807 = arith.constant 0 : i32
        %get3A_808 = arith.index_cast %get3A_807 : i32 to index
        %get3A_809 = arith.index_cast %add3A_801 : i32 to index
        %get3A_810 = arith.constant 48 : index
        %get3A_811 = tpu.vector_load %arg8[%get3A_808, %get3A_809, %get3A_810] {strides = array<i32>} : memref<2x128x128xf32, #tpu.memory_space<vmem>>, vector<16xf32>,
        %pack3A_812 = tpu.pack_subelements %get3A_806, %get3A_811 {pack_format = #tpu.pack_format<interleaved>, positions = array<i32: 0, 1>} : vector<16xf32>, vector<16xf32> -> vector<32xbf16>
        %add3A_813 = arith.constant 32 : i32
        %add3A_814 = arith.addi %add3A_813, %scan3A_196 : i32
        %get3A_815 = arith.constant 0 : i32
        %get3A_816 = arith.index_cast %get3A_815 : i32 to index
        %get3A_817 = arith.index_cast %add3A_814 : i32 to index
        %get3A_818 = arith.constant 32 : index
        %get3A_819 = tpu.vector_load %arg8[%get3A_816, %get3A_817, %get3A_818] {strides = array<i32>} : memref<2x128x128xf32, #tpu.memory_space<vmem>>, vector<16xf32>,
        %get3A_820 = arith.constant 0 : i32
        %get3A_821 = arith.index_cast %get3A_820 : i32 to index
        %get3A_822 = arith.index_cast %add3A_814 : i32 to index
        %get3A_823 = arith.constant 48 : index
        %get3A_824 = tpu.vector_load %arg8[%get3A_821, %get3A_822, %get3A_823] {strides = array<i32>} : memref<2x128x128xf32, #tpu.memory_space<vmem>>, vector<16xf32>,
        %pack3A_825 = tpu.pack_subelements %get3A_819, %get3A_824 {pack_format = #tpu.pack_format<interleaved>, positions = array<i32: 0, 1>} : vector<16xf32>, vector<16xf32> -> vector<32xbf16>
        %add3A_826 = arith.constant 48 : i32
        %add3A_827 = arith.addi %add3A_826, %scan3A_196 : i32
        %get3A_828 = arith.constant 0 : i32
        %get3A_829 = arith.index_cast %get3A_828 : i32 to index
        %get3A_830 = arith.index_cast %add3A_827 : i32 to index
        %get3A_831 = arith.constant 32 : index
        %get3A_832 = tpu.vector_load %arg8[%get3A_829, %get3A_830, %get3A_831] {strides = array<i32>} : memref<2x128x128xf32, #tpu.memory_space<vmem>>, vector<16xf32>,
        %get3A_833 = arith.constant 0 : i32
        %get3A_834 = arith.index_cast %get3A_833 : i32 to index
        %get3A_835 = arith.index_cast %add3A_827 : i32 to index
        %get3A_836 = arith.constant 48 : index
        %get3A_837 = tpu.vector_load %arg8[%get3A_834, %get3A_835, %get3A_836] {strides = array<i32>} : memref<2x128x128xf32, #tpu.memory_space<vmem>>, vector<16xf32>,
        %pack3A_838 = tpu.pack_subelements %get3A_832, %get3A_837 {pack_format = #tpu.pack_format<interleaved>, positions = array<i32: 0, 1>} : vector<16xf32>, vector<16xf32> -> vector<32xbf16>
        %add3A_839 = arith.constant 64 : i32
        %add3A_840 = arith.addi %add3A_839, %scan3A_196 : i32
        %get3A_841 = arith.constant 0 : i32
        %get3A_842 = arith.index_cast %get3A_841 : i32 to index
        %get3A_843 = arith.index_cast %add3A_840 : i32 to index
        %get3A_844 = arith.constant 32 : index
        %get3A_845 = tpu.vector_load %arg8[%get3A_842, %get3A_843, %get3A_844] {strides = array<i32>} : memref<2x128x128xf32, #tpu.memory_space<vmem>>, vector<16xf32>,
        %get3A_846 = arith.constant 0 : i32
        %get3A_847 = arith.index_cast %get3A_846 : i32 to index
        %get3A_848 = arith.index_cast %add3A_840 : i32 to index
        %get3A_849 = arith.constant 48 : index
        %get3A_850 = tpu.vector_load %arg8[%get3A_847, %get3A_848, %get3A_849] {strides = array<i32>} : memref<2x128x128xf32, #tpu.memory_space<vmem>>, vector<16xf32>,
        %pack3A_851 = tpu.pack_subelements %get3A_845, %get3A_850 {pack_format = #tpu.pack_format<interleaved>, positions = array<i32: 0, 1>} : vector<16xf32>, vector<16xf32> -> vector<32xbf16>
        %add3A_852 = arith.constant 80 : i32
        %add3A_853 = arith.addi %add3A_852, %scan3A_196 : i32
        %get3A_854 = arith.constant 0 : i32
        %get3A_855 = arith.index_cast %get3A_854 : i32 to index
        %get3A_856 = arith.index_cast %add3A_853 : i32 to index
        %get3A_857 = arith.constant 32 : index
        %get3A_858 = tpu.vector_load %arg8[%get3A_855, %get3A_856, %get3A_857] {strides = array<i32>} : memref<2x128x128xf32, #tpu.memory_space<vmem>>, vector<16xf32>,
        %get3A_859 = arith.constant 0 : i32
        %get3A_860 = arith.index_cast %get3A_859 : i32 to index
        %get3A_861 = arith.index_cast %add3A_853 : i32 to index
        %get3A_862 = arith.constant 48 : index
        %get3A_863 = tpu.vector_load %arg8[%get3A_860, %get3A_861, %get3A_862] {strides = array<i32>} : memref<2x128x128xf32, #tpu.memory_space<vmem>>, vector<16xf32>,
        %pack3A_864 = tpu.pack_subelements %get3A_858, %get3A_863 {pack_format = #tpu.pack_format<interleaved>, positions = array<i32: 0, 1>} : vector<16xf32>, vector<16xf32> -> vector<32xbf16>
        %add3A_865 = arith.constant 96 : i32
        %add3A_866 = arith.addi %add3A_865, %scan3A_196 : i32
        %get3A_867 = arith.constant 0 : i32
        %get3A_868 = arith.index_cast %get3A_867 : i32 to index
        %get3A_869 = arith.index_cast %add3A_866 : i32 to index
        %get3A_870 = arith.constant 32 : index
        %get3A_871 = tpu.vector_load %arg8[%get3A_868, %get3A_869, %get3A_870] {strides = array<i32>} : memref<2x128x128xf32, #tpu.memory_space<vmem>>, vector<16xf32>,
        %get3A_872 = arith.constant 0 : i32
        %get3A_873 = arith.index_cast %get3A_872 : i32 to index
        %get3A_874 = arith.index_cast %add3A_866 : i32 to index
        %get3A_875 = arith.constant 48 : index
        %get3A_876 = tpu.vector_load %arg8[%get3A_873, %get3A_874, %get3A_875] {strides = array<i32>} : memref<2x128x128xf32, #tpu.memory_space<vmem>>, vector<16xf32>,
        %pack3A_877 = tpu.pack_subelements %get3A_871, %get3A_876 {pack_format = #tpu.pack_format<interleaved>, positions = array<i32: 0, 1>} : vector<16xf32>, vector<16xf32> -> vector<32xbf16>
        %add3A_878 = arith.constant 112 : i32
        %add3A_879 = arith.addi %add3A_878, %scan3A_196 : i32
        %get3A_880 = arith.constant 0 : i32
        %get3A_881 = arith.index_cast %get3A_880 : i32 to index
        %get3A_882 = arith.index_cast %add3A_879 : i32 to index
        %get3A_883 = arith.constant 32 : index
        %get3A_884 = tpu.vector_load %arg8[%get3A_881, %get3A_882, %get3A_883] {strides = array<i32>} : memref<2x128x128xf32, #tpu.memory_space<vmem>>, vector<16xf32>,
        %get3A_885 = arith.constant 0 : i32
        %get3A_886 = arith.index_cast %get3A_885 : i32 to index
        %get3A_887 = arith.index_cast %add3A_879 : i32 to index
        %get3A_888 = arith.constant 48 : index
        %get3A_889 = tpu.vector_load %arg8[%get3A_886, %get3A_887, %get3A_888] {strides = array<i32>} : memref<2x128x128xf32, #tpu.memory_space<vmem>>, vector<16xf32>,
        %pack3A_890 = tpu.pack_subelements %get3A_884, %get3A_889 {pack_format = #tpu.pack_format<interleaved>, positions = array<i32: 0, 1>} : vector<16xf32>, vector<16xf32> -> vector<32xbf16>
        %add3A_891 = arith.constant 0 : i32
        %add3A_892 = arith.addi %add3A_891, %scan3A_196 : i32
        %get3A_893 = arith.constant 0 : i32
        %get3A_894 = arith.index_cast %get3A_893 : i32 to index
        %get3A_895 = arith.index_cast %add3A_892 : i32 to index
        %get3A_896 = arith.constant 32 : index
        %get3A_897 = tpu.vector_load %arg9[%get3A_894, %get3A_895, %get3A_896] {strides = array<i32>} : memref<2x128x128xf32, #tpu.memory_space<vmem>>, vector<16xf32>,
        %get3A_898 = arith.constant 0 : i32
        %get3A_899 = arith.index_cast %get3A_898 : i32 to index
        %get3A_900 = arith.index_cast %add3A_892 : i32 to index
        %get3A_901 = arith.constant 48 : index
        %get3A_902 = tpu.vector_load %arg9[%get3A_899, %get3A_900, %get3A_901] {strides = array<i32>} : memref<2x128x128xf32, #tpu.memory_space<vmem>>, vector<16xf32>,
        %pack3A_903 = tpu.pack_subelements %get3A_897, %get3A_902 {pack_format = #tpu.pack_format<interleaved>, positions = array<i32: 0, 1>} : vector<16xf32>, vector<16xf32> -> vector<32xbf16>
        %add3A_904 = arith.constant 16 : i32
        %add3A_905 = arith.addi %add3A_904, %scan3A_196 : i32
        %get3A_906 = arith.constant 0 : i32
        %get3A_907 = arith.index_cast %get3A_906 : i32 to index
        %get3A_908 = arith.index_cast %add3A_905 : i32 to index
        %get3A_909 = arith.constant 32 : index
        %get3A_910 = tpu.vector_load %arg9[%get3A_907, %get3A_908, %get3A_909] {strides = array<i32>} : memref<2x128x128xf32, #tpu.memory_space<vmem>>, vector<16xf32>,
        %get3A_911 = arith.constant 0 : i32
        %get3A_912 = arith.index_cast %get3A_911 : i32 to index
        %get3A_913 = arith.index_cast %add3A_905 : i32 to index
        %get3A_914 = arith.constant 48 : index
        %get3A_915 = tpu.vector_load %arg9[%get3A_912, %get3A_913, %get3A_914] {strides = array<i32>} : memref<2x128x128xf32, #tpu.memory_space<vmem>>, vector<16xf32>,
        %pack3A_916 = tpu.pack_subelements %get3A_910, %get3A_915 {pack_format = #tpu.pack_format<interleaved>, positions = array<i32: 0, 1>} : vector<16xf32>, vector<16xf32> -> vector<32xbf16>
        %add3A_917 = arith.constant 32 : i32
        %add3A_918 = arith.addi %add3A_917, %scan3A_196 : i32
        %get3A_919 = arith.constant 0 : i32
        %get3A_920 = arith.index_cast %get3A_919 : i32 to index
        %get3A_921 = arith.index_cast %add3A_918 : i32 to index
        %get3A_922 = arith.constant 32 : index
        %get3A_923 = tpu.vector_load %arg9[%get3A_920, %get3A_921, %get3A_922] {strides = array<i32>} : memref<2x128x128xf32, #tpu.memory_space<vmem>>, vector<16xf32>,
        %get3A_924 = arith.constant 0 : i32
        %get3A_925 = arith.index_cast %get3A_924 : i32 to index
        %get3A_926 = arith.index_cast %add3A_918 : i32 to index
        %get3A_927 = arith.constant 48 : index
        %get3A_928 = tpu.vector_load %arg9[%get3A_925, %get3A_926, %get3A_927] {strides = array<i32>} : memref<2x128x128xf32, #tpu.memory_space<vmem>>, vector<16xf32>,
        %pack3A_929 = tpu.pack_subelements %get3A_923, %get3A_928 {pack_format = #tpu.pack_format<interleaved>, positions = array<i32: 0, 1>} : vector<16xf32>, vector<16xf32> -> vector<32xbf16>
        %add3A_930 = arith.constant 48 : i32
        %add3A_931 = arith.addi %add3A_930, %scan3A_196 : i32
        %get3A_932 = arith.constant 0 : i32
        %get3A_933 = arith.index_cast %get3A_932 : i32 to index
        %get3A_934 = arith.index_cast %add3A_931 : i32 to index
        %get3A_935 = arith.constant 32 : index
        %get3A_936 = tpu.vector_load %arg9[%get3A_933, %get3A_934, %get3A_935] {strides = array<i32>} : memref<2x128x128xf32, #tpu.memory_space<vmem>>, vector<16xf32>,
        %get3A_937 = arith.constant 0 : i32
        %get3A_938 = arith.index_cast %get3A_937 : i32 to index
        %get3A_939 = arith.index_cast %add3A_931 : i32 to index
        %get3A_940 = arith.constant 48 : index
        %get3A_941 = tpu.vector_load %arg9[%get3A_938, %get3A_939, %get3A_940] {strides = array<i32>} : memref<2x128x128xf32, #tpu.memory_space<vmem>>, vector<16xf32>,
        %pack3A_942 = tpu.pack_subelements %get3A_936, %get3A_941 {pack_format = #tpu.pack_format<interleaved>, positions = array<i32: 0, 1>} : vector<16xf32>, vector<16xf32> -> vector<32xbf16>
        %add3A_943 = arith.constant 64 : i32
        %add3A_944 = arith.addi %add3A_943, %scan3A_196 : i32
        %get3A_945 = arith.constant 0 : i32
        %get3A_946 = arith.index_cast %get3A_945 : i32 to index
        %get3A_947 = arith.index_cast %add3A_944 : i32 to index
        %get3A_948 = arith.constant 32 : index
        %get3A_949 = tpu.vector_load %arg9[%get3A_946, %get3A_947, %get3A_948] {strides = array<i32>} : memref<2x128x128xf32, #tpu.memory_space<vmem>>, vector<16xf32>,
        %get3A_950 = arith.constant 0 : i32
        %get3A_951 = arith.index_cast %get3A_950 : i32 to index
        %get3A_952 = arith.index_cast %add3A_944 : i32 to index
        %get3A_953 = arith.constant 48 : index
        %get3A_954 = tpu.vector_load %arg9[%get3A_951, %get3A_952, %get3A_953] {strides = array<i32>} : memref<2x128x128xf32, #tpu.memory_space<vmem>>, vector<16xf32>,
        %pack3A_955 = tpu.pack_subelements %get3A_949, %get3A_954 {pack_format = #tpu.pack_format<interleaved>, positions = array<i32: 0, 1>} : vector<16xf32>, vector<16xf32> -> vector<32xbf16>
        %add3A_956 = arith.constant 80 : i32
        %add3A_957 = arith.addi %add3A_956, %scan3A_196 : i32
        %get3A_958 = arith.constant 0 : i32
        %get3A_959 = arith.index_cast %get3A_958 : i32 to index
        %get3A_960 = arith.index_cast %add3A_957 : i32 to index
        %get3A_961 = arith.constant 32 : index
        %get3A_962 = tpu.vector_load %arg9[%get3A_959, %get3A_960, %get3A_961] {strides = array<i32>} : memref<2x128x128xf32, #tpu.memory_space<vmem>>, vector<16xf32>,
        %get3A_963 = arith.constant 0 : i32
        %get3A_964 = arith.index_cast %get3A_963 : i32 to index
        %get3A_965 = arith.index_cast %add3A_957 : i32 to index
        %get3A_966 = arith.constant 48 : index
        %get3A_967 = tpu.vector_load %arg9[%get3A_964, %get3A_965, %get3A_966] {strides = array<i32>} : memref<2x128x128xf32, #tpu.memory_space<vmem>>, vector<16xf32>,
        %pack3A_968 = tpu.pack_subelements %get3A_962, %get3A_967 {pack_format = #tpu.pack_format<interleaved>, positions = array<i32: 0, 1>} : vector<16xf32>, vector<16xf32> -> vector<32xbf16>
        %add3A_969 = arith.constant 96 : i32
        %add3A_970 = arith.addi %add3A_969, %scan3A_196 : i32
        %get3A_971 = arith.constant 0 : i32
        %get3A_972 = arith.index_cast %get3A_971 : i32 to index
        %get3A_973 = arith.index_cast %add3A_970 : i32 to index
        %get3A_974 = arith.constant 32 : index
        %get3A_975 = tpu.vector_load %arg9[%get3A_972, %get3A_973, %get3A_974] {strides = array<i32>} : memref<2x128x128xf32, #tpu.memory_space<vmem>>, vector<16xf32>,
        %get3A_976 = arith.constant 0 : i32
        %get3A_977 = arith.index_cast %get3A_976 : i32 to index
        %get3A_978 = arith.index_cast %add3A_970 : i32 to index
        %get3A_979 = arith.constant 48 : index
        %get3A_980 = tpu.vector_load %arg9[%get3A_977, %get3A_978, %get3A_979] {strides = array<i32>} : memref<2x128x128xf32, #tpu.memory_space<vmem>>, vector<16xf32>,
        %pack3A_981 = tpu.pack_subelements %get3A_975, %get3A_980 {pack_format = #tpu.pack_format<interleaved>, positions = array<i32: 0, 1>} : vector<16xf32>, vector<16xf32> -> vector<32xbf16>
        %add3A_982 = arith.constant 112 : i32
        %add3A_983 = arith.addi %add3A_982, %scan3A_196 : i32
        %get3A_984 = arith.constant 0 : i32
        %get3A_985 = arith.index_cast %get3A_984 : i32 to index
        %get3A_986 = arith.index_cast %add3A_983 : i32 to index
        %get3A_987 = arith.constant 32 : index
        %get3A_988 = tpu.vector_load %arg9[%get3A_985, %get3A_986, %get3A_987] {strides = array<i32>} : memref<2x128x128xf32, #tpu.memory_space<vmem>>, vector<16xf32>,
        %get3A_989 = arith.constant 0 : i32
        %get3A_990 = arith.index_cast %get3A_989 : i32 to index
        %get3A_991 = arith.index_cast %add3A_983 : i32 to index
        %get3A_992 = arith.constant 48 : index
        %get3A_993 = tpu.vector_load %arg9[%get3A_990, %get3A_991, %get3A_992] {strides = array<i32>} : memref<2x128x128xf32, #tpu.memory_space<vmem>>, vector<16xf32>,
        %pack3A_994 = tpu.pack_subelements %get3A_988, %get3A_993 {pack_format = #tpu.pack_format<interleaved>, positions = array<i32: 0, 1>} : vector<16xf32>, vector<16xf32> -> vector<32xbf16>
        %mul3A_995 = arith.mulf %pack3A_695, %pack3A_903 : vector<32xbf16>
        %mul3A_996 = arith.mulf %pack3A_708, %pack3A_916 : vector<32xbf16>
        %sub3A_997 = arith.subf %mul3A_995, %mul3A_996 : vector<32xbf16>
        %mul3A_998 = arith.mulf %pack3A_721, %pack3A_929 : vector<32xbf16>
        %sub3A_999 = arith.subf %sub3A_997, %mul3A_998 : vector<32xbf16>
        %mul3A_1000 = arith.mulf %pack3A_734, %pack3A_942 : vector<32xbf16>
        %sub3A_1001 = arith.subf %sub3A_999, %mul3A_1000 : vector<32xbf16>
        %mul3A_1002 = arith.mulf %pack3A_695, %pack3A_916 : vector<32xbf16>
        %mul3A_1003 = arith.mulf %pack3A_903, %pack3A_708 : vector<32xbf16>
        %add3A_1004 = arith.addf %mul3A_1002, %mul3A_1003 : vector<32xbf16>
        %mul3A_1005 = arith.mulf %pack3A_721, %pack3A_942 : vector<32xbf16>
        %add3A_1006 = arith.addf %add3A_1004, %mul3A_1005 : vector<32xbf16>
        %mul3A_1007 = arith.mulf %pack3A_929, %pack3A_734 : vector<32xbf16>
        %sub3A_1008 = arith.subf %add3A_1006, %mul3A_1007 : vector<32xbf16>
        %mul3A_1009 = arith.mulf %pack3A_695, %pack3A_929 : vector<32xbf16>
        %mul3A_1010 = arith.mulf %pack3A_903, %pack3A_721 : vector<32xbf16>
        %add3A_1011 = arith.addf %mul3A_1009, %mul3A_1010 : vector<32xbf16>
        %mul3A_1012 = arith.mulf %pack3A_734, %pack3A_916 : vector<32xbf16>
        %add3A_1013 = arith.addf %add3A_1011, %mul3A_1012 : vector<32xbf16>
        %mul3A_1014 = arith.mulf %pack3A_942, %pack3A_708 : vector<32xbf16>
        %sub3A_1015 = arith.subf %add3A_1013, %mul3A_1014 : vector<32xbf16>
        %mul3A_1016 = arith.mulf %pack3A_695, %pack3A_942 : vector<32xbf16>
        %mul3A_1017 = arith.mulf %pack3A_903, %pack3A_734 : vector<32xbf16>
        %add3A_1018 = arith.addf %mul3A_1016, %mul3A_1017 : vector<32xbf16>
        %mul3A_1019 = arith.mulf %pack3A_708, %pack3A_929 : vector<32xbf16>
        %add3A_1020 = arith.addf %add3A_1018, %mul3A_1019 : vector<32xbf16>
        %mul3A_1021 = arith.mulf %pack3A_916, %pack3A_721 : vector<32xbf16>
        %sub3A_1022 = arith.subf %add3A_1020, %mul3A_1021 : vector<32xbf16>
        %neg3A_1023 = arith.constant 0.000000e+00 : bf16
        %neg3A_1024 = vector.broadcast %neg3A_1023 : bf16 to vector<32xbf16>
        %neg3A_1025 = arith.subf %neg3A_1024, %pack3A_968 : vector<32xbf16>
        %neg3A_1026 = arith.constant 0.000000e+00 : bf16
        %neg3A_1027 = vector.broadcast %neg3A_1026 : bf16 to vector<32xbf16>
        %neg3A_1028 = arith.subf %neg3A_1027, %pack3A_981 : vector<32xbf16>
        %neg3A_1029 = arith.constant 0.000000e+00 : bf16
        %neg3A_1030 = vector.broadcast %neg3A_1029 : bf16 to vector<32xbf16>
        %neg3A_1031 = arith.subf %neg3A_1030, %pack3A_994 : vector<32xbf16>
        %mul3A_1032 = arith.mulf %pack3A_955, %pack3A_747 : vector<32xbf16>
        %mul3A_1033 = arith.mulf %neg3A_1025, %pack3A_760 : vector<32xbf16>
        %sub3A_1034 = arith.subf %mul3A_1032, %mul3A_1033 : vector<32xbf16>
        %mul3A_1035 = arith.mulf %neg3A_1028, %pack3A_773 : vector<32xbf16>
        %sub3A_1036 = arith.subf %sub3A_1034, %mul3A_1035 : vector<32xbf16>
        %mul3A_1037 = arith.mulf %neg3A_1031, %pack3A_786 : vector<32xbf16>
        %sub3A_1038 = arith.subf %sub3A_1036, %mul3A_1037 : vector<32xbf16>
        %mul3A_1039 = arith.mulf %pack3A_955, %pack3A_760 : vector<32xbf16>
        %mul3A_1040 = arith.mulf %pack3A_747, %neg3A_1025 : vector<32xbf16>
        %add3A_1041 = arith.addf %mul3A_1039, %mul3A_1040 : vector<32xbf16>
        %mul3A_1042 = arith.mulf %neg3A_1028, %pack3A_786 : vector<32xbf16>
        %add3A_1043 = arith.addf %add3A_1041, %mul3A_1042 : vector<32xbf16>
        %mul3A_1044 = arith.mulf %pack3A_773, %neg3A_1031 : vector<32xbf16>
        %sub3A_1045 = arith.subf %add3A_1043, %mul3A_1044 : vector<32xbf16>
        %mul3A_1046 = arith.mulf %pack3A_955, %pack3A_773 : vector<32xbf16>
        %mul3A_1047 = arith.mulf %pack3A_747, %neg3A_1028 : vector<32xbf16>
        %add3A_1048 = arith.addf %mul3A_1046, %mul3A_1047 : vector<32xbf16>
        %mul3A_1049 = arith.mulf %neg3A_1031, %pack3A_760 : vector<32xbf16>
        %add3A_1050 = arith.addf %add3A_1048, %mul3A_1049 : vector<32xbf16>
        %mul3A_1051 = arith.mulf %pack3A_786, %neg3A_1025 : vector<32xbf16>
        %sub3A_1052 = arith.subf %add3A_1050, %mul3A_1051 : vector<32xbf16>
        %mul3A_1053 = arith.mulf %pack3A_955, %pack3A_786 : vector<32xbf16>
        %mul3A_1054 = arith.mulf %pack3A_747, %neg3A_1031 : vector<32xbf16>
        %add3A_1055 = arith.addf %mul3A_1053, %mul3A_1054 : vector<32xbf16>
        %mul3A_1056 = arith.mulf %neg3A_1025, %pack3A_773 : vector<32xbf16>
        %add3A_1057 = arith.addf %add3A_1055, %mul3A_1056 : vector<32xbf16>
        %mul3A_1058 = arith.mulf %pack3A_760, %neg3A_1028 : vector<32xbf16>
        %sub3A_1059 = arith.subf %add3A_1057, %mul3A_1058 : vector<32xbf16>
        %mul3A_1060 = arith.mulf %pack3A_955, %pack3A_695 : vector<32xbf16>
        %mul3A_1061 = arith.mulf %pack3A_968, %pack3A_708 : vector<32xbf16>
        %sub3A_1062 = arith.subf %mul3A_1060, %mul3A_1061 : vector<32xbf16>
        %mul3A_1063 = arith.mulf %pack3A_981, %pack3A_721 : vector<32xbf16>
        %sub3A_1064 = arith.subf %sub3A_1062, %mul3A_1063 : vector<32xbf16>
        %mul3A_1065 = arith.mulf %pack3A_994, %pack3A_734 : vector<32xbf16>
        %sub3A_1066 = arith.subf %sub3A_1064, %mul3A_1065 : vector<32xbf16>
        %mul3A_1067 = arith.mulf %pack3A_955, %pack3A_708 : vector<32xbf16>
        %mul3A_1068 = arith.mulf %pack3A_695, %pack3A_968 : vector<32xbf16>
        %add3A_1069 = arith.addf %mul3A_1067, %mul3A_1068 : vector<32xbf16>
        %mul3A_1070 = arith.mulf %pack3A_981, %pack3A_734 : vector<32xbf16>
        %add3A_1071 = arith.addf %add3A_1069, %mul3A_1070 : vector<32xbf16>
        %mul3A_1072 = arith.mulf %pack3A_721, %pack3A_994 : vector<32xbf16>
        %sub3A_1073 = arith.subf %add3A_1071, %mul3A_1072 : vector<32xbf16>
        %mul3A_1074 = arith.mulf %pack3A_955, %pack3A_721 : vector<32xbf16>
        %mul3A_1075 = arith.mulf %pack3A_695, %pack3A_981 : vector<32xbf16>
        %add3A_1076 = arith.addf %mul3A_1074, %mul3A_1075 : vector<32xbf16>
        %mul3A_1077 = arith.mulf %pack3A_994, %pack3A_708 : vector<32xbf16>
        %add3A_1078 = arith.addf %add3A_1076, %mul3A_1077 : vector<32xbf16>
        %mul3A_1079 = arith.mulf %pack3A_734, %pack3A_968 : vector<32xbf16>
        %sub3A_1080 = arith.subf %add3A_1078, %mul3A_1079 : vector<32xbf16>
        %mul3A_1081 = arith.mulf %pack3A_955, %pack3A_734 : vector<32xbf16>
        %mul3A_1082 = arith.mulf %pack3A_695, %pack3A_994 : vector<32xbf16>
        %add3A_1083 = arith.addf %mul3A_1081, %mul3A_1082 : vector<32xbf16>
        %mul3A_1084 = arith.mulf %pack3A_968, %pack3A_721 : vector<32xbf16>
        %add3A_1085 = arith.addf %add3A_1083, %mul3A_1084 : vector<32xbf16>
        %mul3A_1086 = arith.mulf %pack3A_708, %pack3A_981 : vector<32xbf16>
        %sub3A_1087 = arith.subf %add3A_1085, %mul3A_1086 : vector<32xbf16>
        %neg3A_1088 = arith.constant 0.000000e+00 : bf16
        %neg3A_1089 = vector.broadcast %neg3A_1088 : bf16 to vector<32xbf16>
        %neg3A_1090 = arith.subf %neg3A_1089, %pack3A_916 : vector<32xbf16>
        %neg3A_1091 = arith.constant 0.000000e+00 : bf16
        %neg3A_1092 = vector.broadcast %neg3A_1091 : bf16 to vector<32xbf16>
        %neg3A_1093 = arith.subf %neg3A_1092, %pack3A_929 : vector<32xbf16>
        %neg3A_1094 = arith.constant 0.000000e+00 : bf16
        %neg3A_1095 = vector.broadcast %neg3A_1094 : bf16 to vector<32xbf16>
        %neg3A_1096 = arith.subf %neg3A_1095, %pack3A_942 : vector<32xbf16>
        %mul3A_1097 = arith.mulf %pack3A_747, %pack3A_903 : vector<32xbf16>
        %mul3A_1098 = arith.mulf %pack3A_760, %neg3A_1090 : vector<32xbf16>
        %sub3A_1099 = arith.subf %mul3A_1097, %mul3A_1098 : vector<32xbf16>
        %mul3A_1100 = arith.mulf %pack3A_773, %neg3A_1093 : vector<32xbf16>
        %sub3A_1101 = arith.subf %sub3A_1099, %mul3A_1100 : vector<32xbf16>
        %mul3A_1102 = arith.mulf %pack3A_786, %neg3A_1096 : vector<32xbf16>
        %sub3A_1103 = arith.subf %sub3A_1101, %mul3A_1102 : vector<32xbf16>
        %mul3A_1104 = arith.mulf %pack3A_747, %neg3A_1090 : vector<32xbf16>
        %mul3A_1105 = arith.mulf %pack3A_903, %pack3A_760 : vector<32xbf16>
        %add3A_1106 = arith.addf %mul3A_1104, %mul3A_1105 : vector<32xbf16>
        %mul3A_1107 = arith.mulf %pack3A_773, %neg3A_1096 : vector<32xbf16>
        %add3A_1108 = arith.addf %add3A_1106, %mul3A_1107 : vector<32xbf16>
        %mul3A_1109 = arith.mulf %neg3A_1093, %pack3A_786 : vector<32xbf16>
        %sub3A_1110 = arith.subf %add3A_1108, %mul3A_1109 : vector<32xbf16>
        %mul3A_1111 = arith.mulf %pack3A_747, %neg3A_1093 : vector<32xbf16>
        %mul3A_1112 = arith.mulf %pack3A_903, %pack3A_773 : vector<32xbf16>
        %add3A_1113 = arith.addf %mul3A_1111, %mul3A_1112 : vector<32xbf16>
        %mul3A_1114 = arith.mulf %pack3A_786, %neg3A_1090 : vector<32xbf16>
        %add3A_1115 = arith.addf %add3A_1113, %mul3A_1114 : vector<32xbf16>
        %mul3A_1116 = arith.mulf %neg3A_1096, %pack3A_760 : vector<32xbf16>
        %sub3A_1117 = arith.subf %add3A_1115, %mul3A_1116 : vector<32xbf16>
        %mul3A_1118 = arith.mulf %pack3A_747, %neg3A_1096 : vector<32xbf16>
        %mul3A_1119 = arith.mulf %pack3A_903, %pack3A_786 : vector<32xbf16>
        %add3A_1120 = arith.addf %mul3A_1118, %mul3A_1119 : vector<32xbf16>
        %mul3A_1121 = arith.mulf %pack3A_760, %neg3A_1093 : vector<32xbf16>
        %add3A_1122 = arith.addf %add3A_1120, %mul3A_1121 : vector<32xbf16>
        %mul3A_1123 = arith.mulf %neg3A_1090, %pack3A_773 : vector<32xbf16>
        %sub3A_1124 = arith.subf %add3A_1122, %mul3A_1123 : vector<32xbf16>
        %sub3A_1125 = arith.subf %sub3A_1001, %sub3A_1038 : vector<32xbf16>
        %sub3A_1126 = arith.subf %sub3A_1008, %sub3A_1045 : vector<32xbf16>
        %sub3A_1127 = arith.subf %sub3A_1015, %sub3A_1052 : vector<32xbf16>
        %sub3A_1128 = arith.subf %sub3A_1022, %sub3A_1059 : vector<32xbf16>
        %add3A_1129 = arith.addf %sub3A_1066, %sub3A_1103 : vector<32xbf16>
        %add3A_1130 = arith.addf %sub3A_1073, %sub3A_1110 : vector<32xbf16>
        %add3A_1131 = arith.addf %sub3A_1080, %sub3A_1117 : vector<32xbf16>
        %add3A_1132 = arith.addf %sub3A_1087, %sub3A_1124 : vector<32xbf16>
        %mul3A_1133 = arith.mulf %sub3A_1125, %pack3A_799 : vector<32xbf16>
        %unpack3A_1134 = tpu.unpack_subelements %mul3A_1133, 0 {pack_format = #tpu.pack_format<interleaved>} : vector<32xbf16> -> vector<16xf32>
        %unpack3A_1135 = tpu.unpack_subelements %mul3A_1133, 1 {pack_format = #tpu.pack_format<interleaved>} : vector<32xbf16> -> vector<16xf32>
        %add3A_1136 = arith.addf %add3A_682, %unpack3A_1134 : vector<16xf32>
        %add3A_1137 = arith.addf %add3A_1136, %unpack3A_1135 : vector<16xf32>
        %mul3A_1138 = arith.mulf %sub3A_1126, %pack3A_812 : vector<32xbf16>
        %unpack3A_1139 = tpu.unpack_subelements %mul3A_1138, 0 {pack_format = #tpu.pack_format<interleaved>} : vector<32xbf16> -> vector<16xf32>
        %unpack3A_1140 = tpu.unpack_subelements %mul3A_1138, 1 {pack_format = #tpu.pack_format<interleaved>} : vector<32xbf16> -> vector<16xf32>
        %add3A_1141 = arith.addf %add3A_1137, %unpack3A_1139 : vector<16xf32>
        %add3A_1142 = arith.addf %add3A_1141, %unpack3A_1140 : vector<16xf32>
        %mul3A_1143 = arith.mulf %sub3A_1127, %pack3A_825 : vector<32xbf16>
        %unpack3A_1144 = tpu.unpack_subelements %mul3A_1143, 0 {pack_format = #tpu.pack_format<interleaved>} : vector<32xbf16> -> vector<16xf32>
        %unpack3A_1145 = tpu.unpack_subelements %mul3A_1143, 1 {pack_format = #tpu.pack_format<interleaved>} : vector<32xbf16> -> vector<16xf32>
        %add3A_1146 = arith.addf %add3A_1142, %unpack3A_1144 : vector<16xf32>
        %add3A_1147 = arith.addf %add3A_1146, %unpack3A_1145 : vector<16xf32>
        %mul3A_1148 = arith.mulf %sub3A_1128, %pack3A_838 : vector<32xbf16>
        %unpack3A_1149 = tpu.unpack_subelements %mul3A_1148, 0 {pack_format = #tpu.pack_format<interleaved>} : vector<32xbf16> -> vector<16xf32>
        %unpack3A_1150 = tpu.unpack_subelements %mul3A_1148, 1 {pack_format = #tpu.pack_format<interleaved>} : vector<32xbf16> -> vector<16xf32>
        %add3A_1151 = arith.addf %add3A_1147, %unpack3A_1149 : vector<16xf32>
        %add3A_1152 = arith.addf %add3A_1151, %unpack3A_1150 : vector<16xf32>
        %mul3A_1153 = arith.mulf %add3A_1129, %pack3A_851 : vector<32xbf16>
        %unpack3A_1154 = tpu.unpack_subelements %mul3A_1153, 0 {pack_format = #tpu.pack_format<interleaved>} : vector<32xbf16> -> vector<16xf32>
        %unpack3A_1155 = tpu.unpack_subelements %mul3A_1153, 1 {pack_format = #tpu.pack_format<interleaved>} : vector<32xbf16> -> vector<16xf32>
        %add3A_1156 = arith.addf %add3A_1152, %unpack3A_1154 : vector<16xf32>
        %add3A_1157 = arith.addf %add3A_1156, %unpack3A_1155 : vector<16xf32>
        %mul3A_1158 = arith.mulf %add3A_1130, %pack3A_864 : vector<32xbf16>
        %unpack3A_1159 = tpu.unpack_subelements %mul3A_1158, 0 {pack_format = #tpu.pack_format<interleaved>} : vector<32xbf16> -> vector<16xf32>
        %unpack3A_1160 = tpu.unpack_subelements %mul3A_1158, 1 {pack_format = #tpu.pack_format<interleaved>} : vector<32xbf16> -> vector<16xf32>
        %add3A_1161 = arith.addf %add3A_1157, %unpack3A_1159 : vector<16xf32>
        %add3A_1162 = arith.addf %add3A_1161, %unpack3A_1160 : vector<16xf32>
        %mul3A_1163 = arith.mulf %add3A_1131, %pack3A_877 : vector<32xbf16>
        %unpack3A_1164 = tpu.unpack_subelements %mul3A_1163, 0 {pack_format = #tpu.pack_format<interleaved>} : vector<32xbf16> -> vector<16xf32>
        %unpack3A_1165 = tpu.unpack_subelements %mul3A_1163, 1 {pack_format = #tpu.pack_format<interleaved>} : vector<32xbf16> -> vector<16xf32>
        %add3A_1166 = arith.addf %add3A_1162, %unpack3A_1164 : vector<16xf32>
        %add3A_1167 = arith.addf %add3A_1166, %unpack3A_1165 : vector<16xf32>
        %mul3A_1168 = arith.mulf %add3A_1132, %pack3A_890 : vector<32xbf16>
        %unpack3A_1169 = tpu.unpack_subelements %mul3A_1168, 0 {pack_format = #tpu.pack_format<interleaved>} : vector<32xbf16> -> vector<16xf32>
        %unpack3A_1170 = tpu.unpack_subelements %mul3A_1168, 1 {pack_format = #tpu.pack_format<interleaved>} : vector<32xbf16> -> vector<16xf32>
        %add3A_1171 = arith.addf %add3A_1167, %unpack3A_1169 : vector<16xf32>
        %add3A_1172 = arith.addf %add3A_1171, %unpack3A_1170 : vector<16xf32>
        %add3A_1173 = arith.constant 0 : i32
        %add3A_1174 = arith.addi %add3A_1173, %scan3A_196 : i32
        %get3A_1175 = arith.constant 0 : i32
        %get3A_1176 = arith.index_cast %get3A_1175 : i32 to index
        %get3A_1177 = arith.index_cast %add3A_1174 : i32 to index
        %get3A_1178 = arith.constant 64 : index
        %get3A_1179 = tpu.vector_load %arg7[%get3A_1176, %get3A_1177, %get3A_1178] {strides = array<i32>} : memref<2x128x128xf32, #tpu.memory_space<vmem>>, vector<16xf32>,
        %get3A_1180 = arith.constant 0 : i32
        %get3A_1181 = arith.index_cast %get3A_1180 : i32 to index
        %get3A_1182 = arith.index_cast %add3A_1174 : i32 to index
        %get3A_1183 = arith.constant 80 : index
        %get3A_1184 = tpu.vector_load %arg7[%get3A_1181, %get3A_1182, %get3A_1183] {strides = array<i32>} : memref<2x128x128xf32, #tpu.memory_space<vmem>>, vector<16xf32>,
        %pack3A_1185 = tpu.pack_subelements %get3A_1179, %get3A_1184 {pack_format = #tpu.pack_format<interleaved>, positions = array<i32: 0, 1>} : vector<16xf32>, vector<16xf32> -> vector<32xbf16>
        %add3A_1186 = arith.constant 16 : i32
        %add3A_1187 = arith.addi %add3A_1186, %scan3A_196 : i32
        %get3A_1188 = arith.constant 0 : i32
        %get3A_1189 = arith.index_cast %get3A_1188 : i32 to index
        %get3A_1190 = arith.index_cast %add3A_1187 : i32 to index
        %get3A_1191 = arith.constant 64 : index
        %get3A_1192 = tpu.vector_load %arg7[%get3A_1189, %get3A_1190, %get3A_1191] {strides = array<i32>} : memref<2x128x128xf32, #tpu.memory_space<vmem>>, vector<16xf32>,
        %get3A_1193 = arith.constant 0 : i32
        %get3A_1194 = arith.index_cast %get3A_1193 : i32 to index
        %get3A_1195 = arith.index_cast %add3A_1187 : i32 to index
        %get3A_1196 = arith.constant 80 : index
        %get3A_1197 = tpu.vector_load %arg7[%get3A_1194, %get3A_1195, %get3A_1196] {strides = array<i32>} : memref<2x128x128xf32, #tpu.memory_space<vmem>>, vector<16xf32>,
        %pack3A_1198 = tpu.pack_subelements %get3A_1192, %get3A_1197 {pack_format = #tpu.pack_format<interleaved>, positions = array<i32: 0, 1>} : vector<16xf32>, vector<16xf32> -> vector<32xbf16>
        %add3A_1199 = arith.constant 32 : i32
        %add3A_1200 = arith.addi %add3A_1199, %scan3A_196 : i32
        %get3A_1201 = arith.constant 0 : i32
        %get3A_1202 = arith.index_cast %get3A_1201 : i32 to index
        %get3A_1203 = arith.index_cast %add3A_1200 : i32 to index
        %get3A_1204 = arith.constant 64 : index
        %get3A_1205 = tpu.vector_load %arg7[%get3A_1202, %get3A_1203, %get3A_1204] {strides = array<i32>} : memref<2x128x128xf32, #tpu.memory_space<vmem>>, vector<16xf32>,
        %get3A_1206 = arith.constant 0 : i32
        %get3A_1207 = arith.index_cast %get3A_1206 : i32 to index
        %get3A_1208 = arith.index_cast %add3A_1200 : i32 to index
        %get3A_1209 = arith.constant 80 : index
        %get3A_1210 = tpu.vector_load %arg7[%get3A_1207, %get3A_1208, %get3A_1209] {strides = array<i32>} : memref<2x128x128xf32, #tpu.memory_space<vmem>>, vector<16xf32>,
        %pack3A_1211 = tpu.pack_subelements %get3A_1205, %get3A_1210 {pack_format = #tpu.pack_format<interleaved>, positions = array<i32: 0, 1>} : vector<16xf32>, vector<16xf32> -> vector<32xbf16>
        %add3A_1212 = arith.constant 48 : i32
        %add3A_1213 = arith.addi %add3A_1212, %scan3A_196 : i32
        %get3A_1214 = arith.constant 0 : i32
        %get3A_1215 = arith.index_cast %get3A_1214 : i32 to index
        %get3A_1216 = arith.index_cast %add3A_1213 : i32 to index
        %get3A_1217 = arith.constant 64 : index
        %get3A_1218 = tpu.vector_load %arg7[%get3A_1215, %get3A_1216, %get3A_1217] {strides = array<i32>} : memref<2x128x128xf32, #tpu.memory_space<vmem>>, vector<16xf32>,
        %get3A_1219 = arith.constant 0 : i32
        %get3A_1220 = arith.index_cast %get3A_1219 : i32 to index
        %get3A_1221 = arith.index_cast %add3A_1213 : i32 to index
        %get3A_1222 = arith.constant 80 : index
        %get3A_1223 = tpu.vector_load %arg7[%get3A_1220, %get3A_1221, %get3A_1222] {strides = array<i32>} : memref<2x128x128xf32, #tpu.memory_space<vmem>>, vector<16xf32>,
        %pack3A_1224 = tpu.pack_subelements %get3A_1218, %get3A_1223 {pack_format = #tpu.pack_format<interleaved>, positions = array<i32: 0, 1>} : vector<16xf32>, vector<16xf32> -> vector<32xbf16>
        %add3A_1225 = arith.constant 64 : i32
        %add3A_1226 = arith.addi %add3A_1225, %scan3A_196 : i32
        %get3A_1227 = arith.constant 0 : i32
        %get3A_1228 = arith.index_cast %get3A_1227 : i32 to index
        %get3A_1229 = arith.index_cast %add3A_1226 : i32 to index
        %get3A_1230 = arith.constant 64 : index
        %get3A_1231 = tpu.vector_load %arg7[%get3A_1228, %get3A_1229, %get3A_1230] {strides = array<i32>} : memref<2x128x128xf32, #tpu.memory_space<vmem>>, vector<16xf32>,
        %get3A_1232 = arith.constant 0 : i32
        %get3A_1233 = arith.index_cast %get3A_1232 : i32 to index
        %get3A_1234 = arith.index_cast %add3A_1226 : i32 to index
        %get3A_1235 = arith.constant 80 : index
        %get3A_1236 = tpu.vector_load %arg7[%get3A_1233, %get3A_1234, %get3A_1235] {strides = array<i32>} : memref<2x128x128xf32, #tpu.memory_space<vmem>>, vector<16xf32>,
        %pack3A_1237 = tpu.pack_subelements %get3A_1231, %get3A_1236 {pack_format = #tpu.pack_format<interleaved>, positions = array<i32: 0, 1>} : vector<16xf32>, vector<16xf32> -> vector<32xbf16>
        %add3A_1238 = arith.constant 80 : i32
        %add3A_1239 = arith.addi %add3A_1238, %scan3A_196 : i32
        %get3A_1240 = arith.constant 0 : i32
        %get3A_1241 = arith.index_cast %get3A_1240 : i32 to index
        %get3A_1242 = arith.index_cast %add3A_1239 : i32 to index
        %get3A_1243 = arith.constant 64 : index
        %get3A_1244 = tpu.vector_load %arg7[%get3A_1241, %get3A_1242, %get3A_1243] {strides = array<i32>} : memref<2x128x128xf32, #tpu.memory_space<vmem>>, vector<16xf32>,
        %get3A_1245 = arith.constant 0 : i32
        %get3A_1246 = arith.index_cast %get3A_1245 : i32 to index
        %get3A_1247 = arith.index_cast %add3A_1239 : i32 to index
        %get3A_1248 = arith.constant 80 : index
        %get3A_1249 = tpu.vector_load %arg7[%get3A_1246, %get3A_1247, %get3A_1248] {strides = array<i32>} : memref<2x128x128xf32, #tpu.memory_space<vmem>>, vector<16xf32>,
        %pack3A_1250 = tpu.pack_subelements %get3A_1244, %get3A_1249 {pack_format = #tpu.pack_format<interleaved>, positions = array<i32: 0, 1>} : vector<16xf32>, vector<16xf32> -> vector<32xbf16>
        %add3A_1251 = arith.constant 96 : i32
        %add3A_1252 = arith.addi %add3A_1251, %scan3A_196 : i32
        %get3A_1253 = arith.constant 0 : i32
        %get3A_1254 = arith.index_cast %get3A_1253 : i32 to index
        %get3A_1255 = arith.index_cast %add3A_1252 : i32 to index
        %get3A_1256 = arith.constant 64 : index
        %get3A_1257 = tpu.vector_load %arg7[%get3A_1254, %get3A_1255, %get3A_1256] {strides = array<i32>} : memref<2x128x128xf32, #tpu.memory_space<vmem>>, vector<16xf32>,
        %get3A_1258 = arith.constant 0 : i32
        %get3A_1259 = arith.index_cast %get3A_1258 : i32 to index
        %get3A_1260 = arith.index_cast %add3A_1252 : i32 to index
        %get3A_1261 = arith.constant 80 : index
        %get3A_1262 = tpu.vector_load %arg7[%get3A_1259, %get3A_1260, %get3A_1261] {strides = array<i32>} : memref<2x128x128xf32, #tpu.memory_space<vmem>>, vector<16xf32>,
        %pack3A_1263 = tpu.pack_subelements %get3A_1257, %get3A_1262 {pack_format = #tpu.pack_format<interleaved>, positions = array<i32: 0, 1>} : vector<16xf32>, vector<16xf32> -> vector<32xbf16>
        %add3A_1264 = arith.constant 112 : i32
        %add3A_1265 = arith.addi %add3A_1264, %scan3A_196 : i32
        %get3A_1266 = arith.constant 0 : i32
        %get3A_1267 = arith.index_cast %get3A_1266 : i32 to index
        %get3A_1268 = arith.index_cast %add3A_1265 : i32 to index
        %get3A_1269 = arith.constant 64 : index
        %get3A_1270 = tpu.vector_load %arg7[%get3A_1267, %get3A_1268, %get3A_1269] {strides = array<i32>} : memref<2x128x128xf32, #tpu.memory_space<vmem>>, vector<16xf32>,
        %get3A_1271 = arith.constant 0 : i32
        %get3A_1272 = arith.index_cast %get3A_1271 : i32 to index
        %get3A_1273 = arith.index_cast %add3A_1265 : i32 to index
        %get3A_1274 = arith.constant 80 : index
        %get3A_1275 = tpu.vector_load %arg7[%get3A_1272, %get3A_1273, %get3A_1274] {strides = array<i32>} : memref<2x128x128xf32, #tpu.memory_space<vmem>>, vector<16xf32>,
        %pack3A_1276 = tpu.pack_subelements %get3A_1270, %get3A_1275 {pack_format = #tpu.pack_format<interleaved>, positions = array<i32: 0, 1>} : vector<16xf32>, vector<16xf32> -> vector<32xbf16>
        %add3A_1277 = arith.constant 0 : i32
        %add3A_1278 = arith.addi %add3A_1277, %scan3A_196 : i32
        %get3A_1279 = arith.constant 0 : i32
        %get3A_1280 = arith.index_cast %get3A_1279 : i32 to index
        %get3A_1281 = arith.index_cast %add3A_1278 : i32 to index
        %get3A_1282 = arith.constant 64 : index
        %get3A_1283 = tpu.vector_load %arg8[%get3A_1280, %get3A_1281, %get3A_1282] {strides = array<i32>} : memref<2x128x128xf32, #tpu.memory_space<vmem>>, vector<16xf32>,
        %get3A_1284 = arith.constant 0 : i32
        %get3A_1285 = arith.index_cast %get3A_1284 : i32 to index
        %get3A_1286 = arith.index_cast %add3A_1278 : i32 to index
        %get3A_1287 = arith.constant 80 : index
        %get3A_1288 = tpu.vector_load %arg8[%get3A_1285, %get3A_1286, %get3A_1287] {strides = array<i32>} : memref<2x128x128xf32, #tpu.memory_space<vmem>>, vector<16xf32>,
        %pack3A_1289 = tpu.pack_subelements %get3A_1283, %get3A_1288 {pack_format = #tpu.pack_format<interleaved>, positions = array<i32: 0, 1>} : vector<16xf32>, vector<16xf32> -> vector<32xbf16>
        %add3A_1290 = arith.constant 16 : i32
        %add3A_1291 = arith.addi %add3A_1290, %scan3A_196 : i32
        %get3A_1292 = arith.constant 0 : i32
        %get3A_1293 = arith.index_cast %get3A_1292 : i32 to index
        %get3A_1294 = arith.index_cast %add3A_1291 : i32 to index
        %get3A_1295 = arith.constant 64 : index
        %get3A_1296 = tpu.vector_load %arg8[%get3A_1293, %get3A_1294, %get3A_1295] {strides = array<i32>} : memref<2x128x128xf32, #tpu.memory_space<vmem>>, vector<16xf32>,
        %get3A_1297 = arith.constant 0 : i32
        %get3A_1298 = arith.index_cast %get3A_1297 : i32 to index
        %get3A_1299 = arith.index_cast %add3A_1291 : i32 to index
        %get3A_1300 = arith.constant 80 : index
        %get3A_1301 = tpu.vector_load %arg8[%get3A_1298, %get3A_1299, %get3A_1300] {strides = array<i32>} : memref<2x128x128xf32, #tpu.memory_space<vmem>>, vector<16xf32>,
        %pack3A_1302 = tpu.pack_subelements %get3A_1296, %get3A_1301 {pack_format = #tpu.pack_format<interleaved>, positions = array<i32: 0, 1>} : vector<16xf32>, vector<16xf32> -> vector<32xbf16>
        %add3A_1303 = arith.constant 32 : i32
        %add3A_1304 = arith.addi %add3A_1303, %scan3A_196 : i32
        %get3A_1305 = arith.constant 0 : i32
        %get3A_1306 = arith.index_cast %get3A_1305 : i32 to index
        %get3A_1307 = arith.index_cast %add3A_1304 : i32 to index
        %get3A_1308 = arith.constant 64 : index
        %get3A_1309 = tpu.vector_load %arg8[%get3A_1306, %get3A_1307, %get3A_1308] {strides = array<i32>} : memref<2x128x128xf32, #tpu.memory_space<vmem>>, vector<16xf32>,
        %get3A_1310 = arith.constant 0 : i32
        %get3A_1311 = arith.index_cast %get3A_1310 : i32 to index
        %get3A_1312 = arith.index_cast %add3A_1304 : i32 to index
        %get3A_1313 = arith.constant 80 : index
        %get3A_1314 = tpu.vector_load %arg8[%get3A_1311, %get3A_1312, %get3A_1313] {strides = array<i32>} : memref<2x128x128xf32, #tpu.memory_space<vmem>>, vector<16xf32>,
        %pack3A_1315 = tpu.pack_subelements %get3A_1309, %get3A_1314 {pack_format = #tpu.pack_format<interleaved>, positions = array<i32: 0, 1>} : vector<16xf32>, vector<16xf32> -> vector<32xbf16>
        %add3A_1316 = arith.constant 48 : i32
        %add3A_1317 = arith.addi %add3A_1316, %scan3A_196 : i32
        %get3A_1318 = arith.constant 0 : i32
        %get3A_1319 = arith.index_cast %get3A_1318 : i32 to index
        %get3A_1320 = arith.index_cast %add3A_1317 : i32 to index
        %get3A_1321 = arith.constant 64 : index
        %get3A_1322 = tpu.vector_load %arg8[%get3A_1319, %get3A_1320, %get3A_1321] {strides = array<i32>} : memref<2x128x128xf32, #tpu.memory_space<vmem>>, vector<16xf32>,
        %get3A_1323 = arith.constant 0 : i32
        %get3A_1324 = arith.index_cast %get3A_1323 : i32 to index
        %get3A_1325 = arith.index_cast %add3A_1317 : i32 to index
        %get3A_1326 = arith.constant 80 : index
        %get3A_1327 = tpu.vector_load %arg8[%get3A_1324, %get3A_1325, %get3A_1326] {strides = array<i32>} : memref<2x128x128xf32, #tpu.memory_space<vmem>>, vector<16xf32>,
        %pack3A_1328 = tpu.pack_subelements %get3A_1322, %get3A_1327 {pack_format = #tpu.pack_format<interleaved>, positions = array<i32: 0, 1>} : vector<16xf32>, vector<16xf32> -> vector<32xbf16>
        %add3A_1329 = arith.constant 64 : i32
        %add3A_1330 = arith.addi %add3A_1329, %scan3A_196 : i32
        %get3A_1331 = arith.constant 0 : i32
        %get3A_1332 = arith.index_cast %get3A_1331 : i32 to index
        %get3A_1333 = arith.index_cast %add3A_1330 : i32 to index
        %get3A_1334 = arith.constant 64 : index
        %get3A_1335 = tpu.vector_load %arg8[%get3A_1332, %get3A_1333, %get3A_1334] {strides = array<i32>} : memref<2x128x128xf32, #tpu.memory_space<vmem>>, vector<16xf32>,
        %get3A_1336 = arith.constant 0 : i32
        %get3A_1337 = arith.index_cast %get3A_1336 : i32 to index
        %get3A_1338 = arith.index_cast %add3A_1330 : i32 to index
        %get3A_1339 = arith.constant 80 : index
        %get3A_1340 = tpu.vector_load %arg8[%get3A_1337, %get3A_1338, %get3A_1339] {strides = array<i32>} : memref<2x128x128xf32, #tpu.memory_space<vmem>>, vector<16xf32>,
        %pack3A_1341 = tpu.pack_subelements %get3A_1335, %get3A_1340 {pack_format = #tpu.pack_format<interleaved>, positions = array<i32: 0, 1>} : vector<16xf32>, vector<16xf32> -> vector<32xbf16>
        %add3A_1342 = arith.constant 80 : i32
        %add3A_1343 = arith.addi %add3A_1342, %scan3A_196 : i32
        %get3A_1344 = arith.constant 0 : i32
        %get3A_1345 = arith.index_cast %get3A_1344 : i32 to index
        %get3A_1346 = arith.index_cast %add3A_1343 : i32 to index
        %get3A_1347 = arith.constant 64 : index
        %get3A_1348 = tpu.vector_load %arg8[%get3A_1345, %get3A_1346, %get3A_1347] {strides = array<i32>} : memref<2x128x128xf32, #tpu.memory_space<vmem>>, vector<16xf32>,
        %get3A_1349 = arith.constant 0 : i32
        %get3A_1350 = arith.index_cast %get3A_1349 : i32 to index
        %get3A_1351 = arith.index_cast %add3A_1343 : i32 to index
        %get3A_1352 = arith.constant 80 : index
        %get3A_1353 = tpu.vector_load %arg8[%get3A_1350, %get3A_1351, %get3A_1352] {strides = array<i32>} : memref<2x128x128xf32, #tpu.memory_space<vmem>>, vector<16xf32>,
        %pack3A_1354 = tpu.pack_subelements %get3A_1348, %get3A_1353 {pack_format = #tpu.pack_format<interleaved>, positions = array<i32: 0, 1>} : vector<16xf32>, vector<16xf32> -> vector<32xbf16>
        %add3A_1355 = arith.constant 96 : i32
        %add3A_1356 = arith.addi %add3A_1355, %scan3A_196 : i32
        %get3A_1357 = arith.constant 0 : i32
        %get3A_1358 = arith.index_cast %get3A_1357 : i32 to index
        %get3A_1359 = arith.index_cast %add3A_1356 : i32 to index
        %get3A_1360 = arith.constant 64 : index
        %get3A_1361 = tpu.vector_load %arg8[%get3A_1358, %get3A_1359, %get3A_1360] {strides = array<i32>} : memref<2x128x128xf32, #tpu.memory_space<vmem>>, vector<16xf32>,
        %get3A_1362 = arith.constant 0 : i32
        %get3A_1363 = arith.index_cast %get3A_1362 : i32 to index
        %get3A_1364 = arith.index_cast %add3A_1356 : i32 to index
        %get3A_1365 = arith.constant 80 : index
        %get3A_1366 = tpu.vector_load %arg8[%get3A_1363, %get3A_1364, %get3A_1365] {strides = array<i32>} : memref<2x128x128xf32, #tpu.memory_space<vmem>>, vector<16xf32>,
        %pack3A_1367 = tpu.pack_subelements %get3A_1361, %get3A_1366 {pack_format = #tpu.pack_format<interleaved>, positions = array<i32: 0, 1>} : vector<16xf32>, vector<16xf32> -> vector<32xbf16>
        %add3A_1368 = arith.constant 112 : i32
        %add3A_1369 = arith.addi %add3A_1368, %scan3A_196 : i32
        %get3A_1370 = arith.constant 0 : i32
        %get3A_1371 = arith.index_cast %get3A_1370 : i32 to index
        %get3A_1372 = arith.index_cast %add3A_1369 : i32 to index
        %get3A_1373 = arith.constant 64 : index
        %get3A_1374 = tpu.vector_load %arg8[%get3A_1371, %get3A_1372, %get3A_1373] {strides = array<i32>} : memref<2x128x128xf32, #tpu.memory_space<vmem>>, vector<16xf32>,
        %get3A_1375 = arith.constant 0 : i32
        %get3A_1376 = arith.index_cast %get3A_1375 : i32 to index
        %get3A_1377 = arith.index_cast %add3A_1369 : i32 to index
        %get3A_1378 = arith.constant 80 : index
        %get3A_1379 = tpu.vector_load %arg8[%get3A_1376, %get3A_1377, %get3A_1378] {strides = array<i32>} : memref<2x128x128xf32, #tpu.memory_space<vmem>>, vector<16xf32>,
        %pack3A_1380 = tpu.pack_subelements %get3A_1374, %get3A_1379 {pack_format = #tpu.pack_format<interleaved>, positions = array<i32: 0, 1>} : vector<16xf32>, vector<16xf32> -> vector<32xbf16>
        %add3A_1381 = arith.constant 0 : i32
        %add3A_1382 = arith.addi %add3A_1381, %scan3A_196 : i32
        %get3A_1383 = arith.constant 0 : i32
        %get3A_1384 = arith.index_cast %get3A_1383 : i32 to index
        %get3A_1385 = arith.index_cast %add3A_1382 : i32 to index
        %get3A_1386 = arith.constant 64 : index
        %get3A_1387 = tpu.vector_load %arg9[%get3A_1384, %get3A_1385, %get3A_1386] {strides = array<i32>} : memref<2x128x128xf32, #tpu.memory_space<vmem>>, vector<16xf32>,
        %get3A_1388 = arith.constant 0 : i32
        %get3A_1389 = arith.index_cast %get3A_1388 : i32 to index
        %get3A_1390 = arith.index_cast %add3A_1382 : i32 to index
        %get3A_1391 = arith.constant 80 : index
        %get3A_1392 = tpu.vector_load %arg9[%get3A_1389, %get3A_1390, %get3A_1391] {strides = array<i32>} : memref<2x128x128xf32, #tpu.memory_space<vmem>>, vector<16xf32>,
        %pack3A_1393 = tpu.pack_subelements %get3A_1387, %get3A_1392 {pack_format = #tpu.pack_format<interleaved>, positions = array<i32: 0, 1>} : vector<16xf32>, vector<16xf32> -> vector<32xbf16>
        %add3A_1394 = arith.constant 16 : i32
        %add3A_1395 = arith.addi %add3A_1394, %scan3A_196 : i32
        %get3A_1396 = arith.constant 0 : i32
        %get3A_1397 = arith.index_cast %get3A_1396 : i32 to index
        %get3A_1398 = arith.index_cast %add3A_1395 : i32 to index
        %get3A_1399 = arith.constant 64 : index
        %get3A_1400 = tpu.vector_load %arg9[%get3A_1397, %get3A_1398, %get3A_1399] {strides = array<i32>} : memref<2x128x128xf32, #tpu.memory_space<vmem>>, vector<16xf32>,
        %get3A_1401 = arith.constant 0 : i32
        %get3A_1402 = arith.index_cast %get3A_1401 : i32 to index
        %get3A_1403 = arith.index_cast %add3A_1395 : i32 to index
        %get3A_1404 = arith.constant 80 : index
        %get3A_1405 = tpu.vector_load %arg9[%get3A_1402, %get3A_1403, %get3A_1404] {strides = array<i32>} : memref<2x128x128xf32, #tpu.memory_space<vmem>>, vector<16xf32>,
        %pack3A_1406 = tpu.pack_subelements %get3A_1400, %get3A_1405 {pack_format = #tpu.pack_format<interleaved>, positions = array<i32: 0, 1>} : vector<16xf32>, vector<16xf32> -> vector<32xbf16>
        %add3A_1407 = arith.constant 32 : i32
        %add3A_1408 = arith.addi %add3A_1407, %scan3A_196 : i32
        %get3A_1409 = arith.constant 0 : i32
        %get3A_1410 = arith.index_cast %get3A_1409 : i32 to index
        %get3A_1411 = arith.index_cast %add3A_1408 : i32 to index
        %get3A_1412 = arith.constant 64 : index
        %get3A_1413 = tpu.vector_load %arg9[%get3A_1410, %get3A_1411, %get3A_1412] {strides = array<i32>} : memref<2x128x128xf32, #tpu.memory_space<vmem>>, vector<16xf32>,
        %get3A_1414 = arith.constant 0 : i32
        %get3A_1415 = arith.index_cast %get3A_1414 : i32 to index
        %get3A_1416 = arith.index_cast %add3A_1408 : i32 to index
        %get3A_1417 = arith.constant 80 : index
        %get3A_1418 = tpu.vector_load %arg9[%get3A_1415, %get3A_1416, %get3A_1417] {strides = array<i32>} : memref<2x128x128xf32, #tpu.memory_space<vmem>>, vector<16xf32>,
        %pack3A_1419 = tpu.pack_subelements %get3A_1413, %get3A_1418 {pack_format = #tpu.pack_format<interleaved>, positions = array<i32: 0, 1>} : vector<16xf32>, vector<16xf32> -> vector<32xbf16>
        %add3A_1420 = arith.constant 48 : i32
        %add3A_1421 = arith.addi %add3A_1420, %scan3A_196 : i32
        %get3A_1422 = arith.constant 0 : i32
        %get3A_1423 = arith.index_cast %get3A_1422 : i32 to index
        %get3A_1424 = arith.index_cast %add3A_1421 : i32 to index
        %get3A_1425 = arith.constant 64 : index
        %get3A_1426 = tpu.vector_load %arg9[%get3A_1423, %get3A_1424, %get3A_1425] {strides = array<i32>} : memref<2x128x128xf32, #tpu.memory_space<vmem>>, vector<16xf32>,
        %get3A_1427 = arith.constant 0 : i32
        %get3A_1428 = arith.index_cast %get3A_1427 : i32 to index
        %get3A_1429 = arith.index_cast %add3A_1421 : i32 to index
        %get3A_1430 = arith.constant 80 : index
        %get3A_1431 = tpu.vector_load %arg9[%get3A_1428, %get3A_1429, %get3A_1430] {strides = array<i32>} : memref<2x128x128xf32, #tpu.memory_space<vmem>>, vector<16xf32>,
        %pack3A_1432 = tpu.pack_subelements %get3A_1426, %get3A_1431 {pack_format = #tpu.pack_format<interleaved>, positions = array<i32: 0, 1>} : vector<16xf32>, vector<16xf32> -> vector<32xbf16>
        %add3A_1433 = arith.constant 64 : i32
        %add3A_1434 = arith.addi %add3A_1433, %scan3A_196 : i32
        %get3A_1435 = arith.constant 0 : i32
        %get3A_1436 = arith.index_cast %get3A_1435 : i32 to index
        %get3A_1437 = arith.index_cast %add3A_1434 : i32 to index
        %get3A_1438 = arith.constant 64 : index
        %get3A_1439 = tpu.vector_load %arg9[%get3A_1436, %get3A_1437, %get3A_1438] {strides = array<i32>} : memref<2x128x128xf32, #tpu.memory_space<vmem>>, vector<16xf32>,
        %get3A_1440 = arith.constant 0 : i32
        %get3A_1441 = arith.index_cast %get3A_1440 : i32 to index
        %get3A_1442 = arith.index_cast %add3A_1434 : i32 to index
        %get3A_1443 = arith.constant 80 : index
        %get3A_1444 = tpu.vector_load %arg9[%get3A_1441, %get3A_1442, %get3A_1443] {strides = array<i32>} : memref<2x128x128xf32, #tpu.memory_space<vmem>>, vector<16xf32>,
        %pack3A_1445 = tpu.pack_subelements %get3A_1439, %get3A_1444 {pack_format = #tpu.pack_format<interleaved>, positions = array<i32: 0, 1>} : vector<16xf32>, vector<16xf32> -> vector<32xbf16>
        %add3A_1446 = arith.constant 80 : i32
        %add3A_1447 = arith.addi %add3A_1446, %scan3A_196 : i32
        %get3A_1448 = arith.constant 0 : i32
        %get3A_1449 = arith.index_cast %get3A_1448 : i32 to index
        %get3A_1450 = arith.index_cast %add3A_1447 : i32 to index
        %get3A_1451 = arith.constant 64 : index
        %get3A_1452 = tpu.vector_load %arg9[%get3A_1449, %get3A_1450, %get3A_1451] {strides = array<i32>} : memref<2x128x128xf32, #tpu.memory_space<vmem>>, vector<16xf32>,
        %get3A_1453 = arith.constant 0 : i32
        %get3A_1454 = arith.index_cast %get3A_1453 : i32 to index
        %get3A_1455 = arith.index_cast %add3A_1447 : i32 to index
        %get3A_1456 = arith.constant 80 : index
        %get3A_1457 = tpu.vector_load %arg9[%get3A_1454, %get3A_1455, %get3A_1456] {strides = array<i32>} : memref<2x128x128xf32, #tpu.memory_space<vmem>>, vector<16xf32>,
        %pack3A_1458 = tpu.pack_subelements %get3A_1452, %get3A_1457 {pack_format = #tpu.pack_format<interleaved>, positions = array<i32: 0, 1>} : vector<16xf32>, vector<16xf32> -> vector<32xbf16>
        %add3A_1459 = arith.constant 96 : i32
        %add3A_1460 = arith.addi %add3A_1459, %scan3A_196 : i32
        %get3A_1461 = arith.constant 0 : i32
        %get3A_1462 = arith.index_cast %get3A_1461 : i32 to index
        %get3A_1463 = arith.index_cast %add3A_1460 : i32 to index
        %get3A_1464 = arith.constant 64 : index
        %get3A_1465 = tpu.vector_load %arg9[%get3A_1462, %get3A_1463, %get3A_1464] {strides = array<i32>} : memref<2x128x128xf32, #tpu.memory_space<vmem>>, vector<16xf32>,
        %get3A_1466 = arith.constant 0 : i32
        %get3A_1467 = arith.index_cast %get3A_1466 : i32 to index
        %get3A_1468 = arith.index_cast %add3A_1460 : i32 to index
        %get3A_1469 = arith.constant 80 : index
        %get3A_1470 = tpu.vector_load %arg9[%get3A_1467, %get3A_1468, %get3A_1469] {strides = array<i32>} : memref<2x128x128xf32, #tpu.memory_space<vmem>>, vector<16xf32>,
        %pack3A_1471 = tpu.pack_subelements %get3A_1465, %get3A_1470 {pack_format = #tpu.pack_format<interleaved>, positions = array<i32: 0, 1>} : vector<16xf32>, vector<16xf32> -> vector<32xbf16>
        %add3A_1472 = arith.constant 112 : i32
        %add3A_1473 = arith.addi %add3A_1472, %scan3A_196 : i32
        %get3A_1474 = arith.constant 0 : i32
        %get3A_1475 = arith.index_cast %get3A_1474 : i32 to index
        %get3A_1476 = arith.index_cast %add3A_1473 : i32 to index
        %get3A_1477 = arith.constant 64 : index
        %get3A_1478 = tpu.vector_load %arg9[%get3A_1475, %get3A_1476, %get3A_1477] {strides = array<i32>} : memref<2x128x128xf32, #tpu.memory_space<vmem>>, vector<16xf32>,
        %get3A_1479 = arith.constant 0 : i32
        %get3A_1480 = arith.index_cast %get3A_1479 : i32 to index
        %get3A_1481 = arith.index_cast %add3A_1473 : i32 to index
        %get3A_1482 = arith.constant 80 : index
        %get3A_1483 = tpu.vector_load %arg9[%get3A_1480, %get3A_1481, %get3A_1482] {strides = array<i32>} : memref<2x128x128xf32, #tpu.memory_space<vmem>>, vector<16xf32>,
        %pack3A_1484 = tpu.pack_subelements %get3A_1478, %get3A_1483 {pack_format = #tpu.pack_format<interleaved>, positions = array<i32: 0, 1>} : vector<16xf32>, vector<16xf32> -> vector<32xbf16>
        %mul3A_1485 = arith.mulf %pack3A_1185, %pack3A_1393 : vector<32xbf16>
        %mul3A_1486 = arith.mulf %pack3A_1198, %pack3A_1406 : vector<32xbf16>
        %sub3A_1487 = arith.subf %mul3A_1485, %mul3A_1486 : vector<32xbf16>
        %mul3A_1488 = arith.mulf %pack3A_1211, %pack3A_1419 : vector<32xbf16>
        %sub3A_1489 = arith.subf %sub3A_1487, %mul3A_1488 : vector<32xbf16>
        %mul3A_1490 = arith.mulf %pack3A_1224, %pack3A_1432 : vector<32xbf16>
        %sub3A_1491 = arith.subf %sub3A_1489, %mul3A_1490 : vector<32xbf16>
        %mul3A_1492 = arith.mulf %pack3A_1185, %pack3A_1406 : vector<32xbf16>
        %mul3A_1493 = arith.mulf %pack3A_1393, %pack3A_1198 : vector<32xbf16>
        %add3A_1494 = arith.addf %mul3A_1492, %mul3A_1493 : vector<32xbf16>
        %mul3A_1495 = arith.mulf %pack3A_1211, %pack3A_1432 : vector<32xbf16>
        %add3A_1496 = arith.addf %add3A_1494, %mul3A_1495 : vector<32xbf16>
        %mul3A_1497 = arith.mulf %pack3A_1419, %pack3A_1224 : vector<32xbf16>
        %sub3A_1498 = arith.subf %add3A_1496, %mul3A_1497 : vector<32xbf16>
        %mul3A_1499 = arith.mulf %pack3A_1185, %pack3A_1419 : vector<32xbf16>
        %mul3A_1500 = arith.mulf %pack3A_1393, %pack3A_1211 : vector<32xbf16>
        %add3A_1501 = arith.addf %mul3A_1499, %mul3A_1500 : vector<32xbf16>
        %mul3A_1502 = arith.mulf %pack3A_1224, %pack3A_1406 : vector<32xbf16>
        %add3A_1503 = arith.addf %add3A_1501, %mul3A_1502 : vector<32xbf16>
        %mul3A_1504 = arith.mulf %pack3A_1432, %pack3A_1198 : vector<32xbf16>
        %sub3A_1505 = arith.subf %add3A_1503, %mul3A_1504 : vector<32xbf16>
        %mul3A_1506 = arith.mulf %pack3A_1185, %pack3A_1432 : vector<32xbf16>
        %mul3A_1507 = arith.mulf %pack3A_1393, %pack3A_1224 : vector<32xbf16>
        %add3A_1508 = arith.addf %mul3A_1506, %mul3A_1507 : vector<32xbf16>
        %mul3A_1509 = arith.mulf %pack3A_1198, %pack3A_1419 : vector<32xbf16>
        %add3A_1510 = arith.addf %add3A_1508, %mul3A_1509 : vector<32xbf16>
        %mul3A_1511 = arith.mulf %pack3A_1406, %pack3A_1211 : vector<32xbf16>
        %sub3A_1512 = arith.subf %add3A_1510, %mul3A_1511 : vector<32xbf16>
        %neg3A_1513 = arith.constant 0.000000e+00 : bf16
        %neg3A_1514 = vector.broadcast %neg3A_1513 : bf16 to vector<32xbf16>
        %neg3A_1515 = arith.subf %neg3A_1514, %pack3A_1458 : vector<32xbf16>
        %neg3A_1516 = arith.constant 0.000000e+00 : bf16
        %neg3A_1517 = vector.broadcast %neg3A_1516 : bf16 to vector<32xbf16>
        %neg3A_1518 = arith.subf %neg3A_1517, %pack3A_1471 : vector<32xbf16>
        %neg3A_1519 = arith.constant 0.000000e+00 : bf16
        %neg3A_1520 = vector.broadcast %neg3A_1519 : bf16 to vector<32xbf16>
        %neg3A_1521 = arith.subf %neg3A_1520, %pack3A_1484 : vector<32xbf16>
        %mul3A_1522 = arith.mulf %pack3A_1445, %pack3A_1237 : vector<32xbf16>
        %mul3A_1523 = arith.mulf %neg3A_1515, %pack3A_1250 : vector<32xbf16>
        %sub3A_1524 = arith.subf %mul3A_1522, %mul3A_1523 : vector<32xbf16>
        %mul3A_1525 = arith.mulf %neg3A_1518, %pack3A_1263 : vector<32xbf16>
        %sub3A_1526 = arith.subf %sub3A_1524, %mul3A_1525 : vector<32xbf16>
        %mul3A_1527 = arith.mulf %neg3A_1521, %pack3A_1276 : vector<32xbf16>
        %sub3A_1528 = arith.subf %sub3A_1526, %mul3A_1527 : vector<32xbf16>
        %mul3A_1529 = arith.mulf %pack3A_1445, %pack3A_1250 : vector<32xbf16>
        %mul3A_1530 = arith.mulf %pack3A_1237, %neg3A_1515 : vector<32xbf16>
        %add3A_1531 = arith.addf %mul3A_1529, %mul3A_1530 : vector<32xbf16>
        %mul3A_1532 = arith.mulf %neg3A_1518, %pack3A_1276 : vector<32xbf16>
        %add3A_1533 = arith.addf %add3A_1531, %mul3A_1532 : vector<32xbf16>
        %mul3A_1534 = arith.mulf %pack3A_1263, %neg3A_1521 : vector<32xbf16>
        %sub3A_1535 = arith.subf %add3A_1533, %mul3A_1534 : vector<32xbf16>
        %mul3A_1536 = arith.mulf %pack3A_1445, %pack3A_1263 : vector<32xbf16>
        %mul3A_1537 = arith.mulf %pack3A_1237, %neg3A_1518 : vector<32xbf16>
        %add3A_1538 = arith.addf %mul3A_1536, %mul3A_1537 : vector<32xbf16>
        %mul3A_1539 = arith.mulf %neg3A_1521, %pack3A_1250 : vector<32xbf16>
        %add3A_1540 = arith.addf %add3A_1538, %mul3A_1539 : vector<32xbf16>
        %mul3A_1541 = arith.mulf %pack3A_1276, %neg3A_1515 : vector<32xbf16>
        %sub3A_1542 = arith.subf %add3A_1540, %mul3A_1541 : vector<32xbf16>
        %mul3A_1543 = arith.mulf %pack3A_1445, %pack3A_1276 : vector<32xbf16>
        %mul3A_1544 = arith.mulf %pack3A_1237, %neg3A_1521 : vector<32xbf16>
        %add3A_1545 = arith.addf %mul3A_1543, %mul3A_1544 : vector<32xbf16>
        %mul3A_1546 = arith.mulf %neg3A_1515, %pack3A_1263 : vector<32xbf16>
        %add3A_1547 = arith.addf %add3A_1545, %mul3A_1546 : vector<32xbf16>
        %mul3A_1548 = arith.mulf %pack3A_1250, %neg3A_1518 : vector<32xbf16>
        %sub3A_1549 = arith.subf %add3A_1547, %mul3A_1548 : vector<32xbf16>
        %mul3A_1550 = arith.mulf %pack3A_1445, %pack3A_1185 : vector<32xbf16>
        %mul3A_1551 = arith.mulf %pack3A_1458, %pack3A_1198 : vector<32xbf16>
        %sub3A_1552 = arith.subf %mul3A_1550, %mul3A_1551 : vector<32xbf16>
        %mul3A_1553 = arith.mulf %pack3A_1471, %pack3A_1211 : vector<32xbf16>
        %sub3A_1554 = arith.subf %sub3A_1552, %mul3A_1553 : vector<32xbf16>
        %mul3A_1555 = arith.mulf %pack3A_1484, %pack3A_1224 : vector<32xbf16>
        %sub3A_1556 = arith.subf %sub3A_1554, %mul3A_1555 : vector<32xbf16>
        %mul3A_1557 = arith.mulf %pack3A_1445, %pack3A_1198 : vector<32xbf16>
        %mul3A_1558 = arith.mulf %pack3A_1185, %pack3A_1458 : vector<32xbf16>
        %add3A_1559 = arith.addf %mul3A_1557, %mul3A_1558 : vector<32xbf16>
        %mul3A_1560 = arith.mulf %pack3A_1471, %pack3A_1224 : vector<32xbf16>
        %add3A_1561 = arith.addf %add3A_1559, %mul3A_1560 : vector<32xbf16>
        %mul3A_1562 = arith.mulf %pack3A_1211, %pack3A_1484 : vector<32xbf16>
        %sub3A_1563 = arith.subf %add3A_1561, %mul3A_1562 : vector<32xbf16>
        %mul3A_1564 = arith.mulf %pack3A_1445, %pack3A_1211 : vector<32xbf16>
        %mul3A_1565 = arith.mulf %pack3A_1185, %pack3A_1471 : vector<32xbf16>
        %add3A_1566 = arith.addf %mul3A_1564, %mul3A_1565 : vector<32xbf16>
        %mul3A_1567 = arith.mulf %pack3A_1484, %pack3A_1198 : vector<32xbf16>
        %add3A_1568 = arith.addf %add3A_1566, %mul3A_1567 : vector<32xbf16>
        %mul3A_1569 = arith.mulf %pack3A_1224, %pack3A_1458 : vector<32xbf16>
        %sub3A_1570 = arith.subf %add3A_1568, %mul3A_1569 : vector<32xbf16>
        %mul3A_1571 = arith.mulf %pack3A_1445, %pack3A_1224 : vector<32xbf16>
        %mul3A_1572 = arith.mulf %pack3A_1185, %pack3A_1484 : vector<32xbf16>
        %add3A_1573 = arith.addf %mul3A_1571, %mul3A_1572 : vector<32xbf16>
        %mul3A_1574 = arith.mulf %pack3A_1458, %pack3A_1211 : vector<32xbf16>
        %add3A_1575 = arith.addf %add3A_1573, %mul3A_1574 : vector<32xbf16>
        %mul3A_1576 = arith.mulf %pack3A_1198, %pack3A_1471 : vector<32xbf16>
        %sub3A_1577 = arith.subf %add3A_1575, %mul3A_1576 : vector<32xbf16>
        %neg3A_1578 = arith.constant 0.000000e+00 : bf16
        %neg3A_1579 = vector.broadcast %neg3A_1578 : bf16 to vector<32xbf16>
        %neg3A_1580 = arith.subf %neg3A_1579, %pack3A_1406 : vector<32xbf16>
        %neg3A_1581 = arith.constant 0.000000e+00 : bf16
        %neg3A_1582 = vector.broadcast %neg3A_1581 : bf16 to vector<32xbf16>
        %neg3A_1583 = arith.subf %neg3A_1582, %pack3A_1419 : vector<32xbf16>
        %neg3A_1584 = arith.constant 0.000000e+00 : bf16
        %neg3A_1585 = vector.broadcast %neg3A_1584 : bf16 to vector<32xbf16>
        %neg3A_1586 = arith.subf %neg3A_1585, %pack3A_1432 : vector<32xbf16>
        %mul3A_1587 = arith.mulf %pack3A_1237, %pack3A_1393 : vector<32xbf16>
        %mul3A_1588 = arith.mulf %pack3A_1250, %neg3A_1580 : vector<32xbf16>
        %sub3A_1589 = arith.subf %mul3A_1587, %mul3A_1588 : vector<32xbf16>
        %mul3A_1590 = arith.mulf %pack3A_1263, %neg3A_1583 : vector<32xbf16>
        %sub3A_1591 = arith.subf %sub3A_1589, %mul3A_1590 : vector<32xbf16>
        %mul3A_1592 = arith.mulf %pack3A_1276, %neg3A_1586 : vector<32xbf16>
        %sub3A_1593 = arith.subf %sub3A_1591, %mul3A_1592 : vector<32xbf16>
        %mul3A_1594 = arith.mulf %pack3A_1237, %neg3A_1580 : vector<32xbf16>
        %mul3A_1595 = arith.mulf %pack3A_1393, %pack3A_1250 : vector<32xbf16>
        %add3A_1596 = arith.addf %mul3A_1594, %mul3A_1595 : vector<32xbf16>
        %mul3A_1597 = arith.mulf %pack3A_1263, %neg3A_1586 : vector<32xbf16>
        %add3A_1598 = arith.addf %add3A_1596, %mul3A_1597 : vector<32xbf16>
        %mul3A_1599 = arith.mulf %neg3A_1583, %pack3A_1276 : vector<32xbf16>
        %sub3A_1600 = arith.subf %add3A_1598, %mul3A_1599 : vector<32xbf16>
        %mul3A_1601 = arith.mulf %pack3A_1237, %neg3A_1583 : vector<32xbf16>
        %mul3A_1602 = arith.mulf %pack3A_1393, %pack3A_1263 : vector<32xbf16>
        %add3A_1603 = arith.addf %mul3A_1601, %mul3A_1602 : vector<32xbf16>
        %mul3A_1604 = arith.mulf %pack3A_1276, %neg3A_1580 : vector<32xbf16>
        %add3A_1605 = arith.addf %add3A_1603, %mul3A_1604 : vector<32xbf16>
        %mul3A_1606 = arith.mulf %neg3A_1586, %pack3A_1250 : vector<32xbf16>
        %sub3A_1607 = arith.subf %add3A_1605, %mul3A_1606 : vector<32xbf16>
        %mul3A_1608 = arith.mulf %pack3A_1237, %neg3A_1586 : vector<32xbf16>
        %mul3A_1609 = arith.mulf %pack3A_1393, %pack3A_1276 : vector<32xbf16>
        %add3A_1610 = arith.addf %mul3A_1608, %mul3A_1609 : vector<32xbf16>
        %mul3A_1611 = arith.mulf %pack3A_1250, %neg3A_1583 : vector<32xbf16>
        %add3A_1612 = arith.addf %add3A_1610, %mul3A_1611 : vector<32xbf16>
        %mul3A_1613 = arith.mulf %neg3A_1580, %pack3A_1263 : vector<32xbf16>
        %sub3A_1614 = arith.subf %add3A_1612, %mul3A_1613 : vector<32xbf16>
        %sub3A_1615 = arith.subf %sub3A_1491, %sub3A_1528 : vector<32xbf16>
        %sub3A_1616 = arith.subf %sub3A_1498, %sub3A_1535 : vector<32xbf16>
        %sub3A_1617 = arith.subf %sub3A_1505, %sub3A_1542 : vector<32xbf16>
        %sub3A_1618 = arith.subf %sub3A_1512, %sub3A_1549 : vector<32xbf16>
        %add3A_1619 = arith.addf %sub3A_1556, %sub3A_1593 : vector<32xbf16>
        %add3A_1620 = arith.addf %sub3A_1563, %sub3A_1600 : vector<32xbf16>
        %add3A_1621 = arith.addf %sub3A_1570, %sub3A_1607 : vector<32xbf16>
        %add3A_1622 = arith.addf %sub3A_1577, %sub3A_1614 : vector<32xbf16>
        %mul3A_1623 = arith.mulf %sub3A_1615, %pack3A_1289 : vector<32xbf16>
        %unpack3A_1624 = tpu.unpack_subelements %mul3A_1623, 0 {pack_format = #tpu.pack_format<interleaved>} : vector<32xbf16> -> vector<16xf32>
        %unpack3A_1625 = tpu.unpack_subelements %mul3A_1623, 1 {pack_format = #tpu.pack_format<interleaved>} : vector<32xbf16> -> vector<16xf32>
        %add3A_1626 = arith.addf %add3A_1172, %unpack3A_1624 : vector<16xf32>
        %add3A_1627 = arith.addf %add3A_1626, %unpack3A_1625 : vector<16xf32>
        %mul3A_1628 = arith.mulf %sub3A_1616, %pack3A_1302 : vector<32xbf16>
        %unpack3A_1629 = tpu.unpack_subelements %mul3A_1628, 0 {pack_format = #tpu.pack_format<interleaved>} : vector<32xbf16> -> vector<16xf32>
        %unpack3A_1630 = tpu.unpack_subelements %mul3A_1628, 1 {pack_format = #tpu.pack_format<interleaved>} : vector<32xbf16> -> vector<16xf32>
        %add3A_1631 = arith.addf %add3A_1627, %unpack3A_1629 : vector<16xf32>
        %add3A_1632 = arith.addf %add3A_1631, %unpack3A_1630 : vector<16xf32>
        %mul3A_1633 = arith.mulf %sub3A_1617, %pack3A_1315 : vector<32xbf16>
        %unpack3A_1634 = tpu.unpack_subelements %mul3A_1633, 0 {pack_format = #tpu.pack_format<interleaved>} : vector<32xbf16> -> vector<16xf32>
        %unpack3A_1635 = tpu.unpack_subelements %mul3A_1633, 1 {pack_format = #tpu.pack_format<interleaved>} : vector<32xbf16> -> vector<16xf32>
        %add3A_1636 = arith.addf %add3A_1632, %unpack3A_1634 : vector<16xf32>
        %add3A_1637 = arith.addf %add3A_1636, %unpack3A_1635 : vector<16xf32>
        %mul3A_1638 = arith.mulf %sub3A_1618, %pack3A_1328 : vector<32xbf16>
        %unpack3A_1639 = tpu.unpack_subelements %mul3A_1638, 0 {pack_format = #tpu.pack_format<interleaved>} : vector<32xbf16> -> vector<16xf32>
        %unpack3A_1640 = tpu.unpack_subelements %mul3A_1638, 1 {pack_format = #tpu.pack_format<interleaved>} : vector<32xbf16> -> vector<16xf32>
        %add3A_1641 = arith.addf %add3A_1637, %unpack3A_1639 : vector<16xf32>
        %add3A_1642 = arith.addf %add3A_1641, %unpack3A_1640 : vector<16xf32>
        %mul3A_1643 = arith.mulf %add3A_1619, %pack3A_1341 : vector<32xbf16>
        %unpack3A_1644 = tpu.unpack_subelements %mul3A_1643, 0 {pack_format = #tpu.pack_format<interleaved>} : vector<32xbf16> -> vector<16xf32>
        %unpack3A_1645 = tpu.unpack_subelements %mul3A_1643, 1 {pack_format = #tpu.pack_format<interleaved>} : vector<32xbf16> -> vector<16xf32>
        %add3A_1646 = arith.addf %add3A_1642, %unpack3A_1644 : vector<16xf32>
        %add3A_1647 = arith.addf %add3A_1646, %unpack3A_1645 : vector<16xf32>
        %mul3A_1648 = arith.mulf %add3A_1620, %pack3A_1354 : vector<32xbf16>
        %unpack3A_1649 = tpu.unpack_subelements %mul3A_1648, 0 {pack_format = #tpu.pack_format<interleaved>} : vector<32xbf16> -> vector<16xf32>
        %unpack3A_1650 = tpu.unpack_subelements %mul3A_1648, 1 {pack_format = #tpu.pack_format<interleaved>} : vector<32xbf16> -> vector<16xf32>
        %add3A_1651 = arith.addf %add3A_1647, %unpack3A_1649 : vector<16xf32>
        %add3A_1652 = arith.addf %add3A_1651, %unpack3A_1650 : vector<16xf32>
        %mul3A_1653 = arith.mulf %add3A_1621, %pack3A_1367 : vector<32xbf16>
        %unpack3A_1654 = tpu.unpack_subelements %mul3A_1653, 0 {pack_format = #tpu.pack_format<interleaved>} : vector<32xbf16> -> vector<16xf32>
        %unpack3A_1655 = tpu.unpack_subelements %mul3A_1653, 1 {pack_format = #tpu.pack_format<interleaved>} : vector<32xbf16> -> vector<16xf32>
        %add3A_1656 = arith.addf %add3A_1652, %unpack3A_1654 : vector<16xf32>
        %add3A_1657 = arith.addf %add3A_1656, %unpack3A_1655 : vector<16xf32>
        %mul3A_1658 = arith.mulf %add3A_1622, %pack3A_1380 : vector<32xbf16>
        %unpack3A_1659 = tpu.unpack_subelements %mul3A_1658, 0 {pack_format = #tpu.pack_format<interleaved>} : vector<32xbf16> -> vector<16xf32>
        %unpack3A_1660 = tpu.unpack_subelements %mul3A_1658, 1 {pack_format = #tpu.pack_format<interleaved>} : vector<32xbf16> -> vector<16xf32>
        %add3A_1661 = arith.addf %add3A_1657, %unpack3A_1659 : vector<16xf32>
        %add3A_1662 = arith.addf %add3A_1661, %unpack3A_1660 : vector<16xf32>
        %add3A_1663 = arith.constant 0 : i32
        %add3A_1664 = arith.addi %add3A_1663, %scan3A_196 : i32
        %get3A_1665 = arith.constant 0 : i32
        %get3A_1666 = arith.index_cast %get3A_1665 : i32 to index
        %get3A_1667 = arith.index_cast %add3A_1664 : i32 to index
        %get3A_1668 = arith.constant 96 : index
        %get3A_1669 = tpu.vector_load %arg7[%get3A_1666, %get3A_1667, %get3A_1668] {strides = array<i32>} : memref<2x128x128xf32, #tpu.memory_space<vmem>>, vector<16xf32>,
        %get3A_1670 = arith.constant 0 : i32
        %get3A_1671 = arith.index_cast %get3A_1670 : i32 to index
        %get3A_1672 = arith.index_cast %add3A_1664 : i32 to index
        %get3A_1673 = arith.constant 112 : index
        %get3A_1674 = tpu.vector_load %arg7[%get3A_1671, %get3A_1672, %get3A_1673] {strides = array<i32>} : memref<2x128x128xf32, #tpu.memory_space<vmem>>, vector<16xf32>,
        %pack3A_1675 = tpu.pack_subelements %get3A_1669, %get3A_1674 {pack_format = #tpu.pack_format<interleaved>, positions = array<i32: 0, 1>} : vector<16xf32>, vector<16xf32> -> vector<32xbf16>
        %add3A_1676 = arith.constant 16 : i32
        %add3A_1677 = arith.addi %add3A_1676, %scan3A_196 : i32
        %get3A_1678 = arith.constant 0 : i32
        %get3A_1679 = arith.index_cast %get3A_1678 : i32 to index
        %get3A_1680 = arith.index_cast %add3A_1677 : i32 to index
        %get3A_1681 = arith.constant 96 : index
        %get3A_1682 = tpu.vector_load %arg7[%get3A_1679, %get3A_1680, %get3A_1681] {strides = array<i32>} : memref<2x128x128xf32, #tpu.memory_space<vmem>>, vector<16xf32>,
        %get3A_1683 = arith.constant 0 : i32
        %get3A_1684 = arith.index_cast %get3A_1683 : i32 to index
        %get3A_1685 = arith.index_cast %add3A_1677 : i32 to index
        %get3A_1686 = arith.constant 112 : index
        %get3A_1687 = tpu.vector_load %arg7[%get3A_1684, %get3A_1685, %get3A_1686] {strides = array<i32>} : memref<2x128x128xf32, #tpu.memory_space<vmem>>, vector<16xf32>,
        %pack3A_1688 = tpu.pack_subelements %get3A_1682, %get3A_1687 {pack_format = #tpu.pack_format<interleaved>, positions = array<i32: 0, 1>} : vector<16xf32>, vector<16xf32> -> vector<32xbf16>
        %add3A_1689 = arith.constant 32 : i32
        %add3A_1690 = arith.addi %add3A_1689, %scan3A_196 : i32
        %get3A_1691 = arith.constant 0 : i32
        %get3A_1692 = arith.index_cast %get3A_1691 : i32 to index
        %get3A_1693 = arith.index_cast %add3A_1690 : i32 to index
        %get3A_1694 = arith.constant 96 : index
        %get3A_1695 = tpu.vector_load %arg7[%get3A_1692, %get3A_1693, %get3A_1694] {strides = array<i32>} : memref<2x128x128xf32, #tpu.memory_space<vmem>>, vector<16xf32>,
        %get3A_1696 = arith.constant 0 : i32
        %get3A_1697 = arith.index_cast %get3A_1696 : i32 to index
        %get3A_1698 = arith.index_cast %add3A_1690 : i32 to index
        %get3A_1699 = arith.constant 112 : index
        %get3A_1700 = tpu.vector_load %arg7[%get3A_1697, %get3A_1698, %get3A_1699] {strides = array<i32>} : memref<2x128x128xf32, #tpu.memory_space<vmem>>, vector<16xf32>,
        %pack3A_1701 = tpu.pack_subelements %get3A_1695, %get3A_1700 {pack_format = #tpu.pack_format<interleaved>, positions = array<i32: 0, 1>} : vector<16xf32>, vector<16xf32> -> vector<32xbf16>
        %add3A_1702 = arith.constant 48 : i32
        %add3A_1703 = arith.addi %add3A_1702, %scan3A_196 : i32
        %get3A_1704 = arith.constant 0 : i32
        %get3A_1705 = arith.index_cast %get3A_1704 : i32 to index
        %get3A_1706 = arith.index_cast %add3A_1703 : i32 to index
        %get3A_1707 = arith.constant 96 : index
        %get3A_1708 = tpu.vector_load %arg7[%get3A_1705, %get3A_1706, %get3A_1707] {strides = array<i32>} : memref<2x128x128xf32, #tpu.memory_space<vmem>>, vector<16xf32>,
        %get3A_1709 = arith.constant 0 : i32
        %get3A_1710 = arith.index_cast %get3A_1709 : i32 to index
        %get3A_1711 = arith.index_cast %add3A_1703 : i32 to index
        %get3A_1712 = arith.constant 112 : index
        %get3A_1713 = tpu.vector_load %arg7[%get3A_1710, %get3A_1711, %get3A_1712] {strides = array<i32>} : memref<2x128x128xf32, #tpu.memory_space<vmem>>, vector<16xf32>,
        %pack3A_1714 = tpu.pack_subelements %get3A_1708, %get3A_1713 {pack_format = #tpu.pack_format<interleaved>, positions = array<i32: 0, 1>} : vector<16xf32>, vector<16xf32> -> vector<32xbf16>
        %add3A_1715 = arith.constant 64 : i32
        %add3A_1716 = arith.addi %add3A_1715, %scan3A_196 : i32
        %get3A_1717 = arith.constant 0 : i32
        %get3A_1718 = arith.index_cast %get3A_1717 : i32 to index
        %get3A_1719 = arith.index_cast %add3A_1716 : i32 to index
        %get3A_1720 = arith.constant 96 : index
        %get3A_1721 = tpu.vector_load %arg7[%get3A_1718, %get3A_1719, %get3A_1720] {strides = array<i32>} : memref<2x128x128xf32, #tpu.memory_space<vmem>>, vector<16xf32>,
        %get3A_1722 = arith.constant 0 : i32
        %get3A_1723 = arith.index_cast %get3A_1722 : i32 to index
        %get3A_1724 = arith.index_cast %add3A_1716 : i32 to index
        %get3A_1725 = arith.constant 112 : index
        %get3A_1726 = tpu.vector_load %arg7[%get3A_1723, %get3A_1724, %get3A_1725] {strides = array<i32>} : memref<2x128x128xf32, #tpu.memory_space<vmem>>, vector<16xf32>,
        %pack3A_1727 = tpu.pack_subelements %get3A_1721, %get3A_1726 {pack_format = #tpu.pack_format<interleaved>, positions = array<i32: 0, 1>} : vector<16xf32>, vector<16xf32> -> vector<32xbf16>
        %add3A_1728 = arith.constant 80 : i32
        %add3A_1729 = arith.addi %add3A_1728, %scan3A_196 : i32
        %get3A_1730 = arith.constant 0 : i32
        %get3A_1731 = arith.index_cast %get3A_1730 : i32 to index
        %get3A_1732 = arith.index_cast %add3A_1729 : i32 to index
        %get3A_1733 = arith.constant 96 : index
        %get3A_1734 = tpu.vector_load %arg7[%get3A_1731, %get3A_1732, %get3A_1733] {strides = array<i32>} : memref<2x128x128xf32, #tpu.memory_space<vmem>>, vector<16xf32>,
        %get3A_1735 = arith.constant 0 : i32
        %get3A_1736 = arith.index_cast %get3A_1735 : i32 to index
        %get3A_1737 = arith.index_cast %add3A_1729 : i32 to index
        %get3A_1738 = arith.constant 112 : index
        %get3A_1739 = tpu.vector_load %arg7[%get3A_1736, %get3A_1737, %get3A_1738] {strides = array<i32>} : memref<2x128x128xf32, #tpu.memory_space<vmem>>, vector<16xf32>,
        %pack3A_1740 = tpu.pack_subelements %get3A_1734, %get3A_1739 {pack_format = #tpu.pack_format<interleaved>, positions = array<i32: 0, 1>} : vector<16xf32>, vector<16xf32> -> vector<32xbf16>
        %add3A_1741 = arith.constant 96 : i32
        %add3A_1742 = arith.addi %add3A_1741, %scan3A_196 : i32
        %get3A_1743 = arith.constant 0 : i32
        %get3A_1744 = arith.index_cast %get3A_1743 : i32 to index
        %get3A_1745 = arith.index_cast %add3A_1742 : i32 to index
        %get3A_1746 = arith.constant 96 : index
        %get3A_1747 = tpu.vector_load %arg7[%get3A_1744, %get3A_1745, %get3A_1746] {strides = array<i32>} : memref<2x128x128xf32, #tpu.memory_space<vmem>>, vector<16xf32>,
        %get3A_1748 = arith.constant 0 : i32
        %get3A_1749 = arith.index_cast %get3A_1748 : i32 to index
        %get3A_1750 = arith.index_cast %add3A_1742 : i32 to index
        %get3A_1751 = arith.constant 112 : index
        %get3A_1752 = tpu.vector_load %arg7[%get3A_1749, %get3A_1750, %get3A_1751] {strides = array<i32>} : memref<2x128x128xf32, #tpu.memory_space<vmem>>, vector<16xf32>,
        %pack3A_1753 = tpu.pack_subelements %get3A_1747, %get3A_1752 {pack_format = #tpu.pack_format<interleaved>, positions = array<i32: 0, 1>} : vector<16xf32>, vector<16xf32> -> vector<32xbf16>
        %add3A_1754 = arith.constant 112 : i32
        %add3A_1755 = arith.addi %add3A_1754, %scan3A_196 : i32
        %get3A_1756 = arith.constant 0 : i32
        %get3A_1757 = arith.index_cast %get3A_1756 : i32 to index
        %get3A_1758 = arith.index_cast %add3A_1755 : i32 to index
        %get3A_1759 = arith.constant 96 : index
        %get3A_1760 = tpu.vector_load %arg7[%get3A_1757, %get3A_1758, %get3A_1759] {strides = array<i32>} : memref<2x128x128xf32, #tpu.memory_space<vmem>>, vector<16xf32>,
        %get3A_1761 = arith.constant 0 : i32
        %get3A_1762 = arith.index_cast %get3A_1761 : i32 to index
        %get3A_1763 = arith.index_cast %add3A_1755 : i32 to index
        %get3A_1764 = arith.constant 112 : index
        %get3A_1765 = tpu.vector_load %arg7[%get3A_1762, %get3A_1763, %get3A_1764] {strides = array<i32>} : memref<2x128x128xf32, #tpu.memory_space<vmem>>, vector<16xf32>,
        %pack3A_1766 = tpu.pack_subelements %get3A_1760, %get3A_1765 {pack_format = #tpu.pack_format<interleaved>, positions = array<i32: 0, 1>} : vector<16xf32>, vector<16xf32> -> vector<32xbf16>
        %add3A_1767 = arith.constant 0 : i32
        %add3A_1768 = arith.addi %add3A_1767, %scan3A_196 : i32
        %get3A_1769 = arith.constant 0 : i32
        %get3A_1770 = arith.index_cast %get3A_1769 : i32 to index
        %get3A_1771 = arith.index_cast %add3A_1768 : i32 to index
        %get3A_1772 = arith.constant 96 : index
        %get3A_1773 = tpu.vector_load %arg8[%get3A_1770, %get3A_1771, %get3A_1772] {strides = array<i32>} : memref<2x128x128xf32, #tpu.memory_space<vmem>>, vector<16xf32>,
        %get3A_1774 = arith.constant 0 : i32
        %get3A_1775 = arith.index_cast %get3A_1774 : i32 to index
        %get3A_1776 = arith.index_cast %add3A_1768 : i32 to index
        %get3A_1777 = arith.constant 112 : index
        %get3A_1778 = tpu.vector_load %arg8[%get3A_1775, %get3A_1776, %get3A_1777] {strides = array<i32>} : memref<2x128x128xf32, #tpu.memory_space<vmem>>, vector<16xf32>,
        %pack3A_1779 = tpu.pack_subelements %get3A_1773, %get3A_1778 {pack_format = #tpu.pack_format<interleaved>, positions = array<i32: 0, 1>} : vector<16xf32>, vector<16xf32> -> vector<32xbf16>
        %add3A_1780 = arith.constant 16 : i32
        %add3A_1781 = arith.addi %add3A_1780, %scan3A_196 : i32
        %get3A_1782 = arith.constant 0 : i32
        %get3A_1783 = arith.index_cast %get3A_1782 : i32 to index
        %get3A_1784 = arith.index_cast %add3A_1781 : i32 to index
        %get3A_1785 = arith.constant 96 : index
        %get3A_1786 = tpu.vector_load %arg8[%get3A_1783, %get3A_1784, %get3A_1785] {strides = array<i32>} : memref<2x128x128xf32, #tpu.memory_space<vmem>>, vector<16xf32>,
        %get3A_1787 = arith.constant 0 : i32
        %get3A_1788 = arith.index_cast %get3A_1787 : i32 to index
        %get3A_1789 = arith.index_cast %add3A_1781 : i32 to index
        %get3A_1790 = arith.constant 112 : index
        %get3A_1791 = tpu.vector_load %arg8[%get3A_1788, %get3A_1789, %get3A_1790] {strides = array<i32>} : memref<2x128x128xf32, #tpu.memory_space<vmem>>, vector<16xf32>,
        %pack3A_1792 = tpu.pack_subelements %get3A_1786, %get3A_1791 {pack_format = #tpu.pack_format<interleaved>, positions = array<i32: 0, 1>} : vector<16xf32>, vector<16xf32> -> vector<32xbf16>
        %add3A_1793 = arith.constant 32 : i32
        %add3A_1794 = arith.addi %add3A_1793, %scan3A_196 : i32
        %get3A_1795 = arith.constant 0 : i32
        %get3A_1796 = arith.index_cast %get3A_1795 : i32 to index
        %get3A_1797 = arith.index_cast %add3A_1794 : i32 to index
        %get3A_1798 = arith.constant 96 : index
        %get3A_1799 = tpu.vector_load %arg8[%get3A_1796, %get3A_1797, %get3A_1798] {strides = array<i32>} : memref<2x128x128xf32, #tpu.memory_space<vmem>>, vector<16xf32>,
        %get3A_1800 = arith.constant 0 : i32
        %get3A_1801 = arith.index_cast %get3A_1800 : i32 to index
        %get3A_1802 = arith.index_cast %add3A_1794 : i32 to index
        %get3A_1803 = arith.constant 112 : index
        %get3A_1804 = tpu.vector_load %arg8[%get3A_1801, %get3A_1802, %get3A_1803] {strides = array<i32>} : memref<2x128x128xf32, #tpu.memory_space<vmem>>, vector<16xf32>,
        %pack3A_1805 = tpu.pack_subelements %get3A_1799, %get3A_1804 {pack_format = #tpu.pack_format<interleaved>, positions = array<i32: 0, 1>} : vector<16xf32>, vector<16xf32> -> vector<32xbf16>
        %add3A_1806 = arith.constant 48 : i32
        %add3A_1807 = arith.addi %add3A_1806, %scan3A_196 : i32
        %get3A_1808 = arith.constant 0 : i32
        %get3A_1809 = arith.index_cast %get3A_1808 : i32 to index
        %get3A_1810 = arith.index_cast %add3A_1807 : i32 to index
        %get3A_1811 = arith.constant 96 : index
        %get3A_1812 = tpu.vector_load %arg8[%get3A_1809, %get3A_1810, %get3A_1811] {strides = array<i32>} : memref<2x128x128xf32, #tpu.memory_space<vmem>>, vector<16xf32>,
        %get3A_1813 = arith.constant 0 : i32
        %get3A_1814 = arith.index_cast %get3A_1813 : i32 to index
        %get3A_1815 = arith.index_cast %add3A_1807 : i32 to index
        %get3A_1816 = arith.constant 112 : index
        %get3A_1817 = tpu.vector_load %arg8[%get3A_1814, %get3A_1815, %get3A_1816] {strides = array<i32>} : memref<2x128x128xf32, #tpu.memory_space<vmem>>, vector<16xf32>,
        %pack3A_1818 = tpu.pack_subelements %get3A_1812, %get3A_1817 {pack_format = #tpu.pack_format<interleaved>, positions = array<i32: 0, 1>} : vector<16xf32>, vector<16xf32> -> vector<32xbf16>
        %add3A_1819 = arith.constant 64 : i32
        %add3A_1820 = arith.addi %add3A_1819, %scan3A_196 : i32
        %get3A_1821 = arith.constant 0 : i32
        %get3A_1822 = arith.index_cast %get3A_1821 : i32 to index
        %get3A_1823 = arith.index_cast %add3A_1820 : i32 to index
        %get3A_1824 = arith.constant 96 : index
        %get3A_1825 = tpu.vector_load %arg8[%get3A_1822, %get3A_1823, %get3A_1824] {strides = array<i32>} : memref<2x128x128xf32, #tpu.memory_space<vmem>>, vector<16xf32>,
        %get3A_1826 = arith.constant 0 : i32
        %get3A_1827 = arith.index_cast %get3A_1826 : i32 to index
        %get3A_1828 = arith.index_cast %add3A_1820 : i32 to index
        %get3A_1829 = arith.constant 112 : index
        %get3A_1830 = tpu.vector_load %arg8[%get3A_1827, %get3A_1828, %get3A_1829] {strides = array<i32>} : memref<2x128x128xf32, #tpu.memory_space<vmem>>, vector<16xf32>,
        %pack3A_1831 = tpu.pack_subelements %get3A_1825, %get3A_1830 {pack_format = #tpu.pack_format<interleaved>, positions = array<i32: 0, 1>} : vector<16xf32>, vector<16xf32> -> vector<32xbf16>
        %add3A_1832 = arith.constant 80 : i32
        %add3A_1833 = arith.addi %add3A_1832, %scan3A_196 : i32
        %get3A_1834 = arith.constant 0 : i32
        %get3A_1835 = arith.index_cast %get3A_1834 : i32 to index
        %get3A_1836 = arith.index_cast %add3A_1833 : i32 to index
        %get3A_1837 = arith.constant 96 : index
        %get3A_1838 = tpu.vector_load %arg8[%get3A_1835, %get3A_1836, %get3A_1837] {strides = array<i32>} : memref<2x128x128xf32, #tpu.memory_space<vmem>>, vector<16xf32>,
        %get3A_1839 = arith.constant 0 : i32
        %get3A_1840 = arith.index_cast %get3A_1839 : i32 to index
        %get3A_1841 = arith.index_cast %add3A_1833 : i32 to index
        %get3A_1842 = arith.constant 112 : index
        %get3A_1843 = tpu.vector_load %arg8[%get3A_1840, %get3A_1841, %get3A_1842] {strides = array<i32>} : memref<2x128x128xf32, #tpu.memory_space<vmem>>, vector<16xf32>,
        %pack3A_1844 = tpu.pack_subelements %get3A_1838, %get3A_1843 {pack_format = #tpu.pack_format<interleaved>, positions = array<i32: 0, 1>} : vector<16xf32>, vector<16xf32> -> vector<32xbf16>
        %add3A_1845 = arith.constant 96 : i32
        %add3A_1846 = arith.addi %add3A_1845, %scan3A_196 : i32
        %get3A_1847 = arith.constant 0 : i32
        %get3A_1848 = arith.index_cast %get3A_1847 : i32 to index
        %get3A_1849 = arith.index_cast %add3A_1846 : i32 to index
        %get3A_1850 = arith.constant 96 : index
        %get3A_1851 = tpu.vector_load %arg8[%get3A_1848, %get3A_1849, %get3A_1850] {strides = array<i32>} : memref<2x128x128xf32, #tpu.memory_space<vmem>>, vector<16xf32>,
        %get3A_1852 = arith.constant 0 : i32
        %get3A_1853 = arith.index_cast %get3A_1852 : i32 to index
        %get3A_1854 = arith.index_cast %add3A_1846 : i32 to index
        %get3A_1855 = arith.constant 112 : index
        %get3A_1856 = tpu.vector_load %arg8[%get3A_1853, %get3A_1854, %get3A_1855] {strides = array<i32>} : memref<2x128x128xf32, #tpu.memory_space<vmem>>, vector<16xf32>,
        %pack3A_1857 = tpu.pack_subelements %get3A_1851, %get3A_1856 {pack_format = #tpu.pack_format<interleaved>, positions = array<i32: 0, 1>} : vector<16xf32>, vector<16xf32> -> vector<32xbf16>
        %add3A_1858 = arith.constant 112 : i32
        %add3A_1859 = arith.addi %add3A_1858, %scan3A_196 : i32
        %get3A_1860 = arith.constant 0 : i32
        %get3A_1861 = arith.index_cast %get3A_1860 : i32 to index
        %get3A_1862 = arith.index_cast %add3A_1859 : i32 to index
        %get3A_1863 = arith.constant 96 : index
        %get3A_1864 = tpu.vector_load %arg8[%get3A_1861, %get3A_1862, %get3A_1863] {strides = array<i32>} : memref<2x128x128xf32, #tpu.memory_space<vmem>>, vector<16xf32>,
        %get3A_1865 = arith.constant 0 : i32
        %get3A_1866 = arith.index_cast %get3A_1865 : i32 to index
        %get3A_1867 = arith.index_cast %add3A_1859 : i32 to index
        %get3A_1868 = arith.constant 112 : index
        %get3A_1869 = tpu.vector_load %arg8[%get3A_1866, %get3A_1867, %get3A_1868] {strides = array<i32>} : memref<2x128x128xf32, #tpu.memory_space<vmem>>, vector<16xf32>,
        %pack3A_1870 = tpu.pack_subelements %get3A_1864, %get3A_1869 {pack_format = #tpu.pack_format<interleaved>, positions = array<i32: 0, 1>} : vector<16xf32>, vector<16xf32> -> vector<32xbf16>
        %add3A_1871 = arith.constant 0 : i32
        %add3A_1872 = arith.addi %add3A_1871, %scan3A_196 : i32
        %get3A_1873 = arith.constant 0 : i32
        %get3A_1874 = arith.index_cast %get3A_1873 : i32 to index
        %get3A_1875 = arith.index_cast %add3A_1872 : i32 to index
        %get3A_1876 = arith.constant 96 : index
        %get3A_1877 = tpu.vector_load %arg9[%get3A_1874, %get3A_1875, %get3A_1876] {strides = array<i32>} : memref<2x128x128xf32, #tpu.memory_space<vmem>>, vector<16xf32>,
        %get3A_1878 = arith.constant 0 : i32
        %get3A_1879 = arith.index_cast %get3A_1878 : i32 to index
        %get3A_1880 = arith.index_cast %add3A_1872 : i32 to index
        %get3A_1881 = arith.constant 112 : index
        %get3A_1882 = tpu.vector_load %arg9[%get3A_1879, %get3A_1880, %get3A_1881] {strides = array<i32>} : memref<2x128x128xf32, #tpu.memory_space<vmem>>, vector<16xf32>,
        %pack3A_1883 = tpu.pack_subelements %get3A_1877, %get3A_1882 {pack_format = #tpu.pack_format<interleaved>, positions = array<i32: 0, 1>} : vector<16xf32>, vector<16xf32> -> vector<32xbf16>
        %add3A_1884 = arith.constant 16 : i32
        %add3A_1885 = arith.addi %add3A_1884, %scan3A_196 : i32
        %get3A_1886 = arith.constant 0 : i32
        %get3A_1887 = arith.index_cast %get3A_1886 : i32 to index
        %get3A_1888 = arith.index_cast %add3A_1885 : i32 to index
        %get3A_1889 = arith.constant 96 : index
        %get3A_1890 = tpu.vector_load %arg9[%get3A_1887, %get3A_1888, %get3A_1889] {strides = array<i32>} : memref<2x128x128xf32, #tpu.memory_space<vmem>>, vector<16xf32>,
        %get3A_1891 = arith.constant 0 : i32
        %get3A_1892 = arith.index_cast %get3A_1891 : i32 to index
        %get3A_1893 = arith.index_cast %add3A_1885 : i32 to index
        %get3A_1894 = arith.constant 112 : index
        %get3A_1895 = tpu.vector_load %arg9[%get3A_1892, %get3A_1893, %get3A_1894] {strides = array<i32>} : memref<2x128x128xf32, #tpu.memory_space<vmem>>, vector<16xf32>,
        %pack3A_1896 = tpu.pack_subelements %get3A_1890, %get3A_1895 {pack_format = #tpu.pack_format<interleaved>, positions = array<i32: 0, 1>} : vector<16xf32>, vector<16xf32> -> vector<32xbf16>
        %add3A_1897 = arith.constant 32 : i32
        %add3A_1898 = arith.addi %add3A_1897, %scan3A_196 : i32
        %get3A_1899 = arith.constant 0 : i32
        %get3A_1900 = arith.index_cast %get3A_1899 : i32 to index
        %get3A_1901 = arith.index_cast %add3A_1898 : i32 to index
        %get3A_1902 = arith.constant 96 : index
        %get3A_1903 = tpu.vector_load %arg9[%get3A_1900, %get3A_1901, %get3A_1902] {strides = array<i32>} : memref<2x128x128xf32, #tpu.memory_space<vmem>>, vector<16xf32>,
        %get3A_1904 = arith.constant 0 : i32
        %get3A_1905 = arith.index_cast %get3A_1904 : i32 to index
        %get3A_1906 = arith.index_cast %add3A_1898 : i32 to index
        %get3A_1907 = arith.constant 112 : index
        %get3A_1908 = tpu.vector_load %arg9[%get3A_1905, %get3A_1906, %get3A_1907] {strides = array<i32>} : memref<2x128x128xf32, #tpu.memory_space<vmem>>, vector<16xf32>,
        %pack3A_1909 = tpu.pack_subelements %get3A_1903, %get3A_1908 {pack_format = #tpu.pack_format<interleaved>, positions = array<i32: 0, 1>} : vector<16xf32>, vector<16xf32> -> vector<32xbf16>
        %add3A_1910 = arith.constant 48 : i32
        %add3A_1911 = arith.addi %add3A_1910, %scan3A_196 : i32
        %get3A_1912 = arith.constant 0 : i32
        %get3A_1913 = arith.index_cast %get3A_1912 : i32 to index
        %get3A_1914 = arith.index_cast %add3A_1911 : i32 to index
        %get3A_1915 = arith.constant 96 : index
        %get3A_1916 = tpu.vector_load %arg9[%get3A_1913, %get3A_1914, %get3A_1915] {strides = array<i32>} : memref<2x128x128xf32, #tpu.memory_space<vmem>>, vector<16xf32>,
        %get3A_1917 = arith.constant 0 : i32
        %get3A_1918 = arith.index_cast %get3A_1917 : i32 to index
        %get3A_1919 = arith.index_cast %add3A_1911 : i32 to index
        %get3A_1920 = arith.constant 112 : index
        %get3A_1921 = tpu.vector_load %arg9[%get3A_1918, %get3A_1919, %get3A_1920] {strides = array<i32>} : memref<2x128x128xf32, #tpu.memory_space<vmem>>, vector<16xf32>,
        %pack3A_1922 = tpu.pack_subelements %get3A_1916, %get3A_1921 {pack_format = #tpu.pack_format<interleaved>, positions = array<i32: 0, 1>} : vector<16xf32>, vector<16xf32> -> vector<32xbf16>
        %add3A_1923 = arith.constant 64 : i32
        %add3A_1924 = arith.addi %add3A_1923, %scan3A_196 : i32
        %get3A_1925 = arith.constant 0 : i32
        %get3A_1926 = arith.index_cast %get3A_1925 : i32 to index
        %get3A_1927 = arith.index_cast %add3A_1924 : i32 to index
        %get3A_1928 = arith.constant 96 : index
        %get3A_1929 = tpu.vector_load %arg9[%get3A_1926, %get3A_1927, %get3A_1928] {strides = array<i32>} : memref<2x128x128xf32, #tpu.memory_space<vmem>>, vector<16xf32>,
        %get3A_1930 = arith.constant 0 : i32
        %get3A_1931 = arith.index_cast %get3A_1930 : i32 to index
        %get3A_1932 = arith.index_cast %add3A_1924 : i32 to index
        %get3A_1933 = arith.constant 112 : index
        %get3A_1934 = tpu.vector_load %arg9[%get3A_1931, %get3A_1932, %get3A_1933] {strides = array<i32>} : memref<2x128x128xf32, #tpu.memory_space<vmem>>, vector<16xf32>,
        %pack3A_1935 = tpu.pack_subelements %get3A_1929, %get3A_1934 {pack_format = #tpu.pack_format<interleaved>, positions = array<i32: 0, 1>} : vector<16xf32>, vector<16xf32> -> vector<32xbf16>
        %add3A_1936 = arith.constant 80 : i32
        %add3A_1937 = arith.addi %add3A_1936, %scan3A_196 : i32
        %get3A_1938 = arith.constant 0 : i32
        %get3A_1939 = arith.index_cast %get3A_1938 : i32 to index
        %get3A_1940 = arith.index_cast %add3A_1937 : i32 to index
        %get3A_1941 = arith.constant 96 : index
        %get3A_1942 = tpu.vector_load %arg9[%get3A_1939, %get3A_1940, %get3A_1941] {strides = array<i32>} : memref<2x128x128xf32, #tpu.memory_space<vmem>>, vector<16xf32>,
        %get3A_1943 = arith.constant 0 : i32
        %get3A_1944 = arith.index_cast %get3A_1943 : i32 to index
        %get3A_1945 = arith.index_cast %add3A_1937 : i32 to index
        %get3A_1946 = arith.constant 112 : index
        %get3A_1947 = tpu.vector_load %arg9[%get3A_1944, %get3A_1945, %get3A_1946] {strides = array<i32>} : memref<2x128x128xf32, #tpu.memory_space<vmem>>, vector<16xf32>,
        %pack3A_1948 = tpu.pack_subelements %get3A_1942, %get3A_1947 {pack_format = #tpu.pack_format<interleaved>, positions = array<i32: 0, 1>} : vector<16xf32>, vector<16xf32> -> vector<32xbf16>
        %add3A_1949 = arith.constant 96 : i32
        %add3A_1950 = arith.addi %add3A_1949, %scan3A_196 : i32
        %get3A_1951 = arith.constant 0 : i32
        %get3A_1952 = arith.index_cast %get3A_1951 : i32 to index
        %get3A_1953 = arith.index_cast %add3A_1950 : i32 to index
        %get3A_1954 = arith.constant 96 : index
        %get3A_1955 = tpu.vector_load %arg9[%get3A_1952, %get3A_1953, %get3A_1954] {strides = array<i32>} : memref<2x128x128xf32, #tpu.memory_space<vmem>>, vector<16xf32>,
        %get3A_1956 = arith.constant 0 : i32
        %get3A_1957 = arith.index_cast %get3A_1956 : i32 to index
        %get3A_1958 = arith.index_cast %add3A_1950 : i32 to index
        %get3A_1959 = arith.constant 112 : index
        %get3A_1960 = tpu.vector_load %arg9[%get3A_1957, %get3A_1958, %get3A_1959] {strides = array<i32>} : memref<2x128x128xf32, #tpu.memory_space<vmem>>, vector<16xf32>,
        %pack3A_1961 = tpu.pack_subelements %get3A_1955, %get3A_1960 {pack_format = #tpu.pack_format<interleaved>, positions = array<i32: 0, 1>} : vector<16xf32>, vector<16xf32> -> vector<32xbf16>
        %add3A_1962 = arith.constant 112 : i32
        %add3A_1963 = arith.addi %add3A_1962, %scan3A_196 : i32
        %get3A_1964 = arith.constant 0 : i32
        %get3A_1965 = arith.index_cast %get3A_1964 : i32 to index
        %get3A_1966 = arith.index_cast %add3A_1963 : i32 to index
        %get3A_1967 = arith.constant 96 : index
        %get3A_1968 = tpu.vector_load %arg9[%get3A_1965, %get3A_1966, %get3A_1967] {strides = array<i32>} : memref<2x128x128xf32, #tpu.memory_space<vmem>>, vector<16xf32>,
        %get3A_1969 = arith.constant 0 : i32
        %get3A_1970 = arith.index_cast %get3A_1969 : i32 to index
        %get3A_1971 = arith.index_cast %add3A_1963 : i32 to index
        %get3A_1972 = arith.constant 112 : index
        %get3A_1973 = tpu.vector_load %arg9[%get3A_1970, %get3A_1971, %get3A_1972] {strides = array<i32>} : memref<2x128x128xf32, #tpu.memory_space<vmem>>, vector<16xf32>,
        %pack3A_1974 = tpu.pack_subelements %get3A_1968, %get3A_1973 {pack_format = #tpu.pack_format<interleaved>, positions = array<i32: 0, 1>} : vector<16xf32>, vector<16xf32> -> vector<32xbf16>
        %mul3A_1975 = arith.mulf %pack3A_1675, %pack3A_1883 : vector<32xbf16>
        %mul3A_1976 = arith.mulf %pack3A_1688, %pack3A_1896 : vector<32xbf16>
        %sub3A_1977 = arith.subf %mul3A_1975, %mul3A_1976 : vector<32xbf16>
        %mul3A_1978 = arith.mulf %pack3A_1701, %pack3A_1909 : vector<32xbf16>
        %sub3A_1979 = arith.subf %sub3A_1977, %mul3A_1978 : vector<32xbf16>
        %mul3A_1980 = arith.mulf %pack3A_1714, %pack3A_1922 : vector<32xbf16>
        %sub3A_1981 = arith.subf %sub3A_1979, %mul3A_1980 : vector<32xbf16>
        %mul3A_1982 = arith.mulf %pack3A_1675, %pack3A_1896 : vector<32xbf16>
        %mul3A_1983 = arith.mulf %pack3A_1883, %pack3A_1688 : vector<32xbf16>
        %add3A_1984 = arith.addf %mul3A_1982, %mul3A_1983 : vector<32xbf16>
        %mul3A_1985 = arith.mulf %pack3A_1701, %pack3A_1922 : vector<32xbf16>
        %add3A_1986 = arith.addf %add3A_1984, %mul3A_1985 : vector<32xbf16>
        %mul3A_1987 = arith.mulf %pack3A_1909, %pack3A_1714 : vector<32xbf16>
        %sub3A_1988 = arith.subf %add3A_1986, %mul3A_1987 : vector<32xbf16>
        %mul3A_1989 = arith.mulf %pack3A_1675, %pack3A_1909 : vector<32xbf16>
        %mul3A_1990 = arith.mulf %pack3A_1883, %pack3A_1701 : vector<32xbf16>
        %add3A_1991 = arith.addf %mul3A_1989, %mul3A_1990 : vector<32xbf16>
        %mul3A_1992 = arith.mulf %pack3A_1714, %pack3A_1896 : vector<32xbf16>
        %add3A_1993 = arith.addf %add3A_1991, %mul3A_1992 : vector<32xbf16>
        %mul3A_1994 = arith.mulf %pack3A_1922, %pack3A_1688 : vector<32xbf16>
        %sub3A_1995 = arith.subf %add3A_1993, %mul3A_1994 : vector<32xbf16>
        %mul3A_1996 = arith.mulf %pack3A_1675, %pack3A_1922 : vector<32xbf16>
        %mul3A_1997 = arith.mulf %pack3A_1883, %pack3A_1714 : vector<32xbf16>
        %add3A_1998 = arith.addf %mul3A_1996, %mul3A_1997 : vector<32xbf16>
        %mul3A_1999 = arith.mulf %pack3A_1688, %pack3A_1909 : vector<32xbf16>
        %add3A_2000 = arith.addf %add3A_1998, %mul3A_1999 : vector<32xbf16>
        %mul3A_2001 = arith.mulf %pack3A_1896, %pack3A_1701 : vector<32xbf16>
        %sub3A_2002 = arith.subf %add3A_2000, %mul3A_2001 : vector<32xbf16>
        %neg3A_2003 = arith.constant 0.000000e+00 : bf16
        %neg3A_2004 = vector.broadcast %neg3A_2003 : bf16 to vector<32xbf16>
        %neg3A_2005 = arith.subf %neg3A_2004, %pack3A_1948 : vector<32xbf16>
        %neg3A_2006 = arith.constant 0.000000e+00 : bf16
        %neg3A_2007 = vector.broadcast %neg3A_2006 : bf16 to vector<32xbf16>
        %neg3A_2008 = arith.subf %neg3A_2007, %pack3A_1961 : vector<32xbf16>
        %neg3A_2009 = arith.constant 0.000000e+00 : bf16
        %neg3A_2010 = vector.broadcast %neg3A_2009 : bf16 to vector<32xbf16>
        %neg3A_2011 = arith.subf %neg3A_2010, %pack3A_1974 : vector<32xbf16>
        %mul3A_2012 = arith.mulf %pack3A_1935, %pack3A_1727 : vector<32xbf16>
        %mul3A_2013 = arith.mulf %neg3A_2005, %pack3A_1740 : vector<32xbf16>
        %sub3A_2014 = arith.subf %mul3A_2012, %mul3A_2013 : vector<32xbf16>
        %mul3A_2015 = arith.mulf %neg3A_2008, %pack3A_1753 : vector<32xbf16>
        %sub3A_2016 = arith.subf %sub3A_2014, %mul3A_2015 : vector<32xbf16>
        %mul3A_2017 = arith.mulf %neg3A_2011, %pack3A_1766 : vector<32xbf16>
        %sub3A_2018 = arith.subf %sub3A_2016, %mul3A_2017 : vector<32xbf16>
        %mul3A_2019 = arith.mulf %pack3A_1935, %pack3A_1740 : vector<32xbf16>
        %mul3A_2020 = arith.mulf %pack3A_1727, %neg3A_2005 : vector<32xbf16>
        %add3A_2021 = arith.addf %mul3A_2019, %mul3A_2020 : vector<32xbf16>
        %mul3A_2022 = arith.mulf %neg3A_2008, %pack3A_1766 : vector<32xbf16>
        %add3A_2023 = arith.addf %add3A_2021, %mul3A_2022 : vector<32xbf16>
        %mul3A_2024 = arith.mulf %pack3A_1753, %neg3A_2011 : vector<32xbf16>
        %sub3A_2025 = arith.subf %add3A_2023, %mul3A_2024 : vector<32xbf16>
        %mul3A_2026 = arith.mulf %pack3A_1935, %pack3A_1753 : vector<32xbf16>
        %mul3A_2027 = arith.mulf %pack3A_1727, %neg3A_2008 : vector<32xbf16>
        %add3A_2028 = arith.addf %mul3A_2026, %mul3A_2027 : vector<32xbf16>
        %mul3A_2029 = arith.mulf %neg3A_2011, %pack3A_1740 : vector<32xbf16>
        %add3A_2030 = arith.addf %add3A_2028, %mul3A_2029 : vector<32xbf16>
        %mul3A_2031 = arith.mulf %pack3A_1766, %neg3A_2005 : vector<32xbf16>
        %sub3A_2032 = arith.subf %add3A_2030, %mul3A_2031 : vector<32xbf16>
        %mul3A_2033 = arith.mulf %pack3A_1935, %pack3A_1766 : vector<32xbf16>
        %mul3A_2034 = arith.mulf %pack3A_1727, %neg3A_2011 : vector<32xbf16>
        %add3A_2035 = arith.addf %mul3A_2033, %mul3A_2034 : vector<32xbf16>
        %mul3A_2036 = arith.mulf %neg3A_2005, %pack3A_1753 : vector<32xbf16>
        %add3A_2037 = arith.addf %add3A_2035, %mul3A_2036 : vector<32xbf16>
        %mul3A_2038 = arith.mulf %pack3A_1740, %neg3A_2008 : vector<32xbf16>
        %sub3A_2039 = arith.subf %add3A_2037, %mul3A_2038 : vector<32xbf16>
        %mul3A_2040 = arith.mulf %pack3A_1935, %pack3A_1675 : vector<32xbf16>
        %mul3A_2041 = arith.mulf %pack3A_1948, %pack3A_1688 : vector<32xbf16>
        %sub3A_2042 = arith.subf %mul3A_2040, %mul3A_2041 : vector<32xbf16>
        %mul3A_2043 = arith.mulf %pack3A_1961, %pack3A_1701 : vector<32xbf16>
        %sub3A_2044 = arith.subf %sub3A_2042, %mul3A_2043 : vector<32xbf16>
        %mul3A_2045 = arith.mulf %pack3A_1974, %pack3A_1714 : vector<32xbf16>
        %sub3A_2046 = arith.subf %sub3A_2044, %mul3A_2045 : vector<32xbf16>
        %mul3A_2047 = arith.mulf %pack3A_1935, %pack3A_1688 : vector<32xbf16>
        %mul3A_2048 = arith.mulf %pack3A_1675, %pack3A_1948 : vector<32xbf16>
        %add3A_2049 = arith.addf %mul3A_2047, %mul3A_2048 : vector<32xbf16>
        %mul3A_2050 = arith.mulf %pack3A_1961, %pack3A_1714 : vector<32xbf16>
        %add3A_2051 = arith.addf %add3A_2049, %mul3A_2050 : vector<32xbf16>
        %mul3A_2052 = arith.mulf %pack3A_1701, %pack3A_1974 : vector<32xbf16>
        %sub3A_2053 = arith.subf %add3A_2051, %mul3A_2052 : vector<32xbf16>
        %mul3A_2054 = arith.mulf %pack3A_1935, %pack3A_1701 : vector<32xbf16>
        %mul3A_2055 = arith.mulf %pack3A_1675, %pack3A_1961 : vector<32xbf16>
        %add3A_2056 = arith.addf %mul3A_2054, %mul3A_2055 : vector<32xbf16>
        %mul3A_2057 = arith.mulf %pack3A_1974, %pack3A_1688 : vector<32xbf16>
        %add3A_2058 = arith.addf %add3A_2056, %mul3A_2057 : vector<32xbf16>
        %mul3A_2059 = arith.mulf %pack3A_1714, %pack3A_1948 : vector<32xbf16>
        %sub3A_2060 = arith.subf %add3A_2058, %mul3A_2059 : vector<32xbf16>
        %mul3A_2061 = arith.mulf %pack3A_1935, %pack3A_1714 : vector<32xbf16>
        %mul3A_2062 = arith.mulf %pack3A_1675, %pack3A_1974 : vector<32xbf16>
        %add3A_2063 = arith.addf %mul3A_2061, %mul3A_2062 : vector<32xbf16>
        %mul3A_2064 = arith.mulf %pack3A_1948, %pack3A_1701 : vector<32xbf16>
        %add3A_2065 = arith.addf %add3A_2063, %mul3A_2064 : vector<32xbf16>
        %mul3A_2066 = arith.mulf %pack3A_1688, %pack3A_1961 : vector<32xbf16>
        %sub3A_2067 = arith.subf %add3A_2065, %mul3A_2066 : vector<32xbf16>
        %neg3A_2068 = arith.constant 0.000000e+00 : bf16
        %neg3A_2069 = vector.broadcast %neg3A_2068 : bf16 to vector<32xbf16>
        %neg3A_2070 = arith.subf %neg3A_2069, %pack3A_1896 : vector<32xbf16>
        %neg3A_2071 = arith.constant 0.000000e+00 : bf16
        %neg3A_2072 = vector.broadcast %neg3A_2071 : bf16 to vector<32xbf16>
        %neg3A_2073 = arith.subf %neg3A_2072, %pack3A_1909 : vector<32xbf16>
        %neg3A_2074 = arith.constant 0.000000e+00 : bf16
        %neg3A_2075 = vector.broadcast %neg3A_2074 : bf16 to vector<32xbf16>
        %neg3A_2076 = arith.subf %neg3A_2075, %pack3A_1922 : vector<32xbf16>
        %mul3A_2077 = arith.mulf %pack3A_1727, %pack3A_1883 : vector<32xbf16>
        %mul3A_2078 = arith.mulf %pack3A_1740, %neg3A_2070 : vector<32xbf16>
        %sub3A_2079 = arith.subf %mul3A_2077, %mul3A_2078 : vector<32xbf16>
        %mul3A_2080 = arith.mulf %pack3A_1753, %neg3A_2073 : vector<32xbf16>
        %sub3A_2081 = arith.subf %sub3A_2079, %mul3A_2080 : vector<32xbf16>
        %mul3A_2082 = arith.mulf %pack3A_1766, %neg3A_2076 : vector<32xbf16>
        %sub3A_2083 = arith.subf %sub3A_2081, %mul3A_2082 : vector<32xbf16>
        %mul3A_2084 = arith.mulf %pack3A_1727, %neg3A_2070 : vector<32xbf16>
        %mul3A_2085 = arith.mulf %pack3A_1883, %pack3A_1740 : vector<32xbf16>
        %add3A_2086 = arith.addf %mul3A_2084, %mul3A_2085 : vector<32xbf16>
        %mul3A_2087 = arith.mulf %pack3A_1753, %neg3A_2076 : vector<32xbf16>
        %add3A_2088 = arith.addf %add3A_2086, %mul3A_2087 : vector<32xbf16>
        %mul3A_2089 = arith.mulf %neg3A_2073, %pack3A_1766 : vector<32xbf16>
        %sub3A_2090 = arith.subf %add3A_2088, %mul3A_2089 : vector<32xbf16>
        %mul3A_2091 = arith.mulf %pack3A_1727, %neg3A_2073 : vector<32xbf16>
        %mul3A_2092 = arith.mulf %pack3A_1883, %pack3A_1753 : vector<32xbf16>
        %add3A_2093 = arith.addf %mul3A_2091, %mul3A_2092 : vector<32xbf16>
        %mul3A_2094 = arith.mulf %pack3A_1766, %neg3A_2070 : vector<32xbf16>
        %add3A_2095 = arith.addf %add3A_2093, %mul3A_2094 : vector<32xbf16>
        %mul3A_2096 = arith.mulf %neg3A_2076, %pack3A_1740 : vector<32xbf16>
        %sub3A_2097 = arith.subf %add3A_2095, %mul3A_2096 : vector<32xbf16>
        %mul3A_2098 = arith.mulf %pack3A_1727, %neg3A_2076 : vector<32xbf16>
        %mul3A_2099 = arith.mulf %pack3A_1883, %pack3A_1766 : vector<32xbf16>
        %add3A_2100 = arith.addf %mul3A_2098, %mul3A_2099 : vector<32xbf16>
        %mul3A_2101 = arith.mulf %pack3A_1740, %neg3A_2073 : vector<32xbf16>
        %add3A_2102 = arith.addf %add3A_2100, %mul3A_2101 : vector<32xbf16>
        %mul3A_2103 = arith.mulf %neg3A_2070, %pack3A_1753 : vector<32xbf16>
        %sub3A_2104 = arith.subf %add3A_2102, %mul3A_2103 : vector<32xbf16>
        %sub3A_2105 = arith.subf %sub3A_1981, %sub3A_2018 : vector<32xbf16>
        %sub3A_2106 = arith.subf %sub3A_1988, %sub3A_2025 : vector<32xbf16>
        %sub3A_2107 = arith.subf %sub3A_1995, %sub3A_2032 : vector<32xbf16>
        %sub3A_2108 = arith.subf %sub3A_2002, %sub3A_2039 : vector<32xbf16>
        %add3A_2109 = arith.addf %sub3A_2046, %sub3A_2083 : vector<32xbf16>
        %add3A_2110 = arith.addf %sub3A_2053, %sub3A_2090 : vector<32xbf16>
        %add3A_2111 = arith.addf %sub3A_2060, %sub3A_2097 : vector<32xbf16>
        %add3A_2112 = arith.addf %sub3A_2067, %sub3A_2104 : vector<32xbf16>
        %mul3A_2113 = arith.mulf %sub3A_2105, %pack3A_1779 : vector<32xbf16>
        %unpack3A_2114 = tpu.unpack_subelements %mul3A_2113, 0 {pack_format = #tpu.pack_format<interleaved>} : vector<32xbf16> -> vector<16xf32>
        %unpack3A_2115 = tpu.unpack_subelements %mul3A_2113, 1 {pack_format = #tpu.pack_format<interleaved>} : vector<32xbf16> -> vector<16xf32>
        %add3A_2116 = arith.addf %add3A_1662, %unpack3A_2114 : vector<16xf32>
        %add3A_2117 = arith.addf %add3A_2116, %unpack3A_2115 : vector<16xf32>
        %mul3A_2118 = arith.mulf %sub3A_2106, %pack3A_1792 : vector<32xbf16>
        %unpack3A_2119 = tpu.unpack_subelements %mul3A_2118, 0 {pack_format = #tpu.pack_format<interleaved>} : vector<32xbf16> -> vector<16xf32>
        %unpack3A_2120 = tpu.unpack_subelements %mul3A_2118, 1 {pack_format = #tpu.pack_format<interleaved>} : vector<32xbf16> -> vector<16xf32>
        %add3A_2121 = arith.addf %add3A_2117, %unpack3A_2119 : vector<16xf32>
        %add3A_2122 = arith.addf %add3A_2121, %unpack3A_2120 : vector<16xf32>
        %mul3A_2123 = arith.mulf %sub3A_2107, %pack3A_1805 : vector<32xbf16>
        %unpack3A_2124 = tpu.unpack_subelements %mul3A_2123, 0 {pack_format = #tpu.pack_format<interleaved>} : vector<32xbf16> -> vector<16xf32>
        %unpack3A_2125 = tpu.unpack_subelements %mul3A_2123, 1 {pack_format = #tpu.pack_format<interleaved>} : vector<32xbf16> -> vector<16xf32>
        %add3A_2126 = arith.addf %add3A_2122, %unpack3A_2124 : vector<16xf32>
        %add3A_2127 = arith.addf %add3A_2126, %unpack3A_2125 : vector<16xf32>
        %mul3A_2128 = arith.mulf %sub3A_2108, %pack3A_1818 : vector<32xbf16>
        %unpack3A_2129 = tpu.unpack_subelements %mul3A_2128, 0 {pack_format = #tpu.pack_format<interleaved>} : vector<32xbf16> -> vector<16xf32>
        %unpack3A_2130 = tpu.unpack_subelements %mul3A_2128, 1 {pack_format = #tpu.pack_format<interleaved>} : vector<32xbf16> -> vector<16xf32>
        %add3A_2131 = arith.addf %add3A_2127, %unpack3A_2129 : vector<16xf32>
        %add3A_2132 = arith.addf %add3A_2131, %unpack3A_2130 : vector<16xf32>
        %mul3A_2133 = arith.mulf %add3A_2109, %pack3A_1831 : vector<32xbf16>
        %unpack3A_2134 = tpu.unpack_subelements %mul3A_2133, 0 {pack_format = #tpu.pack_format<interleaved>} : vector<32xbf16> -> vector<16xf32>
        %unpack3A_2135 = tpu.unpack_subelements %mul3A_2133, 1 {pack_format = #tpu.pack_format<interleaved>} : vector<32xbf16> -> vector<16xf32>
        %add3A_2136 = arith.addf %add3A_2132, %unpack3A_2134 : vector<16xf32>
        %add3A_2137 = arith.addf %add3A_2136, %unpack3A_2135 : vector<16xf32>
        %mul3A_2138 = arith.mulf %add3A_2110, %pack3A_1844 : vector<32xbf16>
        %unpack3A_2139 = tpu.unpack_subelements %mul3A_2138, 0 {pack_format = #tpu.pack_format<interleaved>} : vector<32xbf16> -> vector<16xf32>
        %unpack3A_2140 = tpu.unpack_subelements %mul3A_2138, 1 {pack_format = #tpu.pack_format<interleaved>} : vector<32xbf16> -> vector<16xf32>
        %add3A_2141 = arith.addf %add3A_2137, %unpack3A_2139 : vector<16xf32>
        %add3A_2142 = arith.addf %add3A_2141, %unpack3A_2140 : vector<16xf32>
        %mul3A_2143 = arith.mulf %add3A_2111, %pack3A_1857 : vector<32xbf16>
        %unpack3A_2144 = tpu.unpack_subelements %mul3A_2143, 0 {pack_format = #tpu.pack_format<interleaved>} : vector<32xbf16> -> vector<16xf32>
        %unpack3A_2145 = tpu.unpack_subelements %mul3A_2143, 1 {pack_format = #tpu.pack_format<interleaved>} : vector<32xbf16> -> vector<16xf32>
        %add3A_2146 = arith.addf %add3A_2142, %unpack3A_2144 : vector<16xf32>
        %add3A_2147 = arith.addf %add3A_2146, %unpack3A_2145 : vector<16xf32>
        %mul3A_2148 = arith.mulf %add3A_2112, %pack3A_1870 : vector<32xbf16>
        %unpack3A_2149 = tpu.unpack_subelements %mul3A_2148, 0 {pack_format = #tpu.pack_format<interleaved>} : vector<32xbf16> -> vector<16xf32>
        %unpack3A_2150 = tpu.unpack_subelements %mul3A_2148, 1 {pack_format = #tpu.pack_format<interleaved>} : vector<32xbf16> -> vector<16xf32>
        %add3A_2151 = arith.addf %add3A_2147, %unpack3A_2149 : vector<16xf32>
        %add3A_2152 = arith.addf %add3A_2151, %unpack3A_2150 : vector<16xf32>
        %mul3A_2153 = arith.constant 16 : i32
        %mul3A_2154 = arith.muli %add3A_83, %mul3A_2153 : i32
        %add3A_2155 = arith.addi %mul3A_2154, %scan3A_196 : i32
        %jit3A = arith.constant 8 : i32
        %div3A = arith.divsi %add3A_2155, %jit3A : i32
        %sign3A = arith.constant 0 : i32
        %sign3A_2156 = arith.cmpi sgt, %add3A_2155, %sign3A : i32
        %sign3A_2157 = arith.extui %sign3A_2156 : i1 to i32
        %sign3A_2158 = arith.constant 0 : i32
        %sign3A_2159 = arith.cmpi slt, %add3A_2155, %sign3A_2158 : i32
        %sign3A_2160 = arith.extui %sign3A_2159 : i1 to i32
        %sign3A_2161 = arith.subi %sign3A_2157, %sign3A_2160 : i32
        %sign3A_2162 = arith.constant 0 : i32
        %sign3A_2163 = arith.cmpi sgt, %jit3A, %sign3A_2162 : i32
        %sign3A_2164 = arith.extui %sign3A_2163 : i1 to i32
        %sign3A_2165 = arith.constant 0 : i32
        %sign3A_2166 = arith.cmpi slt, %jit3A, %sign3A_2165 : i32
        %sign3A_2167 = arith.extui %sign3A_2166 : i1 to i32
        %sign3A_2168 = arith.subi %sign3A_2164, %sign3A_2167 : i32
        %ne3A = arith.cmpi ne, %sign3A_2161, %sign3A_2168 : i32
        %rem3A = arith.remsi %add3A_2155, %jit3A : i32
        %ne3A_2169 = arith.constant 0 : i32
        %ne3A_2170 = arith.cmpi ne, %rem3A, %ne3A_2169 : i32
        %and3A = arith.andi %ne3A, %ne3A_2170 : i1
        %sub3A_2171 = arith.constant 1 : i32
        %sub3A_2172 = arith.subi %div3A, %sub3A_2171 : i32
        %select_n3A = arith.select %and3A, %sub3A_2172, %div3A : i32
        %jit3A_2173 = arith.constant 8 : i32
        %eq3A = arith.constant 0 : i32
        %eq3A_2174 = arith.cmpi eq, %jit3A_2173, %eq3A : i32
        %jit3A_2175 = arith.constant 1 : i32
        %select_n3A_2176 = arith.select %eq3A_2174, %jit3A_2175, %jit3A_2173 : i32
        %rem3A_2177 = arith.remsi %add3A_2155, %select_n3A_2176 : i32
        %ne3A_2178 = arith.constant 0 : i32
        %ne3A_2179 = arith.cmpi ne, %rem3A_2177, %ne3A_2178 : i32
        %lt3A_2180 = arith.constant 0 : i32
        %lt3A_2181 = arith.cmpi slt, %rem3A_2177, %lt3A_2180 : i32
        %lt3A_2182 = arith.constant 0 : i32
        %lt3A_2183 = arith.cmpi slt, %select_n3A_2176, %lt3A_2182 : i32
        %ne3A_2184 = arith.xori %lt3A_2181, %lt3A_2183 : i1
        %and3A_2185 = arith.andi %ne3A_2184, %ne3A_2179 : i1
        %add3A_2186 = arith.addi %rem3A_2177, %select_n3A_2176 : i32
        %select_n3A_2187 = arith.select %and3A_2185, %add3A_2186, %rem3A_2177 : i32
        %mul3A_2188 = arith.constant 16 : i32
        %mul3A_2189 = arith.muli %select_n3A_2187, %mul3A_2188 : i32
        %swap3A = arith.index_cast %select_n3A : i32 to index
        %swap3A_2190 = arith.index_cast %mul3A_2189 : i32 to index
        %swap3A_2191 = tpu.vector_load %arg10[%swap3A, %swap3A_2190] {strides = array<i32>} : memref<64x128xf32, #tpu.memory_space<vmem>>, vector<16xf32>,
        tpu.vector_store %arg10[%swap3A, %swap3A_2190], %add3A_2152 {strides = array<i32>} : memref<64x128xf32, #tpu.memory_space<vmem>>, vector<16xf32>,
      }
      %scan3A_133 = arith.constant 16 : i32
      %lt3A = arith.constant 15 : i32
      %lt3A_134 = arith.cmpi slt, %scan3A_79, %lt3A : i32
      %convert_element_type3A = arith.extui %lt3A_134 : i1 to i32
      %cond3A = arith.constant 0 : i32
      %cond3A_135 = arith.cmpi ne, %convert_element_type3A, %cond3A : i32
      scf.if %cond3A_135 {
        %add3A_196 = arith.constant 2 : i32
        %add3A_197 = arith.addi %add3A_83, %add3A_196 : i32
        %mul3A_198 = arith.constant 3 : i32
        %mul3A_199 = arith.muli %mul3A_198, %add3A_197 : i32
        %dma_start3A_200 = arith.constant 0 : i32
        %dma_start3A_201 = arith.constant 0 : i32
        %dma_start3A_202 = arith.constant 0 : i32
        %dma_start3A_203 = tpu.memref_slice %arg7[%dma_start3A_200, %dma_start3A_201, %dma_start3A_202] : memref<2x128x128xf32, #tpu.memory_space<vmem>> -> memref<1x128x128xf32, #tpu.memory_space<vmem>>
        %dma_start3A_204 = tpu.memref_squeeze %dma_start3A_203 : memref<1x128x128xf32, #tpu.memory_space<vmem>> -> memref<128x128xf32, #tpu.memory_space<vmem>>
        %dma_start3A_205 = arith.constant 0 : i32
        %dma_start3A_206 = tpu.memref_slice %arg6[%mul3A_199, %dma_start3A_205] : memref<96x128xi32, #tpu.memory_space<vmem>> -> memref<1x128xi32, #tpu.memory_space<vmem>>
        %dma_start3A_207 = tpu.memref_squeeze %dma_start3A_206 : memref<1x128xi32, #tpu.memory_space<vmem>> -> memref<128xi32, #tpu.memory_space<vmem>>
        %dma_start3A_208 = arith.constant 0 : i32
        %dma_start3A_209 = arith.constant 0 : i32
        %dma_start3A_210 = tpu.memref_slice %arg2[%dma_start3A_208, %dma_start3A_209] : memref<800000x128xf32, #tpu.memory_space<hbm>> -> memref<800000x128xf32, #tpu.memory_space<hbm>>
        tpu.enqueue_indirect_dma source(%dma_start3A_210 : memref<800000x128xf32, #tpu.memory_space<hbm>>) target(%dma_start3A_204 : memref<128x128xf32, #tpu.memory_space<vmem>>) offsets(%dma_start3A_207 : memref<128xi32, #tpu.memory_space<vmem>>) semaphore(%arg11 : memref<!tpu.dma_semaphore, #tpu.memory_space<semaphore_mem>>)
        %mul3A_211 = arith.constant 3 : i32
        %mul3A_212 = arith.muli %mul3A_211, %add3A_197 : i32
        %add3A_213 = arith.constant 1 : i32
        %add3A_214 = arith.addi %mul3A_212, %add3A_213 : i32
        %dma_start3A_215 = arith.constant 0 : i32
        %dma_start3A_216 = arith.constant 0 : i32
        %dma_start3A_217 = arith.constant 0 : i32
        %dma_start3A_218 = tpu.memref_slice %arg8[%dma_start3A_215, %dma_start3A_216, %dma_start3A_217] : memref<2x128x128xf32, #tpu.memory_space<vmem>> -> memref<1x128x128xf32, #tpu.memory_space<vmem>>
        %dma_start3A_219 = tpu.memref_squeeze %dma_start3A_218 : memref<1x128x128xf32, #tpu.memory_space<vmem>> -> memref<128x128xf32, #tpu.memory_space<vmem>>
        %dma_start3A_220 = arith.constant 0 : i32
        %dma_start3A_221 = tpu.memref_slice %arg6[%add3A_214, %dma_start3A_220] : memref<96x128xi32, #tpu.memory_space<vmem>> -> memref<1x128xi32, #tpu.memory_space<vmem>>
        %dma_start3A_222 = tpu.memref_squeeze %dma_start3A_221 : memref<1x128xi32, #tpu.memory_space<vmem>> -> memref<128xi32, #tpu.memory_space<vmem>>
        %dma_start3A_223 = arith.constant 0 : i32
        %dma_start3A_224 = arith.constant 0 : i32
        %dma_start3A_225 = tpu.memref_slice %arg2[%dma_start3A_223, %dma_start3A_224] : memref<800000x128xf32, #tpu.memory_space<hbm>> -> memref<800000x128xf32, #tpu.memory_space<hbm>>
        tpu.enqueue_indirect_dma source(%dma_start3A_225 : memref<800000x128xf32, #tpu.memory_space<hbm>>) target(%dma_start3A_219 : memref<128x128xf32, #tpu.memory_space<vmem>>) offsets(%dma_start3A_222 : memref<128xi32, #tpu.memory_space<vmem>>) semaphore(%arg11 : memref<!tpu.dma_semaphore, #tpu.memory_space<semaphore_mem>>)
        %mul3A_226 = arith.constant 3 : i32
        %mul3A_227 = arith.muli %mul3A_226, %add3A_197 : i32
        %add3A_228 = arith.constant 2 : i32
        %add3A_229 = arith.addi %mul3A_227, %add3A_228 : i32
        %dma_start3A_230 = arith.constant 0 : i32
        %dma_start3A_231 = arith.constant 0 : i32
        %dma_start3A_232 = arith.constant 0 : i32
        %dma_start3A_233 = tpu.memref_slice %arg9[%dma_start3A_230, %dma_start3A_231, %dma_start3A_232] : memref<2x128x128xf32, #tpu.memory_space<vmem>> -> memref<1x128x128xf32, #tpu.memory_space<vmem>>
        %dma_start3A_234 = tpu.memref_squeeze %dma_start3A_233 : memref<1x128x128xf32, #tpu.memory_space<vmem>> -> memref<128x128xf32, #tpu.memory_space<vmem>>
        %dma_start3A_235 = arith.constant 0 : i32
        %dma_start3A_236 = tpu.memref_slice %arg6[%add3A_229, %dma_start3A_235] : memref<96x128xi32, #tpu.memory_space<vmem>> -> memref<1x128xi32, #tpu.memory_space<vmem>>
        %dma_start3A_237 = tpu.memref_squeeze %dma_start3A_236 : memref<1x128xi32, #tpu.memory_space<vmem>> -> memref<128xi32, #tpu.memory_space<vmem>>
        %dma_start3A_238 = arith.constant 0 : i32
        %dma_start3A_239 = arith.constant 0 : i32
        %dma_start3A_240 = tpu.memref_slice %arg3[%dma_start3A_238, %dma_start3A_239] : memref<8000x128xf32, #tpu.memory_space<hbm>> -> memref<8000x128xf32, #tpu.memory_space<hbm>>
        tpu.enqueue_indirect_dma source(%dma_start3A_240 : memref<8000x128xf32, #tpu.memory_space<hbm>>) target(%dma_start3A_234 : memref<128x128xf32, #tpu.memory_space<vmem>>) offsets(%dma_start3A_237 : memref<128xi32, #tpu.memory_space<vmem>>) semaphore(%arg11 : memref<!tpu.dma_semaphore, #tpu.memory_space<semaphore_mem>>)
      } else {
      }
      %mul3A_136 = arith.constant 2 : i32
      %mul3A_137 = arith.muli %mul3A_136, %scan3A_79 : i32
      %add3A_138 = arith.constant 1 : i32
      %add3A_139 = arith.addi %mul3A_137, %add3A_138 : i32
      %dma_wait3A_140 = arith.constant 1 : i32
      %dma_wait3A_141 = arith.constant 0 : i32
      %dma_wait3A_142 = arith.constant 0 : i32
      %dma_wait3A_143 = tpu.memref_slice %arg7[%dma_wait3A_140, %dma_wait3A_141, %dma_wait3A_142] : memref<2x128x128xf32, #tpu.memory_space<vmem>> -> memref<1x128x128xf32, #tpu.memory_space<vmem>>
      %dma_wait3A_144 = tpu.memref_squeeze %dma_wait3A_143 : memref<1x128x128xf32, #tpu.memory_space<vmem>> -> memref<128x128xf32, #tpu.memory_space<vmem>>
      %dma_wait3A_145 = arith.constant 0 : i32
      %dma_wait3A_146 = arith.constant 0 : i32
      %dma_wait3A_147 = tpu.memref_slice %arg2[%dma_wait3A_145, %dma_wait3A_146] : memref<800000x128xf32, #tpu.memory_space<hbm>> -> memref<128x128xf32, #tpu.memory_space<hbm>>
      %dma_wait3A_148 = arith.constant 0 : i32
      %dma_wait3A_149 = arith.constant 0 : i32
      %dma_wait3A_150 = tpu.memref_slice %arg7[%dma_wait3A_140, %dma_wait3A_148, %dma_wait3A_149] : memref<2x128x128xf32, #tpu.memory_space<vmem>> -> memref<1x128x128xf32, #tpu.memory_space<vmem>>
      %dma_wait3A_151 = tpu.memref_squeeze %dma_wait3A_150 : memref<1x128x128xf32, #tpu.memory_space<vmem>> -> memref<128x128xf32, #tpu.memory_space<vmem>>
      %dma_wait3A_152 = arith.constant 0 : i32
      %dma_wait3A_153 = arith.constant 0 : i32
      %dma_wait3A_154 = tpu.memref_slice %arg2[%dma_wait3A_152, %dma_wait3A_153] : memref<800000x128xf32, #tpu.memory_space<hbm>> -> memref<128x128xf32, #tpu.memory_space<hbm>>
      tpu.wait_dma2 semaphore(%arg12 : memref<!tpu.dma_semaphore, #tpu.memory_space<semaphore_mem>>) src(%dma_wait3A_154 : memref<128x128xf32, #tpu.memory_space<hbm>>) dst(%dma_wait3A_151 : memref<128x128xf32, #tpu.memory_space<vmem>>)
      %dma_wait3A_155 = arith.constant 1 : i32
      %dma_wait3A_156 = arith.constant 0 : i32
      %dma_wait3A_157 = arith.constant 0 : i32
      %dma_wait3A_158 = tpu.memref_slice %arg8[%dma_wait3A_155, %dma_wait3A_156, %dma_wait3A_157] : memref<2x128x128xf32, #tpu.memory_space<vmem>> -> memref<1x128x128xf32, #tpu.memory_space<vmem>>
      %dma_wait3A_159 = tpu.memref_squeeze %dma_wait3A_158 : memref<1x128x128xf32, #tpu.memory_space<vmem>> -> memref<128x128xf32, #tpu.memory_space<vmem>>
      %dma_wait3A_160 = arith.constant 0 : i32
      %dma_wait3A_161 = arith.constant 0 : i32
      %dma_wait3A_162 = tpu.memref_slice %arg2[%dma_wait3A_160, %dma_wait3A_161] : memref<800000x128xf32, #tpu.memory_space<hbm>> -> memref<128x128xf32, #tpu.memory_space<hbm>>
      %dma_wait3A_163 = arith.constant 0 : i32
      %dma_wait3A_164 = arith.constant 0 : i32
      %dma_wait3A_165 = tpu.memref_slice %arg8[%dma_wait3A_155, %dma_wait3A_163, %dma_wait3A_164] : memref<2x128x128xf32, #tpu.memory_space<vmem>> -> memref<1x128x128xf32, #tpu.memory_space<vmem>>
      %dma_wait3A_166 = tpu.memref_squeeze %dma_wait3A_165 : memref<1x128x128xf32, #tpu.memory_space<vmem>> -> memref<128x128xf32, #tpu.memory_space<vmem>>
      %dma_wait3A_167 = arith.constant 0 : i32
      %dma_wait3A_168 = arith.constant 0 : i32
      %dma_wait3A_169 = tpu.memref_slice %arg2[%dma_wait3A_167, %dma_wait3A_168] : memref<800000x128xf32, #tpu.memory_space<hbm>> -> memref<128x128xf32, #tpu.memory_space<hbm>>
      tpu.wait_dma2 semaphore(%arg12 : memref<!tpu.dma_semaphore, #tpu.memory_space<semaphore_mem>>) src(%dma_wait3A_169 : memref<128x128xf32, #tpu.memory_space<hbm>>) dst(%dma_wait3A_166 : memref<128x128xf32, #tpu.memory_space<vmem>>)
      %dma_wait3A_170 = arith.constant 1 : i32
      %dma_wait3A_171 = arith.constant 0 : i32
      %dma_wait3A_172 = arith.constant 0 : i32
      %dma_wait3A_173 = tpu.memref_slice %arg9[%dma_wait3A_170, %dma_wait3A_171, %dma_wait3A_172] : memref<2x128x128xf32, #tpu.memory_space<vmem>> -> memref<1x128x128xf32, #tpu.memory_space<vmem>>
      %dma_wait3A_174 = tpu.memref_squeeze %dma_wait3A_173 : memref<1x128x128xf32, #tpu.memory_space<vmem>> -> memref<128x128xf32, #tpu.memory_space<vmem>>
      %dma_wait3A_175 = arith.constant 0 : i32
      %dma_wait3A_176 = arith.constant 0 : i32
      %dma_wait3A_177 = tpu.memref_slice %arg2[%dma_wait3A_175, %dma_wait3A_176] : memref<800000x128xf32, #tpu.memory_space<hbm>> -> memref<128x128xf32, #tpu.memory_space<hbm>>
      %dma_wait3A_178 = arith.constant 0 : i32
      %dma_wait3A_179 = arith.constant 0 : i32
      %dma_wait3A_180 = tpu.memref_slice %arg9[%dma_wait3A_170, %dma_wait3A_178, %dma_wait3A_179] : memref<2x128x128xf32, #tpu.memory_space<vmem>> -> memref<1x128x128xf32, #tpu.memory_space<vmem>>
      %dma_wait3A_181 = tpu.memref_squeeze %dma_wait3A_180 : memref<1x128x128xf32, #tpu.memory_space<vmem>> -> memref<128x128xf32, #tpu.memory_space<vmem>>
      %dma_wait3A_182 = arith.constant 0 : i32
      %dma_wait3A_183 = arith.constant 0 : i32
      %dma_wait3A_184 = tpu.memref_slice %arg2[%dma_wait3A_182, %dma_wait3A_183] : memref<800000x128xf32, #tpu.memory_space<hbm>> -> memref<128x128xf32, #tpu.memory_space<hbm>>
      tpu.wait_dma2 semaphore(%arg12 : memref<!tpu.dma_semaphore, #tpu.memory_space<semaphore_mem>>) src(%dma_wait3A_184 : memref<128x128xf32, #tpu.memory_space<hbm>>) dst(%dma_wait3A_181 : memref<128x128xf32, #tpu.memory_space<vmem>>)
      %scan3A_185 = arith.constant 0 : i32
      %scan3A_186 = arith.constant 0 : i32
      %scan3A_187 = arith.constant 16 : i32
      %scan3A_188 = arith.addi %scan3A_186, %scan3A_187 : i32
      %scan3A_189 = arith.constant 1 : i32
      scf.for %scan3A_196 = %scan3A_186 to %scan3A_188 step %scan3A_189  : i32 {
        %broadcast_in_dim3A = arith.constant 0.000000e+00 : f32
        %broadcast_in_dim3A_197 = vector.broadcast %broadcast_in_dim3A : f32 to vector<16xf32>
        %add3A_198 = arith.constant 0 : i32
        %add3A_199 = arith.addi %add3A_198, %scan3A_196 : i32
        %get3A = arith.constant 1 : i32
        %get3A_200 = arith.index_cast %get3A : i32 to index
        %get3A_201 = arith.index_cast %add3A_199 : i32 to index
        %get3A_202 = arith.constant 0 : index
        %get3A_203 = tpu.vector_load %arg7[%get3A_200, %get3A_201, %get3A_202] {strides = array<i32>} : memref<2x128x128xf32, #tpu.memory_space<vmem>>, vector<16xf32>,
        %get3A_204 = arith.constant 1 : i32
        %get3A_205 = arith.index_cast %get3A_204 : i32 to index
        %get3A_206 = arith.index_cast %add3A_199 : i32 to index
        %get3A_207 = arith.constant 16 : index
        %get3A_208 = tpu.vector_load %arg7[%get3A_205, %get3A_206, %get3A_207] {strides = array<i32>} : memref<2x128x128xf32, #tpu.memory_space<vmem>>, vector<16xf32>,
        %pack3A = tpu.pack_subelements %get3A_203, %get3A_208 {pack_format = #tpu.pack_format<interleaved>, positions = array<i32: 0, 1>} : vector<16xf32>, vector<16xf32> -> vector<32xbf16>
        %add3A_209 = arith.constant 16 : i32
        %add3A_210 = arith.addi %add3A_209, %scan3A_196 : i32
        %get3A_211 = arith.constant 1 : i32
        %get3A_212 = arith.index_cast %get3A_211 : i32 to index
        %get3A_213 = arith.index_cast %add3A_210 : i32 to index
        %get3A_214 = arith.constant 0 : index
        %get3A_215 = tpu.vector_load %arg7[%get3A_212, %get3A_213, %get3A_214] {strides = array<i32>} : memref<2x128x128xf32, #tpu.memory_space<vmem>>, vector<16xf32>,
        %get3A_216 = arith.constant 1 : i32
        %get3A_217 = arith.index_cast %get3A_216 : i32 to index
        %get3A_218 = arith.index_cast %add3A_210 : i32 to index
        %get3A_219 = arith.constant 16 : index
        %get3A_220 = tpu.vector_load %arg7[%get3A_217, %get3A_218, %get3A_219] {strides = array<i32>} : memref<2x128x128xf32, #tpu.memory_space<vmem>>, vector<16xf32>,
        %pack3A_221 = tpu.pack_subelements %get3A_215, %get3A_220 {pack_format = #tpu.pack_format<interleaved>, positions = array<i32: 0, 1>} : vector<16xf32>, vector<16xf32> -> vector<32xbf16>
        %add3A_222 = arith.constant 32 : i32
        %add3A_223 = arith.addi %add3A_222, %scan3A_196 : i32
        %get3A_224 = arith.constant 1 : i32
        %get3A_225 = arith.index_cast %get3A_224 : i32 to index
        %get3A_226 = arith.index_cast %add3A_223 : i32 to index
        %get3A_227 = arith.constant 0 : index
        %get3A_228 = tpu.vector_load %arg7[%get3A_225, %get3A_226, %get3A_227] {strides = array<i32>} : memref<2x128x128xf32, #tpu.memory_space<vmem>>, vector<16xf32>,
        %get3A_229 = arith.constant 1 : i32
        %get3A_230 = arith.index_cast %get3A_229 : i32 to index
        %get3A_231 = arith.index_cast %add3A_223 : i32 to index
        %get3A_232 = arith.constant 16 : index
        %get3A_233 = tpu.vector_load %arg7[%get3A_230, %get3A_231, %get3A_232] {strides = array<i32>} : memref<2x128x128xf32, #tpu.memory_space<vmem>>, vector<16xf32>,
        %pack3A_234 = tpu.pack_subelements %get3A_228, %get3A_233 {pack_format = #tpu.pack_format<interleaved>, positions = array<i32: 0, 1>} : vector<16xf32>, vector<16xf32> -> vector<32xbf16>
        %add3A_235 = arith.constant 48 : i32
        %add3A_236 = arith.addi %add3A_235, %scan3A_196 : i32
        %get3A_237 = arith.constant 1 : i32
        %get3A_238 = arith.index_cast %get3A_237 : i32 to index
        %get3A_239 = arith.index_cast %add3A_236 : i32 to index
        %get3A_240 = arith.constant 0 : index
        %get3A_241 = tpu.vector_load %arg7[%get3A_238, %get3A_239, %get3A_240] {strides = array<i32>} : memref<2x128x128xf32, #tpu.memory_space<vmem>>, vector<16xf32>,
        %get3A_242 = arith.constant 1 : i32
        %get3A_243 = arith.index_cast %get3A_242 : i32 to index
        %get3A_244 = arith.index_cast %add3A_236 : i32 to index
        %get3A_245 = arith.constant 16 : index
        %get3A_246 = tpu.vector_load %arg7[%get3A_243, %get3A_244, %get3A_245] {strides = array<i32>} : memref<2x128x128xf32, #tpu.memory_space<vmem>>, vector<16xf32>,
        %pack3A_247 = tpu.pack_subelements %get3A_241, %get3A_246 {pack_format = #tpu.pack_format<interleaved>, positions = array<i32: 0, 1>} : vector<16xf32>, vector<16xf32> -> vector<32xbf16>
        %add3A_248 = arith.constant 64 : i32
        %add3A_249 = arith.addi %add3A_248, %scan3A_196 : i32
        %get3A_250 = arith.constant 1 : i32
        %get3A_251 = arith.index_cast %get3A_250 : i32 to index
        %get3A_252 = arith.index_cast %add3A_249 : i32 to index
        %get3A_253 = arith.constant 0 : index
        %get3A_254 = tpu.vector_load %arg7[%get3A_251, %get3A_252, %get3A_253] {strides = array<i32>} : memref<2x128x128xf32, #tpu.memory_space<vmem>>, vector<16xf32>,
        %get3A_255 = arith.constant 1 : i32
        %get3A_256 = arith.index_cast %get3A_255 : i32 to index
        %get3A_257 = arith.index_cast %add3A_249 : i32 to index
        %get3A_258 = arith.constant 16 : index
        %get3A_259 = tpu.vector_load %arg7[%get3A_256, %get3A_257, %get3A_258] {strides = array<i32>} : memref<2x128x128xf32, #tpu.memory_space<vmem>>, vector<16xf32>,
        %pack3A_260 = tpu.pack_subelements %get3A_254, %get3A_259 {pack_format = #tpu.pack_format<interleaved>, positions = array<i32: 0, 1>} : vector<16xf32>, vector<16xf32> -> vector<32xbf16>
        %add3A_261 = arith.constant 80 : i32
        %add3A_262 = arith.addi %add3A_261, %scan3A_196 : i32
        %get3A_263 = arith.constant 1 : i32
        %get3A_264 = arith.index_cast %get3A_263 : i32 to index
        %get3A_265 = arith.index_cast %add3A_262 : i32 to index
        %get3A_266 = arith.constant 0 : index
        %get3A_267 = tpu.vector_load %arg7[%get3A_264, %get3A_265, %get3A_266] {strides = array<i32>} : memref<2x128x128xf32, #tpu.memory_space<vmem>>, vector<16xf32>,
        %get3A_268 = arith.constant 1 : i32
        %get3A_269 = arith.index_cast %get3A_268 : i32 to index
        %get3A_270 = arith.index_cast %add3A_262 : i32 to index
        %get3A_271 = arith.constant 16 : index
        %get3A_272 = tpu.vector_load %arg7[%get3A_269, %get3A_270, %get3A_271] {strides = array<i32>} : memref<2x128x128xf32, #tpu.memory_space<vmem>>, vector<16xf32>,
        %pack3A_273 = tpu.pack_subelements %get3A_267, %get3A_272 {pack_format = #tpu.pack_format<interleaved>, positions = array<i32: 0, 1>} : vector<16xf32>, vector<16xf32> -> vector<32xbf16>
        %add3A_274 = arith.constant 96 : i32
        %add3A_275 = arith.addi %add3A_274, %scan3A_196 : i32
        %get3A_276 = arith.constant 1 : i32
        %get3A_277 = arith.index_cast %get3A_276 : i32 to index
        %get3A_278 = arith.index_cast %add3A_275 : i32 to index
        %get3A_279 = arith.constant 0 : index
        %get3A_280 = tpu.vector_load %arg7[%get3A_277, %get3A_278, %get3A_279] {strides = array<i32>} : memref<2x128x128xf32, #tpu.memory_space<vmem>>, vector<16xf32>,
        %get3A_281 = arith.constant 1 : i32
        %get3A_282 = arith.index_cast %get3A_281 : i32 to index
        %get3A_283 = arith.index_cast %add3A_275 : i32 to index
        %get3A_284 = arith.constant 16 : index
        %get3A_285 = tpu.vector_load %arg7[%get3A_282, %get3A_283, %get3A_284] {strides = array<i32>} : memref<2x128x128xf32, #tpu.memory_space<vmem>>, vector<16xf32>,
        %pack3A_286 = tpu.pack_subelements %get3A_280, %get3A_285 {pack_format = #tpu.pack_format<interleaved>, positions = array<i32: 0, 1>} : vector<16xf32>, vector<16xf32> -> vector<32xbf16>
        %add3A_287 = arith.constant 112 : i32
        %add3A_288 = arith.addi %add3A_287, %scan3A_196 : i32
        %get3A_289 = arith.constant 1 : i32
        %get3A_290 = arith.index_cast %get3A_289 : i32 to index
        %get3A_291 = arith.index_cast %add3A_288 : i32 to index
        %get3A_292 = arith.constant 0 : index
        %get3A_293 = tpu.vector_load %arg7[%get3A_290, %get3A_291, %get3A_292] {strides = array<i32>} : memref<2x128x128xf32, #tpu.memory_space<vmem>>, vector<16xf32>,
        %get3A_294 = arith.constant 1 : i32
        %get3A_295 = arith.index_cast %get3A_294 : i32 to index
        %get3A_296 = arith.index_cast %add3A_288 : i32 to index
        %get3A_297 = arith.constant 16 : index
        %get3A_298 = tpu.vector_load %arg7[%get3A_295, %get3A_296, %get3A_297] {strides = array<i32>} : memref<2x128x128xf32, #tpu.memory_space<vmem>>, vector<16xf32>,
        %pack3A_299 = tpu.pack_subelements %get3A_293, %get3A_298 {pack_format = #tpu.pack_format<interleaved>, positions = array<i32: 0, 1>} : vector<16xf32>, vector<16xf32> -> vector<32xbf16>
        %add3A_300 = arith.constant 0 : i32
        %add3A_301 = arith.addi %add3A_300, %scan3A_196 : i32
        %get3A_302 = arith.constant 1 : i32
        %get3A_303 = arith.index_cast %get3A_302 : i32 to index
        %get3A_304 = arith.index_cast %add3A_301 : i32 to index
        %get3A_305 = arith.constant 0 : index
        %get3A_306 = tpu.vector_load %arg8[%get3A_303, %get3A_304, %get3A_305] {strides = array<i32>} : memref<2x128x128xf32, #tpu.memory_space<vmem>>, vector<16xf32>,
        %get3A_307 = arith.constant 1 : i32
        %get3A_308 = arith.index_cast %get3A_307 : i32 to index
        %get3A_309 = arith.index_cast %add3A_301 : i32 to index
        %get3A_310 = arith.constant 16 : index
        %get3A_311 = tpu.vector_load %arg8[%get3A_308, %get3A_309, %get3A_310] {strides = array<i32>} : memref<2x128x128xf32, #tpu.memory_space<vmem>>, vector<16xf32>,
        %pack3A_312 = tpu.pack_subelements %get3A_306, %get3A_311 {pack_format = #tpu.pack_format<interleaved>, positions = array<i32: 0, 1>} : vector<16xf32>, vector<16xf32> -> vector<32xbf16>
        %add3A_313 = arith.constant 16 : i32
        %add3A_314 = arith.addi %add3A_313, %scan3A_196 : i32
        %get3A_315 = arith.constant 1 : i32
        %get3A_316 = arith.index_cast %get3A_315 : i32 to index
        %get3A_317 = arith.index_cast %add3A_314 : i32 to index
        %get3A_318 = arith.constant 0 : index
        %get3A_319 = tpu.vector_load %arg8[%get3A_316, %get3A_317, %get3A_318] {strides = array<i32>} : memref<2x128x128xf32, #tpu.memory_space<vmem>>, vector<16xf32>,
        %get3A_320 = arith.constant 1 : i32
        %get3A_321 = arith.index_cast %get3A_320 : i32 to index
        %get3A_322 = arith.index_cast %add3A_314 : i32 to index
        %get3A_323 = arith.constant 16 : index
        %get3A_324 = tpu.vector_load %arg8[%get3A_321, %get3A_322, %get3A_323] {strides = array<i32>} : memref<2x128x128xf32, #tpu.memory_space<vmem>>, vector<16xf32>,
        %pack3A_325 = tpu.pack_subelements %get3A_319, %get3A_324 {pack_format = #tpu.pack_format<interleaved>, positions = array<i32: 0, 1>} : vector<16xf32>, vector<16xf32> -> vector<32xbf16>
        %add3A_326 = arith.constant 32 : i32
        %add3A_327 = arith.addi %add3A_326, %scan3A_196 : i32
        %get3A_328 = arith.constant 1 : i32
        %get3A_329 = arith.index_cast %get3A_328 : i32 to index
        %get3A_330 = arith.index_cast %add3A_327 : i32 to index
        %get3A_331 = arith.constant 0 : index
        %get3A_332 = tpu.vector_load %arg8[%get3A_329, %get3A_330, %get3A_331] {strides = array<i32>} : memref<2x128x128xf32, #tpu.memory_space<vmem>>, vector<16xf32>,
        %get3A_333 = arith.constant 1 : i32
        %get3A_334 = arith.index_cast %get3A_333 : i32 to index
        %get3A_335 = arith.index_cast %add3A_327 : i32 to index
        %get3A_336 = arith.constant 16 : index
        %get3A_337 = tpu.vector_load %arg8[%get3A_334, %get3A_335, %get3A_336] {strides = array<i32>} : memref<2x128x128xf32, #tpu.memory_space<vmem>>, vector<16xf32>,
        %pack3A_338 = tpu.pack_subelements %get3A_332, %get3A_337 {pack_format = #tpu.pack_format<interleaved>, positions = array<i32: 0, 1>} : vector<16xf32>, vector<16xf32> -> vector<32xbf16>
        %add3A_339 = arith.constant 48 : i32
        %add3A_340 = arith.addi %add3A_339, %scan3A_196 : i32
        %get3A_341 = arith.constant 1 : i32
        %get3A_342 = arith.index_cast %get3A_341 : i32 to index
        %get3A_343 = arith.index_cast %add3A_340 : i32 to index
        %get3A_344 = arith.constant 0 : index
        %get3A_345 = tpu.vector_load %arg8[%get3A_342, %get3A_343, %get3A_344] {strides = array<i32>} : memref<2x128x128xf32, #tpu.memory_space<vmem>>, vector<16xf32>,
        %get3A_346 = arith.constant 1 : i32
        %get3A_347 = arith.index_cast %get3A_346 : i32 to index
        %get3A_348 = arith.index_cast %add3A_340 : i32 to index
        %get3A_349 = arith.constant 16 : index
        %get3A_350 = tpu.vector_load %arg8[%get3A_347, %get3A_348, %get3A_349] {strides = array<i32>} : memref<2x128x128xf32, #tpu.memory_space<vmem>>, vector<16xf32>,
        %pack3A_351 = tpu.pack_subelements %get3A_345, %get3A_350 {pack_format = #tpu.pack_format<interleaved>, positions = array<i32: 0, 1>} : vector<16xf32>, vector<16xf32> -> vector<32xbf16>
        %add3A_352 = arith.constant 64 : i32
        %add3A_353 = arith.addi %add3A_352, %scan3A_196 : i32
        %get3A_354 = arith.constant 1 : i32
        %get3A_355 = arith.index_cast %get3A_354 : i32 to index
        %get3A_356 = arith.index_cast %add3A_353 : i32 to index
        %get3A_357 = arith.constant 0 : index
        %get3A_358 = tpu.vector_load %arg8[%get3A_355, %get3A_356, %get3A_357] {strides = array<i32>} : memref<2x128x128xf32, #tpu.memory_space<vmem>>, vector<16xf32>,
        %get3A_359 = arith.constant 1 : i32
        %get3A_360 = arith.index_cast %get3A_359 : i32 to index
        %get3A_361 = arith.index_cast %add3A_353 : i32 to index
        %get3A_362 = arith.constant 16 : index
        %get3A_363 = tpu.vector_load %arg8[%get3A_360, %get3A_361, %get3A_362] {strides = array<i32>} : memref<2x128x128xf32, #tpu.memory_space<vmem>>, vector<16xf32>,
        %pack3A_364 = tpu.pack_subelements %get3A_358, %get3A_363 {pack_format = #tpu.pack_format<interleaved>, positions = array<i32: 0, 1>} : vector<16xf32>, vector<16xf32> -> vector<32xbf16>
        %add3A_365 = arith.constant 80 : i32
        %add3A_366 = arith.addi %add3A_365, %scan3A_196 : i32
        %get3A_367 = arith.constant 1 : i32
        %get3A_368 = arith.index_cast %get3A_367 : i32 to index
        %get3A_369 = arith.index_cast %add3A_366 : i32 to index
        %get3A_370 = arith.constant 0 : index
        %get3A_371 = tpu.vector_load %arg8[%get3A_368, %get3A_369, %get3A_370] {strides = array<i32>} : memref<2x128x128xf32, #tpu.memory_space<vmem>>, vector<16xf32>,
        %get3A_372 = arith.constant 1 : i32
        %get3A_373 = arith.index_cast %get3A_372 : i32 to index
        %get3A_374 = arith.index_cast %add3A_366 : i32 to index
        %get3A_375 = arith.constant 16 : index
        %get3A_376 = tpu.vector_load %arg8[%get3A_373, %get3A_374, %get3A_375] {strides = array<i32>} : memref<2x128x128xf32, #tpu.memory_space<vmem>>, vector<16xf32>,
        %pack3A_377 = tpu.pack_subelements %get3A_371, %get3A_376 {pack_format = #tpu.pack_format<interleaved>, positions = array<i32: 0, 1>} : vector<16xf32>, vector<16xf32> -> vector<32xbf16>
        %add3A_378 = arith.constant 96 : i32
        %add3A_379 = arith.addi %add3A_378, %scan3A_196 : i32
        %get3A_380 = arith.constant 1 : i32
        %get3A_381 = arith.index_cast %get3A_380 : i32 to index
        %get3A_382 = arith.index_cast %add3A_379 : i32 to index
        %get3A_383 = arith.constant 0 : index
        %get3A_384 = tpu.vector_load %arg8[%get3A_381, %get3A_382, %get3A_383] {strides = array<i32>} : memref<2x128x128xf32, #tpu.memory_space<vmem>>, vector<16xf32>,
        %get3A_385 = arith.constant 1 : i32
        %get3A_386 = arith.index_cast %get3A_385 : i32 to index
        %get3A_387 = arith.index_cast %add3A_379 : i32 to index
        %get3A_388 = arith.constant 16 : index
        %get3A_389 = tpu.vector_load %arg8[%get3A_386, %get3A_387, %get3A_388] {strides = array<i32>} : memref<2x128x128xf32, #tpu.memory_space<vmem>>, vector<16xf32>,
        %pack3A_390 = tpu.pack_subelements %get3A_384, %get3A_389 {pack_format = #tpu.pack_format<interleaved>, positions = array<i32: 0, 1>} : vector<16xf32>, vector<16xf32> -> vector<32xbf16>
        %add3A_391 = arith.constant 112 : i32
        %add3A_392 = arith.addi %add3A_391, %scan3A_196 : i32
        %get3A_393 = arith.constant 1 : i32
        %get3A_394 = arith.index_cast %get3A_393 : i32 to index
        %get3A_395 = arith.index_cast %add3A_392 : i32 to index
        %get3A_396 = arith.constant 0 : index
        %get3A_397 = tpu.vector_load %arg8[%get3A_394, %get3A_395, %get3A_396] {strides = array<i32>} : memref<2x128x128xf32, #tpu.memory_space<vmem>>, vector<16xf32>,
        %get3A_398 = arith.constant 1 : i32
        %get3A_399 = arith.index_cast %get3A_398 : i32 to index
        %get3A_400 = arith.index_cast %add3A_392 : i32 to index
        %get3A_401 = arith.constant 16 : index
        %get3A_402 = tpu.vector_load %arg8[%get3A_399, %get3A_400, %get3A_401] {strides = array<i32>} : memref<2x128x128xf32, #tpu.memory_space<vmem>>, vector<16xf32>,
        %pack3A_403 = tpu.pack_subelements %get3A_397, %get3A_402 {pack_format = #tpu.pack_format<interleaved>, positions = array<i32: 0, 1>} : vector<16xf32>, vector<16xf32> -> vector<32xbf16>
        %add3A_404 = arith.constant 0 : i32
        %add3A_405 = arith.addi %add3A_404, %scan3A_196 : i32
        %get3A_406 = arith.constant 1 : i32
        %get3A_407 = arith.index_cast %get3A_406 : i32 to index
        %get3A_408 = arith.index_cast %add3A_405 : i32 to index
        %get3A_409 = arith.constant 0 : index
        %get3A_410 = tpu.vector_load %arg9[%get3A_407, %get3A_408, %get3A_409] {strides = array<i32>} : memref<2x128x128xf32, #tpu.memory_space<vmem>>, vector<16xf32>,
        %get3A_411 = arith.constant 1 : i32
        %get3A_412 = arith.index_cast %get3A_411 : i32 to index
        %get3A_413 = arith.index_cast %add3A_405 : i32 to index
        %get3A_414 = arith.constant 16 : index
        %get3A_415 = tpu.vector_load %arg9[%get3A_412, %get3A_413, %get3A_414] {strides = array<i32>} : memref<2x128x128xf32, #tpu.memory_space<vmem>>, vector<16xf32>,
        %pack3A_416 = tpu.pack_subelements %get3A_410, %get3A_415 {pack_format = #tpu.pack_format<interleaved>, positions = array<i32: 0, 1>} : vector<16xf32>, vector<16xf32> -> vector<32xbf16>
        %add3A_417 = arith.constant 16 : i32
        %add3A_418 = arith.addi %add3A_417, %scan3A_196 : i32
        %get3A_419 = arith.constant 1 : i32
        %get3A_420 = arith.index_cast %get3A_419 : i32 to index
        %get3A_421 = arith.index_cast %add3A_418 : i32 to index
        %get3A_422 = arith.constant 0 : index
        %get3A_423 = tpu.vector_load %arg9[%get3A_420, %get3A_421, %get3A_422] {strides = array<i32>} : memref<2x128x128xf32, #tpu.memory_space<vmem>>, vector<16xf32>,
        %get3A_424 = arith.constant 1 : i32
        %get3A_425 = arith.index_cast %get3A_424 : i32 to index
        %get3A_426 = arith.index_cast %add3A_418 : i32 to index
        %get3A_427 = arith.constant 16 : index
        %get3A_428 = tpu.vector_load %arg9[%get3A_425, %get3A_426, %get3A_427] {strides = array<i32>} : memref<2x128x128xf32, #tpu.memory_space<vmem>>, vector<16xf32>,
        %pack3A_429 = tpu.pack_subelements %get3A_423, %get3A_428 {pack_format = #tpu.pack_format<interleaved>, positions = array<i32: 0, 1>} : vector<16xf32>, vector<16xf32> -> vector<32xbf16>
        %add3A_430 = arith.constant 32 : i32
        %add3A_431 = arith.addi %add3A_430, %scan3A_196 : i32
        %get3A_432 = arith.constant 1 : i32
        %get3A_433 = arith.index_cast %get3A_432 : i32 to index
        %get3A_434 = arith.index_cast %add3A_431 : i32 to index
        %get3A_435 = arith.constant 0 : index
        %get3A_436 = tpu.vector_load %arg9[%get3A_433, %get3A_434, %get3A_435] {strides = array<i32>} : memref<2x128x128xf32, #tpu.memory_space<vmem>>, vector<16xf32>,
        %get3A_437 = arith.constant 1 : i32
        %get3A_438 = arith.index_cast %get3A_437 : i32 to index
        %get3A_439 = arith.index_cast %add3A_431 : i32 to index
        %get3A_440 = arith.constant 16 : index
        %get3A_441 = tpu.vector_load %arg9[%get3A_438, %get3A_439, %get3A_440] {strides = array<i32>} : memref<2x128x128xf32, #tpu.memory_space<vmem>>, vector<16xf32>,
        %pack3A_442 = tpu.pack_subelements %get3A_436, %get3A_441 {pack_format = #tpu.pack_format<interleaved>, positions = array<i32: 0, 1>} : vector<16xf32>, vector<16xf32> -> vector<32xbf16>
        %add3A_443 = arith.constant 48 : i32
        %add3A_444 = arith.addi %add3A_443, %scan3A_196 : i32
        %get3A_445 = arith.constant 1 : i32
        %get3A_446 = arith.index_cast %get3A_445 : i32 to index
        %get3A_447 = arith.index_cast %add3A_444 : i32 to index
        %get3A_448 = arith.constant 0 : index
        %get3A_449 = tpu.vector_load %arg9[%get3A_446, %get3A_447, %get3A_448] {strides = array<i32>} : memref<2x128x128xf32, #tpu.memory_space<vmem>>, vector<16xf32>,
        %get3A_450 = arith.constant 1 : i32
        %get3A_451 = arith.index_cast %get3A_450 : i32 to index
        %get3A_452 = arith.index_cast %add3A_444 : i32 to index
        %get3A_453 = arith.constant 16 : index
        %get3A_454 = tpu.vector_load %arg9[%get3A_451, %get3A_452, %get3A_453] {strides = array<i32>} : memref<2x128x128xf32, #tpu.memory_space<vmem>>, vector<16xf32>,
        %pack3A_455 = tpu.pack_subelements %get3A_449, %get3A_454 {pack_format = #tpu.pack_format<interleaved>, positions = array<i32: 0, 1>} : vector<16xf32>, vector<16xf32> -> vector<32xbf16>
        %add3A_456 = arith.constant 64 : i32
        %add3A_457 = arith.addi %add3A_456, %scan3A_196 : i32
        %get3A_458 = arith.constant 1 : i32
        %get3A_459 = arith.index_cast %get3A_458 : i32 to index
        %get3A_460 = arith.index_cast %add3A_457 : i32 to index
        %get3A_461 = arith.constant 0 : index
        %get3A_462 = tpu.vector_load %arg9[%get3A_459, %get3A_460, %get3A_461] {strides = array<i32>} : memref<2x128x128xf32, #tpu.memory_space<vmem>>, vector<16xf32>,
        %get3A_463 = arith.constant 1 : i32
        %get3A_464 = arith.index_cast %get3A_463 : i32 to index
        %get3A_465 = arith.index_cast %add3A_457 : i32 to index
        %get3A_466 = arith.constant 16 : index
        %get3A_467 = tpu.vector_load %arg9[%get3A_464, %get3A_465, %get3A_466] {strides = array<i32>} : memref<2x128x128xf32, #tpu.memory_space<vmem>>, vector<16xf32>,
        %pack3A_468 = tpu.pack_subelements %get3A_462, %get3A_467 {pack_format = #tpu.pack_format<interleaved>, positions = array<i32: 0, 1>} : vector<16xf32>, vector<16xf32> -> vector<32xbf16>
        %add3A_469 = arith.constant 80 : i32
        %add3A_470 = arith.addi %add3A_469, %scan3A_196 : i32
        %get3A_471 = arith.constant 1 : i32
        %get3A_472 = arith.index_cast %get3A_471 : i32 to index
        %get3A_473 = arith.index_cast %add3A_470 : i32 to index
        %get3A_474 = arith.constant 0 : index
        %get3A_475 = tpu.vector_load %arg9[%get3A_472, %get3A_473, %get3A_474] {strides = array<i32>} : memref<2x128x128xf32, #tpu.memory_space<vmem>>, vector<16xf32>,
        %get3A_476 = arith.constant 1 : i32
        %get3A_477 = arith.index_cast %get3A_476 : i32 to index
        %get3A_478 = arith.index_cast %add3A_470 : i32 to index
        %get3A_479 = arith.constant 16 : index
        %get3A_480 = tpu.vector_load %arg9[%get3A_477, %get3A_478, %get3A_479] {strides = array<i32>} : memref<2x128x128xf32, #tpu.memory_space<vmem>>, vector<16xf32>,
        %pack3A_481 = tpu.pack_subelements %get3A_475, %get3A_480 {pack_format = #tpu.pack_format<interleaved>, positions = array<i32: 0, 1>} : vector<16xf32>, vector<16xf32> -> vector<32xbf16>
        %add3A_482 = arith.constant 96 : i32
        %add3A_483 = arith.addi %add3A_482, %scan3A_196 : i32
        %get3A_484 = arith.constant 1 : i32
        %get3A_485 = arith.index_cast %get3A_484 : i32 to index
        %get3A_486 = arith.index_cast %add3A_483 : i32 to index
        %get3A_487 = arith.constant 0 : index
        %get3A_488 = tpu.vector_load %arg9[%get3A_485, %get3A_486, %get3A_487] {strides = array<i32>} : memref<2x128x128xf32, #tpu.memory_space<vmem>>, vector<16xf32>,
        %get3A_489 = arith.constant 1 : i32
        %get3A_490 = arith.index_cast %get3A_489 : i32 to index
        %get3A_491 = arith.index_cast %add3A_483 : i32 to index
        %get3A_492 = arith.constant 16 : index
        %get3A_493 = tpu.vector_load %arg9[%get3A_490, %get3A_491, %get3A_492] {strides = array<i32>} : memref<2x128x128xf32, #tpu.memory_space<vmem>>, vector<16xf32>,
        %pack3A_494 = tpu.pack_subelements %get3A_488, %get3A_493 {pack_format = #tpu.pack_format<interleaved>, positions = array<i32: 0, 1>} : vector<16xf32>, vector<16xf32> -> vector<32xbf16>
        %add3A_495 = arith.constant 112 : i32
        %add3A_496 = arith.addi %add3A_495, %scan3A_196 : i32
        %get3A_497 = arith.constant 1 : i32
        %get3A_498 = arith.index_cast %get3A_497 : i32 to index
        %get3A_499 = arith.index_cast %add3A_496 : i32 to index
        %get3A_500 = arith.constant 0 : index
        %get3A_501 = tpu.vector_load %arg9[%get3A_498, %get3A_499, %get3A_500] {strides = array<i32>} : memref<2x128x128xf32, #tpu.memory_space<vmem>>, vector<16xf32>,
        %get3A_502 = arith.constant 1 : i32
        %get3A_503 = arith.index_cast %get3A_502 : i32 to index
        %get3A_504 = arith.index_cast %add3A_496 : i32 to index
        %get3A_505 = arith.constant 16 : index
        %get3A_506 = tpu.vector_load %arg9[%get3A_503, %get3A_504, %get3A_505] {strides = array<i32>} : memref<2x128x128xf32, #tpu.memory_space<vmem>>, vector<16xf32>,
        %pack3A_507 = tpu.pack_subelements %get3A_501, %get3A_506 {pack_format = #tpu.pack_format<interleaved>, positions = array<i32: 0, 1>} : vector<16xf32>, vector<16xf32> -> vector<32xbf16>
        %mul3A_508 = arith.mulf %pack3A, %pack3A_416 : vector<32xbf16>
        %mul3A_509 = arith.mulf %pack3A_221, %pack3A_429 : vector<32xbf16>
        %sub3A = arith.subf %mul3A_508, %mul3A_509 : vector<32xbf16>
        %mul3A_510 = arith.mulf %pack3A_234, %pack3A_442 : vector<32xbf16>
        %sub3A_511 = arith.subf %sub3A, %mul3A_510 : vector<32xbf16>
        %mul3A_512 = arith.mulf %pack3A_247, %pack3A_455 : vector<32xbf16>
        %sub3A_513 = arith.subf %sub3A_511, %mul3A_512 : vector<32xbf16>
        %mul3A_514 = arith.mulf %pack3A, %pack3A_429 : vector<32xbf16>
        %mul3A_515 = arith.mulf %pack3A_416, %pack3A_221 : vector<32xbf16>
        %add3A_516 = arith.addf %mul3A_514, %mul3A_515 : vector<32xbf16>
        %mul3A_517 = arith.mulf %pack3A_234, %pack3A_455 : vector<32xbf16>
        %add3A_518 = arith.addf %add3A_516, %mul3A_517 : vector<32xbf16>
        %mul3A_519 = arith.mulf %pack3A_442, %pack3A_247 : vector<32xbf16>
        %sub3A_520 = arith.subf %add3A_518, %mul3A_519 : vector<32xbf16>
        %mul3A_521 = arith.mulf %pack3A, %pack3A_442 : vector<32xbf16>
        %mul3A_522 = arith.mulf %pack3A_416, %pack3A_234 : vector<32xbf16>
        %add3A_523 = arith.addf %mul3A_521, %mul3A_522 : vector<32xbf16>
        %mul3A_524 = arith.mulf %pack3A_247, %pack3A_429 : vector<32xbf16>
        %add3A_525 = arith.addf %add3A_523, %mul3A_524 : vector<32xbf16>
        %mul3A_526 = arith.mulf %pack3A_455, %pack3A_221 : vector<32xbf16>
        %sub3A_527 = arith.subf %add3A_525, %mul3A_526 : vector<32xbf16>
        %mul3A_528 = arith.mulf %pack3A, %pack3A_455 : vector<32xbf16>
        %mul3A_529 = arith.mulf %pack3A_416, %pack3A_247 : vector<32xbf16>
        %add3A_530 = arith.addf %mul3A_528, %mul3A_529 : vector<32xbf16>
        %mul3A_531 = arith.mulf %pack3A_221, %pack3A_442 : vector<32xbf16>
        %add3A_532 = arith.addf %add3A_530, %mul3A_531 : vector<32xbf16>
        %mul3A_533 = arith.mulf %pack3A_429, %pack3A_234 : vector<32xbf16>
        %sub3A_534 = arith.subf %add3A_532, %mul3A_533 : vector<32xbf16>
        %neg3A = arith.constant 0.000000e+00 : bf16
        %neg3A_535 = vector.broadcast %neg3A : bf16 to vector<32xbf16>
        %neg3A_536 = arith.subf %neg3A_535, %pack3A_481 : vector<32xbf16>
        %neg3A_537 = arith.constant 0.000000e+00 : bf16
        %neg3A_538 = vector.broadcast %neg3A_537 : bf16 to vector<32xbf16>
        %neg3A_539 = arith.subf %neg3A_538, %pack3A_494 : vector<32xbf16>
        %neg3A_540 = arith.constant 0.000000e+00 : bf16
        %neg3A_541 = vector.broadcast %neg3A_540 : bf16 to vector<32xbf16>
        %neg3A_542 = arith.subf %neg3A_541, %pack3A_507 : vector<32xbf16>
        %mul3A_543 = arith.mulf %pack3A_468, %pack3A_260 : vector<32xbf16>
        %mul3A_544 = arith.mulf %neg3A_536, %pack3A_273 : vector<32xbf16>
        %sub3A_545 = arith.subf %mul3A_543, %mul3A_544 : vector<32xbf16>
        %mul3A_546 = arith.mulf %neg3A_539, %pack3A_286 : vector<32xbf16>
        %sub3A_547 = arith.subf %sub3A_545, %mul3A_546 : vector<32xbf16>
        %mul3A_548 = arith.mulf %neg3A_542, %pack3A_299 : vector<32xbf16>
        %sub3A_549 = arith.subf %sub3A_547, %mul3A_548 : vector<32xbf16>
        %mul3A_550 = arith.mulf %pack3A_468, %pack3A_273 : vector<32xbf16>
        %mul3A_551 = arith.mulf %pack3A_260, %neg3A_536 : vector<32xbf16>
        %add3A_552 = arith.addf %mul3A_550, %mul3A_551 : vector<32xbf16>
        %mul3A_553 = arith.mulf %neg3A_539, %pack3A_299 : vector<32xbf16>
        %add3A_554 = arith.addf %add3A_552, %mul3A_553 : vector<32xbf16>
        %mul3A_555 = arith.mulf %pack3A_286, %neg3A_542 : vector<32xbf16>
        %sub3A_556 = arith.subf %add3A_554, %mul3A_555 : vector<32xbf16>
        %mul3A_557 = arith.mulf %pack3A_468, %pack3A_286 : vector<32xbf16>
        %mul3A_558 = arith.mulf %pack3A_260, %neg3A_539 : vector<32xbf16>
        %add3A_559 = arith.addf %mul3A_557, %mul3A_558 : vector<32xbf16>
        %mul3A_560 = arith.mulf %neg3A_542, %pack3A_273 : vector<32xbf16>
        %add3A_561 = arith.addf %add3A_559, %mul3A_560 : vector<32xbf16>
        %mul3A_562 = arith.mulf %pack3A_299, %neg3A_536 : vector<32xbf16>
        %sub3A_563 = arith.subf %add3A_561, %mul3A_562 : vector<32xbf16>
        %mul3A_564 = arith.mulf %pack3A_468, %pack3A_299 : vector<32xbf16>
        %mul3A_565 = arith.mulf %pack3A_260, %neg3A_542 : vector<32xbf16>
        %add3A_566 = arith.addf %mul3A_564, %mul3A_565 : vector<32xbf16>
        %mul3A_567 = arith.mulf %neg3A_536, %pack3A_286 : vector<32xbf16>
        %add3A_568 = arith.addf %add3A_566, %mul3A_567 : vector<32xbf16>
        %mul3A_569 = arith.mulf %pack3A_273, %neg3A_539 : vector<32xbf16>
        %sub3A_570 = arith.subf %add3A_568, %mul3A_569 : vector<32xbf16>
        %mul3A_571 = arith.mulf %pack3A_468, %pack3A : vector<32xbf16>
        %mul3A_572 = arith.mulf %pack3A_481, %pack3A_221 : vector<32xbf16>
        %sub3A_573 = arith.subf %mul3A_571, %mul3A_572 : vector<32xbf16>
        %mul3A_574 = arith.mulf %pack3A_494, %pack3A_234 : vector<32xbf16>
        %sub3A_575 = arith.subf %sub3A_573, %mul3A_574 : vector<32xbf16>
        %mul3A_576 = arith.mulf %pack3A_507, %pack3A_247 : vector<32xbf16>
        %sub3A_577 = arith.subf %sub3A_575, %mul3A_576 : vector<32xbf16>
        %mul3A_578 = arith.mulf %pack3A_468, %pack3A_221 : vector<32xbf16>
        %mul3A_579 = arith.mulf %pack3A, %pack3A_481 : vector<32xbf16>
        %add3A_580 = arith.addf %mul3A_578, %mul3A_579 : vector<32xbf16>
        %mul3A_581 = arith.mulf %pack3A_494, %pack3A_247 : vector<32xbf16>
        %add3A_582 = arith.addf %add3A_580, %mul3A_581 : vector<32xbf16>
        %mul3A_583 = arith.mulf %pack3A_234, %pack3A_507 : vector<32xbf16>
        %sub3A_584 = arith.subf %add3A_582, %mul3A_583 : vector<32xbf16>
        %mul3A_585 = arith.mulf %pack3A_468, %pack3A_234 : vector<32xbf16>
        %mul3A_586 = arith.mulf %pack3A, %pack3A_494 : vector<32xbf16>
        %add3A_587 = arith.addf %mul3A_585, %mul3A_586 : vector<32xbf16>
        %mul3A_588 = arith.mulf %pack3A_507, %pack3A_221 : vector<32xbf16>
        %add3A_589 = arith.addf %add3A_587, %mul3A_588 : vector<32xbf16>
        %mul3A_590 = arith.mulf %pack3A_247, %pack3A_481 : vector<32xbf16>
        %sub3A_591 = arith.subf %add3A_589, %mul3A_590 : vector<32xbf16>
        %mul3A_592 = arith.mulf %pack3A_468, %pack3A_247 : vector<32xbf16>
        %mul3A_593 = arith.mulf %pack3A, %pack3A_507 : vector<32xbf16>
        %add3A_594 = arith.addf %mul3A_592, %mul3A_593 : vector<32xbf16>
        %mul3A_595 = arith.mulf %pack3A_481, %pack3A_234 : vector<32xbf16>
        %add3A_596 = arith.addf %add3A_594, %mul3A_595 : vector<32xbf16>
        %mul3A_597 = arith.mulf %pack3A_221, %pack3A_494 : vector<32xbf16>
        %sub3A_598 = arith.subf %add3A_596, %mul3A_597 : vector<32xbf16>
        %neg3A_599 = arith.constant 0.000000e+00 : bf16
        %neg3A_600 = vector.broadcast %neg3A_599 : bf16 to vector<32xbf16>
        %neg3A_601 = arith.subf %neg3A_600, %pack3A_429 : vector<32xbf16>
        %neg3A_602 = arith.constant 0.000000e+00 : bf16
        %neg3A_603 = vector.broadcast %neg3A_602 : bf16 to vector<32xbf16>
        %neg3A_604 = arith.subf %neg3A_603, %pack3A_442 : vector<32xbf16>
        %neg3A_605 = arith.constant 0.000000e+00 : bf16
        %neg3A_606 = vector.broadcast %neg3A_605 : bf16 to vector<32xbf16>
        %neg3A_607 = arith.subf %neg3A_606, %pack3A_455 : vector<32xbf16>
        %mul3A_608 = arith.mulf %pack3A_260, %pack3A_416 : vector<32xbf16>
        %mul3A_609 = arith.mulf %pack3A_273, %neg3A_601 : vector<32xbf16>
        %sub3A_610 = arith.subf %mul3A_608, %mul3A_609 : vector<32xbf16>
        %mul3A_611 = arith.mulf %pack3A_286, %neg3A_604 : vector<32xbf16>
        %sub3A_612 = arith.subf %sub3A_610, %mul3A_611 : vector<32xbf16>
        %mul3A_613 = arith.mulf %pack3A_299, %neg3A_607 : vector<32xbf16>
        %sub3A_614 = arith.subf %sub3A_612, %mul3A_613 : vector<32xbf16>
        %mul3A_615 = arith.mulf %pack3A_260, %neg3A_601 : vector<32xbf16>
        %mul3A_616 = arith.mulf %pack3A_416, %pack3A_273 : vector<32xbf16>
        %add3A_617 = arith.addf %mul3A_615, %mul3A_616 : vector<32xbf16>
        %mul3A_618 = arith.mulf %pack3A_286, %neg3A_607 : vector<32xbf16>
        %add3A_619 = arith.addf %add3A_617, %mul3A_618 : vector<32xbf16>
        %mul3A_620 = arith.mulf %neg3A_604, %pack3A_299 : vector<32xbf16>
        %sub3A_621 = arith.subf %add3A_619, %mul3A_620 : vector<32xbf16>
        %mul3A_622 = arith.mulf %pack3A_260, %neg3A_604 : vector<32xbf16>
        %mul3A_623 = arith.mulf %pack3A_416, %pack3A_286 : vector<32xbf16>
        %add3A_624 = arith.addf %mul3A_622, %mul3A_623 : vector<32xbf16>
        %mul3A_625 = arith.mulf %pack3A_299, %neg3A_601 : vector<32xbf16>
        %add3A_626 = arith.addf %add3A_624, %mul3A_625 : vector<32xbf16>
        %mul3A_627 = arith.mulf %neg3A_607, %pack3A_273 : vector<32xbf16>
        %sub3A_628 = arith.subf %add3A_626, %mul3A_627 : vector<32xbf16>
        %mul3A_629 = arith.mulf %pack3A_260, %neg3A_607 : vector<32xbf16>
        %mul3A_630 = arith.mulf %pack3A_416, %pack3A_299 : vector<32xbf16>
        %add3A_631 = arith.addf %mul3A_629, %mul3A_630 : vector<32xbf16>
        %mul3A_632 = arith.mulf %pack3A_273, %neg3A_604 : vector<32xbf16>
        %add3A_633 = arith.addf %add3A_631, %mul3A_632 : vector<32xbf16>
        %mul3A_634 = arith.mulf %neg3A_601, %pack3A_286 : vector<32xbf16>
        %sub3A_635 = arith.subf %add3A_633, %mul3A_634 : vector<32xbf16>
        %sub3A_636 = arith.subf %sub3A_513, %sub3A_549 : vector<32xbf16>
        %sub3A_637 = arith.subf %sub3A_520, %sub3A_556 : vector<32xbf16>
        %sub3A_638 = arith.subf %sub3A_527, %sub3A_563 : vector<32xbf16>
        %sub3A_639 = arith.subf %sub3A_534, %sub3A_570 : vector<32xbf16>
        %add3A_640 = arith.addf %sub3A_577, %sub3A_614 : vector<32xbf16>
        %add3A_641 = arith.addf %sub3A_584, %sub3A_621 : vector<32xbf16>
        %add3A_642 = arith.addf %sub3A_591, %sub3A_628 : vector<32xbf16>
        %add3A_643 = arith.addf %sub3A_598, %sub3A_635 : vector<32xbf16>
        %mul3A_644 = arith.mulf %sub3A_636, %pack3A_312 : vector<32xbf16>
        %unpack3A = tpu.unpack_subelements %mul3A_644, 0 {pack_format = #tpu.pack_format<interleaved>} : vector<32xbf16> -> vector<16xf32>
        %unpack3A_645 = tpu.unpack_subelements %mul3A_644, 1 {pack_format = #tpu.pack_format<interleaved>} : vector<32xbf16> -> vector<16xf32>
        %add3A_646 = arith.addf %broadcast_in_dim3A_197, %unpack3A : vector<16xf32>
        %add3A_647 = arith.addf %add3A_646, %unpack3A_645 : vector<16xf32>
        %mul3A_648 = arith.mulf %sub3A_637, %pack3A_325 : vector<32xbf16>
        %unpack3A_649 = tpu.unpack_subelements %mul3A_648, 0 {pack_format = #tpu.pack_format<interleaved>} : vector<32xbf16> -> vector<16xf32>
        %unpack3A_650 = tpu.unpack_subelements %mul3A_648, 1 {pack_format = #tpu.pack_format<interleaved>} : vector<32xbf16> -> vector<16xf32>
        %add3A_651 = arith.addf %add3A_647, %unpack3A_649 : vector<16xf32>
        %add3A_652 = arith.addf %add3A_651, %unpack3A_650 : vector<16xf32>
        %mul3A_653 = arith.mulf %sub3A_638, %pack3A_338 : vector<32xbf16>
        %unpack3A_654 = tpu.unpack_subelements %mul3A_653, 0 {pack_format = #tpu.pack_format<interleaved>} : vector<32xbf16> -> vector<16xf32>
        %unpack3A_655 = tpu.unpack_subelements %mul3A_653, 1 {pack_format = #tpu.pack_format<interleaved>} : vector<32xbf16> -> vector<16xf32>
        %add3A_656 = arith.addf %add3A_652, %unpack3A_654 : vector<16xf32>
        %add3A_657 = arith.addf %add3A_656, %unpack3A_655 : vector<16xf32>
        %mul3A_658 = arith.mulf %sub3A_639, %pack3A_351 : vector<32xbf16>
        %unpack3A_659 = tpu.unpack_subelements %mul3A_658, 0 {pack_format = #tpu.pack_format<interleaved>} : vector<32xbf16> -> vector<16xf32>
        %unpack3A_660 = tpu.unpack_subelements %mul3A_658, 1 {pack_format = #tpu.pack_format<interleaved>} : vector<32xbf16> -> vector<16xf32>
        %add3A_661 = arith.addf %add3A_657, %unpack3A_659 : vector<16xf32>
        %add3A_662 = arith.addf %add3A_661, %unpack3A_660 : vector<16xf32>
        %mul3A_663 = arith.mulf %add3A_640, %pack3A_364 : vector<32xbf16>
        %unpack3A_664 = tpu.unpack_subelements %mul3A_663, 0 {pack_format = #tpu.pack_format<interleaved>} : vector<32xbf16> -> vector<16xf32>
        %unpack3A_665 = tpu.unpack_subelements %mul3A_663, 1 {pack_format = #tpu.pack_format<interleaved>} : vector<32xbf16> -> vector<16xf32>
        %add3A_666 = arith.addf %add3A_662, %unpack3A_664 : vector<16xf32>
        %add3A_667 = arith.addf %add3A_666, %unpack3A_665 : vector<16xf32>
        %mul3A_668 = arith.mulf %add3A_641, %pack3A_377 : vector<32xbf16>
        %unpack3A_669 = tpu.unpack_subelements %mul3A_668, 0 {pack_format = #tpu.pack_format<interleaved>} : vector<32xbf16> -> vector<16xf32>
        %unpack3A_670 = tpu.unpack_subelements %mul3A_668, 1 {pack_format = #tpu.pack_format<interleaved>} : vector<32xbf16> -> vector<16xf32>
        %add3A_671 = arith.addf %add3A_667, %unpack3A_669 : vector<16xf32>
        %add3A_672 = arith.addf %add3A_671, %unpack3A_670 : vector<16xf32>
        %mul3A_673 = arith.mulf %add3A_642, %pack3A_390 : vector<32xbf16>
        %unpack3A_674 = tpu.unpack_subelements %mul3A_673, 0 {pack_format = #tpu.pack_format<interleaved>} : vector<32xbf16> -> vector<16xf32>
        %unpack3A_675 = tpu.unpack_subelements %mul3A_673, 1 {pack_format = #tpu.pack_format<interleaved>} : vector<32xbf16> -> vector<16xf32>
        %add3A_676 = arith.addf %add3A_672, %unpack3A_674 : vector<16xf32>
        %add3A_677 = arith.addf %add3A_676, %unpack3A_675 : vector<16xf32>
        %mul3A_678 = arith.mulf %add3A_643, %pack3A_403 : vector<32xbf16>
        %unpack3A_679 = tpu.unpack_subelements %mul3A_678, 0 {pack_format = #tpu.pack_format<interleaved>} : vector<32xbf16> -> vector<16xf32>
        %unpack3A_680 = tpu.unpack_subelements %mul3A_678, 1 {pack_format = #tpu.pack_format<interleaved>} : vector<32xbf16> -> vector<16xf32>
        %add3A_681 = arith.addf %add3A_677, %unpack3A_679 : vector<16xf32>
        %add3A_682 = arith.addf %add3A_681, %unpack3A_680 : vector<16xf32>
        %add3A_683 = arith.constant 0 : i32
        %add3A_684 = arith.addi %add3A_683, %scan3A_196 : i32
        %get3A_685 = arith.constant 1 : i32
        %get3A_686 = arith.index_cast %get3A_685 : i32 to index
        %get3A_687 = arith.index_cast %add3A_684 : i32 to index
        %get3A_688 = arith.constant 32 : index
        %get3A_689 = tpu.vector_load %arg7[%get3A_686, %get3A_687, %get3A_688] {strides = array<i32>} : memref<2x128x128xf32, #tpu.memory_space<vmem>>, vector<16xf32>,
        %get3A_690 = arith.constant 1 : i32
        %get3A_691 = arith.index_cast %get3A_690 : i32 to index
        %get3A_692 = arith.index_cast %add3A_684 : i32 to index
        %get3A_693 = arith.constant 48 : index
        %get3A_694 = tpu.vector_load %arg7[%get3A_691, %get3A_692, %get3A_693] {strides = array<i32>} : memref<2x128x128xf32, #tpu.memory_space<vmem>>, vector<16xf32>,
        %pack3A_695 = tpu.pack_subelements %get3A_689, %get3A_694 {pack_format = #tpu.pack_format<interleaved>, positions = array<i32: 0, 1>} : vector<16xf32>, vector<16xf32> -> vector<32xbf16>
        %add3A_696 = arith.constant 16 : i32
        %add3A_697 = arith.addi %add3A_696, %scan3A_196 : i32
        %get3A_698 = arith.constant 1 : i32
        %get3A_699 = arith.index_cast %get3A_698 : i32 to index
        %get3A_700 = arith.index_cast %add3A_697 : i32 to index
        %get3A_701 = arith.constant 32 : index
        %get3A_702 = tpu.vector_load %arg7[%get3A_699, %get3A_700, %get3A_701] {strides = array<i32>} : memref<2x128x128xf32, #tpu.memory_space<vmem>>, vector<16xf32>,
        %get3A_703 = arith.constant 1 : i32
        %get3A_704 = arith.index_cast %get3A_703 : i32 to index
        %get3A_705 = arith.index_cast %add3A_697 : i32 to index
        %get3A_706 = arith.constant 48 : index
        %get3A_707 = tpu.vector_load %arg7[%get3A_704, %get3A_705, %get3A_706] {strides = array<i32>} : memref<2x128x128xf32, #tpu.memory_space<vmem>>, vector<16xf32>,
        %pack3A_708 = tpu.pack_subelements %get3A_702, %get3A_707 {pack_format = #tpu.pack_format<interleaved>, positions = array<i32: 0, 1>} : vector<16xf32>, vector<16xf32> -> vector<32xbf16>
        %add3A_709 = arith.constant 32 : i32
        %add3A_710 = arith.addi %add3A_709, %scan3A_196 : i32
        %get3A_711 = arith.constant 1 : i32
        %get3A_712 = arith.index_cast %get3A_711 : i32 to index
        %get3A_713 = arith.index_cast %add3A_710 : i32 to index
        %get3A_714 = arith.constant 32 : index
        %get3A_715 = tpu.vector_load %arg7[%get3A_712, %get3A_713, %get3A_714] {strides = array<i32>} : memref<2x128x128xf32, #tpu.memory_space<vmem>>, vector<16xf32>,
        %get3A_716 = arith.constant 1 : i32
        %get3A_717 = arith.index_cast %get3A_716 : i32 to index
        %get3A_718 = arith.index_cast %add3A_710 : i32 to index
        %get3A_719 = arith.constant 48 : index
        %get3A_720 = tpu.vector_load %arg7[%get3A_717, %get3A_718, %get3A_719] {strides = array<i32>} : memref<2x128x128xf32, #tpu.memory_space<vmem>>, vector<16xf32>,
        %pack3A_721 = tpu.pack_subelements %get3A_715, %get3A_720 {pack_format = #tpu.pack_format<interleaved>, positions = array<i32: 0, 1>} : vector<16xf32>, vector<16xf32> -> vector<32xbf16>
        %add3A_722 = arith.constant 48 : i32
        %add3A_723 = arith.addi %add3A_722, %scan3A_196 : i32
        %get3A_724 = arith.constant 1 : i32
        %get3A_725 = arith.index_cast %get3A_724 : i32 to index
        %get3A_726 = arith.index_cast %add3A_723 : i32 to index
        %get3A_727 = arith.constant 32 : index
        %get3A_728 = tpu.vector_load %arg7[%get3A_725, %get3A_726, %get3A_727] {strides = array<i32>} : memref<2x128x128xf32, #tpu.memory_space<vmem>>, vector<16xf32>,
        %get3A_729 = arith.constant 1 : i32
        %get3A_730 = arith.index_cast %get3A_729 : i32 to index
        %get3A_731 = arith.index_cast %add3A_723 : i32 to index
        %get3A_732 = arith.constant 48 : index
        %get3A_733 = tpu.vector_load %arg7[%get3A_730, %get3A_731, %get3A_732] {strides = array<i32>} : memref<2x128x128xf32, #tpu.memory_space<vmem>>, vector<16xf32>,
        %pack3A_734 = tpu.pack_subelements %get3A_728, %get3A_733 {pack_format = #tpu.pack_format<interleaved>, positions = array<i32: 0, 1>} : vector<16xf32>, vector<16xf32> -> vector<32xbf16>
        %add3A_735 = arith.constant 64 : i32
        %add3A_736 = arith.addi %add3A_735, %scan3A_196 : i32
        %get3A_737 = arith.constant 1 : i32
        %get3A_738 = arith.index_cast %get3A_737 : i32 to index
        %get3A_739 = arith.index_cast %add3A_736 : i32 to index
        %get3A_740 = arith.constant 32 : index
        %get3A_741 = tpu.vector_load %arg7[%get3A_738, %get3A_739, %get3A_740] {strides = array<i32>} : memref<2x128x128xf32, #tpu.memory_space<vmem>>, vector<16xf32>,
        %get3A_742 = arith.constant 1 : i32
        %get3A_743 = arith.index_cast %get3A_742 : i32 to index
        %get3A_744 = arith.index_cast %add3A_736 : i32 to index
        %get3A_745 = arith.constant 48 : index
        %get3A_746 = tpu.vector_load %arg7[%get3A_743, %get3A_744, %get3A_745] {strides = array<i32>} : memref<2x128x128xf32, #tpu.memory_space<vmem>>, vector<16xf32>,
        %pack3A_747 = tpu.pack_subelements %get3A_741, %get3A_746 {pack_format = #tpu.pack_format<interleaved>, positions = array<i32: 0, 1>} : vector<16xf32>, vector<16xf32> -> vector<32xbf16>
        %add3A_748 = arith.constant 80 : i32
        %add3A_749 = arith.addi %add3A_748, %scan3A_196 : i32
        %get3A_750 = arith.constant 1 : i32
        %get3A_751 = arith.index_cast %get3A_750 : i32 to index
        %get3A_752 = arith.index_cast %add3A_749 : i32 to index
        %get3A_753 = arith.constant 32 : index
        %get3A_754 = tpu.vector_load %arg7[%get3A_751, %get3A_752, %get3A_753] {strides = array<i32>} : memref<2x128x128xf32, #tpu.memory_space<vmem>>, vector<16xf32>,
        %get3A_755 = arith.constant 1 : i32
        %get3A_756 = arith.index_cast %get3A_755 : i32 to index
        %get3A_757 = arith.index_cast %add3A_749 : i32 to index
        %get3A_758 = arith.constant 48 : index
        %get3A_759 = tpu.vector_load %arg7[%get3A_756, %get3A_757, %get3A_758] {strides = array<i32>} : memref<2x128x128xf32, #tpu.memory_space<vmem>>, vector<16xf32>,
        %pack3A_760 = tpu.pack_subelements %get3A_754, %get3A_759 {pack_format = #tpu.pack_format<interleaved>, positions = array<i32: 0, 1>} : vector<16xf32>, vector<16xf32> -> vector<32xbf16>
        %add3A_761 = arith.constant 96 : i32
        %add3A_762 = arith.addi %add3A_761, %scan3A_196 : i32
        %get3A_763 = arith.constant 1 : i32
        %get3A_764 = arith.index_cast %get3A_763 : i32 to index
        %get3A_765 = arith.index_cast %add3A_762 : i32 to index
        %get3A_766 = arith.constant 32 : index
        %get3A_767 = tpu.vector_load %arg7[%get3A_764, %get3A_765, %get3A_766] {strides = array<i32>} : memref<2x128x128xf32, #tpu.memory_space<vmem>>, vector<16xf32>,
        %get3A_768 = arith.constant 1 : i32
        %get3A_769 = arith.index_cast %get3A_768 : i32 to index
        %get3A_770 = arith.index_cast %add3A_762 : i32 to index
        %get3A_771 = arith.constant 48 : index
        %get3A_772 = tpu.vector_load %arg7[%get3A_769, %get3A_770, %get3A_771] {strides = array<i32>} : memref<2x128x128xf32, #tpu.memory_space<vmem>>, vector<16xf32>,
        %pack3A_773 = tpu.pack_subelements %get3A_767, %get3A_772 {pack_format = #tpu.pack_format<interleaved>, positions = array<i32: 0, 1>} : vector<16xf32>, vector<16xf32> -> vector<32xbf16>
        %add3A_774 = arith.constant 112 : i32
        %add3A_775 = arith.addi %add3A_774, %scan3A_196 : i32
        %get3A_776 = arith.constant 1 : i32
        %get3A_777 = arith.index_cast %get3A_776 : i32 to index
        %get3A_778 = arith.index_cast %add3A_775 : i32 to index
        %get3A_779 = arith.constant 32 : index
        %get3A_780 = tpu.vector_load %arg7[%get3A_777, %get3A_778, %get3A_779] {strides = array<i32>} : memref<2x128x128xf32, #tpu.memory_space<vmem>>, vector<16xf32>,
        %get3A_781 = arith.constant 1 : i32
        %get3A_782 = arith.index_cast %get3A_781 : i32 to index
        %get3A_783 = arith.index_cast %add3A_775 : i32 to index
        %get3A_784 = arith.constant 48 : index
        %get3A_785 = tpu.vector_load %arg7[%get3A_782, %get3A_783, %get3A_784] {strides = array<i32>} : memref<2x128x128xf32, #tpu.memory_space<vmem>>, vector<16xf32>,
        %pack3A_786 = tpu.pack_subelements %get3A_780, %get3A_785 {pack_format = #tpu.pack_format<interleaved>, positions = array<i32: 0, 1>} : vector<16xf32>, vector<16xf32> -> vector<32xbf16>
        %add3A_787 = arith.constant 0 : i32
        %add3A_788 = arith.addi %add3A_787, %scan3A_196 : i32
        %get3A_789 = arith.constant 1 : i32
        %get3A_790 = arith.index_cast %get3A_789 : i32 to index
        %get3A_791 = arith.index_cast %add3A_788 : i32 to index
        %get3A_792 = arith.constant 32 : index
        %get3A_793 = tpu.vector_load %arg8[%get3A_790, %get3A_791, %get3A_792] {strides = array<i32>} : memref<2x128x128xf32, #tpu.memory_space<vmem>>, vector<16xf32>,
        %get3A_794 = arith.constant 1 : i32
        %get3A_795 = arith.index_cast %get3A_794 : i32 to index
        %get3A_796 = arith.index_cast %add3A_788 : i32 to index
        %get3A_797 = arith.constant 48 : index
        %get3A_798 = tpu.vector_load %arg8[%get3A_795, %get3A_796, %get3A_797] {strides = array<i32>} : memref<2x128x128xf32, #tpu.memory_space<vmem>>, vector<16xf32>,
        %pack3A_799 = tpu.pack_subelements %get3A_793, %get3A_798 {pack_format = #tpu.pack_format<interleaved>, positions = array<i32: 0, 1>} : vector<16xf32>, vector<16xf32> -> vector<32xbf16>
        %add3A_800 = arith.constant 16 : i32
        %add3A_801 = arith.addi %add3A_800, %scan3A_196 : i32
        %get3A_802 = arith.constant 1 : i32
        %get3A_803 = arith.index_cast %get3A_802 : i32 to index
        %get3A_804 = arith.index_cast %add3A_801 : i32 to index
        %get3A_805 = arith.constant 32 : index
        %get3A_806 = tpu.vector_load %arg8[%get3A_803, %get3A_804, %get3A_805] {strides = array<i32>} : memref<2x128x128xf32, #tpu.memory_space<vmem>>, vector<16xf32>,
        %get3A_807 = arith.constant 1 : i32
        %get3A_808 = arith.index_cast %get3A_807 : i32 to index
        %get3A_809 = arith.index_cast %add3A_801 : i32 to index
        %get3A_810 = arith.constant 48 : index
        %get3A_811 = tpu.vector_load %arg8[%get3A_808, %get3A_809, %get3A_810] {strides = array<i32>} : memref<2x128x128xf32, #tpu.memory_space<vmem>>, vector<16xf32>,
        %pack3A_812 = tpu.pack_subelements %get3A_806, %get3A_811 {pack_format = #tpu.pack_format<interleaved>, positions = array<i32: 0, 1>} : vector<16xf32>, vector<16xf32> -> vector<32xbf16>
        %add3A_813 = arith.constant 32 : i32
        %add3A_814 = arith.addi %add3A_813, %scan3A_196 : i32
        %get3A_815 = arith.constant 1 : i32
        %get3A_816 = arith.index_cast %get3A_815 : i32 to index
        %get3A_817 = arith.index_cast %add3A_814 : i32 to index
        %get3A_818 = arith.constant 32 : index
        %get3A_819 = tpu.vector_load %arg8[%get3A_816, %get3A_817, %get3A_818] {strides = array<i32>} : memref<2x128x128xf32, #tpu.memory_space<vmem>>, vector<16xf32>,
        %get3A_820 = arith.constant 1 : i32
        %get3A_821 = arith.index_cast %get3A_820 : i32 to index
        %get3A_822 = arith.index_cast %add3A_814 : i32 to index
        %get3A_823 = arith.constant 48 : index
        %get3A_824 = tpu.vector_load %arg8[%get3A_821, %get3A_822, %get3A_823] {strides = array<i32>} : memref<2x128x128xf32, #tpu.memory_space<vmem>>, vector<16xf32>,
        %pack3A_825 = tpu.pack_subelements %get3A_819, %get3A_824 {pack_format = #tpu.pack_format<interleaved>, positions = array<i32: 0, 1>} : vector<16xf32>, vector<16xf32> -> vector<32xbf16>
        %add3A_826 = arith.constant 48 : i32
        %add3A_827 = arith.addi %add3A_826, %scan3A_196 : i32
        %get3A_828 = arith.constant 1 : i32
        %get3A_829 = arith.index_cast %get3A_828 : i32 to index
        %get3A_830 = arith.index_cast %add3A_827 : i32 to index
        %get3A_831 = arith.constant 32 : index
        %get3A_832 = tpu.vector_load %arg8[%get3A_829, %get3A_830, %get3A_831] {strides = array<i32>} : memref<2x128x128xf32, #tpu.memory_space<vmem>>, vector<16xf32>,
        %get3A_833 = arith.constant 1 : i32
        %get3A_834 = arith.index_cast %get3A_833 : i32 to index
        %get3A_835 = arith.index_cast %add3A_827 : i32 to index
        %get3A_836 = arith.constant 48 : index
        %get3A_837 = tpu.vector_load %arg8[%get3A_834, %get3A_835, %get3A_836] {strides = array<i32>} : memref<2x128x128xf32, #tpu.memory_space<vmem>>, vector<16xf32>,
        %pack3A_838 = tpu.pack_subelements %get3A_832, %get3A_837 {pack_format = #tpu.pack_format<interleaved>, positions = array<i32: 0, 1>} : vector<16xf32>, vector<16xf32> -> vector<32xbf16>
        %add3A_839 = arith.constant 64 : i32
        %add3A_840 = arith.addi %add3A_839, %scan3A_196 : i32
        %get3A_841 = arith.constant 1 : i32
        %get3A_842 = arith.index_cast %get3A_841 : i32 to index
        %get3A_843 = arith.index_cast %add3A_840 : i32 to index
        %get3A_844 = arith.constant 32 : index
        %get3A_845 = tpu.vector_load %arg8[%get3A_842, %get3A_843, %get3A_844] {strides = array<i32>} : memref<2x128x128xf32, #tpu.memory_space<vmem>>, vector<16xf32>,
        %get3A_846 = arith.constant 1 : i32
        %get3A_847 = arith.index_cast %get3A_846 : i32 to index
        %get3A_848 = arith.index_cast %add3A_840 : i32 to index
        %get3A_849 = arith.constant 48 : index
        %get3A_850 = tpu.vector_load %arg8[%get3A_847, %get3A_848, %get3A_849] {strides = array<i32>} : memref<2x128x128xf32, #tpu.memory_space<vmem>>, vector<16xf32>,
        %pack3A_851 = tpu.pack_subelements %get3A_845, %get3A_850 {pack_format = #tpu.pack_format<interleaved>, positions = array<i32: 0, 1>} : vector<16xf32>, vector<16xf32> -> vector<32xbf16>
        %add3A_852 = arith.constant 80 : i32
        %add3A_853 = arith.addi %add3A_852, %scan3A_196 : i32
        %get3A_854 = arith.constant 1 : i32
        %get3A_855 = arith.index_cast %get3A_854 : i32 to index
        %get3A_856 = arith.index_cast %add3A_853 : i32 to index
        %get3A_857 = arith.constant 32 : index
        %get3A_858 = tpu.vector_load %arg8[%get3A_855, %get3A_856, %get3A_857] {strides = array<i32>} : memref<2x128x128xf32, #tpu.memory_space<vmem>>, vector<16xf32>,
        %get3A_859 = arith.constant 1 : i32
        %get3A_860 = arith.index_cast %get3A_859 : i32 to index
        %get3A_861 = arith.index_cast %add3A_853 : i32 to index
        %get3A_862 = arith.constant 48 : index
        %get3A_863 = tpu.vector_load %arg8[%get3A_860, %get3A_861, %get3A_862] {strides = array<i32>} : memref<2x128x128xf32, #tpu.memory_space<vmem>>, vector<16xf32>,
        %pack3A_864 = tpu.pack_subelements %get3A_858, %get3A_863 {pack_format = #tpu.pack_format<interleaved>, positions = array<i32: 0, 1>} : vector<16xf32>, vector<16xf32> -> vector<32xbf16>
        %add3A_865 = arith.constant 96 : i32
        %add3A_866 = arith.addi %add3A_865, %scan3A_196 : i32
        %get3A_867 = arith.constant 1 : i32
        %get3A_868 = arith.index_cast %get3A_867 : i32 to index
        %get3A_869 = arith.index_cast %add3A_866 : i32 to index
        %get3A_870 = arith.constant 32 : index
        %get3A_871 = tpu.vector_load %arg8[%get3A_868, %get3A_869, %get3A_870] {strides = array<i32>} : memref<2x128x128xf32, #tpu.memory_space<vmem>>, vector<16xf32>,
        %get3A_872 = arith.constant 1 : i32
        %get3A_873 = arith.index_cast %get3A_872 : i32 to index
        %get3A_874 = arith.index_cast %add3A_866 : i32 to index
        %get3A_875 = arith.constant 48 : index
        %get3A_876 = tpu.vector_load %arg8[%get3A_873, %get3A_874, %get3A_875] {strides = array<i32>} : memref<2x128x128xf32, #tpu.memory_space<vmem>>, vector<16xf32>,
        %pack3A_877 = tpu.pack_subelements %get3A_871, %get3A_876 {pack_format = #tpu.pack_format<interleaved>, positions = array<i32: 0, 1>} : vector<16xf32>, vector<16xf32> -> vector<32xbf16>
        %add3A_878 = arith.constant 112 : i32
        %add3A_879 = arith.addi %add3A_878, %scan3A_196 : i32
        %get3A_880 = arith.constant 1 : i32
        %get3A_881 = arith.index_cast %get3A_880 : i32 to index
        %get3A_882 = arith.index_cast %add3A_879 : i32 to index
        %get3A_883 = arith.constant 32 : index
        %get3A_884 = tpu.vector_load %arg8[%get3A_881, %get3A_882, %get3A_883] {strides = array<i32>} : memref<2x128x128xf32, #tpu.memory_space<vmem>>, vector<16xf32>,
        %get3A_885 = arith.constant 1 : i32
        %get3A_886 = arith.index_cast %get3A_885 : i32 to index
        %get3A_887 = arith.index_cast %add3A_879 : i32 to index
        %get3A_888 = arith.constant 48 : index
        %get3A_889 = tpu.vector_load %arg8[%get3A_886, %get3A_887, %get3A_888] {strides = array<i32>} : memref<2x128x128xf32, #tpu.memory_space<vmem>>, vector<16xf32>,
        %pack3A_890 = tpu.pack_subelements %get3A_884, %get3A_889 {pack_format = #tpu.pack_format<interleaved>, positions = array<i32: 0, 1>} : vector<16xf32>, vector<16xf32> -> vector<32xbf16>
        %add3A_891 = arith.constant 0 : i32
        %add3A_892 = arith.addi %add3A_891, %scan3A_196 : i32
        %get3A_893 = arith.constant 1 : i32
        %get3A_894 = arith.index_cast %get3A_893 : i32 to index
        %get3A_895 = arith.index_cast %add3A_892 : i32 to index
        %get3A_896 = arith.constant 32 : index
        %get3A_897 = tpu.vector_load %arg9[%get3A_894, %get3A_895, %get3A_896] {strides = array<i32>} : memref<2x128x128xf32, #tpu.memory_space<vmem>>, vector<16xf32>,
        %get3A_898 = arith.constant 1 : i32
        %get3A_899 = arith.index_cast %get3A_898 : i32 to index
        %get3A_900 = arith.index_cast %add3A_892 : i32 to index
        %get3A_901 = arith.constant 48 : index
        %get3A_902 = tpu.vector_load %arg9[%get3A_899, %get3A_900, %get3A_901] {strides = array<i32>} : memref<2x128x128xf32, #tpu.memory_space<vmem>>, vector<16xf32>,
        %pack3A_903 = tpu.pack_subelements %get3A_897, %get3A_902 {pack_format = #tpu.pack_format<interleaved>, positions = array<i32: 0, 1>} : vector<16xf32>, vector<16xf32> -> vector<32xbf16>
        %add3A_904 = arith.constant 16 : i32
        %add3A_905 = arith.addi %add3A_904, %scan3A_196 : i32
        %get3A_906 = arith.constant 1 : i32
        %get3A_907 = arith.index_cast %get3A_906 : i32 to index
        %get3A_908 = arith.index_cast %add3A_905 : i32 to index
        %get3A_909 = arith.constant 32 : index
        %get3A_910 = tpu.vector_load %arg9[%get3A_907, %get3A_908, %get3A_909] {strides = array<i32>} : memref<2x128x128xf32, #tpu.memory_space<vmem>>, vector<16xf32>,
        %get3A_911 = arith.constant 1 : i32
        %get3A_912 = arith.index_cast %get3A_911 : i32 to index
        %get3A_913 = arith.index_cast %add3A_905 : i32 to index
        %get3A_914 = arith.constant 48 : index
        %get3A_915 = tpu.vector_load %arg9[%get3A_912, %get3A_913, %get3A_914] {strides = array<i32>} : memref<2x128x128xf32, #tpu.memory_space<vmem>>, vector<16xf32>,
        %pack3A_916 = tpu.pack_subelements %get3A_910, %get3A_915 {pack_format = #tpu.pack_format<interleaved>, positions = array<i32: 0, 1>} : vector<16xf32>, vector<16xf32> -> vector<32xbf16>
        %add3A_917 = arith.constant 32 : i32
        %add3A_918 = arith.addi %add3A_917, %scan3A_196 : i32
        %get3A_919 = arith.constant 1 : i32
        %get3A_920 = arith.index_cast %get3A_919 : i32 to index
        %get3A_921 = arith.index_cast %add3A_918 : i32 to index
        %get3A_922 = arith.constant 32 : index
        %get3A_923 = tpu.vector_load %arg9[%get3A_920, %get3A_921, %get3A_922] {strides = array<i32>} : memref<2x128x128xf32, #tpu.memory_space<vmem>>, vector<16xf32>,
        %get3A_924 = arith.constant 1 : i32
        %get3A_925 = arith.index_cast %get3A_924 : i32 to index
        %get3A_926 = arith.index_cast %add3A_918 : i32 to index
        %get3A_927 = arith.constant 48 : index
        %get3A_928 = tpu.vector_load %arg9[%get3A_925, %get3A_926, %get3A_927] {strides = array<i32>} : memref<2x128x128xf32, #tpu.memory_space<vmem>>, vector<16xf32>,
        %pack3A_929 = tpu.pack_subelements %get3A_923, %get3A_928 {pack_format = #tpu.pack_format<interleaved>, positions = array<i32: 0, 1>} : vector<16xf32>, vector<16xf32> -> vector<32xbf16>
        %add3A_930 = arith.constant 48 : i32
        %add3A_931 = arith.addi %add3A_930, %scan3A_196 : i32
        %get3A_932 = arith.constant 1 : i32
        %get3A_933 = arith.index_cast %get3A_932 : i32 to index
        %get3A_934 = arith.index_cast %add3A_931 : i32 to index
        %get3A_935 = arith.constant 32 : index
        %get3A_936 = tpu.vector_load %arg9[%get3A_933, %get3A_934, %get3A_935] {strides = array<i32>} : memref<2x128x128xf32, #tpu.memory_space<vmem>>, vector<16xf32>,
        %get3A_937 = arith.constant 1 : i32
        %get3A_938 = arith.index_cast %get3A_937 : i32 to index
        %get3A_939 = arith.index_cast %add3A_931 : i32 to index
        %get3A_940 = arith.constant 48 : index
        %get3A_941 = tpu.vector_load %arg9[%get3A_938, %get3A_939, %get3A_940] {strides = array<i32>} : memref<2x128x128xf32, #tpu.memory_space<vmem>>, vector<16xf32>,
        %pack3A_942 = tpu.pack_subelements %get3A_936, %get3A_941 {pack_format = #tpu.pack_format<interleaved>, positions = array<i32: 0, 1>} : vector<16xf32>, vector<16xf32> -> vector<32xbf16>
        %add3A_943 = arith.constant 64 : i32
        %add3A_944 = arith.addi %add3A_943, %scan3A_196 : i32
        %get3A_945 = arith.constant 1 : i32
        %get3A_946 = arith.index_cast %get3A_945 : i32 to index
        %get3A_947 = arith.index_cast %add3A_944 : i32 to index
        %get3A_948 = arith.constant 32 : index
        %get3A_949 = tpu.vector_load %arg9[%get3A_946, %get3A_947, %get3A_948] {strides = array<i32>} : memref<2x128x128xf32, #tpu.memory_space<vmem>>, vector<16xf32>,
        %get3A_950 = arith.constant 1 : i32
        %get3A_951 = arith.index_cast %get3A_950 : i32 to index
        %get3A_952 = arith.index_cast %add3A_944 : i32 to index
        %get3A_953 = arith.constant 48 : index
        %get3A_954 = tpu.vector_load %arg9[%get3A_951, %get3A_952, %get3A_953] {strides = array<i32>} : memref<2x128x128xf32, #tpu.memory_space<vmem>>, vector<16xf32>,
        %pack3A_955 = tpu.pack_subelements %get3A_949, %get3A_954 {pack_format = #tpu.pack_format<interleaved>, positions = array<i32: 0, 1>} : vector<16xf32>, vector<16xf32> -> vector<32xbf16>
        %add3A_956 = arith.constant 80 : i32
        %add3A_957 = arith.addi %add3A_956, %scan3A_196 : i32
        %get3A_958 = arith.constant 1 : i32
        %get3A_959 = arith.index_cast %get3A_958 : i32 to index
        %get3A_960 = arith.index_cast %add3A_957 : i32 to index
        %get3A_961 = arith.constant 32 : index
        %get3A_962 = tpu.vector_load %arg9[%get3A_959, %get3A_960, %get3A_961] {strides = array<i32>} : memref<2x128x128xf32, #tpu.memory_space<vmem>>, vector<16xf32>,
        %get3A_963 = arith.constant 1 : i32
        %get3A_964 = arith.index_cast %get3A_963 : i32 to index
        %get3A_965 = arith.index_cast %add3A_957 : i32 to index
        %get3A_966 = arith.constant 48 : index
        %get3A_967 = tpu.vector_load %arg9[%get3A_964, %get3A_965, %get3A_966] {strides = array<i32>} : memref<2x128x128xf32, #tpu.memory_space<vmem>>, vector<16xf32>,
        %pack3A_968 = tpu.pack_subelements %get3A_962, %get3A_967 {pack_format = #tpu.pack_format<interleaved>, positions = array<i32: 0, 1>} : vector<16xf32>, vector<16xf32> -> vector<32xbf16>
        %add3A_969 = arith.constant 96 : i32
        %add3A_970 = arith.addi %add3A_969, %scan3A_196 : i32
        %get3A_971 = arith.constant 1 : i32
        %get3A_972 = arith.index_cast %get3A_971 : i32 to index
        %get3A_973 = arith.index_cast %add3A_970 : i32 to index
        %get3A_974 = arith.constant 32 : index
        %get3A_975 = tpu.vector_load %arg9[%get3A_972, %get3A_973, %get3A_974] {strides = array<i32>} : memref<2x128x128xf32, #tpu.memory_space<vmem>>, vector<16xf32>,
        %get3A_976 = arith.constant 1 : i32
        %get3A_977 = arith.index_cast %get3A_976 : i32 to index
        %get3A_978 = arith.index_cast %add3A_970 : i32 to index
        %get3A_979 = arith.constant 48 : index
        %get3A_980 = tpu.vector_load %arg9[%get3A_977, %get3A_978, %get3A_979] {strides = array<i32>} : memref<2x128x128xf32, #tpu.memory_space<vmem>>, vector<16xf32>,
        %pack3A_981 = tpu.pack_subelements %get3A_975, %get3A_980 {pack_format = #tpu.pack_format<interleaved>, positions = array<i32: 0, 1>} : vector<16xf32>, vector<16xf32> -> vector<32xbf16>
        %add3A_982 = arith.constant 112 : i32
        %add3A_983 = arith.addi %add3A_982, %scan3A_196 : i32
        %get3A_984 = arith.constant 1 : i32
        %get3A_985 = arith.index_cast %get3A_984 : i32 to index
        %get3A_986 = arith.index_cast %add3A_983 : i32 to index
        %get3A_987 = arith.constant 32 : index
        %get3A_988 = tpu.vector_load %arg9[%get3A_985, %get3A_986, %get3A_987] {strides = array<i32>} : memref<2x128x128xf32, #tpu.memory_space<vmem>>, vector<16xf32>,
        %get3A_989 = arith.constant 1 : i32
        %get3A_990 = arith.index_cast %get3A_989 : i32 to index
        %get3A_991 = arith.index_cast %add3A_983 : i32 to index
        %get3A_992 = arith.constant 48 : index
        %get3A_993 = tpu.vector_load %arg9[%get3A_990, %get3A_991, %get3A_992] {strides = array<i32>} : memref<2x128x128xf32, #tpu.memory_space<vmem>>, vector<16xf32>,
        %pack3A_994 = tpu.pack_subelements %get3A_988, %get3A_993 {pack_format = #tpu.pack_format<interleaved>, positions = array<i32: 0, 1>} : vector<16xf32>, vector<16xf32> -> vector<32xbf16>
        %mul3A_995 = arith.mulf %pack3A_695, %pack3A_903 : vector<32xbf16>
        %mul3A_996 = arith.mulf %pack3A_708, %pack3A_916 : vector<32xbf16>
        %sub3A_997 = arith.subf %mul3A_995, %mul3A_996 : vector<32xbf16>
        %mul3A_998 = arith.mulf %pack3A_721, %pack3A_929 : vector<32xbf16>
        %sub3A_999 = arith.subf %sub3A_997, %mul3A_998 : vector<32xbf16>
        %mul3A_1000 = arith.mulf %pack3A_734, %pack3A_942 : vector<32xbf16>
        %sub3A_1001 = arith.subf %sub3A_999, %mul3A_1000 : vector<32xbf16>
        %mul3A_1002 = arith.mulf %pack3A_695, %pack3A_916 : vector<32xbf16>
        %mul3A_1003 = arith.mulf %pack3A_903, %pack3A_708 : vector<32xbf16>
        %add3A_1004 = arith.addf %mul3A_1002, %mul3A_1003 : vector<32xbf16>
        %mul3A_1005 = arith.mulf %pack3A_721, %pack3A_942 : vector<32xbf16>
        %add3A_1006 = arith.addf %add3A_1004, %mul3A_1005 : vector<32xbf16>
        %mul3A_1007 = arith.mulf %pack3A_929, %pack3A_734 : vector<32xbf16>
        %sub3A_1008 = arith.subf %add3A_1006, %mul3A_1007 : vector<32xbf16>
        %mul3A_1009 = arith.mulf %pack3A_695, %pack3A_929 : vector<32xbf16>
        %mul3A_1010 = arith.mulf %pack3A_903, %pack3A_721 : vector<32xbf16>
        %add3A_1011 = arith.addf %mul3A_1009, %mul3A_1010 : vector<32xbf16>
        %mul3A_1012 = arith.mulf %pack3A_734, %pack3A_916 : vector<32xbf16>
        %add3A_1013 = arith.addf %add3A_1011, %mul3A_1012 : vector<32xbf16>
        %mul3A_1014 = arith.mulf %pack3A_942, %pack3A_708 : vector<32xbf16>
        %sub3A_1015 = arith.subf %add3A_1013, %mul3A_1014 : vector<32xbf16>
        %mul3A_1016 = arith.mulf %pack3A_695, %pack3A_942 : vector<32xbf16>
        %mul3A_1017 = arith.mulf %pack3A_903, %pack3A_734 : vector<32xbf16>
        %add3A_1018 = arith.addf %mul3A_1016, %mul3A_1017 : vector<32xbf16>
        %mul3A_1019 = arith.mulf %pack3A_708, %pack3A_929 : vector<32xbf16>
        %add3A_1020 = arith.addf %add3A_1018, %mul3A_1019 : vector<32xbf16>
        %mul3A_1021 = arith.mulf %pack3A_916, %pack3A_721 : vector<32xbf16>
        %sub3A_1022 = arith.subf %add3A_1020, %mul3A_1021 : vector<32xbf16>
        %neg3A_1023 = arith.constant 0.000000e+00 : bf16
        %neg3A_1024 = vector.broadcast %neg3A_1023 : bf16 to vector<32xbf16>
        %neg3A_1025 = arith.subf %neg3A_1024, %pack3A_968 : vector<32xbf16>
        %neg3A_1026 = arith.constant 0.000000e+00 : bf16
        %neg3A_1027 = vector.broadcast %neg3A_1026 : bf16 to vector<32xbf16>
        %neg3A_1028 = arith.subf %neg3A_1027, %pack3A_981 : vector<32xbf16>
        %neg3A_1029 = arith.constant 0.000000e+00 : bf16
        %neg3A_1030 = vector.broadcast %neg3A_1029 : bf16 to vector<32xbf16>
        %neg3A_1031 = arith.subf %neg3A_1030, %pack3A_994 : vector<32xbf16>
        %mul3A_1032 = arith.mulf %pack3A_955, %pack3A_747 : vector<32xbf16>
        %mul3A_1033 = arith.mulf %neg3A_1025, %pack3A_760 : vector<32xbf16>
        %sub3A_1034 = arith.subf %mul3A_1032, %mul3A_1033 : vector<32xbf16>
        %mul3A_1035 = arith.mulf %neg3A_1028, %pack3A_773 : vector<32xbf16>
        %sub3A_1036 = arith.subf %sub3A_1034, %mul3A_1035 : vector<32xbf16>
        %mul3A_1037 = arith.mulf %neg3A_1031, %pack3A_786 : vector<32xbf16>
        %sub3A_1038 = arith.subf %sub3A_1036, %mul3A_1037 : vector<32xbf16>
        %mul3A_1039 = arith.mulf %pack3A_955, %pack3A_760 : vector<32xbf16>
        %mul3A_1040 = arith.mulf %pack3A_747, %neg3A_1025 : vector<32xbf16>
        %add3A_1041 = arith.addf %mul3A_1039, %mul3A_1040 : vector<32xbf16>
        %mul3A_1042 = arith.mulf %neg3A_1028, %pack3A_786 : vector<32xbf16>
        %add3A_1043 = arith.addf %add3A_1041, %mul3A_1042 : vector<32xbf16>
        %mul3A_1044 = arith.mulf %pack3A_773, %neg3A_1031 : vector<32xbf16>
        %sub3A_1045 = arith.subf %add3A_1043, %mul3A_1044 : vector<32xbf16>
        %mul3A_1046 = arith.mulf %pack3A_955, %pack3A_773 : vector<32xbf16>
        %mul3A_1047 = arith.mulf %pack3A_747, %neg3A_1028 : vector<32xbf16>
        %add3A_1048 = arith.addf %mul3A_1046, %mul3A_1047 : vector<32xbf16>
        %mul3A_1049 = arith.mulf %neg3A_1031, %pack3A_760 : vector<32xbf16>
        %add3A_1050 = arith.addf %add3A_1048, %mul3A_1049 : vector<32xbf16>
        %mul3A_1051 = arith.mulf %pack3A_786, %neg3A_1025 : vector<32xbf16>
        %sub3A_1052 = arith.subf %add3A_1050, %mul3A_1051 : vector<32xbf16>
        %mul3A_1053 = arith.mulf %pack3A_955, %pack3A_786 : vector<32xbf16>
        %mul3A_1054 = arith.mulf %pack3A_747, %neg3A_1031 : vector<32xbf16>
        %add3A_1055 = arith.addf %mul3A_1053, %mul3A_1054 : vector<32xbf16>
        %mul3A_1056 = arith.mulf %neg3A_1025, %pack3A_773 : vector<32xbf16>
        %add3A_1057 = arith.addf %add3A_1055, %mul3A_1056 : vector<32xbf16>
        %mul3A_1058 = arith.mulf %pack3A_760, %neg3A_1028 : vector<32xbf16>
        %sub3A_1059 = arith.subf %add3A_1057, %mul3A_1058 : vector<32xbf16>
        %mul3A_1060 = arith.mulf %pack3A_955, %pack3A_695 : vector<32xbf16>
        %mul3A_1061 = arith.mulf %pack3A_968, %pack3A_708 : vector<32xbf16>
        %sub3A_1062 = arith.subf %mul3A_1060, %mul3A_1061 : vector<32xbf16>
        %mul3A_1063 = arith.mulf %pack3A_981, %pack3A_721 : vector<32xbf16>
        %sub3A_1064 = arith.subf %sub3A_1062, %mul3A_1063 : vector<32xbf16>
        %mul3A_1065 = arith.mulf %pack3A_994, %pack3A_734 : vector<32xbf16>
        %sub3A_1066 = arith.subf %sub3A_1064, %mul3A_1065 : vector<32xbf16>
        %mul3A_1067 = arith.mulf %pack3A_955, %pack3A_708 : vector<32xbf16>
        %mul3A_1068 = arith.mulf %pack3A_695, %pack3A_968 : vector<32xbf16>
        %add3A_1069 = arith.addf %mul3A_1067, %mul3A_1068 : vector<32xbf16>
        %mul3A_1070 = arith.mulf %pack3A_981, %pack3A_734 : vector<32xbf16>
        %add3A_1071 = arith.addf %add3A_1069, %mul3A_1070 : vector<32xbf16>
        %mul3A_1072 = arith.mulf %pack3A_721, %pack3A_994 : vector<32xbf16>
        %sub3A_1073 = arith.subf %add3A_1071, %mul3A_1072 : vector<32xbf16>
        %mul3A_1074 = arith.mulf %pack3A_955, %pack3A_721 : vector<32xbf16>
        %mul3A_1075 = arith.mulf %pack3A_695, %pack3A_981 : vector<32xbf16>
        %add3A_1076 = arith.addf %mul3A_1074, %mul3A_1075 : vector<32xbf16>
        %mul3A_1077 = arith.mulf %pack3A_994, %pack3A_708 : vector<32xbf16>
        %add3A_1078 = arith.addf %add3A_1076, %mul3A_1077 : vector<32xbf16>
        %mul3A_1079 = arith.mulf %pack3A_734, %pack3A_968 : vector<32xbf16>
        %sub3A_1080 = arith.subf %add3A_1078, %mul3A_1079 : vector<32xbf16>
        %mul3A_1081 = arith.mulf %pack3A_955, %pack3A_734 : vector<32xbf16>
        %mul3A_1082 = arith.mulf %pack3A_695, %pack3A_994 : vector<32xbf16>
        %add3A_1083 = arith.addf %mul3A_1081, %mul3A_1082 : vector<32xbf16>
        %mul3A_1084 = arith.mulf %pack3A_968, %pack3A_721 : vector<32xbf16>
        %add3A_1085 = arith.addf %add3A_1083, %mul3A_1084 : vector<32xbf16>
        %mul3A_1086 = arith.mulf %pack3A_708, %pack3A_981 : vector<32xbf16>
        %sub3A_1087 = arith.subf %add3A_1085, %mul3A_1086 : vector<32xbf16>
        %neg3A_1088 = arith.constant 0.000000e+00 : bf16
        %neg3A_1089 = vector.broadcast %neg3A_1088 : bf16 to vector<32xbf16>
        %neg3A_1090 = arith.subf %neg3A_1089, %pack3A_916 : vector<32xbf16>
        %neg3A_1091 = arith.constant 0.000000e+00 : bf16
        %neg3A_1092 = vector.broadcast %neg3A_1091 : bf16 to vector<32xbf16>
        %neg3A_1093 = arith.subf %neg3A_1092, %pack3A_929 : vector<32xbf16>
        %neg3A_1094 = arith.constant 0.000000e+00 : bf16
        %neg3A_1095 = vector.broadcast %neg3A_1094 : bf16 to vector<32xbf16>
        %neg3A_1096 = arith.subf %neg3A_1095, %pack3A_942 : vector<32xbf16>
        %mul3A_1097 = arith.mulf %pack3A_747, %pack3A_903 : vector<32xbf16>
        %mul3A_1098 = arith.mulf %pack3A_760, %neg3A_1090 : vector<32xbf16>
        %sub3A_1099 = arith.subf %mul3A_1097, %mul3A_1098 : vector<32xbf16>
        %mul3A_1100 = arith.mulf %pack3A_773, %neg3A_1093 : vector<32xbf16>
        %sub3A_1101 = arith.subf %sub3A_1099, %mul3A_1100 : vector<32xbf16>
        %mul3A_1102 = arith.mulf %pack3A_786, %neg3A_1096 : vector<32xbf16>
        %sub3A_1103 = arith.subf %sub3A_1101, %mul3A_1102 : vector<32xbf16>
        %mul3A_1104 = arith.mulf %pack3A_747, %neg3A_1090 : vector<32xbf16>
        %mul3A_1105 = arith.mulf %pack3A_903, %pack3A_760 : vector<32xbf16>
        %add3A_1106 = arith.addf %mul3A_1104, %mul3A_1105 : vector<32xbf16>
        %mul3A_1107 = arith.mulf %pack3A_773, %neg3A_1096 : vector<32xbf16>
        %add3A_1108 = arith.addf %add3A_1106, %mul3A_1107 : vector<32xbf16>
        %mul3A_1109 = arith.mulf %neg3A_1093, %pack3A_786 : vector<32xbf16>
        %sub3A_1110 = arith.subf %add3A_1108, %mul3A_1109 : vector<32xbf16>
        %mul3A_1111 = arith.mulf %pack3A_747, %neg3A_1093 : vector<32xbf16>
        %mul3A_1112 = arith.mulf %pack3A_903, %pack3A_773 : vector<32xbf16>
        %add3A_1113 = arith.addf %mul3A_1111, %mul3A_1112 : vector<32xbf16>
        %mul3A_1114 = arith.mulf %pack3A_786, %neg3A_1090 : vector<32xbf16>
        %add3A_1115 = arith.addf %add3A_1113, %mul3A_1114 : vector<32xbf16>
        %mul3A_1116 = arith.mulf %neg3A_1096, %pack3A_760 : vector<32xbf16>
        %sub3A_1117 = arith.subf %add3A_1115, %mul3A_1116 : vector<32xbf16>
        %mul3A_1118 = arith.mulf %pack3A_747, %neg3A_1096 : vector<32xbf16>
        %mul3A_1119 = arith.mulf %pack3A_903, %pack3A_786 : vector<32xbf16>
        %add3A_1120 = arith.addf %mul3A_1118, %mul3A_1119 : vector<32xbf16>
        %mul3A_1121 = arith.mulf %pack3A_760, %neg3A_1093 : vector<32xbf16>
        %add3A_1122 = arith.addf %add3A_1120, %mul3A_1121 : vector<32xbf16>
        %mul3A_1123 = arith.mulf %neg3A_1090, %pack3A_773 : vector<32xbf16>
        %sub3A_1124 = arith.subf %add3A_1122, %mul3A_1123 : vector<32xbf16>
        %sub3A_1125 = arith.subf %sub3A_1001, %sub3A_1038 : vector<32xbf16>
        %sub3A_1126 = arith.subf %sub3A_1008, %sub3A_1045 : vector<32xbf16>
        %sub3A_1127 = arith.subf %sub3A_1015, %sub3A_1052 : vector<32xbf16>
        %sub3A_1128 = arith.subf %sub3A_1022, %sub3A_1059 : vector<32xbf16>
        %add3A_1129 = arith.addf %sub3A_1066, %sub3A_1103 : vector<32xbf16>
        %add3A_1130 = arith.addf %sub3A_1073, %sub3A_1110 : vector<32xbf16>
        %add3A_1131 = arith.addf %sub3A_1080, %sub3A_1117 : vector<32xbf16>
        %add3A_1132 = arith.addf %sub3A_1087, %sub3A_1124 : vector<32xbf16>
        %mul3A_1133 = arith.mulf %sub3A_1125, %pack3A_799 : vector<32xbf16>
        %unpack3A_1134 = tpu.unpack_subelements %mul3A_1133, 0 {pack_format = #tpu.pack_format<interleaved>} : vector<32xbf16> -> vector<16xf32>
        %unpack3A_1135 = tpu.unpack_subelements %mul3A_1133, 1 {pack_format = #tpu.pack_format<interleaved>} : vector<32xbf16> -> vector<16xf32>
        %add3A_1136 = arith.addf %add3A_682, %unpack3A_1134 : vector<16xf32>
        %add3A_1137 = arith.addf %add3A_1136, %unpack3A_1135 : vector<16xf32>
        %mul3A_1138 = arith.mulf %sub3A_1126, %pack3A_812 : vector<32xbf16>
        %unpack3A_1139 = tpu.unpack_subelements %mul3A_1138, 0 {pack_format = #tpu.pack_format<interleaved>} : vector<32xbf16> -> vector<16xf32>
        %unpack3A_1140 = tpu.unpack_subelements %mul3A_1138, 1 {pack_format = #tpu.pack_format<interleaved>} : vector<32xbf16> -> vector<16xf32>
        %add3A_1141 = arith.addf %add3A_1137, %unpack3A_1139 : vector<16xf32>
        %add3A_1142 = arith.addf %add3A_1141, %unpack3A_1140 : vector<16xf32>
        %mul3A_1143 = arith.mulf %sub3A_1127, %pack3A_825 : vector<32xbf16>
        %unpack3A_1144 = tpu.unpack_subelements %mul3A_1143, 0 {pack_format = #tpu.pack_format<interleaved>} : vector<32xbf16> -> vector<16xf32>
        %unpack3A_1145 = tpu.unpack_subelements %mul3A_1143, 1 {pack_format = #tpu.pack_format<interleaved>} : vector<32xbf16> -> vector<16xf32>
        %add3A_1146 = arith.addf %add3A_1142, %unpack3A_1144 : vector<16xf32>
        %add3A_1147 = arith.addf %add3A_1146, %unpack3A_1145 : vector<16xf32>
        %mul3A_1148 = arith.mulf %sub3A_1128, %pack3A_838 : vector<32xbf16>
        %unpack3A_1149 = tpu.unpack_subelements %mul3A_1148, 0 {pack_format = #tpu.pack_format<interleaved>} : vector<32xbf16> -> vector<16xf32>
        %unpack3A_1150 = tpu.unpack_subelements %mul3A_1148, 1 {pack_format = #tpu.pack_format<interleaved>} : vector<32xbf16> -> vector<16xf32>
        %add3A_1151 = arith.addf %add3A_1147, %unpack3A_1149 : vector<16xf32>
        %add3A_1152 = arith.addf %add3A_1151, %unpack3A_1150 : vector<16xf32>
        %mul3A_1153 = arith.mulf %add3A_1129, %pack3A_851 : vector<32xbf16>
        %unpack3A_1154 = tpu.unpack_subelements %mul3A_1153, 0 {pack_format = #tpu.pack_format<interleaved>} : vector<32xbf16> -> vector<16xf32>
        %unpack3A_1155 = tpu.unpack_subelements %mul3A_1153, 1 {pack_format = #tpu.pack_format<interleaved>} : vector<32xbf16> -> vector<16xf32>
        %add3A_1156 = arith.addf %add3A_1152, %unpack3A_1154 : vector<16xf32>
        %add3A_1157 = arith.addf %add3A_1156, %unpack3A_1155 : vector<16xf32>
        %mul3A_1158 = arith.mulf %add3A_1130, %pack3A_864 : vector<32xbf16>
        %unpack3A_1159 = tpu.unpack_subelements %mul3A_1158, 0 {pack_format = #tpu.pack_format<interleaved>} : vector<32xbf16> -> vector<16xf32>
        %unpack3A_1160 = tpu.unpack_subelements %mul3A_1158, 1 {pack_format = #tpu.pack_format<interleaved>} : vector<32xbf16> -> vector<16xf32>
        %add3A_1161 = arith.addf %add3A_1157, %unpack3A_1159 : vector<16xf32>
        %add3A_1162 = arith.addf %add3A_1161, %unpack3A_1160 : vector<16xf32>
        %mul3A_1163 = arith.mulf %add3A_1131, %pack3A_877 : vector<32xbf16>
        %unpack3A_1164 = tpu.unpack_subelements %mul3A_1163, 0 {pack_format = #tpu.pack_format<interleaved>} : vector<32xbf16> -> vector<16xf32>
        %unpack3A_1165 = tpu.unpack_subelements %mul3A_1163, 1 {pack_format = #tpu.pack_format<interleaved>} : vector<32xbf16> -> vector<16xf32>
        %add3A_1166 = arith.addf %add3A_1162, %unpack3A_1164 : vector<16xf32>
        %add3A_1167 = arith.addf %add3A_1166, %unpack3A_1165 : vector<16xf32>
        %mul3A_1168 = arith.mulf %add3A_1132, %pack3A_890 : vector<32xbf16>
        %unpack3A_1169 = tpu.unpack_subelements %mul3A_1168, 0 {pack_format = #tpu.pack_format<interleaved>} : vector<32xbf16> -> vector<16xf32>
        %unpack3A_1170 = tpu.unpack_subelements %mul3A_1168, 1 {pack_format = #tpu.pack_format<interleaved>} : vector<32xbf16> -> vector<16xf32>
        %add3A_1171 = arith.addf %add3A_1167, %unpack3A_1169 : vector<16xf32>
        %add3A_1172 = arith.addf %add3A_1171, %unpack3A_1170 : vector<16xf32>
        %add3A_1173 = arith.constant 0 : i32
        %add3A_1174 = arith.addi %add3A_1173, %scan3A_196 : i32
        %get3A_1175 = arith.constant 1 : i32
        %get3A_1176 = arith.index_cast %get3A_1175 : i32 to index
        %get3A_1177 = arith.index_cast %add3A_1174 : i32 to index
        %get3A_1178 = arith.constant 64 : index
        %get3A_1179 = tpu.vector_load %arg7[%get3A_1176, %get3A_1177, %get3A_1178] {strides = array<i32>} : memref<2x128x128xf32, #tpu.memory_space<vmem>>, vector<16xf32>,
        %get3A_1180 = arith.constant 1 : i32
        %get3A_1181 = arith.index_cast %get3A_1180 : i32 to index
        %get3A_1182 = arith.index_cast %add3A_1174 : i32 to index
        %get3A_1183 = arith.constant 80 : index
        %get3A_1184 = tpu.vector_load %arg7[%get3A_1181, %get3A_1182, %get3A_1183] {strides = array<i32>} : memref<2x128x128xf32, #tpu.memory_space<vmem>>, vector<16xf32>,
        %pack3A_1185 = tpu.pack_subelements %get3A_1179, %get3A_1184 {pack_format = #tpu.pack_format<interleaved>, positions = array<i32: 0, 1>} : vector<16xf32>, vector<16xf32> -> vector<32xbf16>
        %add3A_1186 = arith.constant 16 : i32
        %add3A_1187 = arith.addi %add3A_1186, %scan3A_196 : i32
        %get3A_1188 = arith.constant 1 : i32
        %get3A_1189 = arith.index_cast %get3A_1188 : i32 to index
        %get3A_1190 = arith.index_cast %add3A_1187 : i32 to index
        %get3A_1191 = arith.constant 64 : index
        %get3A_1192 = tpu.vector_load %arg7[%get3A_1189, %get3A_1190, %get3A_1191] {strides = array<i32>} : memref<2x128x128xf32, #tpu.memory_space<vmem>>, vector<16xf32>,
        %get3A_1193 = arith.constant 1 : i32
        %get3A_1194 = arith.index_cast %get3A_1193 : i32 to index
        %get3A_1195 = arith.index_cast %add3A_1187 : i32 to index
        %get3A_1196 = arith.constant 80 : index
        %get3A_1197 = tpu.vector_load %arg7[%get3A_1194, %get3A_1195, %get3A_1196] {strides = array<i32>} : memref<2x128x128xf32, #tpu.memory_space<vmem>>, vector<16xf32>,
        %pack3A_1198 = tpu.pack_subelements %get3A_1192, %get3A_1197 {pack_format = #tpu.pack_format<interleaved>, positions = array<i32: 0, 1>} : vector<16xf32>, vector<16xf32> -> vector<32xbf16>
        %add3A_1199 = arith.constant 32 : i32
        %add3A_1200 = arith.addi %add3A_1199, %scan3A_196 : i32
        %get3A_1201 = arith.constant 1 : i32
        %get3A_1202 = arith.index_cast %get3A_1201 : i32 to index
        %get3A_1203 = arith.index_cast %add3A_1200 : i32 to index
        %get3A_1204 = arith.constant 64 : index
        %get3A_1205 = tpu.vector_load %arg7[%get3A_1202, %get3A_1203, %get3A_1204] {strides = array<i32>} : memref<2x128x128xf32, #tpu.memory_space<vmem>>, vector<16xf32>,
        %get3A_1206 = arith.constant 1 : i32
        %get3A_1207 = arith.index_cast %get3A_1206 : i32 to index
        %get3A_1208 = arith.index_cast %add3A_1200 : i32 to index
        %get3A_1209 = arith.constant 80 : index
        %get3A_1210 = tpu.vector_load %arg7[%get3A_1207, %get3A_1208, %get3A_1209] {strides = array<i32>} : memref<2x128x128xf32, #tpu.memory_space<vmem>>, vector<16xf32>,
        %pack3A_1211 = tpu.pack_subelements %get3A_1205, %get3A_1210 {pack_format = #tpu.pack_format<interleaved>, positions = array<i32: 0, 1>} : vector<16xf32>, vector<16xf32> -> vector<32xbf16>
        %add3A_1212 = arith.constant 48 : i32
        %add3A_1213 = arith.addi %add3A_1212, %scan3A_196 : i32
        %get3A_1214 = arith.constant 1 : i32
        %get3A_1215 = arith.index_cast %get3A_1214 : i32 to index
        %get3A_1216 = arith.index_cast %add3A_1213 : i32 to index
        %get3A_1217 = arith.constant 64 : index
        %get3A_1218 = tpu.vector_load %arg7[%get3A_1215, %get3A_1216, %get3A_1217] {strides = array<i32>} : memref<2x128x128xf32, #tpu.memory_space<vmem>>, vector<16xf32>,
        %get3A_1219 = arith.constant 1 : i32
        %get3A_1220 = arith.index_cast %get3A_1219 : i32 to index
        %get3A_1221 = arith.index_cast %add3A_1213 : i32 to index
        %get3A_1222 = arith.constant 80 : index
        %get3A_1223 = tpu.vector_load %arg7[%get3A_1220, %get3A_1221, %get3A_1222] {strides = array<i32>} : memref<2x128x128xf32, #tpu.memory_space<vmem>>, vector<16xf32>,
        %pack3A_1224 = tpu.pack_subelements %get3A_1218, %get3A_1223 {pack_format = #tpu.pack_format<interleaved>, positions = array<i32: 0, 1>} : vector<16xf32>, vector<16xf32> -> vector<32xbf16>
        %add3A_1225 = arith.constant 64 : i32
        %add3A_1226 = arith.addi %add3A_1225, %scan3A_196 : i32
        %get3A_1227 = arith.constant 1 : i32
        %get3A_1228 = arith.index_cast %get3A_1227 : i32 to index
        %get3A_1229 = arith.index_cast %add3A_1226 : i32 to index
        %get3A_1230 = arith.constant 64 : index
        %get3A_1231 = tpu.vector_load %arg7[%get3A_1228, %get3A_1229, %get3A_1230] {strides = array<i32>} : memref<2x128x128xf32, #tpu.memory_space<vmem>>, vector<16xf32>,
        %get3A_1232 = arith.constant 1 : i32
        %get3A_1233 = arith.index_cast %get3A_1232 : i32 to index
        %get3A_1234 = arith.index_cast %add3A_1226 : i32 to index
        %get3A_1235 = arith.constant 80 : index
        %get3A_1236 = tpu.vector_load %arg7[%get3A_1233, %get3A_1234, %get3A_1235] {strides = array<i32>} : memref<2x128x128xf32, #tpu.memory_space<vmem>>, vector<16xf32>,
        %pack3A_1237 = tpu.pack_subelements %get3A_1231, %get3A_1236 {pack_format = #tpu.pack_format<interleaved>, positions = array<i32: 0, 1>} : vector<16xf32>, vector<16xf32> -> vector<32xbf16>
        %add3A_1238 = arith.constant 80 : i32
        %add3A_1239 = arith.addi %add3A_1238, %scan3A_196 : i32
        %get3A_1240 = arith.constant 1 : i32
        %get3A_1241 = arith.index_cast %get3A_1240 : i32 to index
        %get3A_1242 = arith.index_cast %add3A_1239 : i32 to index
        %get3A_1243 = arith.constant 64 : index
        %get3A_1244 = tpu.vector_load %arg7[%get3A_1241, %get3A_1242, %get3A_1243] {strides = array<i32>} : memref<2x128x128xf32, #tpu.memory_space<vmem>>, vector<16xf32>,
        %get3A_1245 = arith.constant 1 : i32
        %get3A_1246 = arith.index_cast %get3A_1245 : i32 to index
        %get3A_1247 = arith.index_cast %add3A_1239 : i32 to index
        %get3A_1248 = arith.constant 80 : index
        %get3A_1249 = tpu.vector_load %arg7[%get3A_1246, %get3A_1247, %get3A_1248] {strides = array<i32>} : memref<2x128x128xf32, #tpu.memory_space<vmem>>, vector<16xf32>,
        %pack3A_1250 = tpu.pack_subelements %get3A_1244, %get3A_1249 {pack_format = #tpu.pack_format<interleaved>, positions = array<i32: 0, 1>} : vector<16xf32>, vector<16xf32> -> vector<32xbf16>
        %add3A_1251 = arith.constant 96 : i32
        %add3A_1252 = arith.addi %add3A_1251, %scan3A_196 : i32
        %get3A_1253 = arith.constant 1 : i32
        %get3A_1254 = arith.index_cast %get3A_1253 : i32 to index
        %get3A_1255 = arith.index_cast %add3A_1252 : i32 to index
        %get3A_1256 = arith.constant 64 : index
        %get3A_1257 = tpu.vector_load %arg7[%get3A_1254, %get3A_1255, %get3A_1256] {strides = array<i32>} : memref<2x128x128xf32, #tpu.memory_space<vmem>>, vector<16xf32>,
        %get3A_1258 = arith.constant 1 : i32
        %get3A_1259 = arith.index_cast %get3A_1258 : i32 to index
        %get3A_1260 = arith.index_cast %add3A_1252 : i32 to index
        %get3A_1261 = arith.constant 80 : index
        %get3A_1262 = tpu.vector_load %arg7[%get3A_1259, %get3A_1260, %get3A_1261] {strides = array<i32>} : memref<2x128x128xf32, #tpu.memory_space<vmem>>, vector<16xf32>,
        %pack3A_1263 = tpu.pack_subelements %get3A_1257, %get3A_1262 {pack_format = #tpu.pack_format<interleaved>, positions = array<i32: 0, 1>} : vector<16xf32>, vector<16xf32> -> vector<32xbf16>
        %add3A_1264 = arith.constant 112 : i32
        %add3A_1265 = arith.addi %add3A_1264, %scan3A_196 : i32
        %get3A_1266 = arith.constant 1 : i32
        %get3A_1267 = arith.index_cast %get3A_1266 : i32 to index
        %get3A_1268 = arith.index_cast %add3A_1265 : i32 to index
        %get3A_1269 = arith.constant 64 : index
        %get3A_1270 = tpu.vector_load %arg7[%get3A_1267, %get3A_1268, %get3A_1269] {strides = array<i32>} : memref<2x128x128xf32, #tpu.memory_space<vmem>>, vector<16xf32>,
        %get3A_1271 = arith.constant 1 : i32
        %get3A_1272 = arith.index_cast %get3A_1271 : i32 to index
        %get3A_1273 = arith.index_cast %add3A_1265 : i32 to index
        %get3A_1274 = arith.constant 80 : index
        %get3A_1275 = tpu.vector_load %arg7[%get3A_1272, %get3A_1273, %get3A_1274] {strides = array<i32>} : memref<2x128x128xf32, #tpu.memory_space<vmem>>, vector<16xf32>,
        %pack3A_1276 = tpu.pack_subelements %get3A_1270, %get3A_1275 {pack_format = #tpu.pack_format<interleaved>, positions = array<i32: 0, 1>} : vector<16xf32>, vector<16xf32> -> vector<32xbf16>
        %add3A_1277 = arith.constant 0 : i32
        %add3A_1278 = arith.addi %add3A_1277, %scan3A_196 : i32
        %get3A_1279 = arith.constant 1 : i32
        %get3A_1280 = arith.index_cast %get3A_1279 : i32 to index
        %get3A_1281 = arith.index_cast %add3A_1278 : i32 to index
        %get3A_1282 = arith.constant 64 : index
        %get3A_1283 = tpu.vector_load %arg8[%get3A_1280, %get3A_1281, %get3A_1282] {strides = array<i32>} : memref<2x128x128xf32, #tpu.memory_space<vmem>>, vector<16xf32>,
        %get3A_1284 = arith.constant 1 : i32
        %get3A_1285 = arith.index_cast %get3A_1284 : i32 to index
        %get3A_1286 = arith.index_cast %add3A_1278 : i32 to index
        %get3A_1287 = arith.constant 80 : index
        %get3A_1288 = tpu.vector_load %arg8[%get3A_1285, %get3A_1286, %get3A_1287] {strides = array<i32>} : memref<2x128x128xf32, #tpu.memory_space<vmem>>, vector<16xf32>,
        %pack3A_1289 = tpu.pack_subelements %get3A_1283, %get3A_1288 {pack_format = #tpu.pack_format<interleaved>, positions = array<i32: 0, 1>} : vector<16xf32>, vector<16xf32> -> vector<32xbf16>
        %add3A_1290 = arith.constant 16 : i32
        %add3A_1291 = arith.addi %add3A_1290, %scan3A_196 : i32
        %get3A_1292 = arith.constant 1 : i32
        %get3A_1293 = arith.index_cast %get3A_1292 : i32 to index
        %get3A_1294 = arith.index_cast %add3A_1291 : i32 to index
        %get3A_1295 = arith.constant 64 : index
        %get3A_1296 = tpu.vector_load %arg8[%get3A_1293, %get3A_1294, %get3A_1295] {strides = array<i32>} : memref<2x128x128xf32, #tpu.memory_space<vmem>>, vector<16xf32>,
        %get3A_1297 = arith.constant 1 : i32
        %get3A_1298 = arith.index_cast %get3A_1297 : i32 to index
        %get3A_1299 = arith.index_cast %add3A_1291 : i32 to index
        %get3A_1300 = arith.constant 80 : index
        %get3A_1301 = tpu.vector_load %arg8[%get3A_1298, %get3A_1299, %get3A_1300] {strides = array<i32>} : memref<2x128x128xf32, #tpu.memory_space<vmem>>, vector<16xf32>,
        %pack3A_1302 = tpu.pack_subelements %get3A_1296, %get3A_1301 {pack_format = #tpu.pack_format<interleaved>, positions = array<i32: 0, 1>} : vector<16xf32>, vector<16xf32> -> vector<32xbf16>
        %add3A_1303 = arith.constant 32 : i32
        %add3A_1304 = arith.addi %add3A_1303, %scan3A_196 : i32
        %get3A_1305 = arith.constant 1 : i32
        %get3A_1306 = arith.index_cast %get3A_1305 : i32 to index
        %get3A_1307 = arith.index_cast %add3A_1304 : i32 to index
        %get3A_1308 = arith.constant 64 : index
        %get3A_1309 = tpu.vector_load %arg8[%get3A_1306, %get3A_1307, %get3A_1308] {strides = array<i32>} : memref<2x128x128xf32, #tpu.memory_space<vmem>>, vector<16xf32>,
        %get3A_1310 = arith.constant 1 : i32
        %get3A_1311 = arith.index_cast %get3A_1310 : i32 to index
        %get3A_1312 = arith.index_cast %add3A_1304 : i32 to index
        %get3A_1313 = arith.constant 80 : index
        %get3A_1314 = tpu.vector_load %arg8[%get3A_1311, %get3A_1312, %get3A_1313] {strides = array<i32>} : memref<2x128x128xf32, #tpu.memory_space<vmem>>, vector<16xf32>,
        %pack3A_1315 = tpu.pack_subelements %get3A_1309, %get3A_1314 {pack_format = #tpu.pack_format<interleaved>, positions = array<i32: 0, 1>} : vector<16xf32>, vector<16xf32> -> vector<32xbf16>
        %add3A_1316 = arith.constant 48 : i32
        %add3A_1317 = arith.addi %add3A_1316, %scan3A_196 : i32
        %get3A_1318 = arith.constant 1 : i32
        %get3A_1319 = arith.index_cast %get3A_1318 : i32 to index
        %get3A_1320 = arith.index_cast %add3A_1317 : i32 to index
        %get3A_1321 = arith.constant 64 : index
        %get3A_1322 = tpu.vector_load %arg8[%get3A_1319, %get3A_1320, %get3A_1321] {strides = array<i32>} : memref<2x128x128xf32, #tpu.memory_space<vmem>>, vector<16xf32>,
        %get3A_1323 = arith.constant 1 : i32
        %get3A_1324 = arith.index_cast %get3A_1323 : i32 to index
        %get3A_1325 = arith.index_cast %add3A_1317 : i32 to index
        %get3A_1326 = arith.constant 80 : index
        %get3A_1327 = tpu.vector_load %arg8[%get3A_1324, %get3A_1325, %get3A_1326] {strides = array<i32>} : memref<2x128x128xf32, #tpu.memory_space<vmem>>, vector<16xf32>,
        %pack3A_1328 = tpu.pack_subelements %get3A_1322, %get3A_1327 {pack_format = #tpu.pack_format<interleaved>, positions = array<i32: 0, 1>} : vector<16xf32>, vector<16xf32> -> vector<32xbf16>
        %add3A_1329 = arith.constant 64 : i32
        %add3A_1330 = arith.addi %add3A_1329, %scan3A_196 : i32
        %get3A_1331 = arith.constant 1 : i32
        %get3A_1332 = arith.index_cast %get3A_1331 : i32 to index
        %get3A_1333 = arith.index_cast %add3A_1330 : i32 to index
        %get3A_1334 = arith.constant 64 : index
        %get3A_1335 = tpu.vector_load %arg8[%get3A_1332, %get3A_1333, %get3A_1334] {strides = array<i32>} : memref<2x128x128xf32, #tpu.memory_space<vmem>>, vector<16xf32>,
        %get3A_1336 = arith.constant 1 : i32
        %get3A_1337 = arith.index_cast %get3A_1336 : i32 to index
        %get3A_1338 = arith.index_cast %add3A_1330 : i32 to index
        %get3A_1339 = arith.constant 80 : index
        %get3A_1340 = tpu.vector_load %arg8[%get3A_1337, %get3A_1338, %get3A_1339] {strides = array<i32>} : memref<2x128x128xf32, #tpu.memory_space<vmem>>, vector<16xf32>,
        %pack3A_1341 = tpu.pack_subelements %get3A_1335, %get3A_1340 {pack_format = #tpu.pack_format<interleaved>, positions = array<i32: 0, 1>} : vector<16xf32>, vector<16xf32> -> vector<32xbf16>
        %add3A_1342 = arith.constant 80 : i32
        %add3A_1343 = arith.addi %add3A_1342, %scan3A_196 : i32
        %get3A_1344 = arith.constant 1 : i32
        %get3A_1345 = arith.index_cast %get3A_1344 : i32 to index
        %get3A_1346 = arith.index_cast %add3A_1343 : i32 to index
        %get3A_1347 = arith.constant 64 : index
        %get3A_1348 = tpu.vector_load %arg8[%get3A_1345, %get3A_1346, %get3A_1347] {strides = array<i32>} : memref<2x128x128xf32, #tpu.memory_space<vmem>>, vector<16xf32>,
        %get3A_1349 = arith.constant 1 : i32
        %get3A_1350 = arith.index_cast %get3A_1349 : i32 to index
        %get3A_1351 = arith.index_cast %add3A_1343 : i32 to index
        %get3A_1352 = arith.constant 80 : index
        %get3A_1353 = tpu.vector_load %arg8[%get3A_1350, %get3A_1351, %get3A_1352] {strides = array<i32>} : memref<2x128x128xf32, #tpu.memory_space<vmem>>, vector<16xf32>,
        %pack3A_1354 = tpu.pack_subelements %get3A_1348, %get3A_1353 {pack_format = #tpu.pack_format<interleaved>, positions = array<i32: 0, 1>} : vector<16xf32>, vector<16xf32> -> vector<32xbf16>
        %add3A_1355 = arith.constant 96 : i32
        %add3A_1356 = arith.addi %add3A_1355, %scan3A_196 : i32
        %get3A_1357 = arith.constant 1 : i32
        %get3A_1358 = arith.index_cast %get3A_1357 : i32 to index
        %get3A_1359 = arith.index_cast %add3A_1356 : i32 to index
        %get3A_1360 = arith.constant 64 : index
        %get3A_1361 = tpu.vector_load %arg8[%get3A_1358, %get3A_1359, %get3A_1360] {strides = array<i32>} : memref<2x128x128xf32, #tpu.memory_space<vmem>>, vector<16xf32>,
        %get3A_1362 = arith.constant 1 : i32
        %get3A_1363 = arith.index_cast %get3A_1362 : i32 to index
        %get3A_1364 = arith.index_cast %add3A_1356 : i32 to index
        %get3A_1365 = arith.constant 80 : index
        %get3A_1366 = tpu.vector_load %arg8[%get3A_1363, %get3A_1364, %get3A_1365] {strides = array<i32>} : memref<2x128x128xf32, #tpu.memory_space<vmem>>, vector<16xf32>,
        %pack3A_1367 = tpu.pack_subelements %get3A_1361, %get3A_1366 {pack_format = #tpu.pack_format<interleaved>, positions = array<i32: 0, 1>} : vector<16xf32>, vector<16xf32> -> vector<32xbf16>
        %add3A_1368 = arith.constant 112 : i32
        %add3A_1369 = arith.addi %add3A_1368, %scan3A_196 : i32
        %get3A_1370 = arith.constant 1 : i32
        %get3A_1371 = arith.index_cast %get3A_1370 : i32 to index
        %get3A_1372 = arith.index_cast %add3A_1369 : i32 to index
        %get3A_1373 = arith.constant 64 : index
        %get3A_1374 = tpu.vector_load %arg8[%get3A_1371, %get3A_1372, %get3A_1373] {strides = array<i32>} : memref<2x128x128xf32, #tpu.memory_space<vmem>>, vector<16xf32>,
        %get3A_1375 = arith.constant 1 : i32
        %get3A_1376 = arith.index_cast %get3A_1375 : i32 to index
        %get3A_1377 = arith.index_cast %add3A_1369 : i32 to index
        %get3A_1378 = arith.constant 80 : index
        %get3A_1379 = tpu.vector_load %arg8[%get3A_1376, %get3A_1377, %get3A_1378] {strides = array<i32>} : memref<2x128x128xf32, #tpu.memory_space<vmem>>, vector<16xf32>,
        %pack3A_1380 = tpu.pack_subelements %get3A_1374, %get3A_1379 {pack_format = #tpu.pack_format<interleaved>, positions = array<i32: 0, 1>} : vector<16xf32>, vector<16xf32> -> vector<32xbf16>
        %add3A_1381 = arith.constant 0 : i32
        %add3A_1382 = arith.addi %add3A_1381, %scan3A_196 : i32
        %get3A_1383 = arith.constant 1 : i32
        %get3A_1384 = arith.index_cast %get3A_1383 : i32 to index
        %get3A_1385 = arith.index_cast %add3A_1382 : i32 to index
        %get3A_1386 = arith.constant 64 : index
        %get3A_1387 = tpu.vector_load %arg9[%get3A_1384, %get3A_1385, %get3A_1386] {strides = array<i32>} : memref<2x128x128xf32, #tpu.memory_space<vmem>>, vector<16xf32>,
        %get3A_1388 = arith.constant 1 : i32
        %get3A_1389 = arith.index_cast %get3A_1388 : i32 to index
        %get3A_1390 = arith.index_cast %add3A_1382 : i32 to index
        %get3A_1391 = arith.constant 80 : index
        %get3A_1392 = tpu.vector_load %arg9[%get3A_1389, %get3A_1390, %get3A_1391] {strides = array<i32>} : memref<2x128x128xf32, #tpu.memory_space<vmem>>, vector<16xf32>,
        %pack3A_1393 = tpu.pack_subelements %get3A_1387, %get3A_1392 {pack_format = #tpu.pack_format<interleaved>, positions = array<i32: 0, 1>} : vector<16xf32>, vector<16xf32> -> vector<32xbf16>
        %add3A_1394 = arith.constant 16 : i32
        %add3A_1395 = arith.addi %add3A_1394, %scan3A_196 : i32
        %get3A_1396 = arith.constant 1 : i32
        %get3A_1397 = arith.index_cast %get3A_1396 : i32 to index
        %get3A_1398 = arith.index_cast %add3A_1395 : i32 to index
        %get3A_1399 = arith.constant 64 : index
        %get3A_1400 = tpu.vector_load %arg9[%get3A_1397, %get3A_1398, %get3A_1399] {strides = array<i32>} : memref<2x128x128xf32, #tpu.memory_space<vmem>>, vector<16xf32>,
        %get3A_1401 = arith.constant 1 : i32
        %get3A_1402 = arith.index_cast %get3A_1401 : i32 to index
        %get3A_1403 = arith.index_cast %add3A_1395 : i32 to index
        %get3A_1404 = arith.constant 80 : index
        %get3A_1405 = tpu.vector_load %arg9[%get3A_1402, %get3A_1403, %get3A_1404] {strides = array<i32>} : memref<2x128x128xf32, #tpu.memory_space<vmem>>, vector<16xf32>,
        %pack3A_1406 = tpu.pack_subelements %get3A_1400, %get3A_1405 {pack_format = #tpu.pack_format<interleaved>, positions = array<i32: 0, 1>} : vector<16xf32>, vector<16xf32> -> vector<32xbf16>
        %add3A_1407 = arith.constant 32 : i32
        %add3A_1408 = arith.addi %add3A_1407, %scan3A_196 : i32
        %get3A_1409 = arith.constant 1 : i32
        %get3A_1410 = arith.index_cast %get3A_1409 : i32 to index
        %get3A_1411 = arith.index_cast %add3A_1408 : i32 to index
        %get3A_1412 = arith.constant 64 : index
        %get3A_1413 = tpu.vector_load %arg9[%get3A_1410, %get3A_1411, %get3A_1412] {strides = array<i32>} : memref<2x128x128xf32, #tpu.memory_space<vmem>>, vector<16xf32>,
        %get3A_1414 = arith.constant 1 : i32
        %get3A_1415 = arith.index_cast %get3A_1414 : i32 to index
        %get3A_1416 = arith.index_cast %add3A_1408 : i32 to index
        %get3A_1417 = arith.constant 80 : index
        %get3A_1418 = tpu.vector_load %arg9[%get3A_1415, %get3A_1416, %get3A_1417] {strides = array<i32>} : memref<2x128x128xf32, #tpu.memory_space<vmem>>, vector<16xf32>,
        %pack3A_1419 = tpu.pack_subelements %get3A_1413, %get3A_1418 {pack_format = #tpu.pack_format<interleaved>, positions = array<i32: 0, 1>} : vector<16xf32>, vector<16xf32> -> vector<32xbf16>
        %add3A_1420 = arith.constant 48 : i32
        %add3A_1421 = arith.addi %add3A_1420, %scan3A_196 : i32
        %get3A_1422 = arith.constant 1 : i32
        %get3A_1423 = arith.index_cast %get3A_1422 : i32 to index
        %get3A_1424 = arith.index_cast %add3A_1421 : i32 to index
        %get3A_1425 = arith.constant 64 : index
        %get3A_1426 = tpu.vector_load %arg9[%get3A_1423, %get3A_1424, %get3A_1425] {strides = array<i32>} : memref<2x128x128xf32, #tpu.memory_space<vmem>>, vector<16xf32>,
        %get3A_1427 = arith.constant 1 : i32
        %get3A_1428 = arith.index_cast %get3A_1427 : i32 to index
        %get3A_1429 = arith.index_cast %add3A_1421 : i32 to index
        %get3A_1430 = arith.constant 80 : index
        %get3A_1431 = tpu.vector_load %arg9[%get3A_1428, %get3A_1429, %get3A_1430] {strides = array<i32>} : memref<2x128x128xf32, #tpu.memory_space<vmem>>, vector<16xf32>,
        %pack3A_1432 = tpu.pack_subelements %get3A_1426, %get3A_1431 {pack_format = #tpu.pack_format<interleaved>, positions = array<i32: 0, 1>} : vector<16xf32>, vector<16xf32> -> vector<32xbf16>
        %add3A_1433 = arith.constant 64 : i32
        %add3A_1434 = arith.addi %add3A_1433, %scan3A_196 : i32
        %get3A_1435 = arith.constant 1 : i32
        %get3A_1436 = arith.index_cast %get3A_1435 : i32 to index
        %get3A_1437 = arith.index_cast %add3A_1434 : i32 to index
        %get3A_1438 = arith.constant 64 : index
        %get3A_1439 = tpu.vector_load %arg9[%get3A_1436, %get3A_1437, %get3A_1438] {strides = array<i32>} : memref<2x128x128xf32, #tpu.memory_space<vmem>>, vector<16xf32>,
        %get3A_1440 = arith.constant 1 : i32
        %get3A_1441 = arith.index_cast %get3A_1440 : i32 to index
        %get3A_1442 = arith.index_cast %add3A_1434 : i32 to index
        %get3A_1443 = arith.constant 80 : index
        %get3A_1444 = tpu.vector_load %arg9[%get3A_1441, %get3A_1442, %get3A_1443] {strides = array<i32>} : memref<2x128x128xf32, #tpu.memory_space<vmem>>, vector<16xf32>,
        %pack3A_1445 = tpu.pack_subelements %get3A_1439, %get3A_1444 {pack_format = #tpu.pack_format<interleaved>, positions = array<i32: 0, 1>} : vector<16xf32>, vector<16xf32> -> vector<32xbf16>
        %add3A_1446 = arith.constant 80 : i32
        %add3A_1447 = arith.addi %add3A_1446, %scan3A_196 : i32
        %get3A_1448 = arith.constant 1 : i32
        %get3A_1449 = arith.index_cast %get3A_1448 : i32 to index
        %get3A_1450 = arith.index_cast %add3A_1447 : i32 to index
        %get3A_1451 = arith.constant 64 : index
        %get3A_1452 = tpu.vector_load %arg9[%get3A_1449, %get3A_1450, %get3A_1451] {strides = array<i32>} : memref<2x128x128xf32, #tpu.memory_space<vmem>>, vector<16xf32>,
        %get3A_1453 = arith.constant 1 : i32
        %get3A_1454 = arith.index_cast %get3A_1453 : i32 to index
        %get3A_1455 = arith.index_cast %add3A_1447 : i32 to index
        %get3A_1456 = arith.constant 80 : index
        %get3A_1457 = tpu.vector_load %arg9[%get3A_1454, %get3A_1455, %get3A_1456] {strides = array<i32>} : memref<2x128x128xf32, #tpu.memory_space<vmem>>, vector<16xf32>,
        %pack3A_1458 = tpu.pack_subelements %get3A_1452, %get3A_1457 {pack_format = #tpu.pack_format<interleaved>, positions = array<i32: 0, 1>} : vector<16xf32>, vector<16xf32> -> vector<32xbf16>
        %add3A_1459 = arith.constant 96 : i32
        %add3A_1460 = arith.addi %add3A_1459, %scan3A_196 : i32
        %get3A_1461 = arith.constant 1 : i32
        %get3A_1462 = arith.index_cast %get3A_1461 : i32 to index
        %get3A_1463 = arith.index_cast %add3A_1460 : i32 to index
        %get3A_1464 = arith.constant 64 : index
        %get3A_1465 = tpu.vector_load %arg9[%get3A_1462, %get3A_1463, %get3A_1464] {strides = array<i32>} : memref<2x128x128xf32, #tpu.memory_space<vmem>>, vector<16xf32>,
        %get3A_1466 = arith.constant 1 : i32
        %get3A_1467 = arith.index_cast %get3A_1466 : i32 to index
        %get3A_1468 = arith.index_cast %add3A_1460 : i32 to index
        %get3A_1469 = arith.constant 80 : index
        %get3A_1470 = tpu.vector_load %arg9[%get3A_1467, %get3A_1468, %get3A_1469] {strides = array<i32>} : memref<2x128x128xf32, #tpu.memory_space<vmem>>, vector<16xf32>,
        %pack3A_1471 = tpu.pack_subelements %get3A_1465, %get3A_1470 {pack_format = #tpu.pack_format<interleaved>, positions = array<i32: 0, 1>} : vector<16xf32>, vector<16xf32> -> vector<32xbf16>
        %add3A_1472 = arith.constant 112 : i32
        %add3A_1473 = arith.addi %add3A_1472, %scan3A_196 : i32
        %get3A_1474 = arith.constant 1 : i32
        %get3A_1475 = arith.index_cast %get3A_1474 : i32 to index
        %get3A_1476 = arith.index_cast %add3A_1473 : i32 to index
        %get3A_1477 = arith.constant 64 : index
        %get3A_1478 = tpu.vector_load %arg9[%get3A_1475, %get3A_1476, %get3A_1477] {strides = array<i32>} : memref<2x128x128xf32, #tpu.memory_space<vmem>>, vector<16xf32>,
        %get3A_1479 = arith.constant 1 : i32
        %get3A_1480 = arith.index_cast %get3A_1479 : i32 to index
        %get3A_1481 = arith.index_cast %add3A_1473 : i32 to index
        %get3A_1482 = arith.constant 80 : index
        %get3A_1483 = tpu.vector_load %arg9[%get3A_1480, %get3A_1481, %get3A_1482] {strides = array<i32>} : memref<2x128x128xf32, #tpu.memory_space<vmem>>, vector<16xf32>,
        %pack3A_1484 = tpu.pack_subelements %get3A_1478, %get3A_1483 {pack_format = #tpu.pack_format<interleaved>, positions = array<i32: 0, 1>} : vector<16xf32>, vector<16xf32> -> vector<32xbf16>
        %mul3A_1485 = arith.mulf %pack3A_1185, %pack3A_1393 : vector<32xbf16>
        %mul3A_1486 = arith.mulf %pack3A_1198, %pack3A_1406 : vector<32xbf16>
        %sub3A_1487 = arith.subf %mul3A_1485, %mul3A_1486 : vector<32xbf16>
        %mul3A_1488 = arith.mulf %pack3A_1211, %pack3A_1419 : vector<32xbf16>
        %sub3A_1489 = arith.subf %sub3A_1487, %mul3A_1488 : vector<32xbf16>
        %mul3A_1490 = arith.mulf %pack3A_1224, %pack3A_1432 : vector<32xbf16>
        %sub3A_1491 = arith.subf %sub3A_1489, %mul3A_1490 : vector<32xbf16>
        %mul3A_1492 = arith.mulf %pack3A_1185, %pack3A_1406 : vector<32xbf16>
        %mul3A_1493 = arith.mulf %pack3A_1393, %pack3A_1198 : vector<32xbf16>
        %add3A_1494 = arith.addf %mul3A_1492, %mul3A_1493 : vector<32xbf16>
        %mul3A_1495 = arith.mulf %pack3A_1211, %pack3A_1432 : vector<32xbf16>
        %add3A_1496 = arith.addf %add3A_1494, %mul3A_1495 : vector<32xbf16>
        %mul3A_1497 = arith.mulf %pack3A_1419, %pack3A_1224 : vector<32xbf16>
        %sub3A_1498 = arith.subf %add3A_1496, %mul3A_1497 : vector<32xbf16>
        %mul3A_1499 = arith.mulf %pack3A_1185, %pack3A_1419 : vector<32xbf16>
        %mul3A_1500 = arith.mulf %pack3A_1393, %pack3A_1211 : vector<32xbf16>
        %add3A_1501 = arith.addf %mul3A_1499, %mul3A_1500 : vector<32xbf16>
        %mul3A_1502 = arith.mulf %pack3A_1224, %pack3A_1406 : vector<32xbf16>
        %add3A_1503 = arith.addf %add3A_1501, %mul3A_1502 : vector<32xbf16>
        %mul3A_1504 = arith.mulf %pack3A_1432, %pack3A_1198 : vector<32xbf16>
        %sub3A_1505 = arith.subf %add3A_1503, %mul3A_1504 : vector<32xbf16>
        %mul3A_1506 = arith.mulf %pack3A_1185, %pack3A_1432 : vector<32xbf16>
        %mul3A_1507 = arith.mulf %pack3A_1393, %pack3A_1224 : vector<32xbf16>
        %add3A_1508 = arith.addf %mul3A_1506, %mul3A_1507 : vector<32xbf16>
        %mul3A_1509 = arith.mulf %pack3A_1198, %pack3A_1419 : vector<32xbf16>
        %add3A_1510 = arith.addf %add3A_1508, %mul3A_1509 : vector<32xbf16>
        %mul3A_1511 = arith.mulf %pack3A_1406, %pack3A_1211 : vector<32xbf16>
        %sub3A_1512 = arith.subf %add3A_1510, %mul3A_1511 : vector<32xbf16>
        %neg3A_1513 = arith.constant 0.000000e+00 : bf16
        %neg3A_1514 = vector.broadcast %neg3A_1513 : bf16 to vector<32xbf16>
        %neg3A_1515 = arith.subf %neg3A_1514, %pack3A_1458 : vector<32xbf16>
        %neg3A_1516 = arith.constant 0.000000e+00 : bf16
        %neg3A_1517 = vector.broadcast %neg3A_1516 : bf16 to vector<32xbf16>
        %neg3A_1518 = arith.subf %neg3A_1517, %pack3A_1471 : vector<32xbf16>
        %neg3A_1519 = arith.constant 0.000000e+00 : bf16
        %neg3A_1520 = vector.broadcast %neg3A_1519 : bf16 to vector<32xbf16>
        %neg3A_1521 = arith.subf %neg3A_1520, %pack3A_1484 : vector<32xbf16>
        %mul3A_1522 = arith.mulf %pack3A_1445, %pack3A_1237 : vector<32xbf16>
        %mul3A_1523 = arith.mulf %neg3A_1515, %pack3A_1250 : vector<32xbf16>
        %sub3A_1524 = arith.subf %mul3A_1522, %mul3A_1523 : vector<32xbf16>
        %mul3A_1525 = arith.mulf %neg3A_1518, %pack3A_1263 : vector<32xbf16>
        %sub3A_1526 = arith.subf %sub3A_1524, %mul3A_1525 : vector<32xbf16>
        %mul3A_1527 = arith.mulf %neg3A_1521, %pack3A_1276 : vector<32xbf16>
        %sub3A_1528 = arith.subf %sub3A_1526, %mul3A_1527 : vector<32xbf16>
        %mul3A_1529 = arith.mulf %pack3A_1445, %pack3A_1250 : vector<32xbf16>
        %mul3A_1530 = arith.mulf %pack3A_1237, %neg3A_1515 : vector<32xbf16>
        %add3A_1531 = arith.addf %mul3A_1529, %mul3A_1530 : vector<32xbf16>
        %mul3A_1532 = arith.mulf %neg3A_1518, %pack3A_1276 : vector<32xbf16>
        %add3A_1533 = arith.addf %add3A_1531, %mul3A_1532 : vector<32xbf16>
        %mul3A_1534 = arith.mulf %pack3A_1263, %neg3A_1521 : vector<32xbf16>
        %sub3A_1535 = arith.subf %add3A_1533, %mul3A_1534 : vector<32xbf16>
        %mul3A_1536 = arith.mulf %pack3A_1445, %pack3A_1263 : vector<32xbf16>
        %mul3A_1537 = arith.mulf %pack3A_1237, %neg3A_1518 : vector<32xbf16>
        %add3A_1538 = arith.addf %mul3A_1536, %mul3A_1537 : vector<32xbf16>
        %mul3A_1539 = arith.mulf %neg3A_1521, %pack3A_1250 : vector<32xbf16>
        %add3A_1540 = arith.addf %add3A_1538, %mul3A_1539 : vector<32xbf16>
        %mul3A_1541 = arith.mulf %pack3A_1276, %neg3A_1515 : vector<32xbf16>
        %sub3A_1542 = arith.subf %add3A_1540, %mul3A_1541 : vector<32xbf16>
        %mul3A_1543 = arith.mulf %pack3A_1445, %pack3A_1276 : vector<32xbf16>
        %mul3A_1544 = arith.mulf %pack3A_1237, %neg3A_1521 : vector<32xbf16>
        %add3A_1545 = arith.addf %mul3A_1543, %mul3A_1544 : vector<32xbf16>
        %mul3A_1546 = arith.mulf %neg3A_1515, %pack3A_1263 : vector<32xbf16>
        %add3A_1547 = arith.addf %add3A_1545, %mul3A_1546 : vector<32xbf16>
        %mul3A_1548 = arith.mulf %pack3A_1250, %neg3A_1518 : vector<32xbf16>
        %sub3A_1549 = arith.subf %add3A_1547, %mul3A_1548 : vector<32xbf16>
        %mul3A_1550 = arith.mulf %pack3A_1445, %pack3A_1185 : vector<32xbf16>
        %mul3A_1551 = arith.mulf %pack3A_1458, %pack3A_1198 : vector<32xbf16>
        %sub3A_1552 = arith.subf %mul3A_1550, %mul3A_1551 : vector<32xbf16>
        %mul3A_1553 = arith.mulf %pack3A_1471, %pack3A_1211 : vector<32xbf16>
        %sub3A_1554 = arith.subf %sub3A_1552, %mul3A_1553 : vector<32xbf16>
        %mul3A_1555 = arith.mulf %pack3A_1484, %pack3A_1224 : vector<32xbf16>
        %sub3A_1556 = arith.subf %sub3A_1554, %mul3A_1555 : vector<32xbf16>
        %mul3A_1557 = arith.mulf %pack3A_1445, %pack3A_1198 : vector<32xbf16>
        %mul3A_1558 = arith.mulf %pack3A_1185, %pack3A_1458 : vector<32xbf16>
        %add3A_1559 = arith.addf %mul3A_1557, %mul3A_1558 : vector<32xbf16>
        %mul3A_1560 = arith.mulf %pack3A_1471, %pack3A_1224 : vector<32xbf16>
        %add3A_1561 = arith.addf %add3A_1559, %mul3A_1560 : vector<32xbf16>
        %mul3A_1562 = arith.mulf %pack3A_1211, %pack3A_1484 : vector<32xbf16>
        %sub3A_1563 = arith.subf %add3A_1561, %mul3A_1562 : vector<32xbf16>
        %mul3A_1564 = arith.mulf %pack3A_1445, %pack3A_1211 : vector<32xbf16>
        %mul3A_1565 = arith.mulf %pack3A_1185, %pack3A_1471 : vector<32xbf16>
        %add3A_1566 = arith.addf %mul3A_1564, %mul3A_1565 : vector<32xbf16>
        %mul3A_1567 = arith.mulf %pack3A_1484, %pack3A_1198 : vector<32xbf16>
        %add3A_1568 = arith.addf %add3A_1566, %mul3A_1567 : vector<32xbf16>
        %mul3A_1569 = arith.mulf %pack3A_1224, %pack3A_1458 : vector<32xbf16>
        %sub3A_1570 = arith.subf %add3A_1568, %mul3A_1569 : vector<32xbf16>
        %mul3A_1571 = arith.mulf %pack3A_1445, %pack3A_1224 : vector<32xbf16>
        %mul3A_1572 = arith.mulf %pack3A_1185, %pack3A_1484 : vector<32xbf16>
        %add3A_1573 = arith.addf %mul3A_1571, %mul3A_1572 : vector<32xbf16>
        %mul3A_1574 = arith.mulf %pack3A_1458, %pack3A_1211 : vector<32xbf16>
        %add3A_1575 = arith.addf %add3A_1573, %mul3A_1574 : vector<32xbf16>
        %mul3A_1576 = arith.mulf %pack3A_1198, %pack3A_1471 : vector<32xbf16>
        %sub3A_1577 = arith.subf %add3A_1575, %mul3A_1576 : vector<32xbf16>
        %neg3A_1578 = arith.constant 0.000000e+00 : bf16
        %neg3A_1579 = vector.broadcast %neg3A_1578 : bf16 to vector<32xbf16>
        %neg3A_1580 = arith.subf %neg3A_1579, %pack3A_1406 : vector<32xbf16>
        %neg3A_1581 = arith.constant 0.000000e+00 : bf16
        %neg3A_1582 = vector.broadcast %neg3A_1581 : bf16 to vector<32xbf16>
        %neg3A_1583 = arith.subf %neg3A_1582, %pack3A_1419 : vector<32xbf16>
        %neg3A_1584 = arith.constant 0.000000e+00 : bf16
        %neg3A_1585 = vector.broadcast %neg3A_1584 : bf16 to vector<32xbf16>
        %neg3A_1586 = arith.subf %neg3A_1585, %pack3A_1432 : vector<32xbf16>
        %mul3A_1587 = arith.mulf %pack3A_1237, %pack3A_1393 : vector<32xbf16>
        %mul3A_1588 = arith.mulf %pack3A_1250, %neg3A_1580 : vector<32xbf16>
        %sub3A_1589 = arith.subf %mul3A_1587, %mul3A_1588 : vector<32xbf16>
        %mul3A_1590 = arith.mulf %pack3A_1263, %neg3A_1583 : vector<32xbf16>
        %sub3A_1591 = arith.subf %sub3A_1589, %mul3A_1590 : vector<32xbf16>
        %mul3A_1592 = arith.mulf %pack3A_1276, %neg3A_1586 : vector<32xbf16>
        %sub3A_1593 = arith.subf %sub3A_1591, %mul3A_1592 : vector<32xbf16>
        %mul3A_1594 = arith.mulf %pack3A_1237, %neg3A_1580 : vector<32xbf16>
        %mul3A_1595 = arith.mulf %pack3A_1393, %pack3A_1250 : vector<32xbf16>
        %add3A_1596 = arith.addf %mul3A_1594, %mul3A_1595 : vector<32xbf16>
        %mul3A_1597 = arith.mulf %pack3A_1263, %neg3A_1586 : vector<32xbf16>
        %add3A_1598 = arith.addf %add3A_1596, %mul3A_1597 : vector<32xbf16>
        %mul3A_1599 = arith.mulf %neg3A_1583, %pack3A_1276 : vector<32xbf16>
        %sub3A_1600 = arith.subf %add3A_1598, %mul3A_1599 : vector<32xbf16>
        %mul3A_1601 = arith.mulf %pack3A_1237, %neg3A_1583 : vector<32xbf16>
        %mul3A_1602 = arith.mulf %pack3A_1393, %pack3A_1263 : vector<32xbf16>
        %add3A_1603 = arith.addf %mul3A_1601, %mul3A_1602 : vector<32xbf16>
        %mul3A_1604 = arith.mulf %pack3A_1276, %neg3A_1580 : vector<32xbf16>
        %add3A_1605 = arith.addf %add3A_1603, %mul3A_1604 : vector<32xbf16>
        %mul3A_1606 = arith.mulf %neg3A_1586, %pack3A_1250 : vector<32xbf16>
        %sub3A_1607 = arith.subf %add3A_1605, %mul3A_1606 : vector<32xbf16>
        %mul3A_1608 = arith.mulf %pack3A_1237, %neg3A_1586 : vector<32xbf16>
        %mul3A_1609 = arith.mulf %pack3A_1393, %pack3A_1276 : vector<32xbf16>
        %add3A_1610 = arith.addf %mul3A_1608, %mul3A_1609 : vector<32xbf16>
        %mul3A_1611 = arith.mulf %pack3A_1250, %neg3A_1583 : vector<32xbf16>
        %add3A_1612 = arith.addf %add3A_1610, %mul3A_1611 : vector<32xbf16>
        %mul3A_1613 = arith.mulf %neg3A_1580, %pack3A_1263 : vector<32xbf16>
        %sub3A_1614 = arith.subf %add3A_1612, %mul3A_1613 : vector<32xbf16>
        %sub3A_1615 = arith.subf %sub3A_1491, %sub3A_1528 : vector<32xbf16>
        %sub3A_1616 = arith.subf %sub3A_1498, %sub3A_1535 : vector<32xbf16>
        %sub3A_1617 = arith.subf %sub3A_1505, %sub3A_1542 : vector<32xbf16>
        %sub3A_1618 = arith.subf %sub3A_1512, %sub3A_1549 : vector<32xbf16>
        %add3A_1619 = arith.addf %sub3A_1556, %sub3A_1593 : vector<32xbf16>
        %add3A_1620 = arith.addf %sub3A_1563, %sub3A_1600 : vector<32xbf16>
        %add3A_1621 = arith.addf %sub3A_1570, %sub3A_1607 : vector<32xbf16>
        %add3A_1622 = arith.addf %sub3A_1577, %sub3A_1614 : vector<32xbf16>
        %mul3A_1623 = arith.mulf %sub3A_1615, %pack3A_1289 : vector<32xbf16>
        %unpack3A_1624 = tpu.unpack_subelements %mul3A_1623, 0 {pack_format = #tpu.pack_format<interleaved>} : vector<32xbf16> -> vector<16xf32>
        %unpack3A_1625 = tpu.unpack_subelements %mul3A_1623, 1 {pack_format = #tpu.pack_format<interleaved>} : vector<32xbf16> -> vector<16xf32>
        %add3A_1626 = arith.addf %add3A_1172, %unpack3A_1624 : vector<16xf32>
        %add3A_1627 = arith.addf %add3A_1626, %unpack3A_1625 : vector<16xf32>
        %mul3A_1628 = arith.mulf %sub3A_1616, %pack3A_1302 : vector<32xbf16>
        %unpack3A_1629 = tpu.unpack_subelements %mul3A_1628, 0 {pack_format = #tpu.pack_format<interleaved>} : vector<32xbf16> -> vector<16xf32>
        %unpack3A_1630 = tpu.unpack_subelements %mul3A_1628, 1 {pack_format = #tpu.pack_format<interleaved>} : vector<32xbf16> -> vector<16xf32>
        %add3A_1631 = arith.addf %add3A_1627, %unpack3A_1629 : vector<16xf32>
        %add3A_1632 = arith.addf %add3A_1631, %unpack3A_1630 : vector<16xf32>
        %mul3A_1633 = arith.mulf %sub3A_1617, %pack3A_1315 : vector<32xbf16>
        %unpack3A_1634 = tpu.unpack_subelements %mul3A_1633, 0 {pack_format = #tpu.pack_format<interleaved>} : vector<32xbf16> -> vector<16xf32>
        %unpack3A_1635 = tpu.unpack_subelements %mul3A_1633, 1 {pack_format = #tpu.pack_format<interleaved>} : vector<32xbf16> -> vector<16xf32>
        %add3A_1636 = arith.addf %add3A_1632, %unpack3A_1634 : vector<16xf32>
        %add3A_1637 = arith.addf %add3A_1636, %unpack3A_1635 : vector<16xf32>
        %mul3A_1638 = arith.mulf %sub3A_1618, %pack3A_1328 : vector<32xbf16>
        %unpack3A_1639 = tpu.unpack_subelements %mul3A_1638, 0 {pack_format = #tpu.pack_format<interleaved>} : vector<32xbf16> -> vector<16xf32>
        %unpack3A_1640 = tpu.unpack_subelements %mul3A_1638, 1 {pack_format = #tpu.pack_format<interleaved>} : vector<32xbf16> -> vector<16xf32>
        %add3A_1641 = arith.addf %add3A_1637, %unpack3A_1639 : vector<16xf32>
        %add3A_1642 = arith.addf %add3A_1641, %unpack3A_1640 : vector<16xf32>
        %mul3A_1643 = arith.mulf %add3A_1619, %pack3A_1341 : vector<32xbf16>
        %unpack3A_1644 = tpu.unpack_subelements %mul3A_1643, 0 {pack_format = #tpu.pack_format<interleaved>} : vector<32xbf16> -> vector<16xf32>
        %unpack3A_1645 = tpu.unpack_subelements %mul3A_1643, 1 {pack_format = #tpu.pack_format<interleaved>} : vector<32xbf16> -> vector<16xf32>
        %add3A_1646 = arith.addf %add3A_1642, %unpack3A_1644 : vector<16xf32>
        %add3A_1647 = arith.addf %add3A_1646, %unpack3A_1645 : vector<16xf32>
        %mul3A_1648 = arith.mulf %add3A_1620, %pack3A_1354 : vector<32xbf16>
        %unpack3A_1649 = tpu.unpack_subelements %mul3A_1648, 0 {pack_format = #tpu.pack_format<interleaved>} : vector<32xbf16> -> vector<16xf32>
        %unpack3A_1650 = tpu.unpack_subelements %mul3A_1648, 1 {pack_format = #tpu.pack_format<interleaved>} : vector<32xbf16> -> vector<16xf32>
        %add3A_1651 = arith.addf %add3A_1647, %unpack3A_1649 : vector<16xf32>
        %add3A_1652 = arith.addf %add3A_1651, %unpack3A_1650 : vector<16xf32>
        %mul3A_1653 = arith.mulf %add3A_1621, %pack3A_1367 : vector<32xbf16>
        %unpack3A_1654 = tpu.unpack_subelements %mul3A_1653, 0 {pack_format = #tpu.pack_format<interleaved>} : vector<32xbf16> -> vector<16xf32>
        %unpack3A_1655 = tpu.unpack_subelements %mul3A_1653, 1 {pack_format = #tpu.pack_format<interleaved>} : vector<32xbf16> -> vector<16xf32>
        %add3A_1656 = arith.addf %add3A_1652, %unpack3A_1654 : vector<16xf32>
        %add3A_1657 = arith.addf %add3A_1656, %unpack3A_1655 : vector<16xf32>
        %mul3A_1658 = arith.mulf %add3A_1622, %pack3A_1380 : vector<32xbf16>
        %unpack3A_1659 = tpu.unpack_subelements %mul3A_1658, 0 {pack_format = #tpu.pack_format<interleaved>} : vector<32xbf16> -> vector<16xf32>
        %unpack3A_1660 = tpu.unpack_subelements %mul3A_1658, 1 {pack_format = #tpu.pack_format<interleaved>} : vector<32xbf16> -> vector<16xf32>
        %add3A_1661 = arith.addf %add3A_1657, %unpack3A_1659 : vector<16xf32>
        %add3A_1662 = arith.addf %add3A_1661, %unpack3A_1660 : vector<16xf32>
        %add3A_1663 = arith.constant 0 : i32
        %add3A_1664 = arith.addi %add3A_1663, %scan3A_196 : i32
        %get3A_1665 = arith.constant 1 : i32
        %get3A_1666 = arith.index_cast %get3A_1665 : i32 to index
        %get3A_1667 = arith.index_cast %add3A_1664 : i32 to index
        %get3A_1668 = arith.constant 96 : index
        %get3A_1669 = tpu.vector_load %arg7[%get3A_1666, %get3A_1667, %get3A_1668] {strides = array<i32>} : memref<2x128x128xf32, #tpu.memory_space<vmem>>, vector<16xf32>,
        %get3A_1670 = arith.constant 1 : i32
        %get3A_1671 = arith.index_cast %get3A_1670 : i32 to index
        %get3A_1672 = arith.index_cast %add3A_1664 : i32 to index
        %get3A_1673 = arith.constant 112 : index
        %get3A_1674 = tpu.vector_load %arg7[%get3A_1671, %get3A_1672, %get3A_1673] {strides = array<i32>} : memref<2x128x128xf32, #tpu.memory_space<vmem>>, vector<16xf32>,
        %pack3A_1675 = tpu.pack_subelements %get3A_1669, %get3A_1674 {pack_format = #tpu.pack_format<interleaved>, positions = array<i32: 0, 1>} : vector<16xf32>, vector<16xf32> -> vector<32xbf16>
        %add3A_1676 = arith.constant 16 : i32
        %add3A_1677 = arith.addi %add3A_1676, %scan3A_196 : i32
        %get3A_1678 = arith.constant 1 : i32
        %get3A_1679 = arith.index_cast %get3A_1678 : i32 to index
        %get3A_1680 = arith.index_cast %add3A_1677 : i32 to index
        %get3A_1681 = arith.constant 96 : index
        %get3A_1682 = tpu.vector_load %arg7[%get3A_1679, %get3A_1680, %get3A_1681] {strides = array<i32>} : memref<2x128x128xf32, #tpu.memory_space<vmem>>, vector<16xf32>,
        %get3A_1683 = arith.constant 1 : i32
        %get3A_1684 = arith.index_cast %get3A_1683 : i32 to index
        %get3A_1685 = arith.index_cast %add3A_1677 : i32 to index
        %get3A_1686 = arith.constant 112 : index
        %get3A_1687 = tpu.vector_load %arg7[%get3A_1684, %get3A_1685, %get3A_1686] {strides = array<i32>} : memref<2x128x128xf32, #tpu.memory_space<vmem>>, vector<16xf32>,
        %pack3A_1688 = tpu.pack_subelements %get3A_1682, %get3A_1687 {pack_format = #tpu.pack_format<interleaved>, positions = array<i32: 0, 1>} : vector<16xf32>, vector<16xf32> -> vector<32xbf16>
        %add3A_1689 = arith.constant 32 : i32
        %add3A_1690 = arith.addi %add3A_1689, %scan3A_196 : i32
        %get3A_1691 = arith.constant 1 : i32
        %get3A_1692 = arith.index_cast %get3A_1691 : i32 to index
        %get3A_1693 = arith.index_cast %add3A_1690 : i32 to index
        %get3A_1694 = arith.constant 96 : index
        %get3A_1695 = tpu.vector_load %arg7[%get3A_1692, %get3A_1693, %get3A_1694] {strides = array<i32>} : memref<2x128x128xf32, #tpu.memory_space<vmem>>, vector<16xf32>,
        %get3A_1696 = arith.constant 1 : i32
        %get3A_1697 = arith.index_cast %get3A_1696 : i32 to index
        %get3A_1698 = arith.index_cast %add3A_1690 : i32 to index
        %get3A_1699 = arith.constant 112 : index
        %get3A_1700 = tpu.vector_load %arg7[%get3A_1697, %get3A_1698, %get3A_1699] {strides = array<i32>} : memref<2x128x128xf32, #tpu.memory_space<vmem>>, vector<16xf32>,
        %pack3A_1701 = tpu.pack_subelements %get3A_1695, %get3A_1700 {pack_format = #tpu.pack_format<interleaved>, positions = array<i32: 0, 1>} : vector<16xf32>, vector<16xf32> -> vector<32xbf16>
        %add3A_1702 = arith.constant 48 : i32
        %add3A_1703 = arith.addi %add3A_1702, %scan3A_196 : i32
        %get3A_1704 = arith.constant 1 : i32
        %get3A_1705 = arith.index_cast %get3A_1704 : i32 to index
        %get3A_1706 = arith.index_cast %add3A_1703 : i32 to index
        %get3A_1707 = arith.constant 96 : index
        %get3A_1708 = tpu.vector_load %arg7[%get3A_1705, %get3A_1706, %get3A_1707] {strides = array<i32>} : memref<2x128x128xf32, #tpu.memory_space<vmem>>, vector<16xf32>,
        %get3A_1709 = arith.constant 1 : i32
        %get3A_1710 = arith.index_cast %get3A_1709 : i32 to index
        %get3A_1711 = arith.index_cast %add3A_1703 : i32 to index
        %get3A_1712 = arith.constant 112 : index
        %get3A_1713 = tpu.vector_load %arg7[%get3A_1710, %get3A_1711, %get3A_1712] {strides = array<i32>} : memref<2x128x128xf32, #tpu.memory_space<vmem>>, vector<16xf32>,
        %pack3A_1714 = tpu.pack_subelements %get3A_1708, %get3A_1713 {pack_format = #tpu.pack_format<interleaved>, positions = array<i32: 0, 1>} : vector<16xf32>, vector<16xf32> -> vector<32xbf16>
        %add3A_1715 = arith.constant 64 : i32
        %add3A_1716 = arith.addi %add3A_1715, %scan3A_196 : i32
        %get3A_1717 = arith.constant 1 : i32
        %get3A_1718 = arith.index_cast %get3A_1717 : i32 to index
        %get3A_1719 = arith.index_cast %add3A_1716 : i32 to index
        %get3A_1720 = arith.constant 96 : index
        %get3A_1721 = tpu.vector_load %arg7[%get3A_1718, %get3A_1719, %get3A_1720] {strides = array<i32>} : memref<2x128x128xf32, #tpu.memory_space<vmem>>, vector<16xf32>,
        %get3A_1722 = arith.constant 1 : i32
        %get3A_1723 = arith.index_cast %get3A_1722 : i32 to index
        %get3A_1724 = arith.index_cast %add3A_1716 : i32 to index
        %get3A_1725 = arith.constant 112 : index
        %get3A_1726 = tpu.vector_load %arg7[%get3A_1723, %get3A_1724, %get3A_1725] {strides = array<i32>} : memref<2x128x128xf32, #tpu.memory_space<vmem>>, vector<16xf32>,
        %pack3A_1727 = tpu.pack_subelements %get3A_1721, %get3A_1726 {pack_format = #tpu.pack_format<interleaved>, positions = array<i32: 0, 1>} : vector<16xf32>, vector<16xf32> -> vector<32xbf16>
        %add3A_1728 = arith.constant 80 : i32
        %add3A_1729 = arith.addi %add3A_1728, %scan3A_196 : i32
        %get3A_1730 = arith.constant 1 : i32
        %get3A_1731 = arith.index_cast %get3A_1730 : i32 to index
        %get3A_1732 = arith.index_cast %add3A_1729 : i32 to index
        %get3A_1733 = arith.constant 96 : index
        %get3A_1734 = tpu.vector_load %arg7[%get3A_1731, %get3A_1732, %get3A_1733] {strides = array<i32>} : memref<2x128x128xf32, #tpu.memory_space<vmem>>, vector<16xf32>,
        %get3A_1735 = arith.constant 1 : i32
        %get3A_1736 = arith.index_cast %get3A_1735 : i32 to index
        %get3A_1737 = arith.index_cast %add3A_1729 : i32 to index
        %get3A_1738 = arith.constant 112 : index
        %get3A_1739 = tpu.vector_load %arg7[%get3A_1736, %get3A_1737, %get3A_1738] {strides = array<i32>} : memref<2x128x128xf32, #tpu.memory_space<vmem>>, vector<16xf32>,
        %pack3A_1740 = tpu.pack_subelements %get3A_1734, %get3A_1739 {pack_format = #tpu.pack_format<interleaved>, positions = array<i32: 0, 1>} : vector<16xf32>, vector<16xf32> -> vector<32xbf16>
        %add3A_1741 = arith.constant 96 : i32
        %add3A_1742 = arith.addi %add3A_1741, %scan3A_196 : i32
        %get3A_1743 = arith.constant 1 : i32
        %get3A_1744 = arith.index_cast %get3A_1743 : i32 to index
        %get3A_1745 = arith.index_cast %add3A_1742 : i32 to index
        %get3A_1746 = arith.constant 96 : index
        %get3A_1747 = tpu.vector_load %arg7[%get3A_1744, %get3A_1745, %get3A_1746] {strides = array<i32>} : memref<2x128x128xf32, #tpu.memory_space<vmem>>, vector<16xf32>,
        %get3A_1748 = arith.constant 1 : i32
        %get3A_1749 = arith.index_cast %get3A_1748 : i32 to index
        %get3A_1750 = arith.index_cast %add3A_1742 : i32 to index
        %get3A_1751 = arith.constant 112 : index
        %get3A_1752 = tpu.vector_load %arg7[%get3A_1749, %get3A_1750, %get3A_1751] {strides = array<i32>} : memref<2x128x128xf32, #tpu.memory_space<vmem>>, vector<16xf32>,
        %pack3A_1753 = tpu.pack_subelements %get3A_1747, %get3A_1752 {pack_format = #tpu.pack_format<interleaved>, positions = array<i32: 0, 1>} : vector<16xf32>, vector<16xf32> -> vector<32xbf16>
        %add3A_1754 = arith.constant 112 : i32
        %add3A_1755 = arith.addi %add3A_1754, %scan3A_196 : i32
        %get3A_1756 = arith.constant 1 : i32
        %get3A_1757 = arith.index_cast %get3A_1756 : i32 to index
        %get3A_1758 = arith.index_cast %add3A_1755 : i32 to index
        %get3A_1759 = arith.constant 96 : index
        %get3A_1760 = tpu.vector_load %arg7[%get3A_1757, %get3A_1758, %get3A_1759] {strides = array<i32>} : memref<2x128x128xf32, #tpu.memory_space<vmem>>, vector<16xf32>,
        %get3A_1761 = arith.constant 1 : i32
        %get3A_1762 = arith.index_cast %get3A_1761 : i32 to index
        %get3A_1763 = arith.index_cast %add3A_1755 : i32 to index
        %get3A_1764 = arith.constant 112 : index
        %get3A_1765 = tpu.vector_load %arg7[%get3A_1762, %get3A_1763, %get3A_1764] {strides = array<i32>} : memref<2x128x128xf32, #tpu.memory_space<vmem>>, vector<16xf32>,
        %pack3A_1766 = tpu.pack_subelements %get3A_1760, %get3A_1765 {pack_format = #tpu.pack_format<interleaved>, positions = array<i32: 0, 1>} : vector<16xf32>, vector<16xf32> -> vector<32xbf16>
        %add3A_1767 = arith.constant 0 : i32
        %add3A_1768 = arith.addi %add3A_1767, %scan3A_196 : i32
        %get3A_1769 = arith.constant 1 : i32
        %get3A_1770 = arith.index_cast %get3A_1769 : i32 to index
        %get3A_1771 = arith.index_cast %add3A_1768 : i32 to index
        %get3A_1772 = arith.constant 96 : index
        %get3A_1773 = tpu.vector_load %arg8[%get3A_1770, %get3A_1771, %get3A_1772] {strides = array<i32>} : memref<2x128x128xf32, #tpu.memory_space<vmem>>, vector<16xf32>,
        %get3A_1774 = arith.constant 1 : i32
        %get3A_1775 = arith.index_cast %get3A_1774 : i32 to index
        %get3A_1776 = arith.index_cast %add3A_1768 : i32 to index
        %get3A_1777 = arith.constant 112 : index
        %get3A_1778 = tpu.vector_load %arg8[%get3A_1775, %get3A_1776, %get3A_1777] {strides = array<i32>} : memref<2x128x128xf32, #tpu.memory_space<vmem>>, vector<16xf32>,
        %pack3A_1779 = tpu.pack_subelements %get3A_1773, %get3A_1778 {pack_format = #tpu.pack_format<interleaved>, positions = array<i32: 0, 1>} : vector<16xf32>, vector<16xf32> -> vector<32xbf16>
        %add3A_1780 = arith.constant 16 : i32
        %add3A_1781 = arith.addi %add3A_1780, %scan3A_196 : i32
        %get3A_1782 = arith.constant 1 : i32
        %get3A_1783 = arith.index_cast %get3A_1782 : i32 to index
        %get3A_1784 = arith.index_cast %add3A_1781 : i32 to index
        %get3A_1785 = arith.constant 96 : index
        %get3A_1786 = tpu.vector_load %arg8[%get3A_1783, %get3A_1784, %get3A_1785] {strides = array<i32>} : memref<2x128x128xf32, #tpu.memory_space<vmem>>, vector<16xf32>,
        %get3A_1787 = arith.constant 1 : i32
        %get3A_1788 = arith.index_cast %get3A_1787 : i32 to index
        %get3A_1789 = arith.index_cast %add3A_1781 : i32 to index
        %get3A_1790 = arith.constant 112 : index
        %get3A_1791 = tpu.vector_load %arg8[%get3A_1788, %get3A_1789, %get3A_1790] {strides = array<i32>} : memref<2x128x128xf32, #tpu.memory_space<vmem>>, vector<16xf32>,
        %pack3A_1792 = tpu.pack_subelements %get3A_1786, %get3A_1791 {pack_format = #tpu.pack_format<interleaved>, positions = array<i32: 0, 1>} : vector<16xf32>, vector<16xf32> -> vector<32xbf16>
        %add3A_1793 = arith.constant 32 : i32
        %add3A_1794 = arith.addi %add3A_1793, %scan3A_196 : i32
        %get3A_1795 = arith.constant 1 : i32
        %get3A_1796 = arith.index_cast %get3A_1795 : i32 to index
        %get3A_1797 = arith.index_cast %add3A_1794 : i32 to index
        %get3A_1798 = arith.constant 96 : index
        %get3A_1799 = tpu.vector_load %arg8[%get3A_1796, %get3A_1797, %get3A_1798] {strides = array<i32>} : memref<2x128x128xf32, #tpu.memory_space<vmem>>, vector<16xf32>,
        %get3A_1800 = arith.constant 1 : i32
        %get3A_1801 = arith.index_cast %get3A_1800 : i32 to index
        %get3A_1802 = arith.index_cast %add3A_1794 : i32 to index
        %get3A_1803 = arith.constant 112 : index
        %get3A_1804 = tpu.vector_load %arg8[%get3A_1801, %get3A_1802, %get3A_1803] {strides = array<i32>} : memref<2x128x128xf32, #tpu.memory_space<vmem>>, vector<16xf32>,
        %pack3A_1805 = tpu.pack_subelements %get3A_1799, %get3A_1804 {pack_format = #tpu.pack_format<interleaved>, positions = array<i32: 0, 1>} : vector<16xf32>, vector<16xf32> -> vector<32xbf16>
        %add3A_1806 = arith.constant 48 : i32
        %add3A_1807 = arith.addi %add3A_1806, %scan3A_196 : i32
        %get3A_1808 = arith.constant 1 : i32
        %get3A_1809 = arith.index_cast %get3A_1808 : i32 to index
        %get3A_1810 = arith.index_cast %add3A_1807 : i32 to index
        %get3A_1811 = arith.constant 96 : index
        %get3A_1812 = tpu.vector_load %arg8[%get3A_1809, %get3A_1810, %get3A_1811] {strides = array<i32>} : memref<2x128x128xf32, #tpu.memory_space<vmem>>, vector<16xf32>,
        %get3A_1813 = arith.constant 1 : i32
        %get3A_1814 = arith.index_cast %get3A_1813 : i32 to index
        %get3A_1815 = arith.index_cast %add3A_1807 : i32 to index
        %get3A_1816 = arith.constant 112 : index
        %get3A_1817 = tpu.vector_load %arg8[%get3A_1814, %get3A_1815, %get3A_1816] {strides = array<i32>} : memref<2x128x128xf32, #tpu.memory_space<vmem>>, vector<16xf32>,
        %pack3A_1818 = tpu.pack_subelements %get3A_1812, %get3A_1817 {pack_format = #tpu.pack_format<interleaved>, positions = array<i32: 0, 1>} : vector<16xf32>, vector<16xf32> -> vector<32xbf16>
        %add3A_1819 = arith.constant 64 : i32
        %add3A_1820 = arith.addi %add3A_1819, %scan3A_196 : i32
        %get3A_1821 = arith.constant 1 : i32
        %get3A_1822 = arith.index_cast %get3A_1821 : i32 to index
        %get3A_1823 = arith.index_cast %add3A_1820 : i32 to index
        %get3A_1824 = arith.constant 96 : index
        %get3A_1825 = tpu.vector_load %arg8[%get3A_1822, %get3A_1823, %get3A_1824] {strides = array<i32>} : memref<2x128x128xf32, #tpu.memory_space<vmem>>, vector<16xf32>,
        %get3A_1826 = arith.constant 1 : i32
        %get3A_1827 = arith.index_cast %get3A_1826 : i32 to index
        %get3A_1828 = arith.index_cast %add3A_1820 : i32 to index
        %get3A_1829 = arith.constant 112 : index
        %get3A_1830 = tpu.vector_load %arg8[%get3A_1827, %get3A_1828, %get3A_1829] {strides = array<i32>} : memref<2x128x128xf32, #tpu.memory_space<vmem>>, vector<16xf32>,
        %pack3A_1831 = tpu.pack_subelements %get3A_1825, %get3A_1830 {pack_format = #tpu.pack_format<interleaved>, positions = array<i32: 0, 1>} : vector<16xf32>, vector<16xf32> -> vector<32xbf16>
        %add3A_1832 = arith.constant 80 : i32
        %add3A_1833 = arith.addi %add3A_1832, %scan3A_196 : i32
        %get3A_1834 = arith.constant 1 : i32
        %get3A_1835 = arith.index_cast %get3A_1834 : i32 to index
        %get3A_1836 = arith.index_cast %add3A_1833 : i32 to index
        %get3A_1837 = arith.constant 96 : index
        %get3A_1838 = tpu.vector_load %arg8[%get3A_1835, %get3A_1836, %get3A_1837] {strides = array<i32>} : memref<2x128x128xf32, #tpu.memory_space<vmem>>, vector<16xf32>,
        %get3A_1839 = arith.constant 1 : i32
        %get3A_1840 = arith.index_cast %get3A_1839 : i32 to index
        %get3A_1841 = arith.index_cast %add3A_1833 : i32 to index
        %get3A_1842 = arith.constant 112 : index
        %get3A_1843 = tpu.vector_load %arg8[%get3A_1840, %get3A_1841, %get3A_1842] {strides = array<i32>} : memref<2x128x128xf32, #tpu.memory_space<vmem>>, vector<16xf32>,
        %pack3A_1844 = tpu.pack_subelements %get3A_1838, %get3A_1843 {pack_format = #tpu.pack_format<interleaved>, positions = array<i32: 0, 1>} : vector<16xf32>, vector<16xf32> -> vector<32xbf16>
        %add3A_1845 = arith.constant 96 : i32
        %add3A_1846 = arith.addi %add3A_1845, %scan3A_196 : i32
        %get3A_1847 = arith.constant 1 : i32
        %get3A_1848 = arith.index_cast %get3A_1847 : i32 to index
        %get3A_1849 = arith.index_cast %add3A_1846 : i32 to index
        %get3A_1850 = arith.constant 96 : index
        %get3A_1851 = tpu.vector_load %arg8[%get3A_1848, %get3A_1849, %get3A_1850] {strides = array<i32>} : memref<2x128x128xf32, #tpu.memory_space<vmem>>, vector<16xf32>,
        %get3A_1852 = arith.constant 1 : i32
        %get3A_1853 = arith.index_cast %get3A_1852 : i32 to index
        %get3A_1854 = arith.index_cast %add3A_1846 : i32 to index
        %get3A_1855 = arith.constant 112 : index
        %get3A_1856 = tpu.vector_load %arg8[%get3A_1853, %get3A_1854, %get3A_1855] {strides = array<i32>} : memref<2x128x128xf32, #tpu.memory_space<vmem>>, vector<16xf32>,
        %pack3A_1857 = tpu.pack_subelements %get3A_1851, %get3A_1856 {pack_format = #tpu.pack_format<interleaved>, positions = array<i32: 0, 1>} : vector<16xf32>, vector<16xf32> -> vector<32xbf16>
        %add3A_1858 = arith.constant 112 : i32
        %add3A_1859 = arith.addi %add3A_1858, %scan3A_196 : i32
        %get3A_1860 = arith.constant 1 : i32
        %get3A_1861 = arith.index_cast %get3A_1860 : i32 to index
        %get3A_1862 = arith.index_cast %add3A_1859 : i32 to index
        %get3A_1863 = arith.constant 96 : index
        %get3A_1864 = tpu.vector_load %arg8[%get3A_1861, %get3A_1862, %get3A_1863] {strides = array<i32>} : memref<2x128x128xf32, #tpu.memory_space<vmem>>, vector<16xf32>,
        %get3A_1865 = arith.constant 1 : i32
        %get3A_1866 = arith.index_cast %get3A_1865 : i32 to index
        %get3A_1867 = arith.index_cast %add3A_1859 : i32 to index
        %get3A_1868 = arith.constant 112 : index
        %get3A_1869 = tpu.vector_load %arg8[%get3A_1866, %get3A_1867, %get3A_1868] {strides = array<i32>} : memref<2x128x128xf32, #tpu.memory_space<vmem>>, vector<16xf32>,
        %pack3A_1870 = tpu.pack_subelements %get3A_1864, %get3A_1869 {pack_format = #tpu.pack_format<interleaved>, positions = array<i32: 0, 1>} : vector<16xf32>, vector<16xf32> -> vector<32xbf16>
        %add3A_1871 = arith.constant 0 : i32
        %add3A_1872 = arith.addi %add3A_1871, %scan3A_196 : i32
        %get3A_1873 = arith.constant 1 : i32
        %get3A_1874 = arith.index_cast %get3A_1873 : i32 to index
        %get3A_1875 = arith.index_cast %add3A_1872 : i32 to index
        %get3A_1876 = arith.constant 96 : index
        %get3A_1877 = tpu.vector_load %arg9[%get3A_1874, %get3A_1875, %get3A_1876] {strides = array<i32>} : memref<2x128x128xf32, #tpu.memory_space<vmem>>, vector<16xf32>,
        %get3A_1878 = arith.constant 1 : i32
        %get3A_1879 = arith.index_cast %get3A_1878 : i32 to index
        %get3A_1880 = arith.index_cast %add3A_1872 : i32 to index
        %get3A_1881 = arith.constant 112 : index
        %get3A_1882 = tpu.vector_load %arg9[%get3A_1879, %get3A_1880, %get3A_1881] {strides = array<i32>} : memref<2x128x128xf32, #tpu.memory_space<vmem>>, vector<16xf32>,
        %pack3A_1883 = tpu.pack_subelements %get3A_1877, %get3A_1882 {pack_format = #tpu.pack_format<interleaved>, positions = array<i32: 0, 1>} : vector<16xf32>, vector<16xf32> -> vector<32xbf16>
        %add3A_1884 = arith.constant 16 : i32
        %add3A_1885 = arith.addi %add3A_1884, %scan3A_196 : i32
        %get3A_1886 = arith.constant 1 : i32
        %get3A_1887 = arith.index_cast %get3A_1886 : i32 to index
        %get3A_1888 = arith.index_cast %add3A_1885 : i32 to index
        %get3A_1889 = arith.constant 96 : index
        %get3A_1890 = tpu.vector_load %arg9[%get3A_1887, %get3A_1888, %get3A_1889] {strides = array<i32>} : memref<2x128x128xf32, #tpu.memory_space<vmem>>, vector<16xf32>,
        %get3A_1891 = arith.constant 1 : i32
        %get3A_1892 = arith.index_cast %get3A_1891 : i32 to index
        %get3A_1893 = arith.index_cast %add3A_1885 : i32 to index
        %get3A_1894 = arith.constant 112 : index
        %get3A_1895 = tpu.vector_load %arg9[%get3A_1892, %get3A_1893, %get3A_1894] {strides = array<i32>} : memref<2x128x128xf32, #tpu.memory_space<vmem>>, vector<16xf32>,
        %pack3A_1896 = tpu.pack_subelements %get3A_1890, %get3A_1895 {pack_format = #tpu.pack_format<interleaved>, positions = array<i32: 0, 1>} : vector<16xf32>, vector<16xf32> -> vector<32xbf16>
        %add3A_1897 = arith.constant 32 : i32
        %add3A_1898 = arith.addi %add3A_1897, %scan3A_196 : i32
        %get3A_1899 = arith.constant 1 : i32
        %get3A_1900 = arith.index_cast %get3A_1899 : i32 to index
        %get3A_1901 = arith.index_cast %add3A_1898 : i32 to index
        %get3A_1902 = arith.constant 96 : index
        %get3A_1903 = tpu.vector_load %arg9[%get3A_1900, %get3A_1901, %get3A_1902] {strides = array<i32>} : memref<2x128x128xf32, #tpu.memory_space<vmem>>, vector<16xf32>,
        %get3A_1904 = arith.constant 1 : i32
        %get3A_1905 = arith.index_cast %get3A_1904 : i32 to index
        %get3A_1906 = arith.index_cast %add3A_1898 : i32 to index
        %get3A_1907 = arith.constant 112 : index
        %get3A_1908 = tpu.vector_load %arg9[%get3A_1905, %get3A_1906, %get3A_1907] {strides = array<i32>} : memref<2x128x128xf32, #tpu.memory_space<vmem>>, vector<16xf32>,
        %pack3A_1909 = tpu.pack_subelements %get3A_1903, %get3A_1908 {pack_format = #tpu.pack_format<interleaved>, positions = array<i32: 0, 1>} : vector<16xf32>, vector<16xf32> -> vector<32xbf16>
        %add3A_1910 = arith.constant 48 : i32
        %add3A_1911 = arith.addi %add3A_1910, %scan3A_196 : i32
        %get3A_1912 = arith.constant 1 : i32
        %get3A_1913 = arith.index_cast %get3A_1912 : i32 to index
        %get3A_1914 = arith.index_cast %add3A_1911 : i32 to index
        %get3A_1915 = arith.constant 96 : index
        %get3A_1916 = tpu.vector_load %arg9[%get3A_1913, %get3A_1914, %get3A_1915] {strides = array<i32>} : memref<2x128x128xf32, #tpu.memory_space<vmem>>, vector<16xf32>,
        %get3A_1917 = arith.constant 1 : i32
        %get3A_1918 = arith.index_cast %get3A_1917 : i32 to index
        %get3A_1919 = arith.index_cast %add3A_1911 : i32 to index
        %get3A_1920 = arith.constant 112 : index
        %get3A_1921 = tpu.vector_load %arg9[%get3A_1918, %get3A_1919, %get3A_1920] {strides = array<i32>} : memref<2x128x128xf32, #tpu.memory_space<vmem>>, vector<16xf32>,
        %pack3A_1922 = tpu.pack_subelements %get3A_1916, %get3A_1921 {pack_format = #tpu.pack_format<interleaved>, positions = array<i32: 0, 1>} : vector<16xf32>, vector<16xf32> -> vector<32xbf16>
        %add3A_1923 = arith.constant 64 : i32
        %add3A_1924 = arith.addi %add3A_1923, %scan3A_196 : i32
        %get3A_1925 = arith.constant 1 : i32
        %get3A_1926 = arith.index_cast %get3A_1925 : i32 to index
        %get3A_1927 = arith.index_cast %add3A_1924 : i32 to index
        %get3A_1928 = arith.constant 96 : index
        %get3A_1929 = tpu.vector_load %arg9[%get3A_1926, %get3A_1927, %get3A_1928] {strides = array<i32>} : memref<2x128x128xf32, #tpu.memory_space<vmem>>, vector<16xf32>,
        %get3A_1930 = arith.constant 1 : i32
        %get3A_1931 = arith.index_cast %get3A_1930 : i32 to index
        %get3A_1932 = arith.index_cast %add3A_1924 : i32 to index
        %get3A_1933 = arith.constant 112 : index
        %get3A_1934 = tpu.vector_load %arg9[%get3A_1931, %get3A_1932, %get3A_1933] {strides = array<i32>} : memref<2x128x128xf32, #tpu.memory_space<vmem>>, vector<16xf32>,
        %pack3A_1935 = tpu.pack_subelements %get3A_1929, %get3A_1934 {pack_format = #tpu.pack_format<interleaved>, positions = array<i32: 0, 1>} : vector<16xf32>, vector<16xf32> -> vector<32xbf16>
        %add3A_1936 = arith.constant 80 : i32
        %add3A_1937 = arith.addi %add3A_1936, %scan3A_196 : i32
        %get3A_1938 = arith.constant 1 : i32
        %get3A_1939 = arith.index_cast %get3A_1938 : i32 to index
        %get3A_1940 = arith.index_cast %add3A_1937 : i32 to index
        %get3A_1941 = arith.constant 96 : index
        %get3A_1942 = tpu.vector_load %arg9[%get3A_1939, %get3A_1940, %get3A_1941] {strides = array<i32>} : memref<2x128x128xf32, #tpu.memory_space<vmem>>, vector<16xf32>,
        %get3A_1943 = arith.constant 1 : i32
        %get3A_1944 = arith.index_cast %get3A_1943 : i32 to index
        %get3A_1945 = arith.index_cast %add3A_1937 : i32 to index
        %get3A_1946 = arith.constant 112 : index
        %get3A_1947 = tpu.vector_load %arg9[%get3A_1944, %get3A_1945, %get3A_1946] {strides = array<i32>} : memref<2x128x128xf32, #tpu.memory_space<vmem>>, vector<16xf32>,
        %pack3A_1948 = tpu.pack_subelements %get3A_1942, %get3A_1947 {pack_format = #tpu.pack_format<interleaved>, positions = array<i32: 0, 1>} : vector<16xf32>, vector<16xf32> -> vector<32xbf16>
        %add3A_1949 = arith.constant 96 : i32
        %add3A_1950 = arith.addi %add3A_1949, %scan3A_196 : i32
        %get3A_1951 = arith.constant 1 : i32
        %get3A_1952 = arith.index_cast %get3A_1951 : i32 to index
        %get3A_1953 = arith.index_cast %add3A_1950 : i32 to index
        %get3A_1954 = arith.constant 96 : index
        %get3A_1955 = tpu.vector_load %arg9[%get3A_1952, %get3A_1953, %get3A_1954] {strides = array<i32>} : memref<2x128x128xf32, #tpu.memory_space<vmem>>, vector<16xf32>,
        %get3A_1956 = arith.constant 1 : i32
        %get3A_1957 = arith.index_cast %get3A_1956 : i32 to index
        %get3A_1958 = arith.index_cast %add3A_1950 : i32 to index
        %get3A_1959 = arith.constant 112 : index
        %get3A_1960 = tpu.vector_load %arg9[%get3A_1957, %get3A_1958, %get3A_1959] {strides = array<i32>} : memref<2x128x128xf32, #tpu.memory_space<vmem>>, vector<16xf32>,
        %pack3A_1961 = tpu.pack_subelements %get3A_1955, %get3A_1960 {pack_format = #tpu.pack_format<interleaved>, positions = array<i32: 0, 1>} : vector<16xf32>, vector<16xf32> -> vector<32xbf16>
        %add3A_1962 = arith.constant 112 : i32
        %add3A_1963 = arith.addi %add3A_1962, %scan3A_196 : i32
        %get3A_1964 = arith.constant 1 : i32
        %get3A_1965 = arith.index_cast %get3A_1964 : i32 to index
        %get3A_1966 = arith.index_cast %add3A_1963 : i32 to index
        %get3A_1967 = arith.constant 96 : index
        %get3A_1968 = tpu.vector_load %arg9[%get3A_1965, %get3A_1966, %get3A_1967] {strides = array<i32>} : memref<2x128x128xf32, #tpu.memory_space<vmem>>, vector<16xf32>,
        %get3A_1969 = arith.constant 1 : i32
        %get3A_1970 = arith.index_cast %get3A_1969 : i32 to index
        %get3A_1971 = arith.index_cast %add3A_1963 : i32 to index
        %get3A_1972 = arith.constant 112 : index
        %get3A_1973 = tpu.vector_load %arg9[%get3A_1970, %get3A_1971, %get3A_1972] {strides = array<i32>} : memref<2x128x128xf32, #tpu.memory_space<vmem>>, vector<16xf32>,
        %pack3A_1974 = tpu.pack_subelements %get3A_1968, %get3A_1973 {pack_format = #tpu.pack_format<interleaved>, positions = array<i32: 0, 1>} : vector<16xf32>, vector<16xf32> -> vector<32xbf16>
        %mul3A_1975 = arith.mulf %pack3A_1675, %pack3A_1883 : vector<32xbf16>
        %mul3A_1976 = arith.mulf %pack3A_1688, %pack3A_1896 : vector<32xbf16>
        %sub3A_1977 = arith.subf %mul3A_1975, %mul3A_1976 : vector<32xbf16>
        %mul3A_1978 = arith.mulf %pack3A_1701, %pack3A_1909 : vector<32xbf16>
        %sub3A_1979 = arith.subf %sub3A_1977, %mul3A_1978 : vector<32xbf16>
        %mul3A_1980 = arith.mulf %pack3A_1714, %pack3A_1922 : vector<32xbf16>
        %sub3A_1981 = arith.subf %sub3A_1979, %mul3A_1980 : vector<32xbf16>
        %mul3A_1982 = arith.mulf %pack3A_1675, %pack3A_1896 : vector<32xbf16>
        %mul3A_1983 = arith.mulf %pack3A_1883, %pack3A_1688 : vector<32xbf16>
        %add3A_1984 = arith.addf %mul3A_1982, %mul3A_1983 : vector<32xbf16>
        %mul3A_1985 = arith.mulf %pack3A_1701, %pack3A_1922 : vector<32xbf16>
        %add3A_1986 = arith.addf %add3A_1984, %mul3A_1985 : vector<32xbf16>
        %mul3A_1987 = arith.mulf %pack3A_1909, %pack3A_1714 : vector<32xbf16>
        %sub3A_1988 = arith.subf %add3A_1986, %mul3A_1987 : vector<32xbf16>
        %mul3A_1989 = arith.mulf %pack3A_1675, %pack3A_1909 : vector<32xbf16>
        %mul3A_1990 = arith.mulf %pack3A_1883, %pack3A_1701 : vector<32xbf16>
        %add3A_1991 = arith.addf %mul3A_1989, %mul3A_1990 : vector<32xbf16>
        %mul3A_1992 = arith.mulf %pack3A_1714, %pack3A_1896 : vector<32xbf16>
        %add3A_1993 = arith.addf %add3A_1991, %mul3A_1992 : vector<32xbf16>
        %mul3A_1994 = arith.mulf %pack3A_1922, %pack3A_1688 : vector<32xbf16>
        %sub3A_1995 = arith.subf %add3A_1993, %mul3A_1994 : vector<32xbf16>
        %mul3A_1996 = arith.mulf %pack3A_1675, %pack3A_1922 : vector<32xbf16>
        %mul3A_1997 = arith.mulf %pack3A_1883, %pack3A_1714 : vector<32xbf16>
        %add3A_1998 = arith.addf %mul3A_1996, %mul3A_1997 : vector<32xbf16>
        %mul3A_1999 = arith.mulf %pack3A_1688, %pack3A_1909 : vector<32xbf16>
        %add3A_2000 = arith.addf %add3A_1998, %mul3A_1999 : vector<32xbf16>
        %mul3A_2001 = arith.mulf %pack3A_1896, %pack3A_1701 : vector<32xbf16>
        %sub3A_2002 = arith.subf %add3A_2000, %mul3A_2001 : vector<32xbf16>
        %neg3A_2003 = arith.constant 0.000000e+00 : bf16
        %neg3A_2004 = vector.broadcast %neg3A_2003 : bf16 to vector<32xbf16>
        %neg3A_2005 = arith.subf %neg3A_2004, %pack3A_1948 : vector<32xbf16>
        %neg3A_2006 = arith.constant 0.000000e+00 : bf16
        %neg3A_2007 = vector.broadcast %neg3A_2006 : bf16 to vector<32xbf16>
        %neg3A_2008 = arith.subf %neg3A_2007, %pack3A_1961 : vector<32xbf16>
        %neg3A_2009 = arith.constant 0.000000e+00 : bf16
        %neg3A_2010 = vector.broadcast %neg3A_2009 : bf16 to vector<32xbf16>
        %neg3A_2011 = arith.subf %neg3A_2010, %pack3A_1974 : vector<32xbf16>
        %mul3A_2012 = arith.mulf %pack3A_1935, %pack3A_1727 : vector<32xbf16>
        %mul3A_2013 = arith.mulf %neg3A_2005, %pack3A_1740 : vector<32xbf16>
        %sub3A_2014 = arith.subf %mul3A_2012, %mul3A_2013 : vector<32xbf16>
        %mul3A_2015 = arith.mulf %neg3A_2008, %pack3A_1753 : vector<32xbf16>
        %sub3A_2016 = arith.subf %sub3A_2014, %mul3A_2015 : vector<32xbf16>
        %mul3A_2017 = arith.mulf %neg3A_2011, %pack3A_1766 : vector<32xbf16>
        %sub3A_2018 = arith.subf %sub3A_2016, %mul3A_2017 : vector<32xbf16>
        %mul3A_2019 = arith.mulf %pack3A_1935, %pack3A_1740 : vector<32xbf16>
        %mul3A_2020 = arith.mulf %pack3A_1727, %neg3A_2005 : vector<32xbf16>
        %add3A_2021 = arith.addf %mul3A_2019, %mul3A_2020 : vector<32xbf16>
        %mul3A_2022 = arith.mulf %neg3A_2008, %pack3A_1766 : vector<32xbf16>
        %add3A_2023 = arith.addf %add3A_2021, %mul3A_2022 : vector<32xbf16>
        %mul3A_2024 = arith.mulf %pack3A_1753, %neg3A_2011 : vector<32xbf16>
        %sub3A_2025 = arith.subf %add3A_2023, %mul3A_2024 : vector<32xbf16>
        %mul3A_2026 = arith.mulf %pack3A_1935, %pack3A_1753 : vector<32xbf16>
        %mul3A_2027 = arith.mulf %pack3A_1727, %neg3A_2008 : vector<32xbf16>
        %add3A_2028 = arith.addf %mul3A_2026, %mul3A_2027 : vector<32xbf16>
        %mul3A_2029 = arith.mulf %neg3A_2011, %pack3A_1740 : vector<32xbf16>
        %add3A_2030 = arith.addf %add3A_2028, %mul3A_2029 : vector<32xbf16>
        %mul3A_2031 = arith.mulf %pack3A_1766, %neg3A_2005 : vector<32xbf16>
        %sub3A_2032 = arith.subf %add3A_2030, %mul3A_2031 : vector<32xbf16>
        %mul3A_2033 = arith.mulf %pack3A_1935, %pack3A_1766 : vector<32xbf16>
        %mul3A_2034 = arith.mulf %pack3A_1727, %neg3A_2011 : vector<32xbf16>
        %add3A_2035 = arith.addf %mul3A_2033, %mul3A_2034 : vector<32xbf16>
        %mul3A_2036 = arith.mulf %neg3A_2005, %pack3A_1753 : vector<32xbf16>
        %add3A_2037 = arith.addf %add3A_2035, %mul3A_2036 : vector<32xbf16>
        %mul3A_2038 = arith.mulf %pack3A_1740, %neg3A_2008 : vector<32xbf16>
        %sub3A_2039 = arith.subf %add3A_2037, %mul3A_2038 : vector<32xbf16>
        %mul3A_2040 = arith.mulf %pack3A_1935, %pack3A_1675 : vector<32xbf16>
        %mul3A_2041 = arith.mulf %pack3A_1948, %pack3A_1688 : vector<32xbf16>
        %sub3A_2042 = arith.subf %mul3A_2040, %mul3A_2041 : vector<32xbf16>
        %mul3A_2043 = arith.mulf %pack3A_1961, %pack3A_1701 : vector<32xbf16>
        %sub3A_2044 = arith.subf %sub3A_2042, %mul3A_2043 : vector<32xbf16>
        %mul3A_2045 = arith.mulf %pack3A_1974, %pack3A_1714 : vector<32xbf16>
        %sub3A_2046 = arith.subf %sub3A_2044, %mul3A_2045 : vector<32xbf16>
        %mul3A_2047 = arith.mulf %pack3A_1935, %pack3A_1688 : vector<32xbf16>
        %mul3A_2048 = arith.mulf %pack3A_1675, %pack3A_1948 : vector<32xbf16>
        %add3A_2049 = arith.addf %mul3A_2047, %mul3A_2048 : vector<32xbf16>
        %mul3A_2050 = arith.mulf %pack3A_1961, %pack3A_1714 : vector<32xbf16>
        %add3A_2051 = arith.addf %add3A_2049, %mul3A_2050 : vector<32xbf16>
        %mul3A_2052 = arith.mulf %pack3A_1701, %pack3A_1974 : vector<32xbf16>
        %sub3A_2053 = arith.subf %add3A_2051, %mul3A_2052 : vector<32xbf16>
        %mul3A_2054 = arith.mulf %pack3A_1935, %pack3A_1701 : vector<32xbf16>
        %mul3A_2055 = arith.mulf %pack3A_1675, %pack3A_1961 : vector<32xbf16>
        %add3A_2056 = arith.addf %mul3A_2054, %mul3A_2055 : vector<32xbf16>
        %mul3A_2057 = arith.mulf %pack3A_1974, %pack3A_1688 : vector<32xbf16>
        %add3A_2058 = arith.addf %add3A_2056, %mul3A_2057 : vector<32xbf16>
        %mul3A_2059 = arith.mulf %pack3A_1714, %pack3A_1948 : vector<32xbf16>
        %sub3A_2060 = arith.subf %add3A_2058, %mul3A_2059 : vector<32xbf16>
        %mul3A_2061 = arith.mulf %pack3A_1935, %pack3A_1714 : vector<32xbf16>
        %mul3A_2062 = arith.mulf %pack3A_1675, %pack3A_1974 : vector<32xbf16>
        %add3A_2063 = arith.addf %mul3A_2061, %mul3A_2062 : vector<32xbf16>
        %mul3A_2064 = arith.mulf %pack3A_1948, %pack3A_1701 : vector<32xbf16>
        %add3A_2065 = arith.addf %add3A_2063, %mul3A_2064 : vector<32xbf16>
        %mul3A_2066 = arith.mulf %pack3A_1688, %pack3A_1961 : vector<32xbf16>
        %sub3A_2067 = arith.subf %add3A_2065, %mul3A_2066 : vector<32xbf16>
        %neg3A_2068 = arith.constant 0.000000e+00 : bf16
        %neg3A_2069 = vector.broadcast %neg3A_2068 : bf16 to vector<32xbf16>
        %neg3A_2070 = arith.subf %neg3A_2069, %pack3A_1896 : vector<32xbf16>
        %neg3A_2071 = arith.constant 0.000000e+00 : bf16
        %neg3A_2072 = vector.broadcast %neg3A_2071 : bf16 to vector<32xbf16>
        %neg3A_2073 = arith.subf %neg3A_2072, %pack3A_1909 : vector<32xbf16>
        %neg3A_2074 = arith.constant 0.000000e+00 : bf16
        %neg3A_2075 = vector.broadcast %neg3A_2074 : bf16 to vector<32xbf16>
        %neg3A_2076 = arith.subf %neg3A_2075, %pack3A_1922 : vector<32xbf16>
        %mul3A_2077 = arith.mulf %pack3A_1727, %pack3A_1883 : vector<32xbf16>
        %mul3A_2078 = arith.mulf %pack3A_1740, %neg3A_2070 : vector<32xbf16>
        %sub3A_2079 = arith.subf %mul3A_2077, %mul3A_2078 : vector<32xbf16>
        %mul3A_2080 = arith.mulf %pack3A_1753, %neg3A_2073 : vector<32xbf16>
        %sub3A_2081 = arith.subf %sub3A_2079, %mul3A_2080 : vector<32xbf16>
        %mul3A_2082 = arith.mulf %pack3A_1766, %neg3A_2076 : vector<32xbf16>
        %sub3A_2083 = arith.subf %sub3A_2081, %mul3A_2082 : vector<32xbf16>
        %mul3A_2084 = arith.mulf %pack3A_1727, %neg3A_2070 : vector<32xbf16>
        %mul3A_2085 = arith.mulf %pack3A_1883, %pack3A_1740 : vector<32xbf16>
        %add3A_2086 = arith.addf %mul3A_2084, %mul3A_2085 : vector<32xbf16>
        %mul3A_2087 = arith.mulf %pack3A_1753, %neg3A_2076 : vector<32xbf16>
        %add3A_2088 = arith.addf %add3A_2086, %mul3A_2087 : vector<32xbf16>
        %mul3A_2089 = arith.mulf %neg3A_2073, %pack3A_1766 : vector<32xbf16>
        %sub3A_2090 = arith.subf %add3A_2088, %mul3A_2089 : vector<32xbf16>
        %mul3A_2091 = arith.mulf %pack3A_1727, %neg3A_2073 : vector<32xbf16>
        %mul3A_2092 = arith.mulf %pack3A_1883, %pack3A_1753 : vector<32xbf16>
        %add3A_2093 = arith.addf %mul3A_2091, %mul3A_2092 : vector<32xbf16>
        %mul3A_2094 = arith.mulf %pack3A_1766, %neg3A_2070 : vector<32xbf16>
        %add3A_2095 = arith.addf %add3A_2093, %mul3A_2094 : vector<32xbf16>
        %mul3A_2096 = arith.mulf %neg3A_2076, %pack3A_1740 : vector<32xbf16>
        %sub3A_2097 = arith.subf %add3A_2095, %mul3A_2096 : vector<32xbf16>
        %mul3A_2098 = arith.mulf %pack3A_1727, %neg3A_2076 : vector<32xbf16>
        %mul3A_2099 = arith.mulf %pack3A_1883, %pack3A_1766 : vector<32xbf16>
        %add3A_2100 = arith.addf %mul3A_2098, %mul3A_2099 : vector<32xbf16>
        %mul3A_2101 = arith.mulf %pack3A_1740, %neg3A_2073 : vector<32xbf16>
        %add3A_2102 = arith.addf %add3A_2100, %mul3A_2101 : vector<32xbf16>
        %mul3A_2103 = arith.mulf %neg3A_2070, %pack3A_1753 : vector<32xbf16>
        %sub3A_2104 = arith.subf %add3A_2102, %mul3A_2103 : vector<32xbf16>
        %sub3A_2105 = arith.subf %sub3A_1981, %sub3A_2018 : vector<32xbf16>
        %sub3A_2106 = arith.subf %sub3A_1988, %sub3A_2025 : vector<32xbf16>
        %sub3A_2107 = arith.subf %sub3A_1995, %sub3A_2032 : vector<32xbf16>
        %sub3A_2108 = arith.subf %sub3A_2002, %sub3A_2039 : vector<32xbf16>
        %add3A_2109 = arith.addf %sub3A_2046, %sub3A_2083 : vector<32xbf16>
        %add3A_2110 = arith.addf %sub3A_2053, %sub3A_2090 : vector<32xbf16>
        %add3A_2111 = arith.addf %sub3A_2060, %sub3A_2097 : vector<32xbf16>
        %add3A_2112 = arith.addf %sub3A_2067, %sub3A_2104 : vector<32xbf16>
        %mul3A_2113 = arith.mulf %sub3A_2105, %pack3A_1779 : vector<32xbf16>
        %unpack3A_2114 = tpu.unpack_subelements %mul3A_2113, 0 {pack_format = #tpu.pack_format<interleaved>} : vector<32xbf16> -> vector<16xf32>
        %unpack3A_2115 = tpu.unpack_subelements %mul3A_2113, 1 {pack_format = #tpu.pack_format<interleaved>} : vector<32xbf16> -> vector<16xf32>
        %add3A_2116 = arith.addf %add3A_1662, %unpack3A_2114 : vector<16xf32>
        %add3A_2117 = arith.addf %add3A_2116, %unpack3A_2115 : vector<16xf32>
        %mul3A_2118 = arith.mulf %sub3A_2106, %pack3A_1792 : vector<32xbf16>
        %unpack3A_2119 = tpu.unpack_subelements %mul3A_2118, 0 {pack_format = #tpu.pack_format<interleaved>} : vector<32xbf16> -> vector<16xf32>
        %unpack3A_2120 = tpu.unpack_subelements %mul3A_2118, 1 {pack_format = #tpu.pack_format<interleaved>} : vector<32xbf16> -> vector<16xf32>
        %add3A_2121 = arith.addf %add3A_2117, %unpack3A_2119 : vector<16xf32>
        %add3A_2122 = arith.addf %add3A_2121, %unpack3A_2120 : vector<16xf32>
        %mul3A_2123 = arith.mulf %sub3A_2107, %pack3A_1805 : vector<32xbf16>
        %unpack3A_2124 = tpu.unpack_subelements %mul3A_2123, 0 {pack_format = #tpu.pack_format<interleaved>} : vector<32xbf16> -> vector<16xf32>
        %unpack3A_2125 = tpu.unpack_subelements %mul3A_2123, 1 {pack_format = #tpu.pack_format<interleaved>} : vector<32xbf16> -> vector<16xf32>
        %add3A_2126 = arith.addf %add3A_2122, %unpack3A_2124 : vector<16xf32>
        %add3A_2127 = arith.addf %add3A_2126, %unpack3A_2125 : vector<16xf32>
        %mul3A_2128 = arith.mulf %sub3A_2108, %pack3A_1818 : vector<32xbf16>
        %unpack3A_2129 = tpu.unpack_subelements %mul3A_2128, 0 {pack_format = #tpu.pack_format<interleaved>} : vector<32xbf16> -> vector<16xf32>
        %unpack3A_2130 = tpu.unpack_subelements %mul3A_2128, 1 {pack_format = #tpu.pack_format<interleaved>} : vector<32xbf16> -> vector<16xf32>
        %add3A_2131 = arith.addf %add3A_2127, %unpack3A_2129 : vector<16xf32>
        %add3A_2132 = arith.addf %add3A_2131, %unpack3A_2130 : vector<16xf32>
        %mul3A_2133 = arith.mulf %add3A_2109, %pack3A_1831 : vector<32xbf16>
        %unpack3A_2134 = tpu.unpack_subelements %mul3A_2133, 0 {pack_format = #tpu.pack_format<interleaved>} : vector<32xbf16> -> vector<16xf32>
        %unpack3A_2135 = tpu.unpack_subelements %mul3A_2133, 1 {pack_format = #tpu.pack_format<interleaved>} : vector<32xbf16> -> vector<16xf32>
        %add3A_2136 = arith.addf %add3A_2132, %unpack3A_2134 : vector<16xf32>
        %add3A_2137 = arith.addf %add3A_2136, %unpack3A_2135 : vector<16xf32>
        %mul3A_2138 = arith.mulf %add3A_2110, %pack3A_1844 : vector<32xbf16>
        %unpack3A_2139 = tpu.unpack_subelements %mul3A_2138, 0 {pack_format = #tpu.pack_format<interleaved>} : vector<32xbf16> -> vector<16xf32>
        %unpack3A_2140 = tpu.unpack_subelements %mul3A_2138, 1 {pack_format = #tpu.pack_format<interleaved>} : vector<32xbf16> -> vector<16xf32>
        %add3A_2141 = arith.addf %add3A_2137, %unpack3A_2139 : vector<16xf32>
        %add3A_2142 = arith.addf %add3A_2141, %unpack3A_2140 : vector<16xf32>
        %mul3A_2143 = arith.mulf %add3A_2111, %pack3A_1857 : vector<32xbf16>
        %unpack3A_2144 = tpu.unpack_subelements %mul3A_2143, 0 {pack_format = #tpu.pack_format<interleaved>} : vector<32xbf16> -> vector<16xf32>
        %unpack3A_2145 = tpu.unpack_subelements %mul3A_2143, 1 {pack_format = #tpu.pack_format<interleaved>} : vector<32xbf16> -> vector<16xf32>
        %add3A_2146 = arith.addf %add3A_2142, %unpack3A_2144 : vector<16xf32>
        %add3A_2147 = arith.addf %add3A_2146, %unpack3A_2145 : vector<16xf32>
        %mul3A_2148 = arith.mulf %add3A_2112, %pack3A_1870 : vector<32xbf16>
        %unpack3A_2149 = tpu.unpack_subelements %mul3A_2148, 0 {pack_format = #tpu.pack_format<interleaved>} : vector<32xbf16> -> vector<16xf32>
        %unpack3A_2150 = tpu.unpack_subelements %mul3A_2148, 1 {pack_format = #tpu.pack_format<interleaved>} : vector<32xbf16> -> vector<16xf32>
        %add3A_2151 = arith.addf %add3A_2147, %unpack3A_2149 : vector<16xf32>
        %add3A_2152 = arith.addf %add3A_2151, %unpack3A_2150 : vector<16xf32>
        %mul3A_2153 = arith.constant 16 : i32
        %mul3A_2154 = arith.muli %add3A_139, %mul3A_2153 : i32
        %add3A_2155 = arith.addi %mul3A_2154, %scan3A_196 : i32
        %jit3A = arith.constant 8 : i32
        %div3A = arith.divsi %add3A_2155, %jit3A : i32
        %sign3A = arith.constant 0 : i32
        %sign3A_2156 = arith.cmpi sgt, %add3A_2155, %sign3A : i32
        %sign3A_2157 = arith.extui %sign3A_2156 : i1 to i32
        %sign3A_2158 = arith.constant 0 : i32
        %sign3A_2159 = arith.cmpi slt, %add3A_2155, %sign3A_2158 : i32
        %sign3A_2160 = arith.extui %sign3A_2159 : i1 to i32
        %sign3A_2161 = arith.subi %sign3A_2157, %sign3A_2160 : i32
        %sign3A_2162 = arith.constant 0 : i32
        %sign3A_2163 = arith.cmpi sgt, %jit3A, %sign3A_2162 : i32
        %sign3A_2164 = arith.extui %sign3A_2163 : i1 to i32
        %sign3A_2165 = arith.constant 0 : i32
        %sign3A_2166 = arith.cmpi slt, %jit3A, %sign3A_2165 : i32
        %sign3A_2167 = arith.extui %sign3A_2166 : i1 to i32
        %sign3A_2168 = arith.subi %sign3A_2164, %sign3A_2167 : i32
        %ne3A = arith.cmpi ne, %sign3A_2161, %sign3A_2168 : i32
        %rem3A = arith.remsi %add3A_2155, %jit3A : i32
        %ne3A_2169 = arith.constant 0 : i32
        %ne3A_2170 = arith.cmpi ne, %rem3A, %ne3A_2169 : i32
        %and3A = arith.andi %ne3A, %ne3A_2170 : i1
        %sub3A_2171 = arith.constant 1 : i32
        %sub3A_2172 = arith.subi %div3A, %sub3A_2171 : i32
        %select_n3A = arith.select %and3A, %sub3A_2172, %div3A : i32
        %jit3A_2173 = arith.constant 8 : i32
        %eq3A = arith.constant 0 : i32
        %eq3A_2174 = arith.cmpi eq, %jit3A_2173, %eq3A : i32
        %jit3A_2175 = arith.constant 1 : i32
        %select_n3A_2176 = arith.select %eq3A_2174, %jit3A_2175, %jit3A_2173 : i32
        %rem3A_2177 = arith.remsi %add3A_2155, %select_n3A_2176 : i32
        %ne3A_2178 = arith.constant 0 : i32
        %ne3A_2179 = arith.cmpi ne, %rem3A_2177, %ne3A_2178 : i32
        %lt3A_2180 = arith.constant 0 : i32
        %lt3A_2181 = arith.cmpi slt, %rem3A_2177, %lt3A_2180 : i32
        %lt3A_2182 = arith.constant 0 : i32
        %lt3A_2183 = arith.cmpi slt, %select_n3A_2176, %lt3A_2182 : i32
        %ne3A_2184 = arith.xori %lt3A_2181, %lt3A_2183 : i1
        %and3A_2185 = arith.andi %ne3A_2184, %ne3A_2179 : i1
        %add3A_2186 = arith.addi %rem3A_2177, %select_n3A_2176 : i32
        %select_n3A_2187 = arith.select %and3A_2185, %add3A_2186, %rem3A_2177 : i32
        %mul3A_2188 = arith.constant 16 : i32
        %mul3A_2189 = arith.muli %select_n3A_2187, %mul3A_2188 : i32
        %swap3A = arith.index_cast %select_n3A : i32 to index
        %swap3A_2190 = arith.index_cast %mul3A_2189 : i32 to index
        %swap3A_2191 = tpu.vector_load %arg10[%swap3A, %swap3A_2190] {strides = array<i32>} : memref<64x128xf32, #tpu.memory_space<vmem>>, vector<16xf32>,
        tpu.vector_store %arg10[%swap3A, %swap3A_2190], %add3A_2152 {strides = array<i32>} : memref<64x128xf32, #tpu.memory_space<vmem>>, vector<16xf32>,
      }
      %scan3A_190 = arith.constant 16 : i32
      %lt3A_191 = arith.constant 15 : i32
      %lt3A_192 = arith.cmpi slt, %scan3A_79, %lt3A_191 : i32
      %convert_element_type3A_193 = arith.extui %lt3A_192 : i1 to i32
      %cond3A_194 = arith.constant 0 : i32
      %cond3A_195 = arith.cmpi ne, %convert_element_type3A_193, %cond3A_194 : i32
      scf.if %cond3A_195 {
        %add3A_196 = arith.constant 2 : i32
        %add3A_197 = arith.addi %add3A_139, %add3A_196 : i32
        %mul3A_198 = arith.constant 3 : i32
        %mul3A_199 = arith.muli %mul3A_198, %add3A_197 : i32
        %dma_start3A_200 = arith.constant 1 : i32
        %dma_start3A_201 = arith.constant 0 : i32
        %dma_start3A_202 = arith.constant 0 : i32
        %dma_start3A_203 = tpu.memref_slice %arg7[%dma_start3A_200, %dma_start3A_201, %dma_start3A_202] : memref<2x128x128xf32, #tpu.memory_space<vmem>> -> memref<1x128x128xf32, #tpu.memory_space<vmem>>
        %dma_start3A_204 = tpu.memref_squeeze %dma_start3A_203 : memref<1x128x128xf32, #tpu.memory_space<vmem>> -> memref<128x128xf32, #tpu.memory_space<vmem>>
        %dma_start3A_205 = arith.constant 0 : i32
        %dma_start3A_206 = tpu.memref_slice %arg6[%mul3A_199, %dma_start3A_205] : memref<96x128xi32, #tpu.memory_space<vmem>> -> memref<1x128xi32, #tpu.memory_space<vmem>>
        %dma_start3A_207 = tpu.memref_squeeze %dma_start3A_206 : memref<1x128xi32, #tpu.memory_space<vmem>> -> memref<128xi32, #tpu.memory_space<vmem>>
        %dma_start3A_208 = arith.constant 0 : i32
        %dma_start3A_209 = arith.constant 0 : i32
        %dma_start3A_210 = tpu.memref_slice %arg2[%dma_start3A_208, %dma_start3A_209] : memref<800000x128xf32, #tpu.memory_space<hbm>> -> memref<800000x128xf32, #tpu.memory_space<hbm>>
        tpu.enqueue_indirect_dma source(%dma_start3A_210 : memref<800000x128xf32, #tpu.memory_space<hbm>>) target(%dma_start3A_204 : memref<128x128xf32, #tpu.memory_space<vmem>>) offsets(%dma_start3A_207 : memref<128xi32, #tpu.memory_space<vmem>>) semaphore(%arg12 : memref<!tpu.dma_semaphore, #tpu.memory_space<semaphore_mem>>)
        %mul3A_211 = arith.constant 3 : i32
        %mul3A_212 = arith.muli %mul3A_211, %add3A_197 : i32
        %add3A_213 = arith.constant 1 : i32
        %add3A_214 = arith.addi %mul3A_212, %add3A_213 : i32
        %dma_start3A_215 = arith.constant 1 : i32
        %dma_start3A_216 = arith.constant 0 : i32
        %dma_start3A_217 = arith.constant 0 : i32
        %dma_start3A_218 = tpu.memref_slice %arg8[%dma_start3A_215, %dma_start3A_216, %dma_start3A_217] : memref<2x128x128xf32, #tpu.memory_space<vmem>> -> memref<1x128x128xf32, #tpu.memory_space<vmem>>
        %dma_start3A_219 = tpu.memref_squeeze %dma_start3A_218 : memref<1x128x128xf32, #tpu.memory_space<vmem>> -> memref<128x128xf32, #tpu.memory_space<vmem>>
        %dma_start3A_220 = arith.constant 0 : i32
        %dma_start3A_221 = tpu.memref_slice %arg6[%add3A_214, %dma_start3A_220] : memref<96x128xi32, #tpu.memory_space<vmem>> -> memref<1x128xi32, #tpu.memory_space<vmem>>
        %dma_start3A_222 = tpu.memref_squeeze %dma_start3A_221 : memref<1x128xi32, #tpu.memory_space<vmem>> -> memref<128xi32, #tpu.memory_space<vmem>>
        %dma_start3A_223 = arith.constant 0 : i32
        %dma_start3A_224 = arith.constant 0 : i32
        %dma_start3A_225 = tpu.memref_slice %arg2[%dma_start3A_223, %dma_start3A_224] : memref<800000x128xf32, #tpu.memory_space<hbm>> -> memref<800000x128xf32, #tpu.memory_space<hbm>>
        tpu.enqueue_indirect_dma source(%dma_start3A_225 : memref<800000x128xf32, #tpu.memory_space<hbm>>) target(%dma_start3A_219 : memref<128x128xf32, #tpu.memory_space<vmem>>) offsets(%dma_start3A_222 : memref<128xi32, #tpu.memory_space<vmem>>) semaphore(%arg12 : memref<!tpu.dma_semaphore, #tpu.memory_space<semaphore_mem>>)
        %mul3A_226 = arith.constant 3 : i32
        %mul3A_227 = arith.muli %mul3A_226, %add3A_197 : i32
        %add3A_228 = arith.constant 2 : i32
        %add3A_229 = arith.addi %mul3A_227, %add3A_228 : i32
        %dma_start3A_230 = arith.constant 1 : i32
        %dma_start3A_231 = arith.constant 0 : i32
        %dma_start3A_232 = arith.constant 0 : i32
        %dma_start3A_233 = tpu.memref_slice %arg9[%dma_start3A_230, %dma_start3A_231, %dma_start3A_232] : memref<2x128x128xf32, #tpu.memory_space<vmem>> -> memref<1x128x128xf32, #tpu.memory_space<vmem>>
        %dma_start3A_234 = tpu.memref_squeeze %dma_start3A_233 : memref<1x128x128xf32, #tpu.memory_space<vmem>> -> memref<128x128xf32, #tpu.memory_space<vmem>>
        %dma_start3A_235 = arith.constant 0 : i32
        %dma_start3A_236 = tpu.memref_slice %arg6[%add3A_229, %dma_start3A_235] : memref<96x128xi32, #tpu.memory_space<vmem>> -> memref<1x128xi32, #tpu.memory_space<vmem>>
        %dma_start3A_237 = tpu.memref_squeeze %dma_start3A_236 : memref<1x128xi32, #tpu.memory_space<vmem>> -> memref<128xi32, #tpu.memory_space<vmem>>
        %dma_start3A_238 = arith.constant 0 : i32
        %dma_start3A_239 = arith.constant 0 : i32
        %dma_start3A_240 = tpu.memref_slice %arg3[%dma_start3A_238, %dma_start3A_239] : memref<8000x128xf32, #tpu.memory_space<hbm>> -> memref<8000x128xf32, #tpu.memory_space<hbm>>
        tpu.enqueue_indirect_dma source(%dma_start3A_240 : memref<8000x128xf32, #tpu.memory_space<hbm>>) target(%dma_start3A_234 : memref<128x128xf32, #tpu.memory_space<vmem>>) offsets(%dma_start3A_237 : memref<128xi32, #tpu.memory_space<vmem>>) semaphore(%arg12 : memref<!tpu.dma_semaphore, #tpu.memory_space<semaphore_mem>>)
      } else {
      }
    }
    %scan3A_76 = arith.constant 16 : i32
    %mul3A_77 = arith.constant 64 : i32
    %mul3A_78 = arith.muli %add3A, %mul3A_77 : i32
    "tpu.region"() ({
      %run_scoped3A = tpu.sem_alloc : memref<!tpu.dma_semaphore, #tpu.memory_space<semaphore_mem>>
      %dma_start3A_79 = arith.constant 0 : i32
      %dma_start3A_80 = tpu.memref_slice %arg5[%mul3A_78, %dma_start3A_79] : memref<2048x128xf32, #tpu.memory_space<hbm>> -> memref<64x128xf32, #tpu.memory_space<hbm>>
      %dma_start3A_81 = arith.constant 0 : i32
      %dma_start3A_82 = tpu.memref_slice %arg5[%mul3A_78, %dma_start3A_81] : memref<2048x128xf32, #tpu.memory_space<hbm>> -> memref<64x128xf32, #tpu.memory_space<hbm>>
      tpu.enqueue_dma source(%arg10 : memref<64x128xf32, #tpu.memory_space<vmem>>) target(%dma_start3A_82 : memref<64x128xf32, #tpu.memory_space<hbm>>) target_semaphore(%run_scoped3A : memref<!tpu.dma_semaphore, #tpu.memory_space<semaphore_mem>>)
      %dma_wait3A = arith.constant 0 : i32
      %dma_wait3A_83 = tpu.memref_slice %arg5[%mul3A_78, %dma_wait3A] : memref<2048x128xf32, #tpu.memory_space<hbm>> -> memref<64x128xf32, #tpu.memory_space<hbm>>
      %dma_wait3A_84 = arith.constant 0 : i32
      %dma_wait3A_85 = tpu.memref_slice %arg5[%mul3A_78, %dma_wait3A_84] : memref<2048x128xf32, #tpu.memory_space<hbm>> -> memref<64x128xf32, #tpu.memory_space<hbm>>
      tpu.wait_dma2 semaphore(%run_scoped3A : memref<!tpu.dma_semaphore, #tpu.memory_space<semaphore_mem>>) src(%arg10 : memref<64x128xf32, #tpu.memory_space<vmem>>) dst(%dma_wait3A_85 : memref<64x128xf32, #tpu.memory_space<hbm>>)
      tpu.yield
    }) : () -> ()
    return
  }
}

module attributes {stable_mosaic.version = 14 : i64} {
  func.func @_relnorm_body(%arg0: memref<8x1000x128xf32, #tpu.memory_space<vmem>>, %arg1: memref<8x1000x128xf32, #tpu.memory_space<vmem>>) attributes {dimension_semantics = [], scalar_prefetch = 0 : i64, scratch_operands = 0 : i64, tpu.core_type = #tpu.core_type<tc>} {
    %get3A = arith.constant 0 : index
    %get3A_0 = arith.constant 0 : index
    %get3A_1 = arith.constant 0 : index
    %get3A_2 = vector.load %arg0[%get3A, %get3A_0, %get3A_1] : memref<8x1000x128xf32, #tpu.memory_space<vmem>>, vector<8x1000x128xf32>
    %mul3A = arith.mulf %get3A_2, %get3A_2 : vector<8x1000x128xf32>
    %reduce_sum3A = arith.constant dense<0.000000e+00> : vector<1000x128xf32>
    %reduce_sum3A_3 = vector.multi_reduction <add>, %mul3A, %reduce_sum3A [0] : vector<8x1000x128xf32> to vector<1000x128xf32>
    %broadcast_in_dim3A = vector.shape_cast %reduce_sum3A_3 : vector<1000x128xf32> to vector<1x1000x128xf32>
    %sqrt3A = math.sqrt %broadcast_in_dim3A : vector<1x1000x128xf32>
    %div3A = vector.broadcast %sqrt3A : vector<1x1000x128xf32> to vector<8x1000x128xf32>
    %div3A_4 = arith.divf %get3A_2, %div3A : vector<8x1000x128xf32>
    %swap3A = arith.constant 0 : index
    %swap3A_5 = arith.constant 0 : index
    %swap3A_6 = arith.constant 0 : index
    %swap3A_7 = vector.load %arg1[%swap3A, %swap3A_5, %swap3A_6] : memref<8x1000x128xf32, #tpu.memory_space<vmem>>, vector<8x1000x128xf32>
    tpu.vector_store %arg1[%swap3A, %swap3A_5, %swap3A_6], %div3A_4 {strides = array<i32>} : memref<8x1000x128xf32, #tpu.memory_space<vmem>>, vector<8x1000x128xf32>,
    return
  }
}

module attributes {stable_mosaic.version = 14 : i64} {
  func.func @_lanesum_body(%arg0: memref<2048x128xf32, #tpu.memory_space<vmem>>, %arg1: memref<2048x8xf32, #tpu.memory_space<vmem>>) attributes {dimension_semantics = [], scalar_prefetch = 0 : i64, scratch_operands = 0 : i64, tpu.core_type = #tpu.core_type<tc>} {
    %get3A = arith.constant 0 : index
    %get3A_0 = arith.constant 0 : index
    %get3A_1 = vector.load %arg0[%get3A, %get3A_0] : memref<2048x128xf32, #tpu.memory_space<vmem>>, vector<2048x128xf32>
    %reshape3A = vector.shape_cast %get3A_1 : vector<2048x128xf32> to vector<2048x8x16xf32>
    %reduce_sum3A = arith.constant dense<0.000000e+00> : vector<2048x8xf32>
    %reduce_sum3A_2 = vector.multi_reduction <add>, %reshape3A, %reduce_sum3A [2] : vector<2048x8x16xf32> to vector<2048x8xf32>
    %neg3A = arith.constant 0.000000e+00 : f32
    %neg3A_3 = vector.broadcast %neg3A : f32 to vector<2048x8xf32>
    %neg3A_4 = arith.subf %neg3A_3, %reduce_sum3A_2 : vector<2048x8xf32>
    %swap3A = arith.constant 0 : index
    %swap3A_5 = arith.constant 0 : index
    %swap3A_6 = vector.load %arg1[%swap3A, %swap3A_5] : memref<2048x8xf32, #tpu.memory_space<vmem>>, vector<2048x8xf32>
    tpu.vector_store %arg1[%swap3A, %swap3A_5], %neg3A_4 {strides = array<i32>} : memref<2048x8xf32, #tpu.memory_space<vmem>>, vector<2048x8xf32>,
    return
  }
}

</mosaic_0001>

<sc_bundles>
// kernel: kernel.5.cloned.1.call-start
scs
__scs_entry_jumppad:
0x0: {  	(pc) =	sbr.rel $0x88, $3  }
0x1: {  	(tag) =	ssettag $0x0;
	lr =	simm.s32 $0x1  }
0x2: {  	[smem:$0x3F9C] =	sst lr;
	_ =	strace $0xD0000000  }
0x3: {  	_ = 	snop  }
0x4: {  	_ = 	snop  }
0x5: {  	_ = 	snop  }
0x6: {  	_ = 	snop  }
0x7: {  	_ = 	snop  }
__scs_overlays_trampoline_lowered:
0x8: {  	[smem:$0x3FAB] =	sst s0  }
0x9: {  	[smem:$0x3FAC] =	sst s1  }
0xa: {  	[smem:$0x3FAD] =	sst s2  }
0xb: {  	[smem:$0x3FAE] =	sst s3  }
0xc: {  	[smem:$0x3FAF] =	sst s4  }
0xd: {  	[smem:$0x3FB0] =	sst s5  }
0xe: {  	[smem:$0x3FB1] =	sst s6  }
0xf: {  	[smem:$0x3FB2] =	sst s7  }
0x10: {  	[smem:$0x3FB3] =	sst s8  }
0x11: {  	[smem:$0x3FB4] =	sst s9;
	s0 =	simm.s32 @!p0 $0x0  }
0x12: {  	s1 =	sld [smem:$0x3F9A];
	s0 =	simm.s32 @p0 $0x1  }
0x13: {  	[smem:$0x3FB5] =	sst s0;
	s0 =	simm.s32 @!p1 $0x0  }
0x14: {  	s2 =	sld [smem:$0x3F99];
	s0 =	simm.s32 @p1 $0x1  }
0x15: {  	[smem:$0x3FB6] =	sst s0;
	s0 =	simm.s32 @!p2 $0x0  }
0x16: {  	s3 =	sld [smem:$0x3FDB];
	s0 =	simm.s32 @p2 $0x1  }
0x17: {  	s4 =	simm.s32 $0x1BF5;
	[smem:$0x3FB8] =	sst s0  }
0x18: {  	s0 =	sld [smem:$0x3F9B];
	_ =	swait.ge [sflag:s4], $0x0  }
0x19: {  	s7 =	sld [smem:$0x3F9C]  }
0x1a: {  	s8 =	sadd.s32 $0xFFFFE003, lr  }
0x1b: {  	s9 =	sadd.s32 $0xFFFFFEF7, lr;
	s5 =	simm.s32 $0xFFFFFFFF;
	p2 =	slt.u32 s8, $0xFFFFF086  }
0x1c: {  	p1 =	slt.u32 s9, $0xF7A;
	s5 =	simm.s32 @!p2 $0x0  }
0x1d: {  	s5 =	simm.s32 @p1 $0x1;
	p0 =	seq.s32 s7, s2  }
0x1e: {  	s7 =	smul.u32 @!p0 $0xF7A, s2;
	p2 =	seq.s32 @!p0 s5, $0x0  }
0x1f: {  	s9 =	smul.u32 $0xF7A, s1;
	s8 =	simm.s32 @!p0 $0x1BF5;
	p2 =	por !p2, p0  }
0x20: {  	[sflag:s8] =	ssyncset.s32 @!p0 $0xFFFFF086;
	s6 =	sadd.s32 @!p0 s3, s7;
	s7 =	simm.s32 @!p0 $0x108  }
0x21: {  	s3 =	sadd.s32 s3, s9;
	s6 =	sadd.s32 @!p0 $0x88, s6;
	s7 =	simm.s32 @p2 $0x1082  }
0x22: {  	[simem:s7], [sflag:s8] =	dma.local @!p0 [hbm:s6], $0xF7A  }
0x23: {  	s9 =	sor.u32 $0xD0000000, s2;
	s6 =	simm.s32 $0x108;
	_ =	swait.ge @!p0 [sflag:s8], $0x0  }
0x24: {  	s3 =	sadd.s32 $0x88, s3;
	s6 =	simm.s32 @!p1 $0x1082;
	[sflag:s4] =	ssyncset.s32 $0xFFFFF086  }
0x25: {  	[simem:s6], [sflag:s4] =	dma.local [hbm:s3], $0xF7A  }
0x26: {  	[smem:$0x3F9C] =	sst s1;
	(tag) =	ssettag s2;
	_ =	strace s9  }
0x27: {  	s1 =	sld [smem:$0x3FAC]  }
0x28: {  	s2 =	sld [smem:$0x3FAD]  }
0x29: {  	s4 =	sld [smem:$0x3FAF]  }
0x2a: {  	p0 =	seq.s32 s5, $0x0;
	s5 =	sld [smem:$0x3FB0]  }
0x2b: {  	s6 =	sld [smem:$0x3FB1]  }
0x2c: {  	s7 =	sld [smem:$0x3FB2]  }
0x2d: {  	s3 =	simm.s32 $0x108;
	s8 =	sld [smem:$0x3FB3]  }
0x2e: {  	s3 =	simm.s32 @!p0 $0x1082;
	s9 =	sld [smem:$0x3FB4]  }
0x2f: {  	lr =	sadd.s32 s0, s3;
	s0 =	sld [smem:$0x3FAB]  }
0x30: {  	s3 =	sld [smem:$0x3FAE]  }
0x31: {  	[smem:$0x3FB7] =	sst s10  }
0x32: {  	s10 =	sld [smem:$0x3FB5];
	_ =	sdelay $0x3  }
0x33: {  	p0 =	seq.s32 s10, $0x1;
	s10 =	sld [smem:$0x3FB7];
	_ =	sdelay $0x3  }
0x34: {  	[smem:$0x3FB7] =	sst s10  }
0x35: {  	s10 =	sld [smem:$0x3FB6];
	_ =	sdelay $0x3  }
0x36: {  	p1 =	seq.s32 s10, $0x1;
	s10 =	sld [smem:$0x3FB7];
	_ =	sdelay $0x3  }
0x37: {  	[smem:$0x3FB7] =	sst s10  }
0x38: {  	s10 =	sld [smem:$0x3FB8]  }
0x39: {  	_ = 	snop;
	(pc) =	sbr.ind lr, $3  }
0x3a: {  	_ = 	snop  }
0x3b: {  	_ = 	snop  }
0x3c: {  	p2 =	seq.s32 s10, $0x1;
	s10 =	sld [smem:$0x3FB7]  }
0x3d: {  	_ =	shalt  }
0x3e: {  	_ =	shalt  }
0x3f: {  	_ =	shalt  }
0x40: {  	_ =	shalt  }
0x41: {  	_ =	shalt  }
0x42: {  	_ =	shalt  }
0x43: {  	_ =	shalt  }
0x44: {  	_ =	shalt  }
0x45: {  	_ =	shalt  }
0x46: {  	_ =	shalt  }
0x47: {  	_ =	shalt  }
0x48: {  	_ =	shalt  }
0x49: {  	_ =	shalt  }
0x4a: {  	_ =	shalt  }
0x4b: {  	_ =	shalt  }
0x4c: {  	_ =	shalt  }
0x4d: {  	_ =	shalt  }
0x4e: {  	_ =	shalt  }
0x4f: {  	_ =	shalt  }
0x50: {  	_ =	shalt  }
0x51: {  	_ =	shalt  }
0x52: {  	_ =	shalt  }
0x53: {  	_ =	shalt  }
0x54: {  	_ =	shalt  }
0x55: {  	_ =	shalt  }
0x56: {  	_ =	shalt  }
0x57: {  	_ =	shalt  }
0x58: {  	_ =	shalt  }
0x59: {  	_ =	shalt  }
0x5a: {  	_ =	shalt  }
0x5b: {  	_ =	shalt  }
0x5c: {  	_ =	shalt  }
0x5d: {  	_ =	shalt  }
0x5e: {  	_ =	shalt  }
0x5f: {  	_ =	shalt  }
0x60: {  	_ =	shalt  }
0x61: {  	_ =	shalt  }
0x62: {  	_ =	shalt  }
0x63: {  	_ =	shalt  }
0x64: {  	_ =	shalt  }
0x65: {  	_ =	shalt  }
0x66: {  	_ =	shalt  }
0x67: {  	_ =	shalt  }
0x68: {  	_ =	shalt  }
0x69: {  	_ =	shalt  }
0x6a: {  	_ =	shalt  }
0x6b: {  	_ =	shalt  }
0x6c: {  	_ =	shalt  }
0x6d: {  	_ =	shalt  }
0x6e: {  	_ =	shalt  }
0x6f: {  	_ =	shalt  }
0x70: {  	_ =	shalt  }
0x71: {  	_ =	shalt  }
0x72: {  	_ =	shalt  }
0x73: {  	_ =	shalt  }
0x74: {  	_ =	shalt  }
0x75: {  	_ =	shalt  }
0x76: {  	_ =	shalt  }
0x77: {  	_ =	shalt  }
0x78: {  	_ =	shalt  }
0x79: {  	_ =	shalt  }
0x7a: {  	_ =	shalt  }
0x7b: {  	_ =	shalt  }
0x7c: {  	_ =	shalt  }
0x7d: {  	_ =	shalt  }
0x7e: {  	_ =	shalt  }
0x7f: {  	_ =	shalt  }
0x80: {  	_ =	shalt  }
0x81: {  	_ =	shalt  }
0x82: {  	_ =	shalt  }
0x83: {  	_ =	shalt  }
0x84: {  	_ =	shalt  }
0x85: {  	_ =	shalt  }
0x86: {  	_ =	shalt  }
0x87: {  	_ =	shalt  }
.Lfunc_end0:
.L_simem_size_0:
called_computation_lowered:
.L_overlay_start_0:
0x88: {  	s2 =	sld [smem:$0x3FD9]  }
0x89: {  	s3 =	sld [smem:$0x3FFE];
	_ =	sdelay $0x1  }
0x8a: {  	s1 =	srdreg.scid  }
0x8b: {  	s0 =	sand.u32 $0x1, s1  }
0x8c: {  	s17 =	sshll.u32 s0, $0xA;
	s2 =	sadd.s32 s3, s2  }
0x8d: {  	s2 =	sadd.s32 s2, s17  }
0x8e: {  	[smem:$0x3FC3] =	sst s2  }
0x8f: {  	_ = 	snop  }
0x90: {  	s2 =	sld [smem:$0x3FC6];
	(tm) =	ssettm $0x1  }
0x91: {  	s18 =	sld [smem:$0x3FFB];
	_ =	sdelay $0x3  }
0x92: {  	_ =	strace s18  }
0x93: {  	s3 =	sld [smem:$0x3FFC];
	_ =	sdelay $0x3  }
0x94: {  	_ =	strace s3  }
0x95: {  	s3 =	sld [smem:$0x3FFD];
	_ =	sdelay $0x3  }
0x96: {  	_ =	strace s3  }
0x97: {  	_ =	strace $0x8FFFFFFF  }
0x98: {  	s19 =	sld [smem:$0x3FDB];
	_ =	sdelay $0x1  }
0x99: {  	s4 =	simm.s32 $_scs_section_size  }
0x9a: {  	s5 =	simm.s32 $_size__tile_overlayer_lowered;
	s6 =	simm.s32 $_tile_overlayer_lowered  }
0x9b: {  	s22 =	simm.s32 $0x1BFF;
	s21 =	sshll.u32 s6, $0x1;
	s3 =	sadd.s32 s4, s19  }
0x9c: {  	s7 =	simm.s32 $0x0;
	s20 =	sshll.u32 s5, $0x1;
	s5 =	sadd.s32 s21, s3  }
0x9d: {  	[timem:s7], [sflag:s22] =	dma.local [hbm:s5], s20  }
0x9e: {  	_ =	swait.ge [sflag:s22], s20  }
0x9f: {  	s4 =	ssub.s32 $0x0, s20;
	[sflag:s22] =	ssyncset.done $0x0  }
0xa0: {  	[sflag:s22] =	ssyncadd.s32 s4;
	_ =	sdelay $0x1  }
0xa1: {  	s23 =	simm.s32 $0x1B8B  }
0xa2: {  	_ =	swait.ge [sflag:s23], $0x1  }
0xa3: {  	[sflag:s23] =	ssyncset.done $0x0  }
0xa4: {  	s25 =	simm.s32 $0x1B8E;
	s24 =	sld [smem:$0x3FFE];
	[sflag:s23] =	ssyncadd.s32 $0xFFFFFFFF  }
0xa5: {  	s26 =	simm.s32 $execute0_lowered;
	[smem:$0x3FD2] =	sst s25  }
0xa6: {  	s5 =	sshll.u32 s26, $0x1;
	_ =	strace $0x80000046;
	[dreg:$0x1] =	wrdreg $0xFFFFFFFF  }
0xa7: {  	s28 =	simm.s32 $_size_execute0_lowered;
	s3 =	sadd.s32 s3, s5;
	[dreg:$0x0] =	wrdreg $0x0  }
0xa8: {  	s5 =	sshll.u32 s28, $0x1;
	[dreg:$0x2] =	wrdreg s3  }
0xa9: {  	[dreg:$0x3] =	wrdreg s5  }
0xaa: {  	[dreg:$0x4] =	wrdreg $0xC0  }
0xab: {  	_ =	task [dreg:s7], $0x5FFFF  }
0xac: {  	[dreg:$0x1] =	wrdreg $0xFFFFFFFF  }
0xad: {  	[dreg:$0x0] =	wrdreg $0x60  }
0xae: {  	[dreg:$0x2] =	wrdreg s2  }
0xaf: {  	[dreg:$0x3] =	wrdreg s24  }
0xb0: {  	[dreg:$0x4] =	wrdreg $0x9  }
0xb1: {  	_ =	task.clear_ibuf [dreg:s7], $0x5FFFF;
	_ =	strace $0x90000046  }
0xb2: {  	s29 =	simm.s32 $0x9;
	_ =	strace $0x80000048  }
0xb3: {  	_ =	swait.ge [sflag:s29], $0x1  }
0xb4: {  	[sflag:s29] =	ssyncadd.s32 $0xFFFFFFFF  }
0xb5: {  	_ =	strace $0x90000048  }
0xb6: {  	_ =	sfence  }
0xb7: {  	s30 =	sld [smem:$0x0];
	_ =	sdelay $0x2  }
0xb8: {  	s31 =	sshll.u32 s1, $0xD;
	s1 =	sshrl.u32 s1, $0x2  }
0xb9: {  	s3 =	sand.u32 $0x4000, s31;
	s1 =	sadd.s32 s1, s30  }
0xba: {  	s0 =	sor.u32 s3, s0;
	s1 =	sshll.u32 s1, $0x11  }
0xbb: {  	s0 =	sor.u32 s1, s0  }
0xbc: {  	s0 =	sadd.s32 $0x8F2B, s0  }
0xbd: {  	[sflag:s0] =	ssyncadd.remote.s32 $0x1  }
0xbe: {  	_ =	sfence.sel $0xFFFF  }
0xbf: {  	[dreg:$0x0] =	wrdreg $0xFFFFFFFF;
	(pc) =	sbr.abs _section_cstart, $3  }
0xc0: {  	[dreg:$0x1] =	wrdreg $0xFFFFFFFF  }
0xc1: {  	_ =	task.clear_ibuf [dreg:s7], $0x2FFFF;
	_ =	strace $0x9FFFFFFF  }
0xc2: {  	(tm) =	ssettm $0x7FFFFFFF  }
0xc3: {  	_ =	shalt  }
tec
execute0_lowered:
.L_overlay_start_1:
0x0: {  	(tag) =	ssettag $0x1  }
0x1: {  	s2 =	rddreg [dreg:$0x0];
	s1 =	srdreg.scid  }
0x2: {  	s0 =	stileid.u32;
	s5 =	rddreg [dreg:$0x1];
	s3 =	simm.s32 $0x0  }
0x3: {  	s9 =	simm.s32 $0x80;
	s10 =	simm.s32 $0x3000;
	s11 =	simm.s32 $0xB000  }
0x4: {  	s12 =	simm.s32 $0x100;
	s13 =	simm.s32 $0x13000;
	s14 =	simm.s32 $0x180  }
0x5: {  	s15 =	simm.s32 $0x7000;
	s16 =	simm.s32 $0x200;
	s17 =	simm.s32 $0xF000  }
0x6: {  	s18 =	simm.s32 $0x280;
	s19 =	simm.s32 $0x17000;
	s20 =	simm.s32 $0x1  }
0x7: {  	s21 =	simm.s32 $0x2;
	s22 =	simm.s32 $0x1B000;
	s23 =	simm.s32 $0x0  }
0x8: {  	s1 =	sand.u32 $0x1, s1;
	s4 =	sshll.u32 s0, $0x1;
	[smem:$0x7FF] =	sst s3  }
.Ltmp0:
0x9: {  	s6 =	sor.u32 s1, s4;
	_ =	strace $0x80000047;
	(pc) =	sbr.rel .LBB2_1-.Ltmp0, $4  }
0xa: {  	s1 =	ssub.s32 $0x2, s1;
	s7 =	smul.u32 $0x600, s6;
	s6 =	sshll.u32 s6, $0xA  }
0xb: {  	s4 =	sadd.s32 $0xCE00, s5;
	s8 =	sshrl.u32 s1, $0x1;
	s6 =	sadd.s32 s6, s5  }
0xc: {  	s1 =	ssub.s32 s1, s8;
	s8 =	simm.s32 $0x3;
	s7 =	sadd.s32 s7, s5  }
0xd: {  	v0 =	vimm.bf16 $0.0e+00;
	s6 =	sadd.s32 $0x2C200, s6;
	s5 =	sadd.s32 $0xE00, s7;
	s7 =	smax.u32 s1, $0x1  }
.LBB2_8:
0xe: {  	s23 =	sadd.s32 $0x1, s23  }
0xf: {  	p0 =	sne.s32 s23, s7  }
.Ltmp1:
0x10: {  	_ = 	snop;
	(pc) =	sbr.rel @!p0 .LBB2_9-.Ltmp1, $4  }
0x11: {  	[hbm4b:s6+s3] =	stream.linear.scatter [tilespmem:s22], [sflag:$0x3], $0x2000, $0x38;
	[tilespmem:$0x1D000] =	vst v63  }
0x12: {  	_ =	swait.ge [sflag:s8], $0x2000  }
0x13: {  	[sflag:s8] =	ssyncset.done $0x0  }
0x14: {  	[sflag:s8] =	ssyncadd.s32 $0xFFFFE000  }
.LBB2_1:
0x15: {  	[tilespmem:s3], [sflag:$0x3] =	stream.linear.gather [hbm4b:s5+s3], $0x3000, $0x38;
	[tilespmem:$0x1D000] =	vst v63  }
0x16: {  	_ =	swait.ge [sflag:s8], $0x3000  }
0x17: {  	[sflag:s8] =	ssyncset.done $0x0  }
0x18: {  	[sflag:s8] =	ssyncadd.s32 $0xFFFFD000  }
0x19: {  	[tilespmem:s10], [sflag:$0x1] =	stream.indirect.gather [hbm4b:s2+s9], $0x80, s3, s9, $0xb8;
	[tilespmem:$0x1D000] =	vst v63  }
0x1a: {  	_ = 	snop  }
0x1b: {  	[tilespmem:s11], [sflag:$0x1] =	stream.indirect.gather [hbm4b:s2+s9], $0x80, s9, s9, $0xb8;
	[tilespmem:$0x1D000] =	vst v63  }
0x1c: {  	_ = 	snop  }
0x1d: {  	[tilespmem:s13], [sflag:$0x1] =	stream.indirect.gather [hbm4b:s4+s9], $0x80, s12, s9, $0xb8;
	[tilespmem:$0x1D000] =	vst v63  }
0x1e: {  	_ = 	snop  }
0x1f: {  	[tilespmem:s15], [sflag:$0x2] =	stream.indirect.gather [hbm4b:s2+s9], $0x80, s14, s9, $0xb8;
	[tilespmem:$0x1D000] =	vst v63  }
0x20: {  	_ = 	snop  }
0x21: {  	[tilespmem:s17], [sflag:$0x2] =	stream.indirect.gather [hbm4b:s2+s9], $0x80, s16, s9, $0xb8;
	[tilespmem:$0x1D000] =	vst v63  }
0x22: {  	s24 =	simm.s32 $0x0;
	s25 =	simm.s32 $0x0;
	s26 =	simm.s32 $0x0  }
0x23: {  	[tilespmem:s19], [sflag:$0x2] =	stream.indirect.gather [hbm4b:s4+s9], $0x80, s18, s9, $0xb8;
	[tilespmem:$0x1D000] =	vst v63  }
.LBB2_2:
0x24: {  	_ =	swait.ge [sflag:s20], $0x4000  }
0x25: {  	[sflag:s20] =	ssyncset.done $0x0  }
0x26: {  	[sflag:s20] =	ssyncadd.s32 $0xFFFFC000  }
0x27: {  	_ =	swait.ge [sflag:s20], $0x4000  }
0x28: {  	[sflag:s20] =	ssyncset.done $0x0  }
0x29: {  	[sflag:s20] =	ssyncadd.s32 $0xFFFFC000  }
0x2a: {  	_ =	swait.ge [sflag:s20], $0x4000  }
0x2b: {  	s28 =	simm.s32 $0x0;
	[sflag:s20] =	ssyncset.done $0x0  }
0x2c: {  	s29 =	simm.s32 $0x0;
	s30 =	simm.s32 $0x0;
	[sflag:s20] =	ssyncadd.s32 $0xFFFFC000  }
.LBB2_3:
0x2d: {  	s31 =	sshra.s32 s29, $0x2  }
0x2e: {  	v1 =	vld [tilespmem:s31+$0x3000]  }
0x2f: {  	v2 =	vld [tilespmem:s31+$0x3010]  }
0x30: {  	v3 =	vld [tilespmem:s31+$0x3800]  }
0x31: {  	v4 =	vld [tilespmem:s31+$0x3810]  }
0x32: {  	v5 =	vld [tilespmem:s31+$0x4000]  }
0x33: {  	v6 =	vld [tilespmem:s31+$0x4010]  }
0x34: {  	v7 =	vld [tilespmem:s31+$0x4800]  }
0x35: {  	v8 =	vld [tilespmem:s31+$0x4810]  }
0x36: {  	v9 =	vld [tilespmem:s31+$0x5000]  }
0x37: {  	v10 =	vld [tilespmem:s31+$0x5010]  }
0x38: {  	v11 =	vld [tilespmem:s31+$0x5800]  }
0x39: {  	v12 =	vld [tilespmem:s31+$0x5810]  }
0x3a: {  	v13 =	vld [tilespmem:s31+$0x6000]  }
0x3b: {  	v14 =	vld [tilespmem:s31+$0x6010]  }
0x3c: {  	v15 =	vld [tilespmem:s31+$0x6800]  }
0x3d: {  	v16 =	vld [tilespmem:s31+$0x6810]  }
0x3e: {  	v17 =	vld [tilespmem:s31+$0xB000]  }
0x3f: {  	v18 =	vld [tilespmem:s31+$0xB010]  }
0x40: {  	v19 =	vld [tilespmem:s31+$0x13000]  }
0x41: {  	v20 =	vld [tilespmem:s31+$0x13010]  }
0x42: {  	v21 =	vld [tilespmem:s31+$0x13800]  }
0x43: {  	v22 =	vld [tilespmem:s31+$0x13810]  }
0x44: {  	v23 =	vld [tilespmem:s31+$0x14000]  }
0x45: {  	v24 =	vld [tilespmem:s31+$0x14010]  }
0x46: {  	v25 =	vld [tilespmem:s31+$0x14800]  }
0x47: {  	v26 =	vld [tilespmem:s31+$0x14810]  }
0x48: {  	v27 =	vld [tilespmem:s31+$0x15000]  }
0x49: {  	v28 =	vld [tilespmem:s31+$0x15010]  }
0x4a: {  	v29 =	vld [tilespmem:s31+$0x15800]  }
0x4b: {  	v31 =	vld [tilespmem:s31+$0x15810];
	v30 =	vpack.i.f32.bf16 v2, v1;
	v1 =	vpack.i.f32.bf16 v4, v3;
	v32 =	vpack.i.f32.bf16 v6, v5  }
0x4c: {  	v41 =	vld [tilespmem:s31+$0x16000];
	v8 =	vpack.i.f32.bf16 v8, v7;
	v4 =	vpack.i.f32.bf16 v10, v9;
	v3 =	vpack.i.f32.bf16 v12, v11  }
0x4d: {  	v42 =	vld [tilespmem:s31+$0x16010];
	v2 =	vpack.i.f32.bf16 v14, v13;
	v6 =	vpack.i.f32.bf16 v16, v15;
	v7 =	vpack.i.f32.bf16 v20, v19  }
0x4e: {  	v43 =	vld [tilespmem:s31+$0x16800];
	v10 =	vpack.i.f32.bf16 v18, v17;
	v11 =	vpack.i.f32.bf16 v22, v21;
	v45 =	vmul.bf16 v7, v30  }
0x4f: {  	v44 =	vld [tilespmem:s31+$0x16810];
	v12 =	vpack.i.f32.bf16 v24, v23;
	v46 =	vmul.bf16 v11, v1;
	v47 =	vmul.bf16 v11, v30  }
0x50: {  	v13 =	vpack.i.f32.bf16 v26, v25;
	v48 =	vmul.bf16 v7, v1;
	v50 =	vmul.bf16 v12, v32  }
0x51: {  	v15 =	vpack.i.f32.bf16 v28, v27;
	v51 =	vmul.bf16 v13, v8;
	v52 =	vmul.bf16 v13, v32  }
0x52: {  	v19 =	vpack.i.f32.bf16 v31, v29;
	v53 =	vmul.bf16 v12, v30;
	v54 =	vmul.bf16 v7, v32  }
0x53: {  	v5 =	vpack.i.f32.bf16 v42, v41;
	v56 =	vmul.bf16 v12, v8;
	v57 =	vmul.bf16 v11, v8  }
0x54: {  	v14 =	vpack.i.f32.bf16 v44, v43;
	v58 =	vmul.bf16 v13, v30;
	v59 =	vmul.bf16 v7, v8  }
0x55: {  	v60 =	vmul.bf16 v13, v1;
	v61 =	vsub.bf16 v0, v19;
	v62 =	vmul.bf16 v12, v1  }
0x56: {  	v63 =	vsub.bf16 v0, v5;
	v36 =	vmul.bf16 v15, v4;
	v38 =	vmul.bf16 v11, v32  }
0x57: {  	v40 =	vmul.bf16 v15, v3;
	v42 =	vsub.bf16 v0, v14;
	v28 =	vmul.bf16 v15, v2  }
0x58: {  	v31 =	vmul.bf16 v19, v30;
	v34 =	vmul.bf16 v5, v32;
	v11 =	vsub.bf16 v0, v11  }
0x59: {  	v12 =	vsub.bf16 v0, v12;
	v37 =	vmul.bf16 v61, v3;
	v39 =	vmul.bf16 v63, v2  }
0x5a: {  	v13 =	vsub.bf16 v0, v13;
	v41 =	vmul.bf16 v61, v4;
	v43 =	vmul.bf16 v63, v4  }
0x5b: {  	v49 =	vsub.bf16 v45, v46;
	v44 =	vmul.bf16 v63, v6;
	v45 =	vmul.bf16 v42, v6  }
0x5c: {  	v20 =	vadd.bf16 v47, v48;
	v46 =	vmul.bf16 v42, v3;
	v48 =	vmul.bf16 v42, v2  }
0x5d: {  	v17 =	vadd.bf16 v53, v54;
	v27 =	vmul.bf16 v42, v4;
	v53 =	vmul.bf16 v19, v1  }
0x5e: {  	v22 =	vmul.bf16 v61, v2;
	v9 =	vsub.bf16 v49, v50;
	v55 =	vadd.bf16 v52, v20  }
0x5f: {  	v23 =	vmul.bf16 v63, v3;
	v17 =	vadd.bf16 v17, v57;
	v20 =	vadd.bf16 v58, v59  }
0x60: {  	v63 =	vmul.bf16 v14, v1;
	v18 =	vsub.bf16 v36, v37;
	v24 =	vadd.bf16 v41, v40  }
0x61: {  	v28 =	vadd.bf16 v43, v28;
	v50 =	vmul.bf16 v61, v6;
	v52 =	vmul.bf16 v15, v30  }
0x62: {  	v57 =	vmul.bf16 v5, v8;
	v58 =	vmul.bf16 v15, v32;
	v9 =	vsub.bf16 v9, v51  }
0x63: {  	v36 =	vmul.bf16 v5, v30;
	v16 =	vsub.bf16 v55, v56;
	v17 =	vsub.bf16 v17, v60  }
0x64: {  	v33 =	vld [tilespmem:s31+$0xB810];
	v59 =	vmul.bf16 v14, v8;
	v20 =	vadd.bf16 v20, v62;
	v18 =	vsub.bf16 v18, v39  }
0x65: {  	v54 =	vld [tilespmem:s31+$0xB800];
	v47 =	vadd.bf16 v44, v24;
	v51 =	vmul.bf16 v15, v6;
	v55 =	vmul.bf16 v15, v1  }
0x66: {  	v35 =	vld [tilespmem:s31+$0xC010];
	v49 =	vadd.bf16 v46, v28;
	v62 =	vmul.bf16 v19, v8;
	v8 =	vmul.bf16 v15, v8  }
0x67: {  	v37 =	vld [tilespmem:s31+$0xC800];
	v26 =	vsub.bf16 v52, v53;
	v44 =	vmul.bf16 v19, v32;
	v46 =	vmul.bf16 v11, v3  }
0x68: {  	v40 =	vld [tilespmem:s31+$0xD000];
	v52 =	vmul.bf16 v11, v4;
	v53 =	vmul.bf16 v7, v3;
	v20 =	vsub.bf16 v20, v38  }
0x69: {  	v61 =	vld [tilespmem:s31+$0xD010];
	v1 =	vmul.bf16 v5, v1;
	v18 =	vsub.bf16 v18, v45;
	v21 =	vsub.bf16 v47, v48  }
0x6a: {  	v43 =	vld [tilespmem:s31+$0xD810];
	v29 =	vpack.i.f32.bf16 v33, v54;
	v25 =	vsub.bf16 v49, v50;
	v24 =	vadd.bf16 v27, v51  }
0x6b: {  	v56 =	vld [tilespmem:s31+$0xC000];
	v27 =	vadd.bf16 v31, v55;
	v26 =	vsub.bf16 v26, v34;
	v38 =	vmul.bf16 v14, v32  }
0x6c: {  	v60 =	vld [tilespmem:s31+$0xC810];
	v14 =	vmul.bf16 v14, v30;
	v54 =	vadd.bf16 v52, v53;
	v22 =	vadd.bf16 v24, v22  }
0x6d: {  	v28 =	vld [tilespmem:s31+$0xE000];
	v45 =	vmul.bf16 v7, v4;
	v27 =	vadd.bf16 v57, v27;
	v24 =	vadd.bf16 v36, v58  }
0x6e: {  	v39 =	vld [tilespmem:s31+$0x5820];
	v49 =	vmul.bf16 v12, v2;
	v41 =	vsub.bf16 v26, v59;
	v9 =	vsub.bf16 v9, v18  }
0x6f: {  	v32 =	vld [tilespmem:s31+$0xE800];
	v50 =	vmul.bf16 v13, v6;
	v8 =	vadd.bf16 v14, v8;
	v47 =	vsub.bf16 v16, v21  }
0x70: {  	v34 =	vld [tilespmem:s31+$0x3820];
	v55 =	vmul.bf16 v13, v2;
	v19 =	vsub.bf16 v45, v46;
	v17 =	vsub.bf16 v17, v25  }
0x71: {  	v52 =	vld [tilespmem:s31+$0x13820];
	v26 =	vpack.i.f32.bf16 v61, v40;
	v57 =	vmul.bf16 v12, v4;
	v58 =	vmul.bf16 v7, v2  }
0x72: {  	v53 =	vld [tilespmem:s31+$0x13830];
	v30 =	vadd.bf16 v55, v54;
	v59 =	vmul.bf16 v12, v6;
	v4 =	vmul.bf16 v13, v4  }
0x73: {  	v21 =	vld [tilespmem:s31+$0xE810];
	v13 =	vmul.bf16 v13, v3;
	v42 =	vpack.i.f32.bf16 v35, v56;
	v9 =	vmul.bf16 v9, v10  }
0x74: {  	v40 =	vld [tilespmem:s31+$0x6820];
	v31 =	vpack.i.f32.bf16 v60, v37;
	v60 =	vmul.bf16 v11, v6;
	v22 =	vsub.bf16 v22, v23  }
0x75: {  	v45 =	vld [tilespmem:s31+$0xB020];
	v27 =	vsub.bf16 v27, v38;
	v24 =	vadd.bf16 v63, v24;
	v48 =	vunpack.i.l.bf16.f32 v9  }
0x76: {  	v54 =	vld [tilespmem:s31+$0x14020];
	v6 =	vmul.bf16 v7, v6;
	v8 =	vadd.bf16 v8, v44;
	v16 =	vadd.f32 $0.0e+00, v48  }
0x77: {  	v35 =	vld [tilespmem:s31+$0x4820];
	v14 =	vmul.bf16 v47, v29;
	v19 =	vsub.bf16 v19, v49;
	v9 =	vunpack.i.u.bf16.f32 v9  }
0x78: {  	v3 =	vmul.bf16 v12, v3;
	v63 =	vld [tilespmem:s31+$0xD800];
	v37 =	vadd.bf16 v57, v58;
	v9 =	vadd.f32 v16, v9  }
0x79: {  	v10 =	vld [tilespmem:s31+$0xE010];
	v30 =	vsub.bf16 v30, v59;
	v4 =	vadd.bf16 v4, v6;
	v51 =	vunpack.i.l.bf16.f32 v14  }
0x7a: {  	v29 =	vld [tilespmem:s31+$0x3020];
	v15 =	vmul.bf16 v17, v42;
	v24 =	vsub.bf16 v24, v62;
	v9 =	vadd.f32 v51, v9  }
0x7b: {  	v17 =	vld [tilespmem:s31+$0x4020];
	v19 =	vsub.bf16 v19, v50;
	v14 =	vunpack.i.u.bf16.f32 v14;
	v20 =	vsub.bf16 v20, v22  }
0x7c: {  	v2 =	vmul.bf16 v11, v2;
	v57 =	vld [tilespmem:s31+$0x14820];
	v62 =	vadd.bf16 v37, v60;
	v9 =	vadd.f32 v9, v14  }
0x7d: {  	v58 =	vld [tilespmem:s31+$0x14830];
	v56 =	vunpack.i.l.bf16.f32 v15;
	v37 =	vadd.bf16 v27, v30;
	v1 =	vsub.bf16 v8, v1  }
0x7e: {  	v59 =	vld [tilespmem:s31+$0x15020];
	v15 =	vunpack.i.u.bf16.f32 v15;
	v3 =	vadd.bf16 v4, v3;
	v9 =	vadd.f32 v56, v9  }
0x7f: {  	v22 =	vld [tilespmem:s31+$0x4830];
	v55 =	vpack.i.f32.bf16 v21, v32;
	v20 =	vmul.bf16 v20, v31;
	v19 =	vadd.bf16 v41, v19  }
0x80: {  	v50 =	vld [tilespmem:s31+$0x13020];
	v18 =	vpack.i.f32.bf16 v43, v63;
	v43 =	vsub.bf16 v62, v13;
	v9 =	vadd.f32 v9, v15  }
0x81: {  	v60 =	vld [tilespmem:s31+$0x15030];
	v10 =	vpack.i.f32.bf16 v10, v28;
	v2 =	vsub.bf16 v3, v2;
	v61 =	vunpack.i.l.bf16.f32 v20  }
0x82: {  	v16 =	vld [tilespmem:s31+$0x3030];
	v12 =	vpack.i.f32.bf16 v58, v57;
	v19 =	vmul.bf16 v19, v26;
	v9 =	vadd.f32 v61, v9  }
0x83: {  	v20 =	vunpack.i.u.bf16.f32 v20;
	v18 =	vmul.bf16 v37, v18;
	v48 =	vadd.bf16 v24, v43;
	v51 =	vld [tilespmem:s31+$0x13030]  }
0x84: {  	v1 =	vadd.bf16 v1, v2;
	v38 =	vunpack.i.l.bf16.f32 v19;
	v14 =	vld [tilespmem:s31+$0x4030];
	v63 =	vadd.f32 v9, v20  }
0x85: {  	v44 =	vunpack.i.u.bf16.f32 v19;
	v49 =	vunpack.i.l.bf16.f32 v18;
	v3 =	vunpack.i.u.bf16.f32 v18;
	v56 =	vld [tilespmem:s31+$0x14030]  }
0x86: {  	v23 =	vld [tilespmem:s31+$0x5830];
	v18 =	vpack.i.f32.bf16 v60, v59;
	v6 =	vmul.bf16 v48, v10;
	v41 =	vadd.f32 v38, v63  }
0x87: {  	v31 =	vld [tilespmem:s31+$0x5020];
	v1 =	vmul.bf16 v1, v55;
	v10 =	vpack.i.f32.bf16 v53, v52;
	v16 =	vpack.i.f32.bf16 v16, v29  }
0x88: {  	v37 =	vmul.bf16 v10, v16;
	v48 =	vmul.bf16 v12, v16;
	v15 =	vld [tilespmem:s31+$0x5030];
	v46 =	vadd.f32 v41, v44  }
0x89: {  	v47 =	vld [tilespmem:s31+$0xB030];
	v7 =	vpack.i.f32.bf16 v51, v50;
	v14 =	vpack.i.f32.bf16 v14, v17;
	v17 =	vpack.i.f32.bf16 v22, v35  }
0x8a: {  	v42 =	vld [tilespmem:s31+$0x6830];
	v35 =	vmul.bf16 v7, v16;
	v11 =	vpack.i.f32.bf16 v56, v54;
	v4 =	vadd.f32 v49, v46  }
0x8b: {  	v62 =	vld [tilespmem:s31+$0x15830];
	v2 =	vunpack.i.l.bf16.f32 v6;
	v43 =	vmul.bf16 v11, v16;
	v44 =	vmul.bf16 v7, v14  }
0x8c: {  	v56 =	vmul.bf16 v10, v14;
	v63 =	vld [tilespmem:s31+$0x16020];
	v46 =	vmul.bf16 v11, v17;
	v3 =	vadd.f32 v4, v3  }
0x8d: {  	v20 =	vadd.bf16 v43, v44;
	v49 =	vmul.bf16 v7, v17;
	v4 =	vpack.i.f32.bf16 v15, v31;
	v31 =	vld [tilespmem:s31+$0x16030]  }
0x8e: {  	v61 =	vld [tilespmem:s31+$0x15820];
	v43 =	vmul.bf16 v18, v16;
	v15 =	vpack.i.f32.bf16 v47, v45;
	v2 =	vadd.f32 v2, v3  }
0x8f: {  	v25 =	vld [tilespmem:s31+$0x3830];
	v47 =	vmul.bf16 v10, v17;
	v54 =	vmul.bf16 v18, v4;
	v3 =	vunpack.i.u.bf16.f32 v6  }
0x90: {  	v36 =	vld [tilespmem:s31+$0x6030];
	v6 =	vpack.i.f32.bf16 v42, v40;
	v40 =	vmul.bf16 v12, v17;
	v2 =	vadd.f32 v2, v3  }
0x91: {  	v26 =	vld [tilespmem:s31+$0x6020];
	v42 =	vmul.bf16 v12, v14;
	v20 =	vadd.bf16 v20, v47;
	v3 =	vunpack.i.l.bf16.f32 v1  }
0x92: {  	v5 =	vpack.i.f32.bf16 v31, v63;
	v2 =	vadd.f32 v3, v2;
	v3 =	vpack.i.f32.bf16 v23, v39  }
0x93: {  	v23 =	vpack.i.f32.bf16 v62, v61;
	v39 =	vmul.bf16 v11, v14;
	v53 =	vsub.bf16 v0, v5  }
0x94: {  	v1 =	vunpack.i.u.bf16.f32 v1;
	v58 =	vmul.bf16 v18, v3;
	v47 =	vmul.bf16 v23, v16  }
0x95: {  	v8 =	vadd.f32 v2, v1;
	v1 =	vpack.i.f32.bf16 v25, v34;
	v62 =	vmul.bf16 v53, v4  }
0x96: {  	v2 =	vpack.i.f32.bf16 v36, v26;
	v63 =	vmul.bf16 v53, v6;
	v26 =	vmul.bf16 v53, v3  }
0x97: {  	v51 =	vsub.bf16 v0, v23;
	v36 =	vmul.bf16 v10, v1;
	v25 =	vmul.bf16 v7, v1  }
0x98: {  	v50 =	vmul.bf16 v12, v1;
	v52 =	vmul.bf16 v11, v1  }
0x99: {  	v22 =	vadd.bf16 v48, v49;
	v55 =	vmul.bf16 v51, v3;
	v57 =	vmul.bf16 v53, v2  }
0x9a: {  	v59 =	vmul.bf16 v51, v4;
	v10 =	vsub.bf16 v0, v10;
	v11 =	vsub.bf16 v0, v11  }
0x9b: {  	v33 =	vld [tilespmem:s31+$0x16820];
	v61 =	vmul.bf16 v18, v2;
	v12 =	vsub.bf16 v0, v12;
	v38 =	vsub.bf16 v35, v36  }
0x9c: {  	v34 =	vld [tilespmem:s31+$0x16830];
	v44 =	vmul.bf16 v23, v1;
	v41 =	vadd.bf16 v37, v25;
	v20 =	vsub.bf16 v20, v50  }
0x9d: {  	v53 =	vmul.bf16 v18, v14;
	v22 =	vadd.bf16 v22, v52;
	v21 =	vsub.bf16 v54, v55  }
0x9e: {  	v27 =	vadd.bf16 v59, v58;
	v31 =	vadd.bf16 v62, v61;
	v25 =	vmul.bf16 v51, v2  }
0x9f: {  	v29 =	vsub.bf16 v43, v44;
	v50 =	vmul.bf16 v5, v14;
	v62 =	vmul.bf16 v23, v17  }
0xa0: {  	v43 =	vmul.bf16 v7, v4;
	v44 =	vmul.bf16 v10, v3;
	v9 =	vsub.bf16 v38, v39  }
0xa1: {  	v13 =	vpack.i.f32.bf16 v34, v33;
	v45 =	vadd.bf16 v42, v41;
	v21 =	vsub.bf16 v21, v57  }
0xa2: {  	v22 =	vsub.bf16 v22, v56;
	v41 =	vmul.bf16 v51, v6;
	v42 =	vmul.bf16 v18, v6  }
0xa3: {  	v48 =	vld [tilespmem:s31+$0xB830];
	v38 =	vadd.bf16 v63, v27;
	v51 =	vmul.bf16 v5, v17;
	v56 =	vmul.bf16 v13, v17  }
0xa4: {  	v49 =	vld [tilespmem:s31+$0xC020];
	v60 =	vsub.bf16 v0, v13;
	v58 =	vmul.bf16 v13, v14;
	v59 =	vmul.bf16 v13, v1  }
0xa5: {  	v52 =	vld [tilespmem:s31+$0xC030];
	v29 =	vsub.bf16 v29, v50;
	v17 =	vmul.bf16 v18, v17;
	v13 =	vmul.bf16 v13, v16  }
0xa6: {  	v55 =	vld [tilespmem:s31+$0xC820];
	v14 =	vmul.bf16 v23, v14;
	v9 =	vsub.bf16 v9, v40;
	v36 =	vmul.bf16 v60, v6  }
0xa7: {  	v61 =	vld [tilespmem:s31+$0xD030];
	v19 =	vsub.bf16 v45, v46;
	v37 =	vmul.bf16 v60, v3;
	v39 =	vmul.bf16 v60, v2  }
0xa8: {  	v35 =	vld [tilespmem:s31+$0x4840];
	v30 =	vmul.bf16 v60, v4;
	v13 =	vadd.bf16 v13, v17;
	v17 =	vsub.bf16 v43, v44  }
0xa9: {  	v45 =	vld [tilespmem:s31+$0xB820];
	v46 =	vmul.bf16 v18, v1;
	v21 =	vsub.bf16 v21, v36;
	v40 =	vadd.bf16 v37, v31  }
0xaa: {  	v54 =	vmul.bf16 v5, v16;
	v57 =	vld [tilespmem:s31+$0xC830];
	v24 =	vsub.bf16 v38, v39;
	v27 =	vadd.bf16 v30, v42  }
0xab: {  	v63 =	vld [tilespmem:s31+$0xD820];
	v1 =	vmul.bf16 v5, v1;
	v30 =	vadd.bf16 v47, v46;
	v13 =	vadd.bf16 v13, v14  }
0xac: {  	v33 =	vld [tilespmem:s31+$0x3840];
	v47 =	vmul.bf16 v11, v2;
	v28 =	vsub.bf16 v40, v41;
	v25 =	vadd.bf16 v27, v25  }
0xad: {  	v34 =	vld [tilespmem:s31+$0x16840];
	v37 =	vmul.bf16 v12, v3;
	v30 =	vadd.bf16 v51, v30;
	v27 =	vadd.bf16 v54, v53  }
0xae: {  	v60 =	vld [tilespmem:s31+$0xD020];
	v32 =	vpack.i.f32.bf16 v48, v45;
	v40 =	vsub.bf16 v29, v56;
	v9 =	vsub.bf16 v9, v21  }
0xaf: {  	v23 =	vld [tilespmem:s31+$0x6040];
	v41 =	vpack.i.f32.bf16 v52, v49;
	v45 =	vsub.bf16 v19, v24;
	v49 =	vmul.bf16 v12, v6  }
0xb0: {  	v42 =	vld [tilespmem:s31+$0xD830];
	v48 =	vpack.i.f32.bf16 v57, v55;
	v51 =	vmul.bf16 v10, v4;
	v52 =	vmul.bf16 v7, v3  }
0xb1: {  	v31 =	vld [tilespmem:s31+$0xE820];
	v17 =	vsub.bf16 v17, v47;
	v55 =	vmul.bf16 v12, v2;
	v57 =	vmul.bf16 v11, v4  }
0xb2: {  	v24 =	vld [tilespmem:s31+$0xE830];
	v4 =	vmul.bf16 v12, v4;
	v3 =	vmul.bf16 v11, v3;
	v1 =	vsub.bf16 v13, v1  }
0xb3: {  	v19 =	vld [tilespmem:s31+$0x3040];
	v53 =	vpack.i.f32.bf16 v61, v60;
	v25 =	vsub.bf16 v25, v26;
	v9 =	vmul.bf16 v9, v15  }
0xb4: {  	v47 =	vld [tilespmem:s31+$0xB050];
	v60 =	vmul.bf16 v10, v6;
	v30 =	vsub.bf16 v30, v58;
	v27 =	vadd.bf16 v59, v27  }
0xb5: {  	v15 =	vld [tilespmem:s31+$0xE030];
	v20 =	vsub.bf16 v20, v28;
	v17 =	vsub.bf16 v17, v49;
	v46 =	vunpack.i.l.bf16.f32 v9  }
0xb6: {  	v14 =	vmul.bf16 v45, v32;
	v54 =	vadd.bf16 v51, v52;
	v45 =	vld [tilespmem:s31+$0xB040];
	v8 =	vadd.f32 v46, v8  }
0xb7: {  	v58 =	vmul.bf16 v7, v2;
	v21 =	vsub.bf16 v27, v62;
	v27 =	vld [tilespmem:s31+$0xE020];
	v9 =	vunpack.i.u.bf16.f32 v9  }
0xb8: {  	v59 =	vmul.bf16 v11, v6;
	v16 =	vmul.bf16 v20, v41;
	v20 =	vld [tilespmem:s31+$0x4040];
	v8 =	vadd.f32 v8, v9  }
0xb9: {  	v6 =	vmul.bf16 v7, v6;
	v50 =	vunpack.i.l.bf16.f32 v14;
	v22 =	vsub.bf16 v22, v25;
	v25 =	vld [tilespmem:s31+$0x4850]  }
0xba: {  	v2 =	vmul.bf16 v10, v2;
	v29 =	vadd.bf16 v55, v54;
	v54 =	vld [tilespmem:s31+$0x13850];
	v8 =	vadd.f32 v50, v8  }
0xbb: {  	v14 =	vunpack.i.u.bf16.f32 v14;
	v36 =	vadd.bf16 v57, v58;
	v17 =	vadd.bf16 v40, v17;
	v55 =	vld [tilespmem:s31+$0x14040]  }
0xbc: {  	v18 =	vpack.i.f32.bf16 v42, v63;
	v4 =	vadd.bf16 v4, v6;
	v57 =	vld [tilespmem:s31+$0x14050];
	v8 =	vadd.f32 v8, v14  }
0xbd: {  	v58 =	vld [tilespmem:s31+$0x14840];
	v56 =	vunpack.i.l.bf16.f32 v16;
	v16 =	vunpack.i.u.bf16.f32 v16;
	v22 =	vmul.bf16 v22, v48  }
0xbe: {  	v29 =	vsub.bf16 v29, v59;
	v17 =	vmul.bf16 v17, v53;
	v53 =	vld [tilespmem:s31+$0x13840];
	v8 =	vadd.f32 v56, v8  }
0xbf: {  	v62 =	vadd.bf16 v36, v60;
	v3 =	vadd.bf16 v4, v3;
	v59 =	vld [tilespmem:s31+$0x14850];
	v61 =	vunpack.i.l.bf16.f32 v22  }
0xc0: {  	v22 =	vunpack.i.u.bf16.f32 v22;
	v38 =	vadd.bf16 v30, v29;
	v14 =	vld [tilespmem:s31+$0x4050];
	v8 =	vadd.f32 v8, v16  }
0xc1: {  	v9 =	vld [tilespmem:s31+$0x3050];
	v40 =	vunpack.i.l.bf16.f32 v17;
	v44 =	vunpack.i.u.bf16.f32 v17;
	v2 =	vsub.bf16 v3, v2  }
0xc2: {  	v52 =	vld [tilespmem:s31+$0x13050];
	v17 =	vpack.i.f32.bf16 v47, v45;
	v12 =	vmul.bf16 v38, v18;
	v8 =	vadd.f32 v61, v8  }
0xc3: {  	v50 =	vld [tilespmem:s31+$0x13040];
	v51 =	vpack.i.f32.bf16 v15, v27;
	v11 =	vpack.i.f32.bf16 v57, v55;
	v1 =	vadd.bf16 v1, v2  }
0xc4: {  	v60 =	vld [tilespmem:s31+$0x15040];
	v10 =	vpack.i.f32.bf16 v54, v53;
	v49 =	vunpack.i.l.bf16.f32 v12;
	v63 =	vadd.f32 v8, v22  }
0xc5: {  	v3 =	vunpack.i.u.bf16.f32 v12;
	v14 =	vpack.i.f32.bf16 v14, v20;
	v20 =	vpack.i.f32.bf16 v25, v35;
	v35 =	vld [tilespmem:s31+$0x16850]  }
0xc6: {  	v9 =	vpack.i.f32.bf16 v9, v19;
	v12 =	vpack.i.f32.bf16 v59, v58;
	v61 =	vld [tilespmem:s31+$0x15050];
	v42 =	vadd.f32 v40, v63  }
0xc7: {  	v32 =	vld [tilespmem:s31+$0x5040];
	v56 =	vpack.i.f32.bf16 v24, v31;
	v38 =	vmul.bf16 v10, v9;
	v8 =	vsub.bf16 v62, v37  }
0xc8: {  	v1 =	vmul.bf16 v1, v56;
	v7 =	vpack.i.f32.bf16 v52, v50;
	v16 =	vld [tilespmem:s31+$0x5050];
	v46 =	vadd.f32 v42, v44  }
0xc9: {  	v45 =	vmul.bf16 v7, v14;
	v47 =	vmul.bf16 v11, v20;
	v62 =	vld [tilespmem:s31+$0x15840];
	v48 =	vadd.bf16 v21, v8  }
0xca: {  	v50 =	vmul.bf16 v7, v20;
	v57 =	vmul.bf16 v10, v14;
	v63 =	vld [tilespmem:s31+$0x15850];
	v4 =	vadd.f32 v49, v46  }
0xcb: {  	v43 =	vld [tilespmem:s31+$0x6850];
	v13 =	vpack.i.f32.bf16 v35, v34;
	v15 =	vpack.i.f32.bf16 v61, v60;
	v6 =	vmul.bf16 v48, v51  }
0xcc: {  	v41 =	vld [tilespmem:s31+$0x6840];
	v61 =	vsub.bf16 v0, v13;
	v44 =	vmul.bf16 v11, v9;
	v3 =	vadd.f32 v4, v3  }
0xcd: {  	v39 =	vld [tilespmem:s31+$0x5840];
	v42 =	vmul.bf16 v12, v20;
	v48 =	vmul.bf16 v10, v20;
	v2 =	vunpack.i.l.bf16.f32 v6  }
0xce: {  	v26 =	vld [tilespmem:s31+$0x5850];
	v21 =	vadd.bf16 v44, v45;
	v49 =	vmul.bf16 v12, v9;
	v2 =	vadd.f32 v2, v3  }
0xcf: {  	v28 =	vld [tilespmem:s31+$0x3850];
	v19 =	vpack.i.f32.bf16 v63, v62;
	v4 =	vpack.i.f32.bf16 v16, v32;
	v3 =	vunpack.i.u.bf16.f32 v6  }
0xd0: {  	v36 =	vld [tilespmem:s31+$0x6050];
	v52 =	vsub.bf16 v0, v19;
	v55 =	vmul.bf16 v15, v4;
	v2 =	vadd.f32 v2, v3  }
0xd1: {  	v30 =	vmul.bf16 v61, v4;
	v6 =	vpack.i.f32.bf16 v43, v41;
	v3 =	vunpack.i.l.bf16.f32 v1  }
0xd2: {  	v41 =	vmul.bf16 v11, v14;
	v43 =	vmul.bf16 v12, v14;
	v2 =	vadd.f32 v3, v2  }
0xd3: {  	v60 =	vmul.bf16 v52, v4;
	v1 =	vunpack.i.u.bf16.f32 v1;
	v3 =	vpack.i.f32.bf16 v26, v39  }
0xd4: {  	v56 =	vmul.bf16 v52, v3;
	v59 =	vmul.bf16 v15, v3;
	v8 =	vadd.f32 v2, v1  }
0xd5: {  	v1 =	vpack.i.f32.bf16 v28, v33;
	v2 =	vpack.i.f32.bf16 v36, v23;
	v36 =	vmul.bf16 v7, v9  }
0xd6: {  	v37 =	vmul.bf16 v10, v1;
	v39 =	vmul.bf16 v7, v1  }
0xd7: {  	v21 =	vadd.bf16 v21, v48;
	v28 =	vld [tilespmem:s31+$0x16040];
	v51 =	vmul.bf16 v12, v1;
	v53 =	vmul.bf16 v11, v1  }
0xd8: {  	v33 =	vld [tilespmem:s31+$0x16050];
	v22 =	vsub.bf16 v55, v56;
	v62 =	vmul.bf16 v15, v2;
	v44 =	vmul.bf16 v19, v1  }
0xd9: {  	v27 =	vadd.bf16 v60, v59;
	v25 =	vmul.bf16 v52, v2;
	v56 =	vmul.bf16 v13, v20  }
0xda: {  	v59 =	vmul.bf16 v13, v1;
	v10 =	vsub.bf16 v0, v10;
	v40 =	vsub.bf16 v36, v37  }
0xdb: {  	v23 =	vadd.bf16 v38, v39;
	v21 =	vsub.bf16 v21, v51;
	v36 =	vmul.bf16 v61, v6  }
0xdc: {  	v37 =	vmul.bf16 v61, v3;
	v39 =	vmul.bf16 v61, v2;
	v16 =	vsub.bf16 v40, v41  }
0xdd: {  	v5 =	vpack.i.f32.bf16 v33, v28;
	v46 =	vadd.bf16 v43, v23;
	v23 =	vadd.bf16 v49, v50  }
0xde: {  	v41 =	vmul.bf16 v52, v6;
	v43 =	vmul.bf16 v15, v9;
	v54 =	vsub.bf16 v0, v5  }
0xdf: {  	v50 =	vmul.bf16 v5, v14;
	v51 =	vmul.bf16 v5, v20;
	v16 =	vsub.bf16 v16, v42  }
0xe0: {  	v18 =	vsub.bf16 v46, v47;
	v42 =	vmul.bf16 v15, v6;
	v46 =	vmul.bf16 v15, v1  }
0xe1: {  	v23 =	vadd.bf16 v23, v53;
	v47 =	vmul.bf16 v19, v9;
	v53 =	vmul.bf16 v15, v14  }
0xe2: {  	v29 =	vsub.bf16 v43, v44;
	v15 =	vmul.bf16 v15, v20;
	v43 =	vmul.bf16 v7, v4  }
0xe3: {  	v45 =	vld [tilespmem:s31+$0xB840];
	v11 =	vsub.bf16 v0, v11;
	v44 =	vmul.bf16 v10, v3;
	v1 =	vmul.bf16 v5, v1  }
0xe4: {  	v48 =	vld [tilespmem:s31+$0xB850];
	v12 =	vsub.bf16 v0, v12;
	v58 =	vmul.bf16 v54, v2;
	v32 =	vmul.bf16 v54, v4  }
0xe5: {  	v63 =	vmul.bf16 v54, v6;
	v26 =	vmul.bf16 v54, v3;
	v23 =	vsub.bf16 v23, v57  }
0xe6: {  	v55 =	vld [tilespmem:s31+$0xC840];
	v54 =	vmul.bf16 v5, v9;
	v29 =	vsub.bf16 v29, v50;
	v22 =	vsub.bf16 v22, v58  }
0xe7: {  	v60 =	vld [tilespmem:s31+$0xD040];
	v9 =	vmul.bf16 v13, v9;
	v31 =	vadd.bf16 v32, v62;
	v38 =	vadd.bf16 v63, v27  }
0xe8: {  	v61 =	vld [tilespmem:s31+$0xD050];
	v27 =	vadd.bf16 v30, v42;
	v30 =	vadd.bf16 v47, v46;
	v58 =	vmul.bf16 v13, v14  }
0xe9: {  	v49 =	vld [tilespmem:s31+$0xC040];
	v32 =	vpack.i.f32.bf16 v48, v45;
	v9 =	vadd.bf16 v9, v15;
	v22 =	vsub.bf16 v22, v36  }
0xea: {  	v52 =	vld [tilespmem:s31+$0xC050];
	v14 =	vmul.bf16 v19, v14;
	v40 =	vadd.bf16 v37, v31;
	v24 =	vsub.bf16 v38, v39  }
0xeb: {  	v57 =	vld [tilespmem:s31+$0xC850];
	v62 =	vmul.bf16 v19, v20;
	v25 =	vadd.bf16 v27, v25;
	v30 =	vadd.bf16 v51, v30  }
0xec: {  	v35 =	vld [tilespmem:s31+$0x4860];
	v47 =	vmul.bf16 v11, v2;
	v27 =	vadd.bf16 v54, v53;
	v9 =	vadd.bf16 v9, v14  }
0xed: {  	v34 =	vld [tilespmem:s31+$0x16860];
	v51 =	vmul.bf16 v10, v4;
	v53 =	vpack.i.f32.bf16 v61, v60;
	v28 =	vsub.bf16 v40, v41  }
0xee: {  	v63 =	vld [tilespmem:s31+$0xD840];
	v60 =	vmul.bf16 v10, v6;
	v25 =	vsub.bf16 v25, v26;
	v26 =	vsub.bf16 v29, v56  }
0xef: {  	v42 =	vld [tilespmem:s31+$0xD850];
	v30 =	vsub.bf16 v30, v58;
	v41 =	vpack.i.f32.bf16 v52, v49;
	v49 =	vmul.bf16 v12, v6  }
0xf0: {  	v15 =	vld [tilespmem:s31+$0xE050];
	v48 =	vpack.i.f32.bf16 v57, v55;
	v52 =	vmul.bf16 v7, v3;
	v55 =	vmul.bf16 v12, v2  }
0xf1: {  	v19 =	vld [tilespmem:s31+$0x4060];
	v27 =	vadd.bf16 v59, v27;
	v57 =	vmul.bf16 v11, v4;
	v58 =	vmul.bf16 v7, v2  }
0xf2: {  	v31 =	vld [tilespmem:s31+$0xE840];
	v40 =	vsub.bf16 v16, v22;
	v59 =	vmul.bf16 v11, v6;
	v4 =	vmul.bf16 v12, v4  }
0xf3: {  	v45 =	vsub.bf16 v18, v24;
	v24 =	vld [tilespmem:s31+$0xE850];
	v6 =	vmul.bf16 v7, v6;
	v12 =	vmul.bf16 v12, v3  }
0xf4: {  	v18 =	vld [tilespmem:s31+$0x3060];
	v3 =	vmul.bf16 v11, v3;
	v1 =	vsub.bf16 v9, v1;
	v13 =	vmul.bf16 v40, v17  }
0xf5: {  	v2 =	vmul.bf16 v10, v2;
	v22 =	vsub.bf16 v27, v62;
	v27 =	vld [tilespmem:s31+$0xE040];
	v17 =	vsub.bf16 v43, v44  }
0xf6: {  	v21 =	vsub.bf16 v21, v28;
	v23 =	vsub.bf16 v23, v25;
	v25 =	vld [tilespmem:s31+$0x4870];
	v46 =	vunpack.i.l.bf16.f32 v13  }
0xf7: {  	v14 =	vmul.bf16 v45, v32;
	v54 =	vadd.bf16 v51, v52;
	v32 =	vld [tilespmem:s31+$0x5060];
	v8 =	vadd.f32 v46, v8  }
0xf8: {  	v36 =	vadd.bf16 v57, v58;
	v4 =	vadd.bf16 v4, v6;
	v45 =	vld [tilespmem:s31+$0xB060];
	v13 =	vunpack.i.u.bf16.f32 v13  }
0xf9: {  	v20 =	vpack.i.f32.bf16 v42, v63;
	v52 =	vld [tilespmem:s31+$0x13070];
	v17 =	vsub.bf16 v17, v47;
	v8 =	vadd.f32 v8, v13  }
0xfa: {  	v57 =	vld [tilespmem:s31+$0x14070];
	v50 =	vunpack.i.l.bf16.f32 v14;
	v14 =	vunpack.i.u.bf16.f32 v14;
	v29 =	vadd.bf16 v55, v54  }
0xfb: {  	v58 =	vld [tilespmem:s31+$0x14860];
	v16 =	vmul.bf16 v21, v41;
	v62 =	vadd.bf16 v36, v60;
	v8 =	vadd.f32 v50, v8  }
0xfc: {  	v23 =	vmul.bf16 v23, v48;
	v3 =	vadd.bf16 v4, v3;
	v54 =	vld [tilespmem:s31+$0x13870];
	v17 =	vsub.bf16 v17, v49  }
0xfd: {  	v55 =	vld [tilespmem:s31+$0x14060];
	v56 =	vunpack.i.l.bf16.f32 v16;
	v29 =	vsub.bf16 v29, v59;
	v8 =	vadd.f32 v8, v14  }
0xfe: {  	v16 =	vunpack.i.u.bf16.f32 v16;
	v42 =	vsub.bf16 v62, v12;
	v2 =	vsub.bf16 v3, v2;
	v59 =	vld [tilespmem:s31+$0x14870]  }
0xff: {  	v60 =	vld [tilespmem:s31+$0x15060];
	v61 =	vunpack.i.l.bf16.f32 v23;
	v17 =	vadd.bf16 v26, v17;
	v8 =	vadd.f32 v56, v8  }
0x100: {  	v23 =	vunpack.i.u.bf16.f32 v23;
	v36 =	vadd.bf16 v30, v29;
	v48 =	vadd.bf16 v22, v42;
	v14 =	vld [tilespmem:s31+$0x4070]  }
0x101: {  	v13 =	vld [tilespmem:s31+$0x3070];
	v51 =	vpack.i.f32.bf16 v15, v27;
	v1 =	vadd.bf16 v1, v2;
	v8 =	vadd.f32 v8, v16  }
0x102: {  	v50 =	vld [tilespmem:s31+$0x13060];
	v10 =	vpack.i.f32.bf16 v57, v55;
	v17 =	vmul.bf16 v17, v53;
	v44 =	vmul.bf16 v36, v20  }
0x103: {  	v5 =	vmul.bf16 v48, v51;
	v53 =	vld [tilespmem:s31+$0x13860];
	v11 =	vpack.i.f32.bf16 v59, v58;
	v8 =	vadd.f32 v61, v8  }
0x104: {  	v62 =	vld [tilespmem:s31+$0x15860];
	v37 =	vunpack.i.l.bf16.f32 v17;
	v43 =	vunpack.i.u.bf16.f32 v17;
	v49 =	vunpack.i.l.bf16.f32 v44  }
0x105: {  	v14 =	vpack.i.f32.bf16 v14, v19;
	v19 =	vpack.i.f32.bf16 v25, v35;
	v35 =	vld [tilespmem:s31+$0x16870];
	v63 =	vadd.f32 v8, v23  }
0x106: {  	v3 =	vunpack.i.u.bf16.f32 v44;
	v13 =	vpack.i.f32.bf16 v13, v18;
	v56 =	vpack.i.f32.bf16 v24, v31;
	v61 =	vld [tilespmem:s31+$0x15070]  }
0x107: {  	v44 =	vmul.bf16 v10, v13;
	v7 =	vpack.i.f32.bf16 v52, v50;
	v16 =	vld [tilespmem:s31+$0x5070];
	v40 =	vadd.f32 v37, v63  }
0x108: {  	v1 =	vmul.bf16 v1, v56;
	v9 =	vpack.i.f32.bf16 v54, v53;
	v36 =	vmul.bf16 v7, v13;
	v63 =	vld [tilespmem:s31+$0x15870]  }
0x109: {  	v47 =	vld [tilespmem:s31+$0xB070];
	v42 =	vmul.bf16 v11, v19;
	v48 =	vmul.bf16 v9, v19;
	v46 =	vadd.f32 v40, v43  }
0x10a: {  	v38 =	vld [tilespmem:s31+$0x6860];
	v2 =	vunpack.i.l.bf16.f32 v5;
	v50 =	vmul.bf16 v7, v19;
	v55 =	vmul.bf16 v9, v14  }
0x10b: {  	v41 =	vld [tilespmem:s31+$0x6870];
	v12 =	vpack.i.f32.bf16 v35, v34;
	v15 =	vpack.i.f32.bf16 v61, v60;
	v4 =	vadd.f32 v49, v46  }
0x10c: {  	v59 =	vsub.bf16 v0, v12;
	v43 =	vmul.bf16 v11, v14;
	v49 =	vmul.bf16 v11, v13  }
0x10d: {  	v39 =	vld [tilespmem:s31+$0x5860];
	v18 =	vpack.i.f32.bf16 v63, v62;
	v3 =	vadd.f32 v4, v3;
	v4 =	vpack.i.f32.bf16 v16, v32  }
0x10e: {  	v26 =	vld [tilespmem:s31+$0x5870];
	v16 =	vpack.i.f32.bf16 v47, v45;
	v45 =	vmul.bf16 v7, v14;
	v47 =	vmul.bf16 v10, v19  }
0x10f: {  	v33 =	vld [tilespmem:s31+$0x3860];
	v52 =	vsub.bf16 v0, v18;
	v54 =	vmul.bf16 v15, v4;
	v2 =	vadd.f32 v2, v3  }
0x110: {  	v28 =	vld [tilespmem:s31+$0x3870];
	v29 =	vmul.bf16 v59, v4;
	v3 =	vunpack.i.u.bf16.f32 v5;
	v5 =	vpack.i.f32.bf16 v41, v38  }
0x111: {  	v21 =	vld [tilespmem:s31+$0x6060];
	v38 =	vmul.bf16 v9, v13;
	v41 =	vmul.bf16 v10, v14;
	v2 =	vadd.f32 v2, v3  }
0x112: {  	v8 =	vld [tilespmem:s31+$0x6070];
	v20 =	vadd.bf16 v44, v45;
	v58 =	vmul.bf16 v52, v4;
	v3 =	vunpack.i.l.bf16.f32 v1  }
0x113: {  	v62 =	vmul.bf16 v59, v5;
	v2 =	vadd.f32 v3, v2;
	v3 =	vpack.i.f32.bf16 v26, v39  }
0x114: {  	v1 =	vunpack.i.u.bf16.f32 v1;
	v26 =	vmul.bf16 v52, v3;
	v57 =	vmul.bf16 v15, v3  }
0x115: {  	v63 =	vmul.bf16 v59, v3;
	v31 =	vadd.f32 v2, v1;
	v1 =	vpack.i.f32.bf16 v28, v33  }
0x116: {  	v20 =	vadd.bf16 v20, v48;
	v37 =	vmul.bf16 v9, v1;
	v39 =	vmul.bf16 v7, v1  }
0x117: {  	v2 =	vpack.i.f32.bf16 v8, v21;
	v51 =	vmul.bf16 v11, v1;
	v53 =	vmul.bf16 v10, v1  }
0x118: {  	v28 =	vld [tilespmem:s31+$0x16060];
	v21 =	vsub.bf16 v54, v26;
	v60 =	vmul.bf16 v15, v2;
	v26 =	vadd.bf16 v58, v57  }
0x119: {  	v33 =	vld [tilespmem:s31+$0x16070];
	v34 =	vmul.bf16 v59, v2;
	v24 =	vmul.bf16 v52, v2;
	v9 =	vsub.bf16 v0, v9  }
0x11a: {  	v10 =	vsub.bf16 v0, v10;
	v59 =	vmul.bf16 v7, v4;
	v11 =	vsub.bf16 v0, v11  }
0x11b: {  	v40 =	vsub.bf16 v36, v37;
	v36 =	vmul.bf16 v52, v5;
	v37 =	vmul.bf16 v15, v5  }
0x11c: {  	v22 =	vadd.bf16 v38, v39;
	v38 =	vmul.bf16 v15, v13;
	v39 =	vmul.bf16 v18, v1  }
0x11d: {  	v20 =	vsub.bf16 v20, v51;
	v51 =	vmul.bf16 v12, v14;
	v52 =	vmul.bf16 v12, v1  }
0x11e: {  	v6 =	vpack.i.f32.bf16 v33, v28;
	v8 =	vsub.bf16 v40, v41;
	v46 =	vadd.bf16 v43, v22  }
0x11f: {  	v22 =	vadd.bf16 v49, v50;
	v41 =	vmul.bf16 v15, v1;
	v50 =	vmul.bf16 v12, v19  }
0x120: {  	v12 =	vmul.bf16 v12, v13;
	v25 =	vsub.bf16 v0, v6;
	v44 =	vmul.bf16 v6, v14  }
0x121: {  	v57 =	vld [tilespmem:s31+$0xC860];
	v45 =	vmul.bf16 v6, v19;
	v48 =	vmul.bf16 v6, v13;
	v8 =	vsub.bf16 v8, v42  }
0x122: {  	v58 =	vld [tilespmem:s31+$0xC870];
	v17 =	vsub.bf16 v46, v47;
	v42 =	vmul.bf16 v18, v13;
	v47 =	vmul.bf16 v15, v14  }
0x123: {  	v40 =	vld [tilespmem:s31+$0xB860];
	v28 =	vsub.bf16 v38, v39;
	v15 =	vmul.bf16 v15, v19;
	v14 =	vmul.bf16 v18, v14  }
0x124: {  	v43 =	vld [tilespmem:s31+$0xB870];
	v22 =	vadd.bf16 v22, v53;
	v56 =	vmul.bf16 v25, v2;
	v32 =	vmul.bf16 v25, v4  }
0x125: {  	v61 =	vmul.bf16 v25, v5;
	v25 =	vmul.bf16 v25, v3;
	v28 =	vsub.bf16 v28, v44  }
0x126: {  	v44 =	vmul.bf16 v10, v5;
	v22 =	vsub.bf16 v22, v55;
	v21 =	vsub.bf16 v21, v56  }
0x127: {  	v55 =	vmul.bf16 v18, v19;
	v12 =	vadd.bf16 v12, v15;
	v30 =	vadd.bf16 v32, v60  }
0x128: {  	v19 =	vpack.i.f32.bf16 v58, v57;
	v33 =	vadd.bf16 v61, v26;
	v21 =	vsub.bf16 v21, v62  }
0x129: {  	v49 =	vld [tilespmem:s31+$0xC070];
	v26 =	vadd.bf16 v29, v37;
	v29 =	vadd.bf16 v42, v41;
	v32 =	vpack.i.f32.bf16 v43, v40  }
0x12a: {  	v46 =	vld [tilespmem:s31+$0xC060];
	v53 =	vsub.bf16 v28, v50;
	v60 =	vmul.bf16 v9, v3;
	v8 =	vsub.bf16 v8, v21  }
0x12b: {  	v40 =	vmul.bf16 v11, v2;
	v42 =	vmul.bf16 v10, v4;
	v12 =	vadd.bf16 v12, v14  }
0x12c: {  	v35 =	vadd.bf16 v63, v30;
	v23 =	vsub.bf16 v33, v34;
	v8 =	vmul.bf16 v8, v16  }
0x12d: {  	v43 =	vmul.bf16 v7, v2;
	v24 =	vadd.bf16 v26, v24;
	v29 =	vadd.bf16 v45, v29  }
0x12e: {  	v26 =	vadd.bf16 v48, v47;
	v61 =	vsub.bf16 v17, v23;
	v62 =	vunpack.i.l.bf16.f32 v8  }
0x12f: {  	v56 =	vpack.i.f32.bf16 v49, v46;
	v15 =	vsub.bf16 v59, v60;
	v17 =	vadd.f32 v62, v31  }
0x130: {  	v27 =	vsub.bf16 v35, v36;
	v14 =	vmul.bf16 v61, v32;
	v8 =	vunpack.i.u.bf16.f32 v8  }
0x131: {  	v34 =	vmul.bf16 v9, v4;
	v45 =	vadd.bf16 v42, v43;
	v8 =	vadd.f32 v17, v8  }
0x132: {  	v24 =	vsub.bf16 v24, v25;
	v32 =	vsub.bf16 v20, v27;
	v33 =	vunpack.i.l.bf16.f32 v14  }
0x133: {  	v54 =	vsub.bf16 v29, v51;
	v29 =	vmul.bf16 v10, v2;
	v8 =	vadd.f32 v33, v8  }
0x134: {  	v26 =	vadd.bf16 v52, v26;
	v14 =	vunpack.i.u.bf16.f32 v14;
	v13 =	vmul.bf16 v32, v56  }
0x135: {  	v63 =	vld [tilespmem:s31+$0xD060];
	v35 =	vmul.bf16 v7, v3;
	v15 =	vsub.bf16 v15, v29;
	v8 =	vadd.f32 v8, v14  }
0x136: {  	v30 =	vld [tilespmem:s31+$0xD070];
	v22 =	vsub.bf16 v22, v24;
	v31 =	vmul.bf16 v11, v5;
	v41 =	vunpack.i.l.bf16.f32 v13  }
0x137: {  	v46 =	vmul.bf16 v9, v5;
	v38 =	vadd.bf16 v34, v35;
	v8 =	vadd.f32 v41, v8  }
0x138: {  	v19 =	vmul.bf16 v22, v19;
	v13 =	vunpack.i.u.bf16.f32 v13;
	v15 =	vsub.bf16 v15, v31  }
0x139: {  	v39 =	vld [tilespmem:s31+$0xD870];
	v4 =	vmul.bf16 v11, v4;
	v21 =	vsub.bf16 v26, v55;
	v8 =	vadd.f32 v8, v13  }
0x13a: {  	v37 =	vld [tilespmem:s31+$0xD860];
	v18 =	vadd.bf16 v40, v38;
	v47 =	vunpack.i.l.bf16.f32 v19;
	v15 =	vadd.bf16 v53, v15  }
0x13b: {  	v36 =	vpack.i.f32.bf16 v30, v63;
	v5 =	vmul.bf16 v7, v5;
	v8 =	vadd.f32 v47, v8  }
0x13c: {  	v48 =	vsub.bf16 v18, v44;
	v49 =	vunpack.i.u.bf16.f32 v19;
	v15 =	vmul.bf16 v15, v36  }
0x13d: {  	v50 =	vld [tilespmem:s31+$0xE060];
	v11 =	vmul.bf16 v11, v3;
	v3 =	vmul.bf16 v10, v3;
	v51 =	vadd.f32 v8, v49  }
0x13e: {  	v52 =	vld [tilespmem:s31+$0xE070];
	v17 =	vadd.bf16 v54, v48;
	v53 =	vunpack.i.l.bf16.f32 v15;
	v13 =	vadd.bf16 v45, v46  }
0x13f: {  	v4 =	vadd.bf16 v4, v5;
	v14 =	vpack.i.f32.bf16 v39, v37;
	v54 =	vadd.f32 v53, v51  }
0x140: {  	v57 =	vmul.bf16 v17, v14;
	v56 =	vunpack.i.u.bf16.f32 v15;
	v55 =	vsub.bf16 v13, v11  }
0x141: {  	v1 =	vmul.bf16 v6, v1;
	v58 =	vld [tilespmem:s31+$0xE860];
	v2 =	vmul.bf16 v9, v2;
	v59 =	vadd.f32 v54, v56  }
0x142: {  	v60 =	vld [tilespmem:s31+$0xE870];
	v3 =	vadd.bf16 v4, v3;
	v62 =	vunpack.i.l.bf16.f32 v57;
	v61 =	vadd.bf16 v21, v55  }
0x143: {  	v1 =	vsub.bf16 v12, v1;
	v8 =	vpack.i.f32.bf16 v52, v50;
	v4 =	vadd.f32 v62, v59  }
0x144: {  	v2 =	vsub.bf16 v3, v2;
	v3 =	vunpack.i.u.bf16.f32 v57;
	v6 =	vmul.bf16 v61, v8  }
0x145: {  	v3 =	vadd.f32 v4, v3  }
0x146: {  	s1 =	sand.u32 $0x7, s30;
	v1 =	vadd.bf16 v1, v2;
	v2 =	vunpack.i.l.bf16.f32 v6  }
0x147: {  	p0 =	seq.s32 s25, s29;
	p1 =	sne.s32 s1, $0x0;
	v63 =	vpack.i.f32.bf16 v60, v58;
	v2 =	vadd.f32 v2, v3  }
0x148: {  	p0 =	por !p0, !p1;
	v1 =	vmul.bf16 v1, v63;
	v3 =	vunpack.i.u.bf16.f32 v6  }
0x149: {  	s0 =	sadd.s32 s30, s24;
	p0 =	por !p0, !p0;
	s31 =	simm.s32 $0x1;
	v2 =	vadd.f32 v2, v3  }
0x14a: {  	s1 =	sshrl.u32 s0, $0x3;
	s31 =	simm.s32 @!p0 $0x0;
	p0 =	sne.s32 s29, $0x1E00;
	v3 =	vunpack.i.l.bf16.f32 v1  }
.Ltmp2:
0x14b: {  	s1 =	ssub.s32 s1, s31;
	v2 =	vadd.f32 v3, v2;
	(pc) =	sbr.rel @p0 .LBB2_3-.Ltmp2, $4  }
0x14c: {  	s1 =	sshll.u32 s1, $0x9;
	v1 =	vunpack.i.u.bf16.f32 v1  }
0x14d: {  	s0 =	sand.u32 $0x70, s28;
	s1 =	sshra.s32 s1, $0x2;
	v1 =	vadd.f32 v2, v1  }
0x14e: {  	s1 =	sor.u32 s0, s1  }
0x14f: {  	s30 =	sadd.s32 $0x1, s30;
	s28 =	sadd.s32 $0x10, s28;
	s29 =	sadd.s32 $0x200, s29;
	[tilespmem:s1+$0x1B000] =	vst v1  }
0x150: {  	p0 =	seq.s32 s26, $0xF  }
0x151: {  	s1 =	smul.u32 @!p0 $0xC00, s26;
	_ =	sdelay $0x1  }
0x152: {  	s1 =	sshra.s32 @!p0 s1, $0x2  }
0x153: {  	s29 =	simm.s32 @!p0 $0x80;
	s30 =	simm.s32 @!p0 $0x3000;
	s28 =	sadd.s32 @!p0 $0x300, s1  }
0x154: {  	[tilespmem:s30], [sflag:$0x1] =	stream.indirect.gather @!p0 [hbm4b:s2+s29], $0x80, s28, s29, $0xb8;
	[tilespmem:$0x1D000] =	vst v63  }
0x155: {  	s28 =	sadd.s32 @!p0 $0x380, s1;
	s30 =	simm.s32 @!p0 $0xB000  }
0x156: {  	[tilespmem:s30], [sflag:$0x1] =	stream.indirect.gather @!p0 [hbm4b:s2+s29], $0x80, s28, s29, $0xb8;
	[tilespmem:$0x1D000] =	vst v63  }
0x157: {  	s1 =	sadd.s32 @!p0 $0x400, s1;
	s28 =	simm.s32 @!p0 $0x13000  }
0x158: {  	[tilespmem:s28], [sflag:$0x1] =	stream.indirect.gather @!p0 [hbm4b:s4+s29], $0x80, s1, s29, $0xb8;
	[tilespmem:$0x1D000] =	vst v63  }
0x159: {  	_ =	swait.ge [sflag:s21], $0x4000  }
0x15a: {  	[sflag:s21] =	ssyncset.done $0x0  }
0x15b: {  	[sflag:s21] =	ssyncadd.s32 $0xFFFFC000  }
0x15c: {  	_ =	swait.ge [sflag:s21], $0x4000  }
0x15d: {  	[sflag:s21] =	ssyncset.done $0x0  }
0x15e: {  	[sflag:s21] =	ssyncadd.s32 $0xFFFFC000  }
0x15f: {  	s0 =	sshll.u32 s26, $0x9;
	s31 =	simm.s32 $0x0;
	_ =	swait.ge [sflag:s21], $0x4000  }
0x160: {  	s30 =	simm.s32 $0x0;
	s1 =	sand.u32 $0x3FFFFE00, s0;
	[sflag:s21] =	ssyncset.done $0x0  }
0x161: {  	s29 =	simm.s32 $0x0;
	s28 =	sadd.s32 $0x1B000, s1;
	[sflag:s21] =	ssyncadd.s32 $0xFFFFC000  }
.LBB2_5:
0x162: {  	s1 =	sshra.s32 s31, $0x2  }
0x163: {  	v1 =	vld [tilespmem:s1+$0x7000]  }
0x164: {  	v2 =	vld [tilespmem:s1+$0x7010]  }
0x165: {  	v3 =	vld [tilespmem:s1+$0x7800]  }
0x166: {  	v4 =	vld [tilespmem:s1+$0x7810]  }
0x167: {  	v5 =	vld [tilespmem:s1+$0x8000]  }
0x168: {  	v6 =	vld [tilespmem:s1+$0x8010]  }
0x169: {  	v7 =	vld [tilespmem:s1+$0x8800]  }
0x16a: {  	v8 =	vld [tilespmem:s1+$0x8810]  }
0x16b: {  	v9 =	vld [tilespmem:s1+$0x9000]  }
0x16c: {  	v10 =	vld [tilespmem:s1+$0x9010]  }
0x16d: {  	v11 =	vld [tilespmem:s1+$0x9800]  }
0x16e: {  	v12 =	vld [tilespmem:s1+$0x9810]  }
0x16f: {  	v13 =	vld [tilespmem:s1+$0xA000]  }
0x170: {  	v14 =	vld [tilespmem:s1+$0xA010]  }
0x171: {  	v15 =	vld [tilespmem:s1+$0xA800]  }
0x172: {  	v16 =	vld [tilespmem:s1+$0xA810]  }
0x173: {  	v17 =	vld [tilespmem:s1+$0xF000]  }
0x174: {  	v18 =	vld [tilespmem:s1+$0xF010]  }
0x175: {  	v19 =	vld [tilespmem:s1+$0x17000]  }
0x176: {  	v20 =	vld [tilespmem:s1+$0x17010]  }
0x177: {  	v21 =	vld [tilespmem:s1+$0x17800]  }
0x178: {  	v22 =	vld [tilespmem:s1+$0x17810]  }
0x179: {  	v23 =	vld [tilespmem:s1+$0x18000]  }
0x17a: {  	v24 =	vld [tilespmem:s1+$0x18010]  }
0x17b: {  	v25 =	vld [tilespmem:s1+$0x18800]  }
0x17c: {  	v26 =	vld [tilespmem:s1+$0x18810]  }
0x17d: {  	v27 =	vld [tilespmem:s1+$0x19000]  }
0x17e: {  	v28 =	vld [tilespmem:s1+$0x19010]  }
0x17f: {  	v29 =	vld [tilespmem:s1+$0x19800]  }
0x180: {  	v31 =	vld [tilespmem:s1+$0x19810];
	v30 =	vpack.i.f32.bf16 v2, v1;
	v1 =	vpack.i.f32.bf16 v4, v3;
	v32 =	vpack.i.f32.bf16 v6, v5  }
0x181: {  	v41 =	vld [tilespmem:s1+$0x1A000];
	v8 =	vpack.i.f32.bf16 v8, v7;
	v4 =	vpack.i.f32.bf16 v10, v9;
	v3 =	vpack.i.f32.bf16 v12, v11  }
0x182: {  	v42 =	vld [tilespmem:s1+$0x1A010];
	v2 =	vpack.i.f32.bf16 v14, v13;
	v6 =	vpack.i.f32.bf16 v16, v15;
	v7 =	vpack.i.f32.bf16 v20, v19  }
0x183: {  	v43 =	vld [tilespmem:s1+$0x1A800];
	v10 =	vpack.i.f32.bf16 v18, v17;
	v11 =	vpack.i.f32.bf16 v22, v21;
	v45 =	vmul.bf16 v7, v30  }
0x184: {  	v44 =	vld [tilespmem:s1+$0x1A810];
	v12 =	vpack.i.f32.bf16 v24, v23;
	v46 =	vmul.bf16 v11, v1;
	v47 =	vmul.bf16 v11, v30  }
0x185: {  	v13 =	vpack.i.f32.bf16 v26, v25;
	v48 =	vmul.bf16 v7, v1;
	v50 =	vmul.bf16 v12, v32  }
0x186: {  	v15 =	vpack.i.f32.bf16 v28, v27;
	v51 =	vmul.bf16 v13, v8;
	v52 =	vmul.bf16 v13, v32  }
0x187: {  	v19 =	vpack.i.f32.bf16 v31, v29;
	v53 =	vmul.bf16 v12, v30;
	v54 =	vmul.bf16 v7, v32  }
0x188: {  	v5 =	vpack.i.f32.bf16 v42, v41;
	v56 =	vmul.bf16 v12, v8;
	v57 =	vmul.bf16 v11, v8  }
0x189: {  	v14 =	vpack.i.f32.bf16 v44, v43;
	v58 =	vmul.bf16 v13, v30;
	v59 =	vmul.bf16 v7, v8  }
0x18a: {  	v60 =	vmul.bf16 v13, v1;
	v61 =	vsub.bf16 v0, v19;
	v62 =	vmul.bf16 v12, v1  }
0x18b: {  	v63 =	vsub.bf16 v0, v5;
	v36 =	vmul.bf16 v15, v4;
	v38 =	vmul.bf16 v11, v32  }
0x18c: {  	v40 =	vmul.bf16 v15, v3;
	v42 =	vsub.bf16 v0, v14;
	v28 =	vmul.bf16 v15, v2  }
0x18d: {  	v31 =	vmul.bf16 v19, v30;
	v34 =	vmul.bf16 v5, v32;
	v11 =	vsub.bf16 v0, v11  }
0x18e: {  	v12 =	vsub.bf16 v0, v12;
	v37 =	vmul.bf16 v61, v3;
	v39 =	vmul.bf16 v63, v2  }
0x18f: {  	v13 =	vsub.bf16 v0, v13;
	v41 =	vmul.bf16 v61, v4;
	v43 =	vmul.bf16 v63, v4  }
0x190: {  	v49 =	vsub.bf16 v45, v46;
	v44 =	vmul.bf16 v63, v6;
	v45 =	vmul.bf16 v42, v6  }
0x191: {  	v20 =	vadd.bf16 v47, v48;
	v46 =	vmul.bf16 v42, v3;
	v48 =	vmul.bf16 v42, v2  }
0x192: {  	v17 =	vadd.bf16 v53, v54;
	v27 =	vmul.bf16 v42, v4;
	v53 =	vmul.bf16 v19, v1  }
0x193: {  	v22 =	vmul.bf16 v61, v2;
	v9 =	vsub.bf16 v49, v50;
	v55 =	vadd.bf16 v52, v20  }
0x194: {  	v23 =	vmul.bf16 v63, v3;
	v17 =	vadd.bf16 v17, v57;
	v20 =	vadd.bf16 v58, v59  }
0x195: {  	v63 =	vmul.bf16 v14, v1;
	v18 =	vsub.bf16 v36, v37;
	v24 =	vadd.bf16 v41, v40  }
0x196: {  	v28 =	vadd.bf16 v43, v28;
	v50 =	vmul.bf16 v61, v6;
	v52 =	vmul.bf16 v15, v30  }
0x197: {  	v57 =	vmul.bf16 v5, v8;
	v58 =	vmul.bf16 v15, v32;
	v9 =	vsub.bf16 v9, v51  }
0x198: {  	v36 =	vmul.bf16 v5, v30;
	v16 =	vsub.bf16 v55, v56;
	v17 =	vsub.bf16 v17, v60  }
0x199: {  	v33 =	vld [tilespmem:s1+$0xF810];
	v59 =	vmul.bf16 v14, v8;
	v20 =	vadd.bf16 v20, v62;
	v18 =	vsub.bf16 v18, v39  }
0x19a: {  	v54 =	vld [tilespmem:s1+$0xF800];
	v47 =	vadd.bf16 v44, v24;
	v51 =	vmul.bf16 v15, v6;
	v55 =	vmul.bf16 v15, v1  }
0x19b: {  	v35 =	vld [tilespmem:s1+$0x10010];
	v49 =	vadd.bf16 v46, v28;
	v62 =	vmul.bf16 v19, v8;
	v8 =	vmul.bf16 v15, v8  }
0x19c: {  	v37 =	vld [tilespmem:s1+$0x10800];
	v26 =	vsub.bf16 v52, v53;
	v44 =	vmul.bf16 v19, v32;
	v46 =	vmul.bf16 v11, v3  }
0x19d: {  	v40 =	vld [tilespmem:s1+$0x11000];
	v52 =	vmul.bf16 v11, v4;
	v53 =	vmul.bf16 v7, v3;
	v20 =	vsub.bf16 v20, v38  }
0x19e: {  	v61 =	vld [tilespmem:s1+$0x11010];
	v1 =	vmul.bf16 v5, v1;
	v18 =	vsub.bf16 v18, v45;
	v21 =	vsub.bf16 v47, v48  }
0x19f: {  	v43 =	vld [tilespmem:s1+$0x11810];
	v29 =	vpack.i.f32.bf16 v33, v54;
	v25 =	vsub.bf16 v49, v50;
	v24 =	vadd.bf16 v27, v51  }
0x1a0: {  	v56 =	vld [tilespmem:s1+$0x10000];
	v27 =	vadd.bf16 v31, v55;
	v26 =	vsub.bf16 v26, v34;
	v38 =	vmul.bf16 v14, v32  }
0x1a1: {  	v60 =	vld [tilespmem:s1+$0x10810];
	v14 =	vmul.bf16 v14, v30;
	v54 =	vadd.bf16 v52, v53;
	v22 =	vadd.bf16 v24, v22  }
0x1a2: {  	v28 =	vld [tilespmem:s1+$0x12000];
	v45 =	vmul.bf16 v7, v4;
	v27 =	vadd.bf16 v57, v27;
	v24 =	vadd.bf16 v36, v58  }
0x1a3: {  	v39 =	vld [tilespmem:s1+$0x9820];
	v49 =	vmul.bf16 v12, v2;
	v41 =	vsub.bf16 v26, v59;
	v9 =	vsub.bf16 v9, v18  }
0x1a4: {  	v32 =	vld [tilespmem:s1+$0x12800];
	v50 =	vmul.bf16 v13, v6;
	v8 =	vadd.bf16 v14, v8;
	v47 =	vsub.bf16 v16, v21  }
0x1a5: {  	v34 =	vld [tilespmem:s1+$0x7820];
	v55 =	vmul.bf16 v13, v2;
	v19 =	vsub.bf16 v45, v46;
	v17 =	vsub.bf16 v17, v25  }
0x1a6: {  	v52 =	vld [tilespmem:s1+$0x17820];
	v26 =	vpack.i.f32.bf16 v61, v40;
	v57 =	vmul.bf16 v12, v4;
	v58 =	vmul.bf16 v7, v2  }
0x1a7: {  	v53 =	vld [tilespmem:s1+$0x17830];
	v30 =	vadd.bf16 v55, v54;
	v59 =	vmul.bf16 v12, v6;
	v4 =	vmul.bf16 v13, v4  }
0x1a8: {  	v21 =	vld [tilespmem:s1+$0x12810];
	v13 =	vmul.bf16 v13, v3;
	v42 =	vpack.i.f32.bf16 v35, v56;
	v9 =	vmul.bf16 v9, v10  }
0x1a9: {  	v40 =	vld [tilespmem:s1+$0xA820];
	v31 =	vpack.i.f32.bf16 v60, v37;
	v60 =	vmul.bf16 v11, v6;
	v22 =	vsub.bf16 v22, v23  }
0x1aa: {  	v45 =	vld [tilespmem:s1+$0xF020];
	v27 =	vsub.bf16 v27, v38;
	v24 =	vadd.bf16 v63, v24;
	v48 =	vunpack.i.l.bf16.f32 v9  }
0x1ab: {  	v54 =	vld [tilespmem:s1+$0x18020];
	v6 =	vmul.bf16 v7, v6;
	v8 =	vadd.bf16 v8, v44;
	v16 =	vadd.f32 $0.0e+00, v48  }
0x1ac: {  	v35 =	vld [tilespmem:s1+$0x8820];
	v14 =	vmul.bf16 v47, v29;
	v19 =	vsub.bf16 v19, v49;
	v9 =	vunpack.i.u.bf16.f32 v9  }
0x1ad: {  	v3 =	vmul.bf16 v12, v3;
	v63 =	vld [tilespmem:s1+$0x11800];
	v37 =	vadd.bf16 v57, v58;
	v9 =	vadd.f32 v16, v9  }
0x1ae: {  	v10 =	vld [tilespmem:s1+$0x12010];
	v30 =	vsub.bf16 v30, v59;
	v4 =	vadd.bf16 v4, v6;
	v51 =	vunpack.i.l.bf16.f32 v14  }
0x1af: {  	v29 =	vld [tilespmem:s1+$0x7020];
	v15 =	vmul.bf16 v17, v42;
	v24 =	vsub.bf16 v24, v62;
	v9 =	vadd.f32 v51, v9  }
0x1b0: {  	v17 =	vld [tilespmem:s1+$0x8020];
	v19 =	vsub.bf16 v19, v50;
	v14 =	vunpack.i.u.bf16.f32 v14;
	v20 =	vsub.bf16 v20, v22  }
0x1b1: {  	v2 =	vmul.bf16 v11, v2;
	v57 =	vld [tilespmem:s1+$0x18820];
	v62 =	vadd.bf16 v37, v60;
	v9 =	vadd.f32 v9, v14  }
0x1b2: {  	v58 =	vld [tilespmem:s1+$0x18830];
	v56 =	vunpack.i.l.bf16.f32 v15;
	v37 =	vadd.bf16 v27, v30;
	v1 =	vsub.bf16 v8, v1  }
0x1b3: {  	v59 =	vld [tilespmem:s1+$0x19020];
	v15 =	vunpack.i.u.bf16.f32 v15;
	v3 =	vadd.bf16 v4, v3;
	v9 =	vadd.f32 v56, v9  }
0x1b4: {  	v22 =	vld [tilespmem:s1+$0x8830];
	v55 =	vpack.i.f32.bf16 v21, v32;
	v20 =	vmul.bf16 v20, v31;
	v19 =	vadd.bf16 v41, v19  }
0x1b5: {  	v50 =	vld [tilespmem:s1+$0x17020];
	v18 =	vpack.i.f32.bf16 v43, v63;
	v43 =	vsub.bf16 v62, v13;
	v9 =	vadd.f32 v9, v15  }
0x1b6: {  	v60 =	vld [tilespmem:s1+$0x19030];
	v10 =	vpack.i.f32.bf16 v10, v28;
	v2 =	vsub.bf16 v3, v2;
	v61 =	vunpack.i.l.bf16.f32 v20  }
0x1b7: {  	v16 =	vld [tilespmem:s1+$0x7030];
	v12 =	vpack.i.f32.bf16 v58, v57;
	v19 =	vmul.bf16 v19, v26;
	v9 =	vadd.f32 v61, v9  }
0x1b8: {  	v20 =	vunpack.i.u.bf16.f32 v20;
	v18 =	vmul.bf16 v37, v18;
	v48 =	vadd.bf16 v24, v43;
	v51 =	vld [tilespmem:s1+$0x17030]  }
0x1b9: {  	v1 =	vadd.bf16 v1, v2;
	v38 =	vunpack.i.l.bf16.f32 v19;
	v14 =	vld [tilespmem:s1+$0x8030];
	v63 =	vadd.f32 v9, v20  }
0x1ba: {  	v44 =	vunpack.i.u.bf16.f32 v19;
	v49 =	vunpack.i.l.bf16.f32 v18;
	v3 =	vunpack.i.u.bf16.f32 v18;
	v56 =	vld [tilespmem:s1+$0x18030]  }
0x1bb: {  	v23 =	vld [tilespmem:s1+$0x9830];
	v18 =	vpack.i.f32.bf16 v60, v59;
	v6 =	vmul.bf16 v48, v10;
	v41 =	vadd.f32 v38, v63  }
0x1bc: {  	v31 =	vld [tilespmem:s1+$0x9020];
	v1 =	vmul.bf16 v1, v55;
	v10 =	vpack.i.f32.bf16 v53, v52;
	v16 =	vpack.i.f32.bf16 v16, v29  }
0x1bd: {  	v37 =	vmul.bf16 v10, v16;
	v48 =	vmul.bf16 v12, v16;
	v15 =	vld [tilespmem:s1+$0x9030];
	v46 =	vadd.f32 v41, v44  }
0x1be: {  	v47 =	vld [tilespmem:s1+$0xF030];
	v7 =	vpack.i.f32.bf16 v51, v50;
	v14 =	vpack.i.f32.bf16 v14, v17;
	v17 =	vpack.i.f32.bf16 v22, v35  }
0x1bf: {  	v42 =	vld [tilespmem:s1+$0xA830];
	v35 =	vmul.bf16 v7, v16;
	v11 =	vpack.i.f32.bf16 v56, v54;
	v4 =	vadd.f32 v49, v46  }
0x1c0: {  	v62 =	vld [tilespmem:s1+$0x19830];
	v2 =	vunpack.i.l.bf16.f32 v6;
	v43 =	vmul.bf16 v11, v16;
	v44 =	vmul.bf16 v7, v14  }
0x1c1: {  	v56 =	vmul.bf16 v10, v14;
	v63 =	vld [tilespmem:s1+$0x1A020];
	v46 =	vmul.bf16 v11, v17;
	v3 =	vadd.f32 v4, v3  }
0x1c2: {  	v20 =	vadd.bf16 v43, v44;
	v49 =	vmul.bf16 v7, v17;
	v4 =	vpack.i.f32.bf16 v15, v31;
	v31 =	vld [tilespmem:s1+$0x1A030]  }
0x1c3: {  	v61 =	vld [tilespmem:s1+$0x19820];
	v43 =	vmul.bf16 v18, v16;
	v15 =	vpack.i.f32.bf16 v47, v45;
	v2 =	vadd.f32 v2, v3  }
0x1c4: {  	v25 =	vld [tilespmem:s1+$0x7830];
	v47 =	vmul.bf16 v10, v17;
	v54 =	vmul.bf16 v18, v4;
	v3 =	vunpack.i.u.bf16.f32 v6  }
0x1c5: {  	v36 =	vld [tilespmem:s1+$0xA030];
	v6 =	vpack.i.f32.bf16 v42, v40;
	v40 =	vmul.bf16 v12, v17;
	v2 =	vadd.f32 v2, v3  }
0x1c6: {  	v26 =	vld [tilespmem:s1+$0xA020];
	v42 =	vmul.bf16 v12, v14;
	v20 =	vadd.bf16 v20, v47;
	v3 =	vunpack.i.l.bf16.f32 v1  }
0x1c7: {  	v5 =	vpack.i.f32.bf16 v31, v63;
	v2 =	vadd.f32 v3, v2;
	v3 =	vpack.i.f32.bf16 v23, v39  }
0x1c8: {  	v23 =	vpack.i.f32.bf16 v62, v61;
	v39 =	vmul.bf16 v11, v14;
	v53 =	vsub.bf16 v0, v5  }
0x1c9: {  	v1 =	vunpack.i.u.bf16.f32 v1;
	v58 =	vmul.bf16 v18, v3;
	v47 =	vmul.bf16 v23, v16  }
0x1ca: {  	v8 =	vadd.f32 v2, v1;
	v1 =	vpack.i.f32.bf16 v25, v34;
	v62 =	vmul.bf16 v53, v4  }
0x1cb: {  	v2 =	vpack.i.f32.bf16 v36, v26;
	v63 =	vmul.bf16 v53, v6;
	v26 =	vmul.bf16 v53, v3  }
0x1cc: {  	v51 =	vsub.bf16 v0, v23;
	v36 =	vmul.bf16 v10, v1;
	v25 =	vmul.bf16 v7, v1  }
0x1cd: {  	v50 =	vmul.bf16 v12, v1;
	v52 =	vmul.bf16 v11, v1  }
0x1ce: {  	v22 =	vadd.bf16 v48, v49;
	v55 =	vmul.bf16 v51, v3;
	v57 =	vmul.bf16 v53, v2  }
0x1cf: {  	v59 =	vmul.bf16 v51, v4;
	v10 =	vsub.bf16 v0, v10;
	v11 =	vsub.bf16 v0, v11  }
0x1d0: {  	v33 =	vld [tilespmem:s1+$0x1A820];
	v61 =	vmul.bf16 v18, v2;
	v12 =	vsub.bf16 v0, v12;
	v38 =	vsub.bf16 v35, v36  }
0x1d1: {  	v34 =	vld [tilespmem:s1+$0x1A830];
	v44 =	vmul.bf16 v23, v1;
	v41 =	vadd.bf16 v37, v25;
	v20 =	vsub.bf16 v20, v50  }
0x1d2: {  	v53 =	vmul.bf16 v18, v14;
	v22 =	vadd.bf16 v22, v52;
	v21 =	vsub.bf16 v54, v55  }
0x1d3: {  	v27 =	vadd.bf16 v59, v58;
	v31 =	vadd.bf16 v62, v61;
	v25 =	vmul.bf16 v51, v2  }
0x1d4: {  	v29 =	vsub.bf16 v43, v44;
	v50 =	vmul.bf16 v5, v14;
	v62 =	vmul.bf16 v23, v17  }
0x1d5: {  	v43 =	vmul.bf16 v7, v4;
	v44 =	vmul.bf16 v10, v3;
	v9 =	vsub.bf16 v38, v39  }
0x1d6: {  	v13 =	vpack.i.f32.bf16 v34, v33;
	v45 =	vadd.bf16 v42, v41;
	v21 =	vsub.bf16 v21, v57  }
0x1d7: {  	v22 =	vsub.bf16 v22, v56;
	v41 =	vmul.bf16 v51, v6;
	v42 =	vmul.bf16 v18, v6  }
0x1d8: {  	v48 =	vld [tilespmem:s1+$0xF830];
	v38 =	vadd.bf16 v63, v27;
	v51 =	vmul.bf16 v5, v17;
	v56 =	vmul.bf16 v13, v17  }
0x1d9: {  	v49 =	vld [tilespmem:s1+$0x10020];
	v60 =	vsub.bf16 v0, v13;
	v58 =	vmul.bf16 v13, v14;
	v59 =	vmul.bf16 v13, v1  }
0x1da: {  	v52 =	vld [tilespmem:s1+$0x10030];
	v29 =	vsub.bf16 v29, v50;
	v17 =	vmul.bf16 v18, v17;
	v13 =	vmul.bf16 v13, v16  }
0x1db: {  	v55 =	vld [tilespmem:s1+$0x10820];
	v14 =	vmul.bf16 v23, v14;
	v9 =	vsub.bf16 v9, v40;
	v36 =	vmul.bf16 v60, v6  }
0x1dc: {  	v61 =	vld [tilespmem:s1+$0x11030];
	v19 =	vsub.bf16 v45, v46;
	v37 =	vmul.bf16 v60, v3;
	v39 =	vmul.bf16 v60, v2  }
0x1dd: {  	v35 =	vld [tilespmem:s1+$0x8840];
	v30 =	vmul.bf16 v60, v4;
	v13 =	vadd.bf16 v13, v17;
	v17 =	vsub.bf16 v43, v44  }
0x1de: {  	v45 =	vld [tilespmem:s1+$0xF820];
	v46 =	vmul.bf16 v18, v1;
	v21 =	vsub.bf16 v21, v36;
	v40 =	vadd.bf16 v37, v31  }
0x1df: {  	v54 =	vmul.bf16 v5, v16;
	v57 =	vld [tilespmem:s1+$0x10830];
	v24 =	vsub.bf16 v38, v39;
	v27 =	vadd.bf16 v30, v42  }
0x1e0: {  	v63 =	vld [tilespmem:s1+$0x11820];
	v1 =	vmul.bf16 v5, v1;
	v30 =	vadd.bf16 v47, v46;
	v13 =	vadd.bf16 v13, v14  }
0x1e1: {  	v33 =	vld [tilespmem:s1+$0x7840];
	v47 =	vmul.bf16 v11, v2;
	v28 =	vsub.bf16 v40, v41;
	v25 =	vadd.bf16 v27, v25  }
0x1e2: {  	v34 =	vld [tilespmem:s1+$0x1A840];
	v37 =	vmul.bf16 v12, v3;
	v30 =	vadd.bf16 v51, v30;
	v27 =	vadd.bf16 v54, v53  }
0x1e3: {  	v60 =	vld [tilespmem:s1+$0x11020];
	v32 =	vpack.i.f32.bf16 v48, v45;
	v40 =	vsub.bf16 v29, v56;
	v9 =	vsub.bf16 v9, v21  }
0x1e4: {  	v23 =	vld [tilespmem:s1+$0xA040];
	v41 =	vpack.i.f32.bf16 v52, v49;
	v45 =	vsub.bf16 v19, v24;
	v49 =	vmul.bf16 v12, v6  }
0x1e5: {  	v42 =	vld [tilespmem:s1+$0x11830];
	v48 =	vpack.i.f32.bf16 v57, v55;
	v51 =	vmul.bf16 v10, v4;
	v52 =	vmul.bf16 v7, v3  }
0x1e6: {  	v31 =	vld [tilespmem:s1+$0x12820];
	v17 =	vsub.bf16 v17, v47;
	v55 =	vmul.bf16 v12, v2;
	v57 =	vmul.bf16 v11, v4  }
0x1e7: {  	v24 =	vld [tilespmem:s1+$0x12830];
	v4 =	vmul.bf16 v12, v4;
	v3 =	vmul.bf16 v11, v3;
	v1 =	vsub.bf16 v13, v1  }
0x1e8: {  	v19 =	vld [tilespmem:s1+$0x7040];
	v53 =	vpack.i.f32.bf16 v61, v60;
	v25 =	vsub.bf16 v25, v26;
	v9 =	vmul.bf16 v9, v15  }
0x1e9: {  	v47 =	vld [tilespmem:s1+$0xF050];
	v60 =	vmul.bf16 v10, v6;
	v30 =	vsub.bf16 v30, v58;
	v27 =	vadd.bf16 v59, v27  }
0x1ea: {  	v15 =	vld [tilespmem:s1+$0x12030];
	v20 =	vsub.bf16 v20, v28;
	v17 =	vsub.bf16 v17, v49;
	v46 =	vunpack.i.l.bf16.f32 v9  }
0x1eb: {  	v14 =	vmul.bf16 v45, v32;
	v54 =	vadd.bf16 v51, v52;
	v45 =	vld [tilespmem:s1+$0xF040];
	v8 =	vadd.f32 v46, v8  }
0x1ec: {  	v58 =	vmul.bf16 v7, v2;
	v21 =	vsub.bf16 v27, v62;
	v27 =	vld [tilespmem:s1+$0x12020];
	v9 =	vunpack.i.u.bf16.f32 v9  }
0x1ed: {  	v59 =	vmul.bf16 v11, v6;
	v16 =	vmul.bf16 v20, v41;
	v20 =	vld [tilespmem:s1+$0x8040];
	v8 =	vadd.f32 v8, v9  }
0x1ee: {  	v6 =	vmul.bf16 v7, v6;
	v50 =	vunpack.i.l.bf16.f32 v14;
	v22 =	vsub.bf16 v22, v25;
	v25 =	vld [tilespmem:s1+$0x8850]  }
0x1ef: {  	v2 =	vmul.bf16 v10, v2;
	v29 =	vadd.bf16 v55, v54;
	v54 =	vld [tilespmem:s1+$0x17850];
	v8 =	vadd.f32 v50, v8  }
0x1f0: {  	v14 =	vunpack.i.u.bf16.f32 v14;
	v36 =	vadd.bf16 v57, v58;
	v17 =	vadd.bf16 v40, v17;
	v55 =	vld [tilespmem:s1+$0x18040]  }
0x1f1: {  	v18 =	vpack.i.f32.bf16 v42, v63;
	v4 =	vadd.bf16 v4, v6;
	v57 =	vld [tilespmem:s1+$0x18050];
	v8 =	vadd.f32 v8, v14  }
0x1f2: {  	v58 =	vld [tilespmem:s1+$0x18840];
	v56 =	vunpack.i.l.bf16.f32 v16;
	v16 =	vunpack.i.u.bf16.f32 v16;
	v22 =	vmul.bf16 v22, v48  }
0x1f3: {  	v29 =	vsub.bf16 v29, v59;
	v17 =	vmul.bf16 v17, v53;
	v53 =	vld [tilespmem:s1+$0x17840];
	v8 =	vadd.f32 v56, v8  }
0x1f4: {  	v62 =	vadd.bf16 v36, v60;
	v3 =	vadd.bf16 v4, v3;
	v59 =	vld [tilespmem:s1+$0x18850];
	v61 =	vunpack.i.l.bf16.f32 v22  }
0x1f5: {  	v22 =	vunpack.i.u.bf16.f32 v22;
	v38 =	vadd.bf16 v30, v29;
	v14 =	vld [tilespmem:s1+$0x8050];
	v8 =	vadd.f32 v8, v16  }
0x1f6: {  	v9 =	vld [tilespmem:s1+$0x7050];
	v40 =	vunpack.i.l.bf16.f32 v17;
	v44 =	vunpack.i.u.bf16.f32 v17;
	v2 =	vsub.bf16 v3, v2  }
0x1f7: {  	v52 =	vld [tilespmem:s1+$0x17050];
	v17 =	vpack.i.f32.bf16 v47, v45;
	v12 =	vmul.bf16 v38, v18;
	v8 =	vadd.f32 v61, v8  }
0x1f8: {  	v50 =	vld [tilespmem:s1+$0x17040];
	v51 =	vpack.i.f32.bf16 v15, v27;
	v11 =	vpack.i.f32.bf16 v57, v55;
	v1 =	vadd.bf16 v1, v2  }
0x1f9: {  	v60 =	vld [tilespmem:s1+$0x19040];
	v10 =	vpack.i.f32.bf16 v54, v53;
	v49 =	vunpack.i.l.bf16.f32 v12;
	v63 =	vadd.f32 v8, v22  }
0x1fa: {  	v3 =	vunpack.i.u.bf16.f32 v12;
	v14 =	vpack.i.f32.bf16 v14, v20;
	v20 =	vpack.i.f32.bf16 v25, v35;
	v35 =	vld [tilespmem:s1+$0x1A850]  }
0x1fb: {  	v9 =	vpack.i.f32.bf16 v9, v19;
	v12 =	vpack.i.f32.bf16 v59, v58;
	v61 =	vld [tilespmem:s1+$0x19050];
	v42 =	vadd.f32 v40, v63  }
0x1fc: {  	v32 =	vld [tilespmem:s1+$0x9040];
	v56 =	vpack.i.f32.bf16 v24, v31;
	v38 =	vmul.bf16 v10, v9;
	v8 =	vsub.bf16 v62, v37  }
0x1fd: {  	v1 =	vmul.bf16 v1, v56;
	v7 =	vpack.i.f32.bf16 v52, v50;
	v16 =	vld [tilespmem:s1+$0x9050];
	v46 =	vadd.f32 v42, v44  }
0x1fe: {  	v45 =	vmul.bf16 v7, v14;
	v47 =	vmul.bf16 v11, v20;
	v62 =	vld [tilespmem:s1+$0x19840];
	v48 =	vadd.bf16 v21, v8  }
0x1ff: {  	v50 =	vmul.bf16 v7, v20;
	v57 =	vmul.bf16 v10, v14;
	v63 =	vld [tilespmem:s1+$0x19850];
	v4 =	vadd.f32 v49, v46  }
0x200: {  	v43 =	vld [tilespmem:s1+$0xA850];
	v13 =	vpack.i.f32.bf16 v35, v34;
	v15 =	vpack.i.f32.bf16 v61, v60;
	v6 =	vmul.bf16 v48, v51  }
0x201: {  	v41 =	vld [tilespmem:s1+$0xA840];
	v61 =	vsub.bf16 v0, v13;
	v44 =	vmul.bf16 v11, v9;
	v3 =	vadd.f32 v4, v3  }
0x202: {  	v39 =	vld [tilespmem:s1+$0x9840];
	v42 =	vmul.bf16 v12, v20;
	v48 =	vmul.bf16 v10, v20;
	v2 =	vunpack.i.l.bf16.f32 v6  }
0x203: {  	v26 =	vld [tilespmem:s1+$0x9850];
	v21 =	vadd.bf16 v44, v45;
	v49 =	vmul.bf16 v12, v9;
	v2 =	vadd.f32 v2, v3  }
0x204: {  	v28 =	vld [tilespmem:s1+$0x7850];
	v19 =	vpack.i.f32.bf16 v63, v62;
	v4 =	vpack.i.f32.bf16 v16, v32;
	v3 =	vunpack.i.u.bf16.f32 v6  }
0x205: {  	v36 =	vld [tilespmem:s1+$0xA050];
	v52 =	vsub.bf16 v0, v19;
	v55 =	vmul.bf16 v15, v4;
	v2 =	vadd.f32 v2, v3  }
0x206: {  	v30 =	vmul.bf16 v61, v4;
	v6 =	vpack.i.f32.bf16 v43, v41;
	v3 =	vunpack.i.l.bf16.f32 v1  }
0x207: {  	v41 =	vmul.bf16 v11, v14;
	v43 =	vmul.bf16 v12, v14;
	v2 =	vadd.f32 v3, v2  }
0x208: {  	v60 =	vmul.bf16 v52, v4;
	v1 =	vunpack.i.u.bf16.f32 v1;
	v3 =	vpack.i.f32.bf16 v26, v39  }
0x209: {  	v56 =	vmul.bf16 v52, v3;
	v59 =	vmul.bf16 v15, v3;
	v8 =	vadd.f32 v2, v1  }
0x20a: {  	v1 =	vpack.i.f32.bf16 v28, v33;
	v2 =	vpack.i.f32.bf16 v36, v23;
	v36 =	vmul.bf16 v7, v9  }
0x20b: {  	v37 =	vmul.bf16 v10, v1;
	v39 =	vmul.bf16 v7, v1  }
0x20c: {  	v21 =	vadd.bf16 v21, v48;
	v28 =	vld [tilespmem:s1+$0x1A040];
	v51 =	vmul.bf16 v12, v1;
	v53 =	vmul.bf16 v11, v1  }
0x20d: {  	v33 =	vld [tilespmem:s1+$0x1A050];
	v22 =	vsub.bf16 v55, v56;
	v62 =	vmul.bf16 v15, v2;
	v44 =	vmul.bf16 v19, v1  }
0x20e: {  	v27 =	vadd.bf16 v60, v59;
	v25 =	vmul.bf16 v52, v2;
	v56 =	vmul.bf16 v13, v20  }
0x20f: {  	v59 =	vmul.bf16 v13, v1;
	v10 =	vsub.bf16 v0, v10;
	v40 =	vsub.bf16 v36, v37  }
0x210: {  	v23 =	vadd.bf16 v38, v39;
	v21 =	vsub.bf16 v21, v51;
	v36 =	vmul.bf16 v61, v6  }
0x211: {  	v37 =	vmul.bf16 v61, v3;
	v39 =	vmul.bf16 v61, v2;
	v16 =	vsub.bf16 v40, v41  }
0x212: {  	v5 =	vpack.i.f32.bf16 v33, v28;
	v46 =	vadd.bf16 v43, v23;
	v23 =	vadd.bf16 v49, v50  }
0x213: {  	v41 =	vmul.bf16 v52, v6;
	v43 =	vmul.bf16 v15, v9;
	v54 =	vsub.bf16 v0, v5  }
0x214: {  	v50 =	vmul.bf16 v5, v14;
	v51 =	vmul.bf16 v5, v20;
	v16 =	vsub.bf16 v16, v42  }
0x215: {  	v18 =	vsub.bf16 v46, v47;
	v42 =	vmul.bf16 v15, v6;
	v46 =	vmul.bf16 v15, v1  }
0x216: {  	v23 =	vadd.bf16 v23, v53;
	v47 =	vmul.bf16 v19, v9;
	v53 =	vmul.bf16 v15, v14  }
0x217: {  	v29 =	vsub.bf16 v43, v44;
	v15 =	vmul.bf16 v15, v20;
	v43 =	vmul.bf16 v7, v4  }
0x218: {  	v45 =	vld [tilespmem:s1+$0xF840];
	v11 =	vsub.bf16 v0, v11;
	v44 =	vmul.bf16 v10, v3;
	v1 =	vmul.bf16 v5, v1  }
0x219: {  	v48 =	vld [tilespmem:s1+$0xF850];
	v12 =	vsub.bf16 v0, v12;
	v58 =	vmul.bf16 v54, v2;
	v32 =	vmul.bf16 v54, v4  }
0x21a: {  	v63 =	vmul.bf16 v54, v6;
	v26 =	vmul.bf16 v54, v3;
	v23 =	vsub.bf16 v23, v57  }
0x21b: {  	v55 =	vld [tilespmem:s1+$0x10840];
	v54 =	vmul.bf16 v5, v9;
	v29 =	vsub.bf16 v29, v50;
	v22 =	vsub.bf16 v22, v58  }
0x21c: {  	v60 =	vld [tilespmem:s1+$0x11040];
	v9 =	vmul.bf16 v13, v9;
	v31 =	vadd.bf16 v32, v62;
	v38 =	vadd.bf16 v63, v27  }
0x21d: {  	v61 =	vld [tilespmem:s1+$0x11050];
	v27 =	vadd.bf16 v30, v42;
	v30 =	vadd.bf16 v47, v46;
	v58 =	vmul.bf16 v13, v14  }
0x21e: {  	v49 =	vld [tilespmem:s1+$0x10040];
	v32 =	vpack.i.f32.bf16 v48, v45;
	v9 =	vadd.bf16 v9, v15;
	v22 =	vsub.bf16 v22, v36  }
0x21f: {  	v52 =	vld [tilespmem:s1+$0x10050];
	v14 =	vmul.bf16 v19, v14;
	v40 =	vadd.bf16 v37, v31;
	v24 =	vsub.bf16 v38, v39  }
0x220: {  	v57 =	vld [tilespmem:s1+$0x10850];
	v62 =	vmul.bf16 v19, v20;
	v25 =	vadd.bf16 v27, v25;
	v30 =	vadd.bf16 v51, v30  }
0x221: {  	v35 =	vld [tilespmem:s1+$0x8860];
	v47 =	vmul.bf16 v11, v2;
	v27 =	vadd.bf16 v54, v53;
	v9 =	vadd.bf16 v9, v14  }
0x222: {  	v34 =	vld [tilespmem:s1+$0x1A860];
	v51 =	vmul.bf16 v10, v4;
	v53 =	vpack.i.f32.bf16 v61, v60;
	v28 =	vsub.bf16 v40, v41  }
0x223: {  	v63 =	vld [tilespmem:s1+$0x11840];
	v60 =	vmul.bf16 v10, v6;
	v25 =	vsub.bf16 v25, v26;
	v26 =	vsub.bf16 v29, v56  }
0x224: {  	v42 =	vld [tilespmem:s1+$0x11850];
	v30 =	vsub.bf16 v30, v58;
	v41 =	vpack.i.f32.bf16 v52, v49;
	v49 =	vmul.bf16 v12, v6  }
0x225: {  	v15 =	vld [tilespmem:s1+$0x12050];
	v48 =	vpack.i.f32.bf16 v57, v55;
	v52 =	vmul.bf16 v7, v3;
	v55 =	vmul.bf16 v12, v2  }
0x226: {  	v19 =	vld [tilespmem:s1+$0x8060];
	v27 =	vadd.bf16 v59, v27;
	v57 =	vmul.bf16 v11, v4;
	v58 =	vmul.bf16 v7, v2  }
0x227: {  	v31 =	vld [tilespmem:s1+$0x12840];
	v40 =	vsub.bf16 v16, v22;
	v59 =	vmul.bf16 v11, v6;
	v4 =	vmul.bf16 v12, v4  }
0x228: {  	v45 =	vsub.bf16 v18, v24;
	v24 =	vld [tilespmem:s1+$0x12850];
	v6 =	vmul.bf16 v7, v6;
	v12 =	vmul.bf16 v12, v3  }
0x229: {  	v18 =	vld [tilespmem:s1+$0x7060];
	v3 =	vmul.bf16 v11, v3;
	v1 =	vsub.bf16 v9, v1;
	v13 =	vmul.bf16 v40, v17  }
0x22a: {  	v2 =	vmul.bf16 v10, v2;
	v22 =	vsub.bf16 v27, v62;
	v27 =	vld [tilespmem:s1+$0x12040];
	v17 =	vsub.bf16 v43, v44  }
0x22b: {  	v21 =	vsub.bf16 v21, v28;
	v23 =	vsub.bf16 v23, v25;
	v25 =	vld [tilespmem:s1+$0x8870];
	v46 =	vunpack.i.l.bf16.f32 v13  }
0x22c: {  	v14 =	vmul.bf16 v45, v32;
	v54 =	vadd.bf16 v51, v52;
	v32 =	vld [tilespmem:s1+$0x9060];
	v8 =	vadd.f32 v46, v8  }
0x22d: {  	v36 =	vadd.bf16 v57, v58;
	v4 =	vadd.bf16 v4, v6;
	v45 =	vld [tilespmem:s1+$0xF060];
	v13 =	vunpack.i.u.bf16.f32 v13  }
0x22e: {  	v20 =	vpack.i.f32.bf16 v42, v63;
	v52 =	vld [tilespmem:s1+$0x17070];
	v17 =	vsub.bf16 v17, v47;
	v8 =	vadd.f32 v8, v13  }
0x22f: {  	v57 =	vld [tilespmem:s1+$0x18070];
	v50 =	vunpack.i.l.bf16.f32 v14;
	v14 =	vunpack.i.u.bf16.f32 v14;
	v29 =	vadd.bf16 v55, v54  }
0x230: {  	v58 =	vld [tilespmem:s1+$0x18860];
	v16 =	vmul.bf16 v21, v41;
	v62 =	vadd.bf16 v36, v60;
	v8 =	vadd.f32 v50, v8  }
0x231: {  	v23 =	vmul.bf16 v23, v48;
	v3 =	vadd.bf16 v4, v3;
	v54 =	vld [tilespmem:s1+$0x17870];
	v17 =	vsub.bf16 v17, v49  }
0x232: {  	v55 =	vld [tilespmem:s1+$0x18060];
	v56 =	vunpack.i.l.bf16.f32 v16;
	v29 =	vsub.bf16 v29, v59;
	v8 =	vadd.f32 v8, v14  }
0x233: {  	v16 =	vunpack.i.u.bf16.f32 v16;
	v42 =	vsub.bf16 v62, v12;
	v2 =	vsub.bf16 v3, v2;
	v59 =	vld [tilespmem:s1+$0x18870]  }
0x234: {  	v60 =	vld [tilespmem:s1+$0x19060];
	v61 =	vunpack.i.l.bf16.f32 v23;
	v17 =	vadd.bf16 v26, v17;
	v8 =	vadd.f32 v56, v8  }
0x235: {  	v23 =	vunpack.i.u.bf16.f32 v23;
	v36 =	vadd.bf16 v30, v29;
	v48 =	vadd.bf16 v22, v42;
	v14 =	vld [tilespmem:s1+$0x8070]  }
0x236: {  	v13 =	vld [tilespmem:s1+$0x7070];
	v51 =	vpack.i.f32.bf16 v15, v27;
	v1 =	vadd.bf16 v1, v2;
	v8 =	vadd.f32 v8, v16  }
0x237: {  	v50 =	vld [tilespmem:s1+$0x17060];
	v10 =	vpack.i.f32.bf16 v57, v55;
	v17 =	vmul.bf16 v17, v53;
	v44 =	vmul.bf16 v36, v20  }
0x238: {  	v5 =	vmul.bf16 v48, v51;
	v53 =	vld [tilespmem:s1+$0x17860];
	v11 =	vpack.i.f32.bf16 v59, v58;
	v8 =	vadd.f32 v61, v8  }
0x239: {  	v62 =	vld [tilespmem:s1+$0x19860];
	v37 =	vunpack.i.l.bf16.f32 v17;
	v43 =	vunpack.i.u.bf16.f32 v17;
	v49 =	vunpack.i.l.bf16.f32 v44  }
0x23a: {  	v14 =	vpack.i.f32.bf16 v14, v19;
	v19 =	vpack.i.f32.bf16 v25, v35;
	v35 =	vld [tilespmem:s1+$0x1A870];
	v63 =	vadd.f32 v8, v23  }
0x23b: {  	v3 =	vunpack.i.u.bf16.f32 v44;
	v13 =	vpack.i.f32.bf16 v13, v18;
	v56 =	vpack.i.f32.bf16 v24, v31;
	v61 =	vld [tilespmem:s1+$0x19070]  }
0x23c: {  	v44 =	vmul.bf16 v10, v13;
	v7 =	vpack.i.f32.bf16 v52, v50;
	v16 =	vld [tilespmem:s1+$0x9070];
	v40 =	vadd.f32 v37, v63  }
0x23d: {  	v1 =	vmul.bf16 v1, v56;
	v9 =	vpack.i.f32.bf16 v54, v53;
	v36 =	vmul.bf16 v7, v13;
	v63 =	vld [tilespmem:s1+$0x19870]  }
0x23e: {  	v47 =	vld [tilespmem:s1+$0xF070];
	v42 =	vmul.bf16 v11, v19;
	v48 =	vmul.bf16 v9, v19;
	v46 =	vadd.f32 v40, v43  }
0x23f: {  	v38 =	vld [tilespmem:s1+$0xA860];
	v2 =	vunpack.i.l.bf16.f32 v5;
	v50 =	vmul.bf16 v7, v19;
	v55 =	vmul.bf16 v9, v14  }
0x240: {  	v41 =	vld [tilespmem:s1+$0xA870];
	v12 =	vpack.i.f32.bf16 v35, v34;
	v15 =	vpack.i.f32.bf16 v61, v60;
	v4 =	vadd.f32 v49, v46  }
0x241: {  	v59 =	vsub.bf16 v0, v12;
	v43 =	vmul.bf16 v11, v14;
	v49 =	vmul.bf16 v11, v13  }
0x242: {  	v39 =	vld [tilespmem:s1+$0x9860];
	v18 =	vpack.i.f32.bf16 v63, v62;
	v3 =	vadd.f32 v4, v3;
	v4 =	vpack.i.f32.bf16 v16, v32  }
0x243: {  	v26 =	vld [tilespmem:s1+$0x9870];
	v16 =	vpack.i.f32.bf16 v47, v45;
	v45 =	vmul.bf16 v7, v14;
	v47 =	vmul.bf16 v10, v19  }
0x244: {  	v33 =	vld [tilespmem:s1+$0x7860];
	v52 =	vsub.bf16 v0, v18;
	v54 =	vmul.bf16 v15, v4;
	v2 =	vadd.f32 v2, v3  }
0x245: {  	v28 =	vld [tilespmem:s1+$0x7870];
	v29 =	vmul.bf16 v59, v4;
	v3 =	vunpack.i.u.bf16.f32 v5;
	v5 =	vpack.i.f32.bf16 v41, v38  }
0x246: {  	v21 =	vld [tilespmem:s1+$0xA060];
	v38 =	vmul.bf16 v9, v13;
	v41 =	vmul.bf16 v10, v14;
	v2 =	vadd.f32 v2, v3  }
0x247: {  	v8 =	vld [tilespmem:s1+$0xA070];
	v20 =	vadd.bf16 v44, v45;
	v58 =	vmul.bf16 v52, v4;
	v3 =	vunpack.i.l.bf16.f32 v1  }
0x248: {  	v62 =	vmul.bf16 v59, v5;
	v2 =	vadd.f32 v3, v2;
	v3 =	vpack.i.f32.bf16 v26, v39  }
0x249: {  	v1 =	vunpack.i.u.bf16.f32 v1;
	v26 =	vmul.bf16 v52, v3;
	v57 =	vmul.bf16 v15, v3  }
0x24a: {  	v63 =	vmul.bf16 v59, v3;
	v31 =	vadd.f32 v2, v1;
	v1 =	vpack.i.f32.bf16 v28, v33  }
0x24b: {  	v20 =	vadd.bf16 v20, v48;
	v37 =	vmul.bf16 v9, v1;
	v39 =	vmul.bf16 v7, v1  }
0x24c: {  	v2 =	vpack.i.f32.bf16 v8, v21;
	v51 =	vmul.bf16 v11, v1;
	v53 =	vmul.bf16 v10, v1  }
0x24d: {  	v28 =	vld [tilespmem:s1+$0x1A060];
	v21 =	vsub.bf16 v54, v26;
	v60 =	vmul.bf16 v15, v2;
	v26 =	vadd.bf16 v58, v57  }
0x24e: {  	v33 =	vld [tilespmem:s1+$0x1A070];
	v34 =	vmul.bf16 v59, v2;
	v24 =	vmul.bf16 v52, v2;
	v9 =	vsub.bf16 v0, v9  }
0x24f: {  	v10 =	vsub.bf16 v0, v10;
	v59 =	vmul.bf16 v7, v4;
	v11 =	vsub.bf16 v0, v11  }
0x250: {  	v40 =	vsub.bf16 v36, v37;
	v36 =	vmul.bf16 v52, v5;
	v37 =	vmul.bf16 v15, v5  }
0x251: {  	v22 =	vadd.bf16 v38, v39;
	v38 =	vmul.bf16 v15, v13;
	v39 =	vmul.bf16 v18, v1  }
0x252: {  	v20 =	vsub.bf16 v20, v51;
	v51 =	vmul.bf16 v12, v14;
	v52 =	vmul.bf16 v12, v1  }
0x253: {  	v6 =	vpack.i.f32.bf16 v33, v28;
	v8 =	vsub.bf16 v40, v41;
	v46 =	vadd.bf16 v43, v22  }
0x254: {  	v22 =	vadd.bf16 v49, v50;
	v41 =	vmul.bf16 v15, v1;
	v50 =	vmul.bf16 v12, v19  }
0x255: {  	v12 =	vmul.bf16 v12, v13;
	v25 =	vsub.bf16 v0, v6;
	v44 =	vmul.bf16 v6, v14  }
0x256: {  	v57 =	vld [tilespmem:s1+$0x10860];
	v45 =	vmul.bf16 v6, v19;
	v48 =	vmul.bf16 v6, v13;
	v8 =	vsub.bf16 v8, v42  }
0x257: {  	v58 =	vld [tilespmem:s1+$0x10870];
	v17 =	vsub.bf16 v46, v47;
	v42 =	vmul.bf16 v18, v13;
	v47 =	vmul.bf16 v15, v14  }
0x258: {  	v40 =	vld [tilespmem:s1+$0xF860];
	v28 =	vsub.bf16 v38, v39;
	v15 =	vmul.bf16 v15, v19;
	v14 =	vmul.bf16 v18, v14  }
0x259: {  	v43 =	vld [tilespmem:s1+$0xF870];
	v22 =	vadd.bf16 v22, v53;
	v56 =	vmul.bf16 v25, v2;
	v32 =	vmul.bf16 v25, v4  }
0x25a: {  	v61 =	vmul.bf16 v25, v5;
	v25 =	vmul.bf16 v25, v3;
	v28 =	vsub.bf16 v28, v44  }
0x25b: {  	v44 =	vmul.bf16 v10, v5;
	v22 =	vsub.bf16 v22, v55;
	v21 =	vsub.bf16 v21, v56  }
0x25c: {  	v55 =	vmul.bf16 v18, v19;
	v12 =	vadd.bf16 v12, v15;
	v30 =	vadd.bf16 v32, v60  }
0x25d: {  	v19 =	vpack.i.f32.bf16 v58, v57;
	v33 =	vadd.bf16 v61, v26;
	v21 =	vsub.bf16 v21, v62  }
0x25e: {  	v49 =	vld [tilespmem:s1+$0x10070];
	v26 =	vadd.bf16 v29, v37;
	v29 =	vadd.bf16 v42, v41;
	v32 =	vpack.i.f32.bf16 v43, v40  }
0x25f: {  	v46 =	vld [tilespmem:s1+$0x10060];
	v53 =	vsub.bf16 v28, v50;
	v60 =	vmul.bf16 v9, v3;
	v8 =	vsub.bf16 v8, v21  }
0x260: {  	v40 =	vmul.bf16 v11, v2;
	v42 =	vmul.bf16 v10, v4;
	v12 =	vadd.bf16 v12, v14  }
0x261: {  	v35 =	vadd.bf16 v63, v30;
	v23 =	vsub.bf16 v33, v34;
	v8 =	vmul.bf16 v8, v16  }
0x262: {  	v43 =	vmul.bf16 v7, v2;
	v24 =	vadd.bf16 v26, v24;
	v29 =	vadd.bf16 v45, v29  }
0x263: {  	v26 =	vadd.bf16 v48, v47;
	v61 =	vsub.bf16 v17, v23;
	v62 =	vunpack.i.l.bf16.f32 v8  }
0x264: {  	v56 =	vpack.i.f32.bf16 v49, v46;
	v15 =	vsub.bf16 v59, v60;
	v17 =	vadd.f32 v62, v31  }
0x265: {  	v27 =	vsub.bf16 v35, v36;
	v14 =	vmul.bf16 v61, v32;
	v8 =	vunpack.i.u.bf16.f32 v8  }
0x266: {  	v34 =	vmul.bf16 v9, v4;
	v45 =	vadd.bf16 v42, v43;
	v8 =	vadd.f32 v17, v8  }
0x267: {  	v24 =	vsub.bf16 v24, v25;
	v32 =	vsub.bf16 v20, v27;
	v33 =	vunpack.i.l.bf16.f32 v14  }
0x268: {  	v54 =	vsub.bf16 v29, v51;
	v29 =	vmul.bf16 v10, v2;
	v8 =	vadd.f32 v33, v8  }
0x269: {  	v26 =	vadd.bf16 v52, v26;
	v14 =	vunpack.i.u.bf16.f32 v14;
	v13 =	vmul.bf16 v32, v56  }
0x26a: {  	v63 =	vld [tilespmem:s1+$0x11060];
	v35 =	vmul.bf16 v7, v3;
	v15 =	vsub.bf16 v15, v29;
	v8 =	vadd.f32 v8, v14  }
0x26b: {  	v30 =	vld [tilespmem:s1+$0x11070];
	v22 =	vsub.bf16 v22, v24;
	v31 =	vmul.bf16 v11, v5;
	v41 =	vunpack.i.l.bf16.f32 v13  }
0x26c: {  	v46 =	vmul.bf16 v9, v5;
	v38 =	vadd.bf16 v34, v35;
	v8 =	vadd.f32 v41, v8  }
0x26d: {  	v19 =	vmul.bf16 v22, v19;
	v13 =	vunpack.i.u.bf16.f32 v13;
	v15 =	vsub.bf16 v15, v31  }
0x26e: {  	v39 =	vld [tilespmem:s1+$0x11870];
	v4 =	vmul.bf16 v11, v4;
	v21 =	vsub.bf16 v26, v55;
	v8 =	vadd.f32 v8, v13  }
0x26f: {  	v37 =	vld [tilespmem:s1+$0x11860];
	v18 =	vadd.bf16 v40, v38;
	v47 =	vunpack.i.l.bf16.f32 v19;
	v15 =	vadd.bf16 v53, v15  }
0x270: {  	v36 =	vpack.i.f32.bf16 v30, v63;
	v5 =	vmul.bf16 v7, v5;
	v8 =	vadd.f32 v47, v8  }
0x271: {  	v48 =	vsub.bf16 v18, v44;
	v49 =	vunpack.i.u.bf16.f32 v19;
	v15 =	vmul.bf16 v15, v36  }
0x272: {  	v50 =	vld [tilespmem:s1+$0x12060];
	v11 =	vmul.bf16 v11, v3;
	v3 =	vmul.bf16 v10, v3;
	v51 =	vadd.f32 v8, v49  }
0x273: {  	v52 =	vld [tilespmem:s1+$0x12070];
	v17 =	vadd.bf16 v54, v48;
	v53 =	vunpack.i.l.bf16.f32 v15;
	v13 =	vadd.bf16 v45, v46  }
0x274: {  	v4 =	vadd.bf16 v4, v5;
	v14 =	vpack.i.f32.bf16 v39, v37;
	v54 =	vadd.f32 v53, v51  }
0x275: {  	v57 =	vmul.bf16 v17, v14;
	v56 =	vunpack.i.u.bf16.f32 v15;
	v55 =	vsub.bf16 v13, v11  }
0x276: {  	v1 =	vmul.bf16 v6, v1;
	v58 =	vld [tilespmem:s1+$0x12860];
	v2 =	vmul.bf16 v9, v2;
	v59 =	vadd.f32 v54, v56  }
0x277: {  	v60 =	vld [tilespmem:s1+$0x12870];
	v3 =	vadd.bf16 v4, v3;
	v62 =	vunpack.i.l.bf16.f32 v57;
	v61 =	vadd.bf16 v21, v55  }
0x278: {  	v1 =	vsub.bf16 v12, v1;
	v8 =	vpack.i.f32.bf16 v52, v50;
	v4 =	vadd.f32 v62, v59  }
0x279: {  	v2 =	vsub.bf16 v3, v2;
	v3 =	vunpack.i.u.bf16.f32 v57;
	v6 =	vmul.bf16 v61, v8  }
0x27a: {  	v3 =	vadd.f32 v4, v3  }
0x27b: {  	v1 =	vadd.bf16 v1, v2;
	v2 =	vunpack.i.l.bf16.f32 v6  }
0x27c: {  	v63 =	vpack.i.f32.bf16 v60, v58;
	v2 =	vadd.f32 v2, v3  }
0x27d: {  	v1 =	vmul.bf16 v1, v63;
	v3 =	vunpack.i.u.bf16.f32 v6  }
0x27e: {  	v2 =	vadd.f32 v2, v3  }
0x27f: {  	p1 =	sne.s32 s31, $0x1E00;
	v3 =	vunpack.i.l.bf16.f32 v1  }
.Ltmp3:
0x280: {  	s0 =	sand.u32 $0x200, s30;
	v2 =	vadd.f32 v3, v2;
	(pc) =	sbr.rel @p1 .LBB2_5-.Ltmp3, $4  }
0x281: {  	s1 =	sshrl.u32 s0, $0x2;
	v1 =	vunpack.i.u.bf16.f32 v1  }
0x282: {  	s0 =	sand.u32 $0x70, s29;
	s1 =	sadd.s32 s1, s28;
	v1 =	vadd.f32 v2, v1  }
0x283: {  	s0 =	sadd.s32 s0, s1  }
0x284: {  	s30 =	sadd.s32 $0x40, s30;
	s31 =	sadd.s32 $0x200, s31;
	s29 =	sadd.s32 $0x10, s29;
	[tilespmem:s0+$0x100] =	vst v1  }
.Ltmp4:
0x285: {  	(pc) =	sbr.rel @p0 .LBB2_8-.Ltmp4, $1  }
0x286: {  	_ =	sdelay $0x3  }
0x287: {  	s0 =	smul.u32 $0xC00, s26;
	_ =	sdelay $0x1  }
0x288: {  	s0 =	sshra.s32 s0, $0x2  }
0x289: {  	s1 =	sadd.s32 $0x480, s0  }
0x28a: {  	[tilespmem:s15], [sflag:$0x2] =	stream.indirect.gather [hbm4b:s2+s9], $0x80, s1, s9, $0xb8;
	[tilespmem:$0x1D000] =	vst v63  }
.Ltmp5:
0x28b: {  	_ = 	snop;
	(pc) =	sbr.rel .LBB2_2-.Ltmp5, $4  }
0x28c: {  	s26 =	sadd.s32 $0x1, s26;
	s31 =	sadd.s32 $0x500, s0  }
0x28d: {  	[tilespmem:s17], [sflag:$0x2] =	stream.indirect.gather [hbm4b:s2+s9], $0x80, s31, s9, $0xb8;
	[tilespmem:$0x1D000] =	vst v63  }
0x28e: {  	s25 =	sadd.s32 $0xFFFFC000, s25;
	s24 =	sadd.s32 $0x20, s24;
	s0 =	sadd.s32 $0x580, s0  }
0x28f: {  	[tilespmem:s19], [sflag:$0x2] =	stream.indirect.gather [hbm4b:s4+s9], $0x80, s0, s9, $0xb8;
	[tilespmem:$0x1D000] =	vst v63  }
.LBB2_9:
0x290: {  	_ =	sfence.sel $0x180000  }
0x291: {  	[bflag:$0x0] =	sbarrier.arrive $0xFFFF  }
0x292: {  	_ =	strace $0x90000047  }
0x293: {  	s0 =	stileid.u32;
	[bflag:$0x2] =	sbarrier.arrive $0xFFFF  }
0x294: {  	p0 =	sne.s32 s0, $0x0;
	s0 =	rddreg [dreg:$0x2]  }
0x295: {  	s0 =	sadd.s32 @!p0 $0x100000, s0  }
0x296: {  	[sflag:s0] =	ssyncadd.tile.s32 @!p0 $0x1;
	_ =	shalt  }
.Lfunc_end2:
_tile_overlayer_lowered:
.L_overlay_start_2:
0x297: {  	(tag) =	ssettag $0x2  }
0x298: {  	s0 =	rddreg [dreg:$0x0];
	s2 =	stileid.u32  }
0x299: {  	s1 =	rddreg [dreg:$0x1];
	p0 =	sne.s32 s2, $0x0  }
0x29a: {  	s3 =	rddreg [dreg:$0x2];
	[bflag:$0x3] =	sbarrier.arrive $0xFFFF;
	s2 =	simm.s32 @!p0 $0x1C03  }
0x29b: {  	[timem:s3], [sflag:s2] =	dma.local @!p0 [hbm:s0], s1  }
0x29c: {  	s0 =	simm.s32 @!p0 $0x3  }
0x29d: {  	_ =	swait.ge @!p0 [sflag:s0], s1  }
0x29e: {  	s1 =	ssub.s32 @!p0 $0x0, s1;
	[sflag:s0] =	ssyncset.done @!p0 $0x0  }
0x29f: {  	[sflag:s0] =	ssyncadd.s32 @!p0 s1  }
0x2a0: {  	[bflag:$0x3] =	sbarrier.arrive $0xFFFF  }
0x2a1: {  	_ =	shalt  }

</sc_bundles>
